<compile_context>
chip_gen: v7x
topology: tpu7x:2x2x1
jax: 0.10.2.dev20260603
libtpu: 0.0.44.dev20260713+nightly
codegen_flags: <defaults>
</compile_context>

<pallas_src>
import jax
import jax.numpy as jnp
from jax import lax
from jax.experimental import pallas as pl
from jax.experimental.pallas import tpu as pltpu
from jax.experimental.pallas import tpu_sc as plsc

L = 32
N = 32768
LANES = 16
NSTREAM = 8
SSZ = N // NSTREAM
SCH = SSZ // LANES
BITS = (11, 11, 10)
SHIFTS = (0, 11, 22)
NB = 2048


def _i32(x):
    return plsc.bitcast(x, jnp.int32)


def _f32(x):
    return plsc.bitcast(x, jnp.float32)


def _sort_scatter_body(km_hbm, fn_hbm, out_hbm, keys, pay_a, pay_b, *hists):
    wid = lax.axis_index("c") * 16 + lax.axis_index("s")
    lane = lax.iota(jnp.int32, 16)

    pltpu.sync_copy(fn_hbm.at[wid], keys)

    for p in range(3):
        shift = SHIFTS[p]
        mask = (1 << BITS[p]) - 1

        @plsc.parallel_loop(0, (mask + 1) // 16, unroll=8)
        def _zero(v):
            for h in hists:
                h[pl.ds(v * 16, 16)] = jnp.zeros((16,), jnp.int32)

        def _count(i2, carry, p=p, shift=shift, mask=mask):
            js, ds, sc = [], [], []
            for h in range(2):
                i = 2 * i2 + h
                if p == 0:
                    jh = [16 * i + lane + u * SSZ for u in range(NSTREAM)]
                    kh = []
                    for u in range(NSTREAM):
                        b = _i32(keys[pl.ds((i + u * SCH) * 16, 16)])
                        m = jnp.where(b >= 0, b ^ 0x7FFFFFFF, b)
                        keys[pl.ds((i + u * SCH) * 16, 16)] = _f32(m)
                        kh.append(m)
                else:
                    jh = [pay_a[pl.ds((i + u * SCH) * 16, 16)]
                          for u in range(NSTREAM)]
                    kh = [_i32(plsc.load_gather(keys, [j])) for j in jh]
                dh = [lax.shift_right_logical(k, shift) & mask for k in kh]
                js.append(jh)
                ds.append(dh)
                sc.append([plsc.scan_count(d) for d in dh])
            for h in range(2):
                i = 2 * i2 + h
                cs = [plsc.load_gather(hists[u], [ds[h][u]])
                      for u in range(NSTREAM)]
                tots = [cs[u] + sc[h][u][0] for u in range(NSTREAM)]
                for u in range(NSTREAM):
                    plsc.store_scatter(hists[u], [ds[h][u]], tots[u],
                                       mask=sc[h][u][1])
                for u in range(NSTREAM):
                    pay_b[pl.ds((i + u * SCH) * 16, 16)] = _f32(
                        ((tots[u] - 1) << 15) | js[h][u])
            return carry

        lax.fori_loop(0, SCH // 2, _count, jnp.int32(0))

        def _prefix(v, carry):
            xs = [hists[u][pl.ds(v * 16, 16)] for u in range(NSTREAM)]
            s = xs[0]
            for u in range(1, NSTREAM):
                s = s + xs[u]
            base = plsc.cumsum(s) - s + carry
            for u in range(NSTREAM):
                hists[u][pl.ds(v * 16, 16)] = base
                base = base + xs[u]
            return carry + jnp.sum(s)

        lax.fori_loop(0, (mask + 1) // 16, _prefix, jnp.int32(0))

        @plsc.parallel_loop(0, SCH, step=2)
        def _permute(i0, shift=shift, mask=mask):
            iis = [(i0 + h, u) for h in range(2) for u in range(NSTREAM)]
            ws = [_i32(pay_b[pl.ds((i + u * SCH) * 16, 16)])
                  for i, u in iis]
            js = [w & 0x7FFF for w in ws]
            occs = [lax.shift_right_logical(w, 15) for w in ws]
            ks = [_i32(plsc.load_gather(keys, [j])) for j in js]
            bases = [
                plsc.load_gather(
                    hists[iis[x][1]],
                    [lax.shift_right_logical(ks[x], shift) & mask])
                for x in range(2 * NSTREAM)
            ]
            for x in range(2 * NSTREAM):
                plsc.store_scatter(pay_a, [bases[x] + occs[x]], js[x])

    pltpu.sync_copy(km_hbm.at[wid], pay_b)

    @plsc.parallel_loop(0, N // 16, unroll=8)
    def _scatter(i):
        j = pay_a[pl.ds(i * 16, 16)]
        v = pay_b[pl.ds(i * 16, 16)]
        plsc.store_scatter(keys, [j], v)

    pltpu.sync_copy(keys, out_hbm.at[wid])


@jax.jit
def _sc_sort_scatter(km, fn):
    mesh = plsc.VectorSubcoreMesh(core_axis_name="c", subcore_axis_name="s")
    f = pl.kernel(
        _sort_scatter_body,
        out_type=jax.ShapeDtypeStruct((L, N), jnp.float32),
        mesh=mesh,
        compiler_params=pltpu.CompilerParams(needs_layout_passes=False),
        scratch_types=[
            pltpu.VMEM((N,), jnp.float32),
            pltpu.VMEM((N,), jnp.int32),
            pltpu.VMEM((N,), jnp.float32),
        ] + [pltpu.VMEM((NB,), jnp.int32)] * NSTREAM,
    )
    return f(km, fn)


def _sigmoid_body(x_ref, m_ref, o_ref):
    t = (x_ref[...] - m_ref[0, 0]) / 0.7
    o_ref[...] = 1.0 / (1.0 + jnp.exp(-t))


@jax.jit
def _tc_sigmoid(fn, mean):
    return pl.pallas_call(
        _sigmoid_body,
        out_shape=jax.ShapeDtypeStruct((L, N), jnp.float32),
        in_specs=[
            pl.BlockSpec((L, N), lambda: (0, 0)),
            pl.BlockSpec(memory_space=pltpu.SMEM),
        ],
        out_specs=pl.BlockSpec((L, N), lambda: (0, 0)),
    )(fn, jnp.reshape(mean, (1, 1)))


def kernel(k_masks, fn, mean):
    ori_masks = _sc_sort_scatter(k_masks, fn)
    cout = _tc_sigmoid(fn, mean)
    return ori_masks, cout

# --- scband reference (transcript-rebuilt; emitter-appended) ---
"""Pipeline reference for scband-im-static-4518305595851 (READ-ONLY COPY).

The authoritative reference and input builder live on the scoring server;
editing this copy changes nothing except your own understanding.
"""

import jax, jax.numpy as jnp
import numpy as np

L = 32
N = 32768
SCALE = 3.0


def setup_inputs(seed: int = 0) -> dict:
    key = jax.random.key(seed)
    k1, k2 = jax.random.split(key)
    # Emulate __init__: fn_list is a list of L importance-score vectors, concatenated,
    # min-max normalized to [0,1], shifted to [-1,1], scaled by `scale`.
    raw = jax.random.normal(k1, (L * N,), dtype=jnp.float32)
    full = (raw - raw.min()) / (raw.max() - raw.min())
    full = 2.0 * (full - 0.5)
    full = SCALE * full
    mean = full.mean()
    fn = full.reshape(L, N)  # stacked fn_list (all structure entries equal N)
    k_masks = jax.random.uniform(k2, (L, N), dtype=jnp.float32)
    return {"k_masks": k_masks, "fn": fn, "mean": mean}


def reference(k_masks, fn, mean):
    # Faithful translation of im_static.forward in training mode (nn.Module default).
    # For each layer i:
    #   _, index = torch.sort(im_output, descending=True)
    #   c_mask = k_masks[i].gather(0, index.argsort())   # inverse permutation gather
    #   cout   = sigmoid((im_output - mean) / 0.7)
    def per_row(im_output, k_mask):
        index = jnp.argsort(-im_output)          # descending sort indices
        inv = jnp.argsort(index)                 # index.argsort() -> inverse permutation
        c_mask = k_mask[inv]                     # gather along dim 0
        cout = jax.nn.sigmoid((im_output - mean) / 0.7)
        return c_mask, cout

    ori_masks, cout_lists = jax.vmap(per_row)(fn, k_masks)
    return ori_masks, cout_lists

if __name__ == "__main__":
    import jax
    _d = setup_inputs()
    print(jax.jit(kernel)(*tuple(_d.values())))

</pallas_src>

<mosaic_0001>
#map = affine_map<(d0, d1) -> (0, 0)>
module attributes {stable_mosaic.version = 14 : i64} {
  func.func @_sort_scatter_body(%arg0: i32, %arg1: i32, %arg2: memref<32x32768xf32, #tpu.memory_space<hbm>>, %arg3: memref<32x32768xf32, #tpu.memory_space<hbm>>, %arg4: memref<32x32768xf32, #tpu.memory_space<hbm>>, %arg5: memref<32768xf32, #tpu.memory_space<vmem>>, %arg6: memref<32768xi32, #tpu.memory_space<vmem>>, %arg7: memref<32768xf32, #tpu.memory_space<vmem>>, %arg8: memref<2048xi32, #tpu.memory_space<vmem>>, %arg9: memref<2048xi32, #tpu.memory_space<vmem>>, %arg10: memref<2048xi32, #tpu.memory_space<vmem>>, %arg11: memref<2048xi32, #tpu.memory_space<vmem>>, %arg12: memref<2048xi32, #tpu.memory_space<vmem>>, %arg13: memref<2048xi32, #tpu.memory_space<vmem>>, %arg14: memref<2048xi32, #tpu.memory_space<vmem>>, %arg15: memref<2048xi32, #tpu.memory_space<vmem>>) attributes {dimension_semantics = [#tpu.dimension_semantics<core_parallel>, #tpu.dimension_semantics<subcore_parallel>], iteration_bounds = array<i64: 2, 16>, scalar_prefetch = 0 : i64, scratch_operands = 11 : i64, tpu.core_type = #tpu.core_type<sc_vector_subcore>, window_params = [{transform_indices = #map}, {transform_indices = #map}, {transform_indices = #map}]} {
    %mul3A = arith.constant 16 : i32
    %mul3A_0 = arith.muli %arg0, %mul3A : i32
    %add3A = arith.addi %mul3A_0, %arg1 : i32
    %iota3A = tpu.iota {dimensions = array<i32: 0>} : vector<16xi32>
    "tpu.region"() ({
      %run_scoped3A = tpu.sem_alloc : memref<!tpu.dma_semaphore, #tpu.memory_space<semaphore_mem>>
      %dma_start3A = arith.constant 0 : i32
      %dma_start3A_59 = tpu.memref_slice %arg3[%add3A, %dma_start3A] : memref<32x32768xf32, #tpu.memory_space<hbm>> -> memref<1x32768xf32, #tpu.memory_space<hbm>>
      %dma_start3A_60 = tpu.memref_squeeze %dma_start3A_59 : memref<1x32768xf32, #tpu.memory_space<hbm>> -> memref<32768xf32, #tpu.memory_space<hbm>>
      %dma_start3A_61 = arith.constant 0 : i32
      %dma_start3A_62 = tpu.memref_slice %arg3[%add3A, %dma_start3A_61] : memref<32x32768xf32, #tpu.memory_space<hbm>> -> memref<1x32768xf32, #tpu.memory_space<hbm>>
      %dma_start3A_63 = tpu.memref_squeeze %dma_start3A_62 : memref<1x32768xf32, #tpu.memory_space<hbm>> -> memref<32768xf32, #tpu.memory_space<hbm>>
      tpu.enqueue_dma source(%dma_start3A_63 : memref<32768xf32, #tpu.memory_space<hbm>>) target(%arg5 : memref<32768xf32, #tpu.memory_space<vmem>>) target_semaphore(%run_scoped3A : memref<!tpu.dma_semaphore, #tpu.memory_space<semaphore_mem>>)
      %dma_wait3A = arith.constant 0 : i32
      %dma_wait3A_64 = tpu.memref_slice %arg3[%add3A, %dma_wait3A] : memref<32x32768xf32, #tpu.memory_space<hbm>> -> memref<1x32768xf32, #tpu.memory_space<hbm>>
      %dma_wait3A_65 = tpu.memref_squeeze %dma_wait3A_64 : memref<1x32768xf32, #tpu.memory_space<hbm>> -> memref<32768xf32, #tpu.memory_space<hbm>>
      %dma_wait3A_66 = arith.constant 0 : i32
      %dma_wait3A_67 = tpu.memref_slice %arg3[%add3A, %dma_wait3A_66] : memref<32x32768xf32, #tpu.memory_space<hbm>> -> memref<1x32768xf32, #tpu.memory_space<hbm>>
      %dma_wait3A_68 = tpu.memref_squeeze %dma_wait3A_67 : memref<1x32768xf32, #tpu.memory_space<hbm>> -> memref<32768xf32, #tpu.memory_space<hbm>>
      tpu.wait_dma2 semaphore(%run_scoped3A : memref<!tpu.dma_semaphore, #tpu.memory_space<semaphore_mem>>) src(%dma_wait3A_68 : memref<32768xf32, #tpu.memory_space<hbm>>) dst(%arg5 : memref<32768xf32, #tpu.memory_space<vmem>>)
      tpu.yield
    }) : () -> ()
    %parallel_loop3A = arith.constant 0 : i32
    %parallel_loop3A_1 = arith.constant 128 : i32
    %parallel_loop3A_2 = arith.constant 1 : i32
    scf.for %parallel_loop3A_59 = %parallel_loop3A to %parallel_loop3A_1 step %parallel_loop3A_2  : i32 {
      %parallel_loop3A_60 = arith.constant 0 : i32
      %parallel_loop3A_61 = vector.broadcast %parallel_loop3A_60 : i32 to vector<16xi32>
      %parallel_loop3A_62 = arith.constant 16 : i32
      %parallel_loop3A_63 = arith.muli %parallel_loop3A_59, %parallel_loop3A_62 : i32
      %parallel_loop3A_64 = arith.index_cast %parallel_loop3A_63 : i32 to index
      %parallel_loop3A_65 = tpu.vector_load %arg8[%parallel_loop3A_64] {strides = array<i32>} : memref<2048xi32, #tpu.memory_space<vmem>>, vector<16xi32>,
      tpu.vector_store %arg8[%parallel_loop3A_64], %parallel_loop3A_61 {strides = array<i32>} : memref<2048xi32, #tpu.memory_space<vmem>>, vector<16xi32>,
      %parallel_loop3A_66 = arith.constant 0 : i32
      %parallel_loop3A_67 = vector.broadcast %parallel_loop3A_66 : i32 to vector<16xi32>
      %parallel_loop3A_68 = arith.constant 16 : i32
      %parallel_loop3A_69 = arith.muli %parallel_loop3A_59, %parallel_loop3A_68 : i32
      %parallel_loop3A_70 = arith.index_cast %parallel_loop3A_69 : i32 to index
      %parallel_loop3A_71 = tpu.vector_load %arg9[%parallel_loop3A_70] {strides = array<i32>} : memref<2048xi32, #tpu.memory_space<vmem>>, vector<16xi32>,
      tpu.vector_store %arg9[%parallel_loop3A_70], %parallel_loop3A_67 {strides = array<i32>} : memref<2048xi32, #tpu.memory_space<vmem>>, vector<16xi32>,
      %parallel_loop3A_72 = arith.constant 0 : i32
      %parallel_loop3A_73 = vector.broadcast %parallel_loop3A_72 : i32 to vector<16xi32>
      %parallel_loop3A_74 = arith.constant 16 : i32
      %parallel_loop3A_75 = arith.muli %parallel_loop3A_59, %parallel_loop3A_74 : i32
      %parallel_loop3A_76 = arith.index_cast %parallel_loop3A_75 : i32 to index
      %parallel_loop3A_77 = tpu.vector_load %arg10[%parallel_loop3A_76] {strides = array<i32>} : memref<2048xi32, #tpu.memory_space<vmem>>, vector<16xi32>,
      tpu.vector_store %arg10[%parallel_loop3A_76], %parallel_loop3A_73 {strides = array<i32>} : memref<2048xi32, #tpu.memory_space<vmem>>, vector<16xi32>,
      %parallel_loop3A_78 = arith.constant 0 : i32
      %parallel_loop3A_79 = vector.broadcast %parallel_loop3A_78 : i32 to vector<16xi32>
      %parallel_loop3A_80 = arith.constant 16 : i32
      %parallel_loop3A_81 = arith.muli %parallel_loop3A_59, %parallel_loop3A_80 : i32
      %parallel_loop3A_82 = arith.index_cast %parallel_loop3A_81 : i32 to index
      %parallel_loop3A_83 = tpu.vector_load %arg11[%parallel_loop3A_82] {strides = array<i32>} : memref<2048xi32, #tpu.memory_space<vmem>>, vector<16xi32>,
      tpu.vector_store %arg11[%parallel_loop3A_82], %parallel_loop3A_79 {strides = array<i32>} : memref<2048xi32, #tpu.memory_space<vmem>>, vector<16xi32>,
      %parallel_loop3A_84 = arith.constant 0 : i32
      %parallel_loop3A_85 = vector.broadcast %parallel_loop3A_84 : i32 to vector<16xi32>
      %parallel_loop3A_86 = arith.constant 16 : i32
      %parallel_loop3A_87 = arith.muli %parallel_loop3A_59, %parallel_loop3A_86 : i32
      %parallel_loop3A_88 = arith.index_cast %parallel_loop3A_87 : i32 to index
      %parallel_loop3A_89 = tpu.vector_load %arg12[%parallel_loop3A_88] {strides = array<i32>} : memref<2048xi32, #tpu.memory_space<vmem>>, vector<16xi32>,
      tpu.vector_store %arg12[%parallel_loop3A_88], %parallel_loop3A_85 {strides = array<i32>} : memref<2048xi32, #tpu.memory_space<vmem>>, vector<16xi32>,
      %parallel_loop3A_90 = arith.constant 0 : i32
      %parallel_loop3A_91 = vector.broadcast %parallel_loop3A_90 : i32 to vector<16xi32>
      %parallel_loop3A_92 = arith.constant 16 : i32
      %parallel_loop3A_93 = arith.muli %parallel_loop3A_59, %parallel_loop3A_92 : i32
      %parallel_loop3A_94 = arith.index_cast %parallel_loop3A_93 : i32 to index
      %parallel_loop3A_95 = tpu.vector_load %arg13[%parallel_loop3A_94] {strides = array<i32>} : memref<2048xi32, #tpu.memory_space<vmem>>, vector<16xi32>,
      tpu.vector_store %arg13[%parallel_loop3A_94], %parallel_loop3A_91 {strides = array<i32>} : memref<2048xi32, #tpu.memory_space<vmem>>, vector<16xi32>,
      %parallel_loop3A_96 = arith.constant 0 : i32
      %parallel_loop3A_97 = vector.broadcast %parallel_loop3A_96 : i32 to vector<16xi32>
      %parallel_loop3A_98 = arith.constant 16 : i32
      %parallel_loop3A_99 = arith.muli %parallel_loop3A_59, %parallel_loop3A_98 : i32
      %parallel_loop3A_100 = arith.index_cast %parallel_loop3A_99 : i32 to index
      %parallel_loop3A_101 = tpu.vector_load %arg14[%parallel_loop3A_100] {strides = array<i32>} : memref<2048xi32, #tpu.memory_space<vmem>>, vector<16xi32>,
      tpu.vector_store %arg14[%parallel_loop3A_100], %parallel_loop3A_97 {strides = array<i32>} : memref<2048xi32, #tpu.memory_space<vmem>>, vector<16xi32>,
      %parallel_loop3A_102 = arith.constant 0 : i32
      %parallel_loop3A_103 = vector.broadcast %parallel_loop3A_102 : i32 to vector<16xi32>
      %parallel_loop3A_104 = arith.constant 16 : i32
      %parallel_loop3A_105 = arith.muli %parallel_loop3A_59, %parallel_loop3A_104 : i32
      %parallel_loop3A_106 = arith.index_cast %parallel_loop3A_105 : i32 to index
      %parallel_loop3A_107 = tpu.vector_load %arg15[%parallel_loop3A_106] {strides = array<i32>} : memref<2048xi32, #tpu.memory_space<vmem>>, vector<16xi32>,
      tpu.vector_store %arg15[%parallel_loop3A_106], %parallel_loop3A_103 {strides = array<i32>} : memref<2048xi32, #tpu.memory_space<vmem>>, vector<16xi32>,
    } {sc.loop_unroll_factor = 8 : i64, sc.parallel_access}
    %scan3A = arith.constant 0 : i32
    %scan3A_3 = arith.constant 0 : i32
    %scan3A_4 = arith.constant 128 : i32
    %scan3A_5 = arith.addi %scan3A_3, %scan3A_4 : i32
    %scan3A_6 = arith.constant 1 : i32
    scf.for %scan3A_59 = %scan3A_3 to %scan3A_5 step %scan3A_6  : i32 {
      %mul3A_60 = arith.constant 2 : i32
      %mul3A_61 = arith.muli %mul3A_60, %scan3A_59 : i32
      %add3A_62 = arith.constant 0 : i32
      %add3A_63 = arith.addi %mul3A_61, %add3A_62 : i32
      %mul3A_64 = arith.constant 16 : i32
      %mul3A_65 = arith.muli %mul3A_64, %add3A_63 : i32
      %add3A_66 = vector.broadcast %mul3A_65 : i32 to vector<16xi32>
      %add3A_67 = arith.addi %add3A_66, %iota3A : vector<16xi32>
      %add3A_68 = arith.constant 0 : i32
      %add3A_69 = vector.broadcast %add3A_68 : i32 to vector<16xi32>
      %add3A_70 = arith.addi %add3A_67, %add3A_69 : vector<16xi32>
      %mul3A_71 = arith.constant 16 : i32
      %mul3A_72 = arith.muli %mul3A_71, %add3A_63 : i32
      %add3A_73 = vector.broadcast %mul3A_72 : i32 to vector<16xi32>
      %add3A_74 = arith.addi %add3A_73, %iota3A : vector<16xi32>
      %add3A_75 = arith.constant 4096 : i32
      %add3A_76 = vector.broadcast %add3A_75 : i32 to vector<16xi32>
      %add3A_77 = arith.addi %add3A_74, %add3A_76 : vector<16xi32>
      %mul3A_78 = arith.constant 16 : i32
      %mul3A_79 = arith.muli %mul3A_78, %add3A_63 : i32
      %add3A_80 = vector.broadcast %mul3A_79 : i32 to vector<16xi32>
      %add3A_81 = arith.addi %add3A_80, %iota3A : vector<16xi32>
      %add3A_82 = arith.constant 8192 : i32
      %add3A_83 = vector.broadcast %add3A_82 : i32 to vector<16xi32>
      %add3A_84 = arith.addi %add3A_81, %add3A_83 : vector<16xi32>
      %mul3A_85 = arith.constant 16 : i32
      %mul3A_86 = arith.muli %mul3A_85, %add3A_63 : i32
      %add3A_87 = vector.broadcast %mul3A_86 : i32 to vector<16xi32>
      %add3A_88 = arith.addi %add3A_87, %iota3A : vector<16xi32>
      %add3A_89 = arith.constant 12288 : i32
      %add3A_90 = vector.broadcast %add3A_89 : i32 to vector<16xi32>
      %add3A_91 = arith.addi %add3A_88, %add3A_90 : vector<16xi32>
      %mul3A_92 = arith.constant 16 : i32
      %mul3A_93 = arith.muli %mul3A_92, %add3A_63 : i32
      %add3A_94 = vector.broadcast %mul3A_93 : i32 to vector<16xi32>
      %add3A_95 = arith.addi %add3A_94, %iota3A : vector<16xi32>
      %add3A_96 = arith.constant 16384 : i32
      %add3A_97 = vector.broadcast %add3A_96 : i32 to vector<16xi32>
      %add3A_98 = arith.addi %add3A_95, %add3A_97 : vector<16xi32>
      %mul3A_99 = arith.constant 16 : i32
      %mul3A_100 = arith.muli %mul3A_99, %add3A_63 : i32
      %add3A_101 = vector.broadcast %mul3A_100 : i32 to vector<16xi32>
      %add3A_102 = arith.addi %add3A_101, %iota3A : vector<16xi32>
      %add3A_103 = arith.constant 20480 : i32
      %add3A_104 = vector.broadcast %add3A_103 : i32 to vector<16xi32>
      %add3A_105 = arith.addi %add3A_102, %add3A_104 : vector<16xi32>
      %mul3A_106 = arith.constant 16 : i32
      %mul3A_107 = arith.muli %mul3A_106, %add3A_63 : i32
      %add3A_108 = vector.broadcast %mul3A_107 : i32 to vector<16xi32>
      %add3A_109 = arith.addi %add3A_108, %iota3A : vector<16xi32>
      %add3A_110 = arith.constant 24576 : i32
      %add3A_111 = vector.broadcast %add3A_110 : i32 to vector<16xi32>
      %add3A_112 = arith.addi %add3A_109, %add3A_111 : vector<16xi32>
      %mul3A_113 = arith.constant 16 : i32
      %mul3A_114 = arith.muli %mul3A_113, %add3A_63 : i32
      %add3A_115 = vector.broadcast %mul3A_114 : i32 to vector<16xi32>
      %add3A_116 = arith.addi %add3A_115, %iota3A : vector<16xi32>
      %add3A_117 = arith.constant 28672 : i32
      %add3A_118 = vector.broadcast %add3A_117 : i32 to vector<16xi32>
      %add3A_119 = arith.addi %add3A_116, %add3A_118 : vector<16xi32>
      %add3A_120 = arith.constant 0 : i32
      %add3A_121 = arith.addi %add3A_63, %add3A_120 : i32
      %mul3A_122 = arith.constant 16 : i32
      %mul3A_123 = arith.muli %add3A_121, %mul3A_122 : i32
      %get3A = arith.index_cast %mul3A_123 : i32 to index
      %get3A_124 = tpu.vector_load %arg5[%get3A] {strides = array<i32>} : memref<32768xf32, #tpu.memory_space<vmem>>, vector<16xf32>,
      %bitcast3A = vector.bitcast %get3A_124 : vector<16xf32> to vector<16xi32>
      %ge3A = arith.constant 0 : i32
      %ge3A_125 = vector.broadcast %ge3A : i32 to vector<16xi32>
      %ge3A_126 = arith.cmpi sge, %bitcast3A, %ge3A_125 : vector<16xi32>
      %xor3A = arith.constant 2147483647 : i32
      %xor3A_127 = vector.broadcast %xor3A : i32 to vector<16xi32>
      %xor3A_128 = arith.xori %bitcast3A, %xor3A_127 : vector<16xi32>
      %select_n3A = arith.select %ge3A_126, %xor3A_128, %bitcast3A : vector<16xi1>, vector<16xi32>
      %bitcast3A_129 = vector.bitcast %select_n3A : vector<16xi32> to vector<16xf32>
      %add3A_130 = arith.constant 0 : i32
      %add3A_131 = arith.addi %add3A_63, %add3A_130 : i32
      %mul3A_132 = arith.constant 16 : i32
      %mul3A_133 = arith.muli %add3A_131, %mul3A_132 : i32
      %swap3A = arith.index_cast %mul3A_133 : i32 to index
      %swap3A_134 = tpu.vector_load %arg5[%swap3A] {strides = array<i32>} : memref<32768xf32, #tpu.memory_space<vmem>>, vector<16xf32>,
      tpu.vector_store %arg5[%swap3A], %bitcast3A_129 {strides = array<i32>} : memref<32768xf32, #tpu.memory_space<vmem>>, vector<16xf32>,
      %add3A_135 = arith.constant 256 : i32
      %add3A_136 = arith.addi %add3A_63, %add3A_135 : i32
      %mul3A_137 = arith.constant 16 : i32
      %mul3A_138 = arith.muli %add3A_136, %mul3A_137 : i32
      %get3A_139 = arith.index_cast %mul3A_138 : i32 to index
      %get3A_140 = tpu.vector_load %arg5[%get3A_139] {strides = array<i32>} : memref<32768xf32, #tpu.memory_space<vmem>>, vector<16xf32>,
      %bitcast3A_141 = vector.bitcast %get3A_140 : vector<16xf32> to vector<16xi32>
      %ge3A_142 = arith.constant 0 : i32
      %ge3A_143 = vector.broadcast %ge3A_142 : i32 to vector<16xi32>
      %ge3A_144 = arith.cmpi sge, %bitcast3A_141, %ge3A_143 : vector<16xi32>
      %xor3A_145 = arith.constant 2147483647 : i32
      %xor3A_146 = vector.broadcast %xor3A_145 : i32 to vector<16xi32>
      %xor3A_147 = arith.xori %bitcast3A_141, %xor3A_146 : vector<16xi32>
      %select_n3A_148 = arith.select %ge3A_144, %xor3A_147, %bitcast3A_141 : vector<16xi1>, vector<16xi32>
      %bitcast3A_149 = vector.bitcast %select_n3A_148 : vector<16xi32> to vector<16xf32>
      %add3A_150 = arith.constant 256 : i32
      %add3A_151 = arith.addi %add3A_63, %add3A_150 : i32
      %mul3A_152 = arith.constant 16 : i32
      %mul3A_153 = arith.muli %add3A_151, %mul3A_152 : i32
      %swap3A_154 = arith.index_cast %mul3A_153 : i32 to index
      %swap3A_155 = tpu.vector_load %arg5[%swap3A_154] {strides = array<i32>} : memref<32768xf32, #tpu.memory_space<vmem>>, vector<16xf32>,
      tpu.vector_store %arg5[%swap3A_154], %bitcast3A_149 {strides = array<i32>} : memref<32768xf32, #tpu.memory_space<vmem>>, vector<16xf32>,
      %add3A_156 = arith.constant 512 : i32
      %add3A_157 = arith.addi %add3A_63, %add3A_156 : i32
      %mul3A_158 = arith.constant 16 : i32
      %mul3A_159 = arith.muli %add3A_157, %mul3A_158 : i32
      %get3A_160 = arith.index_cast %mul3A_159 : i32 to index
      %get3A_161 = tpu.vector_load %arg5[%get3A_160] {strides = array<i32>} : memref<32768xf32, #tpu.memory_space<vmem>>, vector<16xf32>,
      %bitcast3A_162 = vector.bitcast %get3A_161 : vector<16xf32> to vector<16xi32>
      %ge3A_163 = arith.constant 0 : i32
      %ge3A_164 = vector.broadcast %ge3A_163 : i32 to vector<16xi32>
      %ge3A_165 = arith.cmpi sge, %bitcast3A_162, %ge3A_164 : vector<16xi32>
      %xor3A_166 = arith.constant 2147483647 : i32
      %xor3A_167 = vector.broadcast %xor3A_166 : i32 to vector<16xi32>
      %xor3A_168 = arith.xori %bitcast3A_162, %xor3A_167 : vector<16xi32>
      %select_n3A_169 = arith.select %ge3A_165, %xor3A_168, %bitcast3A_162 : vector<16xi1>, vector<16xi32>
      %bitcast3A_170 = vector.bitcast %select_n3A_169 : vector<16xi32> to vector<16xf32>
      %add3A_171 = arith.constant 512 : i32
      %add3A_172 = arith.addi %add3A_63, %add3A_171 : i32
      %mul3A_173 = arith.constant 16 : i32
      %mul3A_174 = arith.muli %add3A_172, %mul3A_173 : i32
      %swap3A_175 = arith.index_cast %mul3A_174 : i32 to index
      %swap3A_176 = tpu.vector_load %arg5[%swap3A_175] {strides = array<i32>} : memref<32768xf32, #tpu.memory_space<vmem>>, vector<16xf32>,
      tpu.vector_store %arg5[%swap3A_175], %bitcast3A_170 {strides = array<i32>} : memref<32768xf32, #tpu.memory_space<vmem>>, vector<16xf32>,
      %add3A_177 = arith.constant 768 : i32
      %add3A_178 = arith.addi %add3A_63, %add3A_177 : i32
      %mul3A_179 = arith.constant 16 : i32
      %mul3A_180 = arith.muli %add3A_178, %mul3A_179 : i32
      %get3A_181 = arith.index_cast %mul3A_180 : i32 to index
      %get3A_182 = tpu.vector_load %arg5[%get3A_181] {strides = array<i32>} : memref<32768xf32, #tpu.memory_space<vmem>>, vector<16xf32>,
      %bitcast3A_183 = vector.bitcast %get3A_182 : vector<16xf32> to vector<16xi32>
      %ge3A_184 = arith.constant 0 : i32
      %ge3A_185 = vector.broadcast %ge3A_184 : i32 to vector<16xi32>
      %ge3A_186 = arith.cmpi sge, %bitcast3A_183, %ge3A_185 : vector<16xi32>
      %xor3A_187 = arith.constant 2147483647 : i32
      %xor3A_188 = vector.broadcast %xor3A_187 : i32 to vector<16xi32>
      %xor3A_189 = arith.xori %bitcast3A_183, %xor3A_188 : vector<16xi32>
      %select_n3A_190 = arith.select %ge3A_186, %xor3A_189, %bitcast3A_183 : vector<16xi1>, vector<16xi32>
      %bitcast3A_191 = vector.bitcast %select_n3A_190 : vector<16xi32> to vector<16xf32>
      %add3A_192 = arith.constant 768 : i32
      %add3A_193 = arith.addi %add3A_63, %add3A_192 : i32
      %mul3A_194 = arith.constant 16 : i32
      %mul3A_195 = arith.muli %add3A_193, %mul3A_194 : i32
      %swap3A_196 = arith.index_cast %mul3A_195 : i32 to index
      %swap3A_197 = tpu.vector_load %arg5[%swap3A_196] {strides = array<i32>} : memref<32768xf32, #tpu.memory_space<vmem>>, vector<16xf32>,
      tpu.vector_store %arg5[%swap3A_196], %bitcast3A_191 {strides = array<i32>} : memref<32768xf32, #tpu.memory_space<vmem>>, vector<16xf32>,
      %add3A_198 = arith.constant 1024 : i32
      %add3A_199 = arith.addi %add3A_63, %add3A_198 : i32
      %mul3A_200 = arith.constant 16 : i32
      %mul3A_201 = arith.muli %add3A_199, %mul3A_200 : i32
      %get3A_202 = arith.index_cast %mul3A_201 : i32 to index
      %get3A_203 = tpu.vector_load %arg5[%get3A_202] {strides = array<i32>} : memref<32768xf32, #tpu.memory_space<vmem>>, vector<16xf32>,
      %bitcast3A_204 = vector.bitcast %get3A_203 : vector<16xf32> to vector<16xi32>
      %ge3A_205 = arith.constant 0 : i32
      %ge3A_206 = vector.broadcast %ge3A_205 : i32 to vector<16xi32>
      %ge3A_207 = arith.cmpi sge, %bitcast3A_204, %ge3A_206 : vector<16xi32>
      %xor3A_208 = arith.constant 2147483647 : i32
      %xor3A_209 = vector.broadcast %xor3A_208 : i32 to vector<16xi32>
      %xor3A_210 = arith.xori %bitcast3A_204, %xor3A_209 : vector<16xi32>
      %select_n3A_211 = arith.select %ge3A_207, %xor3A_210, %bitcast3A_204 : vector<16xi1>, vector<16xi32>
      %bitcast3A_212 = vector.bitcast %select_n3A_211 : vector<16xi32> to vector<16xf32>
      %add3A_213 = arith.constant 1024 : i32
      %add3A_214 = arith.addi %add3A_63, %add3A_213 : i32
      %mul3A_215 = arith.constant 16 : i32
      %mul3A_216 = arith.muli %add3A_214, %mul3A_215 : i32
      %swap3A_217 = arith.index_cast %mul3A_216 : i32 to index
      %swap3A_218 = tpu.vector_load %arg5[%swap3A_217] {strides = array<i32>} : memref<32768xf32, #tpu.memory_space<vmem>>, vector<16xf32>,
      tpu.vector_store %arg5[%swap3A_217], %bitcast3A_212 {strides = array<i32>} : memref<32768xf32, #tpu.memory_space<vmem>>, vector<16xf32>,
      %add3A_219 = arith.constant 1280 : i32
      %add3A_220 = arith.addi %add3A_63, %add3A_219 : i32
      %mul3A_221 = arith.constant 16 : i32
      %mul3A_222 = arith.muli %add3A_220, %mul3A_221 : i32
      %get3A_223 = arith.index_cast %mul3A_222 : i32 to index
      %get3A_224 = tpu.vector_load %arg5[%get3A_223] {strides = array<i32>} : memref<32768xf32, #tpu.memory_space<vmem>>, vector<16xf32>,
      %bitcast3A_225 = vector.bitcast %get3A_224 : vector<16xf32> to vector<16xi32>
      %ge3A_226 = arith.constant 0 : i32
      %ge3A_227 = vector.broadcast %ge3A_226 : i32 to vector<16xi32>
      %ge3A_228 = arith.cmpi sge, %bitcast3A_225, %ge3A_227 : vector<16xi32>
      %xor3A_229 = arith.constant 2147483647 : i32
      %xor3A_230 = vector.broadcast %xor3A_229 : i32 to vector<16xi32>
      %xor3A_231 = arith.xori %bitcast3A_225, %xor3A_230 : vector<16xi32>
      %select_n3A_232 = arith.select %ge3A_228, %xor3A_231, %bitcast3A_225 : vector<16xi1>, vector<16xi32>
      %bitcast3A_233 = vector.bitcast %select_n3A_232 : vector<16xi32> to vector<16xf32>
      %add3A_234 = arith.constant 1280 : i32
      %add3A_235 = arith.addi %add3A_63, %add3A_234 : i32
      %mul3A_236 = arith.constant 16 : i32
      %mul3A_237 = arith.muli %add3A_235, %mul3A_236 : i32
      %swap3A_238 = arith.index_cast %mul3A_237 : i32 to index
      %swap3A_239 = tpu.vector_load %arg5[%swap3A_238] {strides = array<i32>} : memref<32768xf32, #tpu.memory_space<vmem>>, vector<16xf32>,
      tpu.vector_store %arg5[%swap3A_238], %bitcast3A_233 {strides = array<i32>} : memref<32768xf32, #tpu.memory_space<vmem>>, vector<16xf32>,
      %add3A_240 = arith.constant 1536 : i32
      %add3A_241 = arith.addi %add3A_63, %add3A_240 : i32
      %mul3A_242 = arith.constant 16 : i32
      %mul3A_243 = arith.muli %add3A_241, %mul3A_242 : i32
      %get3A_244 = arith.index_cast %mul3A_243 : i32 to index
      %get3A_245 = tpu.vector_load %arg5[%get3A_244] {strides = array<i32>} : memref<32768xf32, #tpu.memory_space<vmem>>, vector<16xf32>,
      %bitcast3A_246 = vector.bitcast %get3A_245 : vector<16xf32> to vector<16xi32>
      %ge3A_247 = arith.constant 0 : i32
      %ge3A_248 = vector.broadcast %ge3A_247 : i32 to vector<16xi32>
      %ge3A_249 = arith.cmpi sge, %bitcast3A_246, %ge3A_248 : vector<16xi32>
      %xor3A_250 = arith.constant 2147483647 : i32
      %xor3A_251 = vector.broadcast %xor3A_250 : i32 to vector<16xi32>
      %xor3A_252 = arith.xori %bitcast3A_246, %xor3A_251 : vector<16xi32>
      %select_n3A_253 = arith.select %ge3A_249, %xor3A_252, %bitcast3A_246 : vector<16xi1>, vector<16xi32>
      %bitcast3A_254 = vector.bitcast %select_n3A_253 : vector<16xi32> to vector<16xf32>
      %add3A_255 = arith.constant 1536 : i32
      %add3A_256 = arith.addi %add3A_63, %add3A_255 : i32
      %mul3A_257 = arith.constant 16 : i32
      %mul3A_258 = arith.muli %add3A_256, %mul3A_257 : i32
      %swap3A_259 = arith.index_cast %mul3A_258 : i32 to index
      %swap3A_260 = tpu.vector_load %arg5[%swap3A_259] {strides = array<i32>} : memref<32768xf32, #tpu.memory_space<vmem>>, vector<16xf32>,
      tpu.vector_store %arg5[%swap3A_259], %bitcast3A_254 {strides = array<i32>} : memref<32768xf32, #tpu.memory_space<vmem>>, vector<16xf32>,
      %add3A_261 = arith.constant 1792 : i32
      %add3A_262 = arith.addi %add3A_63, %add3A_261 : i32
      %mul3A_263 = arith.constant 16 : i32
      %mul3A_264 = arith.muli %add3A_262, %mul3A_263 : i32
      %get3A_265 = arith.index_cast %mul3A_264 : i32 to index
      %get3A_266 = tpu.vector_load %arg5[%get3A_265] {strides = array<i32>} : memref<32768xf32, #tpu.memory_space<vmem>>, vector<16xf32>,
      %bitcast3A_267 = vector.bitcast %get3A_266 : vector<16xf32> to vector<16xi32>
      %ge3A_268 = arith.constant 0 : i32
      %ge3A_269 = vector.broadcast %ge3A_268 : i32 to vector<16xi32>
      %ge3A_270 = arith.cmpi sge, %bitcast3A_267, %ge3A_269 : vector<16xi32>
      %xor3A_271 = arith.constant 2147483647 : i32
      %xor3A_272 = vector.broadcast %xor3A_271 : i32 to vector<16xi32>
      %xor3A_273 = arith.xori %bitcast3A_267, %xor3A_272 : vector<16xi32>
      %select_n3A_274 = arith.select %ge3A_270, %xor3A_273, %bitcast3A_267 : vector<16xi1>, vector<16xi32>
      %bitcast3A_275 = vector.bitcast %select_n3A_274 : vector<16xi32> to vector<16xf32>
      %add3A_276 = arith.constant 1792 : i32
      %add3A_277 = arith.addi %add3A_63, %add3A_276 : i32
      %mul3A_278 = arith.constant 16 : i32
      %mul3A_279 = arith.muli %add3A_277, %mul3A_278 : i32
      %swap3A_280 = arith.index_cast %mul3A_279 : i32 to index
      %swap3A_281 = tpu.vector_load %arg5[%swap3A_280] {strides = array<i32>} : memref<32768xf32, #tpu.memory_space<vmem>>, vector<16xf32>,
      tpu.vector_store %arg5[%swap3A_280], %bitcast3A_275 {strides = array<i32>} : memref<32768xf32, #tpu.memory_space<vmem>>, vector<16xf32>,
      %shift_right_logical3A = arith.constant 0 : i32
      %shift_right_logical3A_282 = vector.broadcast %shift_right_logical3A : i32 to vector<16xi32>
      %shift_right_logical3A_283 = arith.shrui %select_n3A, %shift_right_logical3A_282 : vector<16xi32>
      %and3A = arith.constant 2047 : i32
      %and3A_284 = vector.broadcast %and3A : i32 to vector<16xi32>
      %and3A_285 = arith.andi %shift_right_logical3A_283, %and3A_284 : vector<16xi32>
      %shift_right_logical3A_286 = arith.constant 0 : i32
      %shift_right_logical3A_287 = vector.broadcast %shift_right_logical3A_286 : i32 to vector<16xi32>
      %shift_right_logical3A_288 = arith.shrui %select_n3A_148, %shift_right_logical3A_287 : vector<16xi32>
      %and3A_289 = arith.constant 2047 : i32
      %and3A_290 = vector.broadcast %and3A_289 : i32 to vector<16xi32>
      %and3A_291 = arith.andi %shift_right_logical3A_288, %and3A_290 : vector<16xi32>
      %shift_right_logical3A_292 = arith.constant 0 : i32
      %shift_right_logical3A_293 = vector.broadcast %shift_right_logical3A_292 : i32 to vector<16xi32>
      %shift_right_logical3A_294 = arith.shrui %select_n3A_169, %shift_right_logical3A_293 : vector<16xi32>
      %and3A_295 = arith.constant 2047 : i32
      %and3A_296 = vector.broadcast %and3A_295 : i32 to vector<16xi32>
      %and3A_297 = arith.andi %shift_right_logical3A_294, %and3A_296 : vector<16xi32>
      %shift_right_logical3A_298 = arith.constant 0 : i32
      %shift_right_logical3A_299 = vector.broadcast %shift_right_logical3A_298 : i32 to vector<16xi32>
      %shift_right_logical3A_300 = arith.shrui %select_n3A_190, %shift_right_logical3A_299 : vector<16xi32>
      %and3A_301 = arith.constant 2047 : i32
      %and3A_302 = vector.broadcast %and3A_301 : i32 to vector<16xi32>
      %and3A_303 = arith.andi %shift_right_logical3A_300, %and3A_302 : vector<16xi32>
      %shift_right_logical3A_304 = arith.constant 0 : i32
      %shift_right_logical3A_305 = vector.broadcast %shift_right_logical3A_304 : i32 to vector<16xi32>
      %shift_right_logical3A_306 = arith.shrui %select_n3A_211, %shift_right_logical3A_305 : vector<16xi32>
      %and3A_307 = arith.constant 2047 : i32
      %and3A_308 = vector.broadcast %and3A_307 : i32 to vector<16xi32>
      %and3A_309 = arith.andi %shift_right_logical3A_306, %and3A_308 : vector<16xi32>
      %shift_right_logical3A_310 = arith.constant 0 : i32
      %shift_right_logical3A_311 = vector.broadcast %shift_right_logical3A_310 : i32 to vector<16xi32>
      %shift_right_logical3A_312 = arith.shrui %select_n3A_232, %shift_right_logical3A_311 : vector<16xi32>
      %and3A_313 = arith.constant 2047 : i32
      %and3A_314 = vector.broadcast %and3A_313 : i32 to vector<16xi32>
      %and3A_315 = arith.andi %shift_right_logical3A_312, %and3A_314 : vector<16xi32>
      %shift_right_logical3A_316 = arith.constant 0 : i32
      %shift_right_logical3A_317 = vector.broadcast %shift_right_logical3A_316 : i32 to vector<16xi32>
      %shift_right_logical3A_318 = arith.shrui %select_n3A_253, %shift_right_logical3A_317 : vector<16xi32>
      %and3A_319 = arith.constant 2047 : i32
      %and3A_320 = vector.broadcast %and3A_319 : i32 to vector<16xi32>
      %and3A_321 = arith.andi %shift_right_logical3A_318, %and3A_320 : vector<16xi32>
      %shift_right_logical3A_322 = arith.constant 0 : i32
      %shift_right_logical3A_323 = vector.broadcast %shift_right_logical3A_322 : i32 to vector<16xi32>
      %shift_right_logical3A_324 = arith.shrui %select_n3A_274, %shift_right_logical3A_323 : vector<16xi32>
      %and3A_325 = arith.constant 2047 : i32
      %and3A_326 = vector.broadcast %and3A_325 : i32 to vector<16xi32>
      %and3A_327 = arith.andi %shift_right_logical3A_324, %and3A_326 : vector<16xi32>
      %broadcast_in_dim3A = arith.constant true
      %broadcast_in_dim3A_328 = vector.broadcast %broadcast_in_dim3A : i1 to vector<16xi1>
      %unique3A, %unique3A_329 = tpu.scan_count mask(%broadcast_in_dim3A_328 : vector<16xi1>) value(%and3A_285 : vector<16xi32>) : vector<16xi1>, vector<16xi32>
      %broadcast_in_dim3A_330 = arith.constant true
      %broadcast_in_dim3A_331 = vector.broadcast %broadcast_in_dim3A_330 : i1 to vector<16xi1>
      %unique3A_332, %unique3A_333 = tpu.scan_count mask(%broadcast_in_dim3A_331 : vector<16xi1>) value(%and3A_291 : vector<16xi32>) : vector<16xi1>, vector<16xi32>
      %broadcast_in_dim3A_334 = arith.constant true
      %broadcast_in_dim3A_335 = vector.broadcast %broadcast_in_dim3A_334 : i1 to vector<16xi1>
      %unique3A_336, %unique3A_337 = tpu.scan_count mask(%broadcast_in_dim3A_335 : vector<16xi1>) value(%and3A_297 : vector<16xi32>) : vector<16xi1>, vector<16xi32>
      %broadcast_in_dim3A_338 = arith.constant true
      %broadcast_in_dim3A_339 = vector.broadcast %broadcast_in_dim3A_338 : i1 to vector<16xi1>
      %unique3A_340, %unique3A_341 = tpu.scan_count mask(%broadcast_in_dim3A_339 : vector<16xi1>) value(%and3A_303 : vector<16xi32>) : vector<16xi1>, vector<16xi32>
      %broadcast_in_dim3A_342 = arith.constant true
      %broadcast_in_dim3A_343 = vector.broadcast %broadcast_in_dim3A_342 : i1 to vector<16xi1>
      %unique3A_344, %unique3A_345 = tpu.scan_count mask(%broadcast_in_dim3A_343 : vector<16xi1>) value(%and3A_309 : vector<16xi32>) : vector<16xi1>, vector<16xi32>
      %broadcast_in_dim3A_346 = arith.constant true
      %broadcast_in_dim3A_347 = vector.broadcast %broadcast_in_dim3A_346 : i1 to vector<16xi1>
      %unique3A_348, %unique3A_349 = tpu.scan_count mask(%broadcast_in_dim3A_347 : vector<16xi1>) value(%and3A_315 : vector<16xi32>) : vector<16xi1>, vector<16xi32>
      %broadcast_in_dim3A_350 = arith.constant true
      %broadcast_in_dim3A_351 = vector.broadcast %broadcast_in_dim3A_350 : i1 to vector<16xi1>
      %unique3A_352, %unique3A_353 = tpu.scan_count mask(%broadcast_in_dim3A_351 : vector<16xi1>) value(%and3A_321 : vector<16xi32>) : vector<16xi1>, vector<16xi32>
      %broadcast_in_dim3A_354 = arith.constant true
      %broadcast_in_dim3A_355 = vector.broadcast %broadcast_in_dim3A_354 : i1 to vector<16xi1>
      %unique3A_356, %unique3A_357 = tpu.scan_count mask(%broadcast_in_dim3A_355 : vector<16xi1>) value(%and3A_327 : vector<16xi32>) : vector<16xi1>, vector<16xi32>
      %mul3A_358 = arith.constant 2 : i32
      %mul3A_359 = arith.muli %mul3A_358, %scan3A_59 : i32
      %add3A_360 = arith.constant 1 : i32
      %add3A_361 = arith.addi %mul3A_359, %add3A_360 : i32
      %mul3A_362 = arith.constant 16 : i32
      %mul3A_363 = arith.muli %mul3A_362, %add3A_361 : i32
      %add3A_364 = vector.broadcast %mul3A_363 : i32 to vector<16xi32>
      %add3A_365 = arith.addi %add3A_364, %iota3A : vector<16xi32>
      %add3A_366 = arith.constant 0 : i32
      %add3A_367 = vector.broadcast %add3A_366 : i32 to vector<16xi32>
      %add3A_368 = arith.addi %add3A_365, %add3A_367 : vector<16xi32>
      %mul3A_369 = arith.constant 16 : i32
      %mul3A_370 = arith.muli %mul3A_369, %add3A_361 : i32
      %add3A_371 = vector.broadcast %mul3A_370 : i32 to vector<16xi32>
      %add3A_372 = arith.addi %add3A_371, %iota3A : vector<16xi32>
      %add3A_373 = arith.constant 4096 : i32
      %add3A_374 = vector.broadcast %add3A_373 : i32 to vector<16xi32>
      %add3A_375 = arith.addi %add3A_372, %add3A_374 : vector<16xi32>
      %mul3A_376 = arith.constant 16 : i32
      %mul3A_377 = arith.muli %mul3A_376, %add3A_361 : i32
      %add3A_378 = vector.broadcast %mul3A_377 : i32 to vector<16xi32>
      %add3A_379 = arith.addi %add3A_378, %iota3A : vector<16xi32>
      %add3A_380 = arith.constant 8192 : i32
      %add3A_381 = vector.broadcast %add3A_380 : i32 to vector<16xi32>
      %add3A_382 = arith.addi %add3A_379, %add3A_381 : vector<16xi32>
      %mul3A_383 = arith.constant 16 : i32
      %mul3A_384 = arith.muli %mul3A_383, %add3A_361 : i32
      %add3A_385 = vector.broadcast %mul3A_384 : i32 to vector<16xi32>
      %add3A_386 = arith.addi %add3A_385, %iota3A : vector<16xi32>
      %add3A_387 = arith.constant 12288 : i32
      %add3A_388 = vector.broadcast %add3A_387 : i32 to vector<16xi32>
      %add3A_389 = arith.addi %add3A_386, %add3A_388 : vector<16xi32>
      %mul3A_390 = arith.constant 16 : i32
      %mul3A_391 = arith.muli %mul3A_390, %add3A_361 : i32
      %add3A_392 = vector.broadcast %mul3A_391 : i32 to vector<16xi32>
      %add3A_393 = arith.addi %add3A_392, %iota3A : vector<16xi32>
      %add3A_394 = arith.constant 16384 : i32
      %add3A_395 = vector.broadcast %add3A_394 : i32 to vector<16xi32>
      %add3A_396 = arith.addi %add3A_393, %add3A_395 : vector<16xi32>
      %mul3A_397 = arith.constant 16 : i32
      %mul3A_398 = arith.muli %mul3A_397, %add3A_361 : i32
      %add3A_399 = vector.broadcast %mul3A_398 : i32 to vector<16xi32>
      %add3A_400 = arith.addi %add3A_399, %iota3A : vector<16xi32>
      %add3A_401 = arith.constant 20480 : i32
      %add3A_402 = vector.broadcast %add3A_401 : i32 to vector<16xi32>
      %add3A_403 = arith.addi %add3A_400, %add3A_402 : vector<16xi32>
      %mul3A_404 = arith.constant 16 : i32
      %mul3A_405 = arith.muli %mul3A_404, %add3A_361 : i32
      %add3A_406 = vector.broadcast %mul3A_405 : i32 to vector<16xi32>
      %add3A_407 = arith.addi %add3A_406, %iota3A : vector<16xi32>
      %add3A_408 = arith.constant 24576 : i32
      %add3A_409 = vector.broadcast %add3A_408 : i32 to vector<16xi32>
      %add3A_410 = arith.addi %add3A_407, %add3A_409 : vector<16xi32>
      %mul3A_411 = arith.constant 16 : i32
      %mul3A_412 = arith.muli %mul3A_411, %add3A_361 : i32
      %add3A_413 = vector.broadcast %mul3A_412 : i32 to vector<16xi32>
      %add3A_414 = arith.addi %add3A_413, %iota3A : vector<16xi32>
      %add3A_415 = arith.constant 28672 : i32
      %add3A_416 = vector.broadcast %add3A_415 : i32 to vector<16xi32>
      %add3A_417 = arith.addi %add3A_414, %add3A_416 : vector<16xi32>
      %add3A_418 = arith.constant 0 : i32
      %add3A_419 = arith.addi %add3A_361, %add3A_418 : i32
      %mul3A_420 = arith.constant 16 : i32
      %mul3A_421 = arith.muli %add3A_419, %mul3A_420 : i32
      %get3A_422 = arith.index_cast %mul3A_421 : i32 to index
      %get3A_423 = tpu.vector_load %arg5[%get3A_422] {strides = array<i32>} : memref<32768xf32, #tpu.memory_space<vmem>>, vector<16xf32>,
      %bitcast3A_424 = vector.bitcast %get3A_423 : vector<16xf32> to vector<16xi32>
      %ge3A_425 = arith.constant 0 : i32
      %ge3A_426 = vector.broadcast %ge3A_425 : i32 to vector<16xi32>
      %ge3A_427 = arith.cmpi sge, %bitcast3A_424, %ge3A_426 : vector<16xi32>
      %xor3A_428 = arith.constant 2147483647 : i32
      %xor3A_429 = vector.broadcast %xor3A_428 : i32 to vector<16xi32>
      %xor3A_430 = arith.xori %bitcast3A_424, %xor3A_429 : vector<16xi32>
      %select_n3A_431 = arith.select %ge3A_427, %xor3A_430, %bitcast3A_424 : vector<16xi1>, vector<16xi32>
      %bitcast3A_432 = vector.bitcast %select_n3A_431 : vector<16xi32> to vector<16xf32>
      %add3A_433 = arith.constant 0 : i32
      %add3A_434 = arith.addi %add3A_361, %add3A_433 : i32
      %mul3A_435 = arith.constant 16 : i32
      %mul3A_436 = arith.muli %add3A_434, %mul3A_435 : i32
      %swap3A_437 = arith.index_cast %mul3A_436 : i32 to index
      %swap3A_438 = tpu.vector_load %arg5[%swap3A_437] {strides = array<i32>} : memref<32768xf32, #tpu.memory_space<vmem>>, vector<16xf32>,
      tpu.vector_store %arg5[%swap3A_437], %bitcast3A_432 {strides = array<i32>} : memref<32768xf32, #tpu.memory_space<vmem>>, vector<16xf32>,
      %add3A_439 = arith.constant 256 : i32
      %add3A_440 = arith.addi %add3A_361, %add3A_439 : i32
      %mul3A_441 = arith.constant 16 : i32
      %mul3A_442 = arith.muli %add3A_440, %mul3A_441 : i32
      %get3A_443 = arith.index_cast %mul3A_442 : i32 to index
      %get3A_444 = tpu.vector_load %arg5[%get3A_443] {strides = array<i32>} : memref<32768xf32, #tpu.memory_space<vmem>>, vector<16xf32>,
      %bitcast3A_445 = vector.bitcast %get3A_444 : vector<16xf32> to vector<16xi32>
      %ge3A_446 = arith.constant 0 : i32
      %ge3A_447 = vector.broadcast %ge3A_446 : i32 to vector<16xi32>
      %ge3A_448 = arith.cmpi sge, %bitcast3A_445, %ge3A_447 : vector<16xi32>
      %xor3A_449 = arith.constant 2147483647 : i32
      %xor3A_450 = vector.broadcast %xor3A_449 : i32 to vector<16xi32>
      %xor3A_451 = arith.xori %bitcast3A_445, %xor3A_450 : vector<16xi32>
      %select_n3A_452 = arith.select %ge3A_448, %xor3A_451, %bitcast3A_445 : vector<16xi1>, vector<16xi32>
      %bitcast3A_453 = vector.bitcast %select_n3A_452 : vector<16xi32> to vector<16xf32>
      %add3A_454 = arith.constant 256 : i32
      %add3A_455 = arith.addi %add3A_361, %add3A_454 : i32
      %mul3A_456 = arith.constant 16 : i32
      %mul3A_457 = arith.muli %add3A_455, %mul3A_456 : i32
      %swap3A_458 = arith.index_cast %mul3A_457 : i32 to index
      %swap3A_459 = tpu.vector_load %arg5[%swap3A_458] {strides = array<i32>} : memref<32768xf32, #tpu.memory_space<vmem>>, vector<16xf32>,
      tpu.vector_store %arg5[%swap3A_458], %bitcast3A_453 {strides = array<i32>} : memref<32768xf32, #tpu.memory_space<vmem>>, vector<16xf32>,
      %add3A_460 = arith.constant 512 : i32
      %add3A_461 = arith.addi %add3A_361, %add3A_460 : i32
      %mul3A_462 = arith.constant 16 : i32
      %mul3A_463 = arith.muli %add3A_461, %mul3A_462 : i32
      %get3A_464 = arith.index_cast %mul3A_463 : i32 to index
      %get3A_465 = tpu.vector_load %arg5[%get3A_464] {strides = array<i32>} : memref<32768xf32, #tpu.memory_space<vmem>>, vector<16xf32>,
      %bitcast3A_466 = vector.bitcast %get3A_465 : vector<16xf32> to vector<16xi32>
      %ge3A_467 = arith.constant 0 : i32
      %ge3A_468 = vector.broadcast %ge3A_467 : i32 to vector<16xi32>
      %ge3A_469 = arith.cmpi sge, %bitcast3A_466, %ge3A_468 : vector<16xi32>
      %xor3A_470 = arith.constant 2147483647 : i32
      %xor3A_471 = vector.broadcast %xor3A_470 : i32 to vector<16xi32>
      %xor3A_472 = arith.xori %bitcast3A_466, %xor3A_471 : vector<16xi32>
      %select_n3A_473 = arith.select %ge3A_469, %xor3A_472, %bitcast3A_466 : vector<16xi1>, vector<16xi32>
      %bitcast3A_474 = vector.bitcast %select_n3A_473 : vector<16xi32> to vector<16xf32>
      %add3A_475 = arith.constant 512 : i32
      %add3A_476 = arith.addi %add3A_361, %add3A_475 : i32
      %mul3A_477 = arith.constant 16 : i32
      %mul3A_478 = arith.muli %add3A_476, %mul3A_477 : i32
      %swap3A_479 = arith.index_cast %mul3A_478 : i32 to index
      %swap3A_480 = tpu.vector_load %arg5[%swap3A_479] {strides = array<i32>} : memref<32768xf32, #tpu.memory_space<vmem>>, vector<16xf32>,
      tpu.vector_store %arg5[%swap3A_479], %bitcast3A_474 {strides = array<i32>} : memref<32768xf32, #tpu.memory_space<vmem>>, vector<16xf32>,
      %add3A_481 = arith.constant 768 : i32
      %add3A_482 = arith.addi %add3A_361, %add3A_481 : i32
      %mul3A_483 = arith.constant 16 : i32
      %mul3A_484 = arith.muli %add3A_482, %mul3A_483 : i32
      %get3A_485 = arith.index_cast %mul3A_484 : i32 to index
      %get3A_486 = tpu.vector_load %arg5[%get3A_485] {strides = array<i32>} : memref<32768xf32, #tpu.memory_space<vmem>>, vector<16xf32>,
      %bitcast3A_487 = vector.bitcast %get3A_486 : vector<16xf32> to vector<16xi32>
      %ge3A_488 = arith.constant 0 : i32
      %ge3A_489 = vector.broadcast %ge3A_488 : i32 to vector<16xi32>
      %ge3A_490 = arith.cmpi sge, %bitcast3A_487, %ge3A_489 : vector<16xi32>
      %xor3A_491 = arith.constant 2147483647 : i32
      %xor3A_492 = vector.broadcast %xor3A_491 : i32 to vector<16xi32>
      %xor3A_493 = arith.xori %bitcast3A_487, %xor3A_492 : vector<16xi32>
      %select_n3A_494 = arith.select %ge3A_490, %xor3A_493, %bitcast3A_487 : vector<16xi1>, vector<16xi32>
      %bitcast3A_495 = vector.bitcast %select_n3A_494 : vector<16xi32> to vector<16xf32>
      %add3A_496 = arith.constant 768 : i32
      %add3A_497 = arith.addi %add3A_361, %add3A_496 : i32
      %mul3A_498 = arith.constant 16 : i32
      %mul3A_499 = arith.muli %add3A_497, %mul3A_498 : i32
      %swap3A_500 = arith.index_cast %mul3A_499 : i32 to index
      %swap3A_501 = tpu.vector_load %arg5[%swap3A_500] {strides = array<i32>} : memref<32768xf32, #tpu.memory_space<vmem>>, vector<16xf32>,
      tpu.vector_store %arg5[%swap3A_500], %bitcast3A_495 {strides = array<i32>} : memref<32768xf32, #tpu.memory_space<vmem>>, vector<16xf32>,
      %add3A_502 = arith.constant 1024 : i32
      %add3A_503 = arith.addi %add3A_361, %add3A_502 : i32
      %mul3A_504 = arith.constant 16 : i32
      %mul3A_505 = arith.muli %add3A_503, %mul3A_504 : i32
      %get3A_506 = arith.index_cast %mul3A_505 : i32 to index
      %get3A_507 = tpu.vector_load %arg5[%get3A_506] {strides = array<i32>} : memref<32768xf32, #tpu.memory_space<vmem>>, vector<16xf32>,
      %bitcast3A_508 = vector.bitcast %get3A_507 : vector<16xf32> to vector<16xi32>
      %ge3A_509 = arith.constant 0 : i32
      %ge3A_510 = vector.broadcast %ge3A_509 : i32 to vector<16xi32>
      %ge3A_511 = arith.cmpi sge, %bitcast3A_508, %ge3A_510 : vector<16xi32>
      %xor3A_512 = arith.constant 2147483647 : i32
      %xor3A_513 = vector.broadcast %xor3A_512 : i32 to vector<16xi32>
      %xor3A_514 = arith.xori %bitcast3A_508, %xor3A_513 : vector<16xi32>
      %select_n3A_515 = arith.select %ge3A_511, %xor3A_514, %bitcast3A_508 : vector<16xi1>, vector<16xi32>
      %bitcast3A_516 = vector.bitcast %select_n3A_515 : vector<16xi32> to vector<16xf32>
      %add3A_517 = arith.constant 1024 : i32
      %add3A_518 = arith.addi %add3A_361, %add3A_517 : i32
      %mul3A_519 = arith.constant 16 : i32
      %mul3A_520 = arith.muli %add3A_518, %mul3A_519 : i32
      %swap3A_521 = arith.index_cast %mul3A_520 : i32 to index
      %swap3A_522 = tpu.vector_load %arg5[%swap3A_521] {strides = array<i32>} : memref<32768xf32, #tpu.memory_space<vmem>>, vector<16xf32>,
      tpu.vector_store %arg5[%swap3A_521], %bitcast3A_516 {strides = array<i32>} : memref<32768xf32, #tpu.memory_space<vmem>>, vector<16xf32>,
      %add3A_523 = arith.constant 1280 : i32
      %add3A_524 = arith.addi %add3A_361, %add3A_523 : i32
      %mul3A_525 = arith.constant 16 : i32
      %mul3A_526 = arith.muli %add3A_524, %mul3A_525 : i32
      %get3A_527 = arith.index_cast %mul3A_526 : i32 to index
      %get3A_528 = tpu.vector_load %arg5[%get3A_527] {strides = array<i32>} : memref<32768xf32, #tpu.memory_space<vmem>>, vector<16xf32>,
      %bitcast3A_529 = vector.bitcast %get3A_528 : vector<16xf32> to vector<16xi32>
      %ge3A_530 = arith.constant 0 : i32
      %ge3A_531 = vector.broadcast %ge3A_530 : i32 to vector<16xi32>
      %ge3A_532 = arith.cmpi sge, %bitcast3A_529, %ge3A_531 : vector<16xi32>
      %xor3A_533 = arith.constant 2147483647 : i32
      %xor3A_534 = vector.broadcast %xor3A_533 : i32 to vector<16xi32>
      %xor3A_535 = arith.xori %bitcast3A_529, %xor3A_534 : vector<16xi32>
      %select_n3A_536 = arith.select %ge3A_532, %xor3A_535, %bitcast3A_529 : vector<16xi1>, vector<16xi32>
      %bitcast3A_537 = vector.bitcast %select_n3A_536 : vector<16xi32> to vector<16xf32>
      %add3A_538 = arith.constant 1280 : i32
      %add3A_539 = arith.addi %add3A_361, %add3A_538 : i32
      %mul3A_540 = arith.constant 16 : i32
      %mul3A_541 = arith.muli %add3A_539, %mul3A_540 : i32
      %swap3A_542 = arith.index_cast %mul3A_541 : i32 to index
      %swap3A_543 = tpu.vector_load %arg5[%swap3A_542] {strides = array<i32>} : memref<32768xf32, #tpu.memory_space<vmem>>, vector<16xf32>,
      tpu.vector_store %arg5[%swap3A_542], %bitcast3A_537 {strides = array<i32>} : memref<32768xf32, #tpu.memory_space<vmem>>, vector<16xf32>,
      %add3A_544 = arith.constant 1536 : i32
      %add3A_545 = arith.addi %add3A_361, %add3A_544 : i32
      %mul3A_546 = arith.constant 16 : i32
      %mul3A_547 = arith.muli %add3A_545, %mul3A_546 : i32
      %get3A_548 = arith.index_cast %mul3A_547 : i32 to index
      %get3A_549 = tpu.vector_load %arg5[%get3A_548] {strides = array<i32>} : memref<32768xf32, #tpu.memory_space<vmem>>, vector<16xf32>,
      %bitcast3A_550 = vector.bitcast %get3A_549 : vector<16xf32> to vector<16xi32>
      %ge3A_551 = arith.constant 0 : i32
      %ge3A_552 = vector.broadcast %ge3A_551 : i32 to vector<16xi32>
      %ge3A_553 = arith.cmpi sge, %bitcast3A_550, %ge3A_552 : vector<16xi32>
      %xor3A_554 = arith.constant 2147483647 : i32
      %xor3A_555 = vector.broadcast %xor3A_554 : i32 to vector<16xi32>
      %xor3A_556 = arith.xori %bitcast3A_550, %xor3A_555 : vector<16xi32>
      %select_n3A_557 = arith.select %ge3A_553, %xor3A_556, %bitcast3A_550 : vector<16xi1>, vector<16xi32>
      %bitcast3A_558 = vector.bitcast %select_n3A_557 : vector<16xi32> to vector<16xf32>
      %add3A_559 = arith.constant 1536 : i32
      %add3A_560 = arith.addi %add3A_361, %add3A_559 : i32
      %mul3A_561 = arith.constant 16 : i32
      %mul3A_562 = arith.muli %add3A_560, %mul3A_561 : i32
      %swap3A_563 = arith.index_cast %mul3A_562 : i32 to index
      %swap3A_564 = tpu.vector_load %arg5[%swap3A_563] {strides = array<i32>} : memref<32768xf32, #tpu.memory_space<vmem>>, vector<16xf32>,
      tpu.vector_store %arg5[%swap3A_563], %bitcast3A_558 {strides = array<i32>} : memref<32768xf32, #tpu.memory_space<vmem>>, vector<16xf32>,
      %add3A_565 = arith.constant 1792 : i32
      %add3A_566 = arith.addi %add3A_361, %add3A_565 : i32
      %mul3A_567 = arith.constant 16 : i32
      %mul3A_568 = arith.muli %add3A_566, %mul3A_567 : i32
      %get3A_569 = arith.index_cast %mul3A_568 : i32 to index
      %get3A_570 = tpu.vector_load %arg5[%get3A_569] {strides = array<i32>} : memref<32768xf32, #tpu.memory_space<vmem>>, vector<16xf32>,
      %bitcast3A_571 = vector.bitcast %get3A_570 : vector<16xf32> to vector<16xi32>
      %ge3A_572 = arith.constant 0 : i32
      %ge3A_573 = vector.broadcast %ge3A_572 : i32 to vector<16xi32>
      %ge3A_574 = arith.cmpi sge, %bitcast3A_571, %ge3A_573 : vector<16xi32>
      %xor3A_575 = arith.constant 2147483647 : i32
      %xor3A_576 = vector.broadcast %xor3A_575 : i32 to vector<16xi32>
      %xor3A_577 = arith.xori %bitcast3A_571, %xor3A_576 : vector<16xi32>
      %select_n3A_578 = arith.select %ge3A_574, %xor3A_577, %bitcast3A_571 : vector<16xi1>, vector<16xi32>
      %bitcast3A_579 = vector.bitcast %select_n3A_578 : vector<16xi32> to vector<16xf32>
      %add3A_580 = arith.constant 1792 : i32
      %add3A_581 = arith.addi %add3A_361, %add3A_580 : i32
      %mul3A_582 = arith.constant 16 : i32
      %mul3A_583 = arith.muli %add3A_581, %mul3A_582 : i32
      %swap3A_584 = arith.index_cast %mul3A_583 : i32 to index
      %swap3A_585 = tpu.vector_load %arg5[%swap3A_584] {strides = array<i32>} : memref<32768xf32, #tpu.memory_space<vmem>>, vector<16xf32>,
      tpu.vector_store %arg5[%swap3A_584], %bitcast3A_579 {strides = array<i32>} : memref<32768xf32, #tpu.memory_space<vmem>>, vector<16xf32>,
      %shift_right_logical3A_586 = arith.constant 0 : i32
      %shift_right_logical3A_587 = vector.broadcast %shift_right_logical3A_586 : i32 to vector<16xi32>
      %shift_right_logical3A_588 = arith.shrui %select_n3A_431, %shift_right_logical3A_587 : vector<16xi32>
      %and3A_589 = arith.constant 2047 : i32
      %and3A_590 = vector.broadcast %and3A_589 : i32 to vector<16xi32>
      %and3A_591 = arith.andi %shift_right_logical3A_588, %and3A_590 : vector<16xi32>
      %shift_right_logical3A_592 = arith.constant 0 : i32
      %shift_right_logical3A_593 = vector.broadcast %shift_right_logical3A_592 : i32 to vector<16xi32>
      %shift_right_logical3A_594 = arith.shrui %select_n3A_452, %shift_right_logical3A_593 : vector<16xi32>
      %and3A_595 = arith.constant 2047 : i32
      %and3A_596 = vector.broadcast %and3A_595 : i32 to vector<16xi32>
      %and3A_597 = arith.andi %shift_right_logical3A_594, %and3A_596 : vector<16xi32>
      %shift_right_logical3A_598 = arith.constant 0 : i32
      %shift_right_logical3A_599 = vector.broadcast %shift_right_logical3A_598 : i32 to vector<16xi32>
      %shift_right_logical3A_600 = arith.shrui %select_n3A_473, %shift_right_logical3A_599 : vector<16xi32>
      %and3A_601 = arith.constant 2047 : i32
      %and3A_602 = vector.broadcast %and3A_601 : i32 to vector<16xi32>
      %and3A_603 = arith.andi %shift_right_logical3A_600, %and3A_602 : vector<16xi32>
      %shift_right_logical3A_604 = arith.constant 0 : i32
      %shift_right_logical3A_605 = vector.broadcast %shift_right_logical3A_604 : i32 to vector<16xi32>
      %shift_right_logical3A_606 = arith.shrui %select_n3A_494, %shift_right_logical3A_605 : vector<16xi32>
      %and3A_607 = arith.constant 2047 : i32
      %and3A_608 = vector.broadcast %and3A_607 : i32 to vector<16xi32>
      %and3A_609 = arith.andi %shift_right_logical3A_606, %and3A_608 : vector<16xi32>
      %shift_right_logical3A_610 = arith.constant 0 : i32
      %shift_right_logical3A_611 = vector.broadcast %shift_right_logical3A_610 : i32 to vector<16xi32>
      %shift_right_logical3A_612 = arith.shrui %select_n3A_515, %shift_right_logical3A_611 : vector<16xi32>
      %and3A_613 = arith.constant 2047 : i32
      %and3A_614 = vector.broadcast %and3A_613 : i32 to vector<16xi32>
      %and3A_615 = arith.andi %shift_right_logical3A_612, %and3A_614 : vector<16xi32>
      %shift_right_logical3A_616 = arith.constant 0 : i32
      %shift_right_logical3A_617 = vector.broadcast %shift_right_logical3A_616 : i32 to vector<16xi32>
      %shift_right_logical3A_618 = arith.shrui %select_n3A_536, %shift_right_logical3A_617 : vector<16xi32>
      %and3A_619 = arith.constant 2047 : i32
      %and3A_620 = vector.broadcast %and3A_619 : i32 to vector<16xi32>
      %and3A_621 = arith.andi %shift_right_logical3A_618, %and3A_620 : vector<16xi32>
      %shift_right_logical3A_622 = arith.constant 0 : i32
      %shift_right_logical3A_623 = vector.broadcast %shift_right_logical3A_622 : i32 to vector<16xi32>
      %shift_right_logical3A_624 = arith.shrui %select_n3A_557, %shift_right_logical3A_623 : vector<16xi32>
      %and3A_625 = arith.constant 2047 : i32
      %and3A_626 = vector.broadcast %and3A_625 : i32 to vector<16xi32>
      %and3A_627 = arith.andi %shift_right_logical3A_624, %and3A_626 : vector<16xi32>
      %shift_right_logical3A_628 = arith.constant 0 : i32
      %shift_right_logical3A_629 = vector.broadcast %shift_right_logical3A_628 : i32 to vector<16xi32>
      %shift_right_logical3A_630 = arith.shrui %select_n3A_578, %shift_right_logical3A_629 : vector<16xi32>
      %and3A_631 = arith.constant 2047 : i32
      %and3A_632 = vector.broadcast %and3A_631 : i32 to vector<16xi32>
      %and3A_633 = arith.andi %shift_right_logical3A_630, %and3A_632 : vector<16xi32>
      %broadcast_in_dim3A_634 = arith.constant true
      %broadcast_in_dim3A_635 = vector.broadcast %broadcast_in_dim3A_634 : i1 to vector<16xi1>
      %unique3A_636, %unique3A_637 = tpu.scan_count mask(%broadcast_in_dim3A_635 : vector<16xi1>) value(%and3A_591 : vector<16xi32>) : vector<16xi1>, vector<16xi32>
      %broadcast_in_dim3A_638 = arith.constant true
      %broadcast_in_dim3A_639 = vector.broadcast %broadcast_in_dim3A_638 : i1 to vector<16xi1>
      %unique3A_640, %unique3A_641 = tpu.scan_count mask(%broadcast_in_dim3A_639 : vector<16xi1>) value(%and3A_597 : vector<16xi32>) : vector<16xi1>, vector<16xi32>
      %broadcast_in_dim3A_642 = arith.constant true
      %broadcast_in_dim3A_643 = vector.broadcast %broadcast_in_dim3A_642 : i1 to vector<16xi1>
      %unique3A_644, %unique3A_645 = tpu.scan_count mask(%broadcast_in_dim3A_643 : vector<16xi1>) value(%and3A_603 : vector<16xi32>) : vector<16xi1>, vector<16xi32>
      %broadcast_in_dim3A_646 = arith.constant true
      %broadcast_in_dim3A_647 = vector.broadcast %broadcast_in_dim3A_646 : i1 to vector<16xi1>
      %unique3A_648, %unique3A_649 = tpu.scan_count mask(%broadcast_in_dim3A_647 : vector<16xi1>) value(%and3A_609 : vector<16xi32>) : vector<16xi1>, vector<16xi32>
      %broadcast_in_dim3A_650 = arith.constant true
      %broadcast_in_dim3A_651 = vector.broadcast %broadcast_in_dim3A_650 : i1 to vector<16xi1>
      %unique3A_652, %unique3A_653 = tpu.scan_count mask(%broadcast_in_dim3A_651 : vector<16xi1>) value(%and3A_615 : vector<16xi32>) : vector<16xi1>, vector<16xi32>
      %broadcast_in_dim3A_654 = arith.constant true
      %broadcast_in_dim3A_655 = vector.broadcast %broadcast_in_dim3A_654 : i1 to vector<16xi1>
      %unique3A_656, %unique3A_657 = tpu.scan_count mask(%broadcast_in_dim3A_655 : vector<16xi1>) value(%and3A_621 : vector<16xi32>) : vector<16xi1>, vector<16xi32>
      %broadcast_in_dim3A_658 = arith.constant true
      %broadcast_in_dim3A_659 = vector.broadcast %broadcast_in_dim3A_658 : i1 to vector<16xi1>
      %unique3A_660, %unique3A_661 = tpu.scan_count mask(%broadcast_in_dim3A_659 : vector<16xi1>) value(%and3A_627 : vector<16xi32>) : vector<16xi1>, vector<16xi32>
      %broadcast_in_dim3A_662 = arith.constant true
      %broadcast_in_dim3A_663 = vector.broadcast %broadcast_in_dim3A_662 : i1 to vector<16xi1>
      %unique3A_664, %unique3A_665 = tpu.scan_count mask(%broadcast_in_dim3A_663 : vector<16xi1>) value(%and3A_633 : vector<16xi32>) : vector<16xi1>, vector<16xi32>
      %mul3A_666 = arith.constant 2 : i32
      %mul3A_667 = arith.muli %mul3A_666, %scan3A_59 : i32
      %add3A_668 = arith.constant 0 : i32
      %add3A_669 = arith.addi %mul3A_667, %add3A_668 : i32
      %gather3A = tpu.vector_load_idx %arg8[%and3A_285] : memref<2048xi32, #tpu.memory_space<vmem>>[vector<16xi32>], vector<16xi32>,
      %gather3A_670 = tpu.vector_load_idx %arg9[%and3A_291] : memref<2048xi32, #tpu.memory_space<vmem>>[vector<16xi32>], vector<16xi32>,
      %gather3A_671 = tpu.vector_load_idx %arg10[%and3A_297] : memref<2048xi32, #tpu.memory_space<vmem>>[vector<16xi32>], vector<16xi32>,
      %gather3A_672 = tpu.vector_load_idx %arg11[%and3A_303] : memref<2048xi32, #tpu.memory_space<vmem>>[vector<16xi32>], vector<16xi32>,
      %gather3A_673 = tpu.vector_load_idx %arg12[%and3A_309] : memref<2048xi32, #tpu.memory_space<vmem>>[vector<16xi32>], vector<16xi32>,
      %gather3A_674 = tpu.vector_load_idx %arg13[%and3A_315] : memref<2048xi32, #tpu.memory_space<vmem>>[vector<16xi32>], vector<16xi32>,
      %gather3A_675 = tpu.vector_load_idx %arg14[%and3A_321] : memref<2048xi32, #tpu.memory_space<vmem>>[vector<16xi32>], vector<16xi32>,
      %gather3A_676 = tpu.vector_load_idx %arg15[%and3A_327] : memref<2048xi32, #tpu.memory_space<vmem>>[vector<16xi32>], vector<16xi32>,
      %add3A_677 = arith.addi %gather3A, %unique3A_329 : vector<16xi32>
      %add3A_678 = arith.addi %gather3A_670, %unique3A_333 : vector<16xi32>
      %add3A_679 = arith.addi %gather3A_671, %unique3A_337 : vector<16xi32>
      %add3A_680 = arith.addi %gather3A_672, %unique3A_341 : vector<16xi32>
      %add3A_681 = arith.addi %gather3A_673, %unique3A_345 : vector<16xi32>
      %add3A_682 = arith.addi %gather3A_674, %unique3A_349 : vector<16xi32>
      %add3A_683 = arith.addi %gather3A_675, %unique3A_353 : vector<16xi32>
      %add3A_684 = arith.addi %gather3A_676, %unique3A_357 : vector<16xi32>
      tpu.vector_store_idx %arg8[%and3A_285], %add3A_677 masked %unique3A : memref<2048xi32, #tpu.memory_space<vmem>>[vector<16xi32>], vector<16xi32>, vector<16xi1>
      tpu.vector_store_idx %arg9[%and3A_291], %add3A_678 masked %unique3A_332 : memref<2048xi32, #tpu.memory_space<vmem>>[vector<16xi32>], vector<16xi32>, vector<16xi1>
      tpu.vector_store_idx %arg10[%and3A_297], %add3A_679 masked %unique3A_336 : memref<2048xi32, #tpu.memory_space<vmem>>[vector<16xi32>], vector<16xi32>, vector<16xi1>
      tpu.vector_store_idx %arg11[%and3A_303], %add3A_680 masked %unique3A_340 : memref<2048xi32, #tpu.memory_space<vmem>>[vector<16xi32>], vector<16xi32>, vector<16xi1>
      tpu.vector_store_idx %arg12[%and3A_309], %add3A_681 masked %unique3A_344 : memref<2048xi32, #tpu.memory_space<vmem>>[vector<16xi32>], vector<16xi32>, vector<16xi1>
      tpu.vector_store_idx %arg13[%and3A_315], %add3A_682 masked %unique3A_348 : memref<2048xi32, #tpu.memory_space<vmem>>[vector<16xi32>], vector<16xi32>, vector<16xi1>
      tpu.vector_store_idx %arg14[%and3A_321], %add3A_683 masked %unique3A_352 : memref<2048xi32, #tpu.memory_space<vmem>>[vector<16xi32>], vector<16xi32>, vector<16xi1>
      tpu.vector_store_idx %arg15[%and3A_327], %add3A_684 masked %unique3A_356 : memref<2048xi32, #tpu.memory_space<vmem>>[vector<16xi32>], vector<16xi32>, vector<16xi1>
      %sub3A = arith.constant 1 : i32
      %sub3A_685 = vector.broadcast %sub3A : i32 to vector<16xi32>
      %sub3A_686 = arith.subi %add3A_677, %sub3A_685 : vector<16xi32>
      %shift_left3A = arith.constant 15 : i32
      %shift_left3A_687 = vector.broadcast %shift_left3A : i32 to vector<16xi32>
      %shift_left3A_688 = arith.shli %sub3A_686, %shift_left3A_687 : vector<16xi32>
      %or3A = arith.ori %shift_left3A_688, %add3A_70 : vector<16xi32>
      %bitcast3A_689 = vector.bitcast %or3A : vector<16xi32> to vector<16xf32>
      %add3A_690 = arith.constant 0 : i32
      %add3A_691 = arith.addi %add3A_669, %add3A_690 : i32
      %mul3A_692 = arith.constant 16 : i32
      %mul3A_693 = arith.muli %add3A_691, %mul3A_692 : i32
      %swap3A_694 = arith.index_cast %mul3A_693 : i32 to index
      %swap3A_695 = tpu.vector_load %arg7[%swap3A_694] {strides = array<i32>} : memref<32768xf32, #tpu.memory_space<vmem>>, vector<16xf32>,
      tpu.vector_store %arg7[%swap3A_694], %bitcast3A_689 {strides = array<i32>} : memref<32768xf32, #tpu.memory_space<vmem>>, vector<16xf32>,
      %sub3A_696 = arith.constant 1 : i32
      %sub3A_697 = vector.broadcast %sub3A_696 : i32 to vector<16xi32>
      %sub3A_698 = arith.subi %add3A_678, %sub3A_697 : vector<16xi32>
      %shift_left3A_699 = arith.constant 15 : i32
      %shift_left3A_700 = vector.broadcast %shift_left3A_699 : i32 to vector<16xi32>
      %shift_left3A_701 = arith.shli %sub3A_698, %shift_left3A_700 : vector<16xi32>
      %or3A_702 = arith.ori %shift_left3A_701, %add3A_77 : vector<16xi32>
      %bitcast3A_703 = vector.bitcast %or3A_702 : vector<16xi32> to vector<16xf32>
      %add3A_704 = arith.constant 256 : i32
      %add3A_705 = arith.addi %add3A_669, %add3A_704 : i32
      %mul3A_706 = arith.constant 16 : i32
      %mul3A_707 = arith.muli %add3A_705, %mul3A_706 : i32
      %swap3A_708 = arith.index_cast %mul3A_707 : i32 to index
      %swap3A_709 = tpu.vector_load %arg7[%swap3A_708] {strides = array<i32>} : memref<32768xf32, #tpu.memory_space<vmem>>, vector<16xf32>,
      tpu.vector_store %arg7[%swap3A_708], %bitcast3A_703 {strides = array<i32>} : memref<32768xf32, #tpu.memory_space<vmem>>, vector<16xf32>,
      %sub3A_710 = arith.constant 1 : i32
      %sub3A_711 = vector.broadcast %sub3A_710 : i32 to vector<16xi32>
      %sub3A_712 = arith.subi %add3A_679, %sub3A_711 : vector<16xi32>
      %shift_left3A_713 = arith.constant 15 : i32
      %shift_left3A_714 = vector.broadcast %shift_left3A_713 : i32 to vector<16xi32>
      %shift_left3A_715 = arith.shli %sub3A_712, %shift_left3A_714 : vector<16xi32>
      %or3A_716 = arith.ori %shift_left3A_715, %add3A_84 : vector<16xi32>
      %bitcast3A_717 = vector.bitcast %or3A_716 : vector<16xi32> to vector<16xf32>
      %add3A_718 = arith.constant 512 : i32
      %add3A_719 = arith.addi %add3A_669, %add3A_718 : i32
      %mul3A_720 = arith.constant 16 : i32
      %mul3A_721 = arith.muli %add3A_719, %mul3A_720 : i32
      %swap3A_722 = arith.index_cast %mul3A_721 : i32 to index
      %swap3A_723 = tpu.vector_load %arg7[%swap3A_722] {strides = array<i32>} : memref<32768xf32, #tpu.memory_space<vmem>>, vector<16xf32>,
      tpu.vector_store %arg7[%swap3A_722], %bitcast3A_717 {strides = array<i32>} : memref<32768xf32, #tpu.memory_space<vmem>>, vector<16xf32>,
      %sub3A_724 = arith.constant 1 : i32
      %sub3A_725 = vector.broadcast %sub3A_724 : i32 to vector<16xi32>
      %sub3A_726 = arith.subi %add3A_680, %sub3A_725 : vector<16xi32>
      %shift_left3A_727 = arith.constant 15 : i32
      %shift_left3A_728 = vector.broadcast %shift_left3A_727 : i32 to vector<16xi32>
      %shift_left3A_729 = arith.shli %sub3A_726, %shift_left3A_728 : vector<16xi32>
      %or3A_730 = arith.ori %shift_left3A_729, %add3A_91 : vector<16xi32>
      %bitcast3A_731 = vector.bitcast %or3A_730 : vector<16xi32> to vector<16xf32>
      %add3A_732 = arith.constant 768 : i32
      %add3A_733 = arith.addi %add3A_669, %add3A_732 : i32
      %mul3A_734 = arith.constant 16 : i32
      %mul3A_735 = arith.muli %add3A_733, %mul3A_734 : i32
      %swap3A_736 = arith.index_cast %mul3A_735 : i32 to index
      %swap3A_737 = tpu.vector_load %arg7[%swap3A_736] {strides = array<i32>} : memref<32768xf32, #tpu.memory_space<vmem>>, vector<16xf32>,
      tpu.vector_store %arg7[%swap3A_736], %bitcast3A_731 {strides = array<i32>} : memref<32768xf32, #tpu.memory_space<vmem>>, vector<16xf32>,
      %sub3A_738 = arith.constant 1 : i32
      %sub3A_739 = vector.broadcast %sub3A_738 : i32 to vector<16xi32>
      %sub3A_740 = arith.subi %add3A_681, %sub3A_739 : vector<16xi32>
      %shift_left3A_741 = arith.constant 15 : i32
      %shift_left3A_742 = vector.broadcast %shift_left3A_741 : i32 to vector<16xi32>
      %shift_left3A_743 = arith.shli %sub3A_740, %shift_left3A_742 : vector<16xi32>
      %or3A_744 = arith.ori %shift_left3A_743, %add3A_98 : vector<16xi32>
      %bitcast3A_745 = vector.bitcast %or3A_744 : vector<16xi32> to vector<16xf32>
      %add3A_746 = arith.constant 1024 : i32
      %add3A_747 = arith.addi %add3A_669, %add3A_746 : i32
      %mul3A_748 = arith.constant 16 : i32
      %mul3A_749 = arith.muli %add3A_747, %mul3A_748 : i32
      %swap3A_750 = arith.index_cast %mul3A_749 : i32 to index
      %swap3A_751 = tpu.vector_load %arg7[%swap3A_750] {strides = array<i32>} : memref<32768xf32, #tpu.memory_space<vmem>>, vector<16xf32>,
      tpu.vector_store %arg7[%swap3A_750], %bitcast3A_745 {strides = array<i32>} : memref<32768xf32, #tpu.memory_space<vmem>>, vector<16xf32>,
      %sub3A_752 = arith.constant 1 : i32
      %sub3A_753 = vector.broadcast %sub3A_752 : i32 to vector<16xi32>
      %sub3A_754 = arith.subi %add3A_682, %sub3A_753 : vector<16xi32>
      %shift_left3A_755 = arith.constant 15 : i32
      %shift_left3A_756 = vector.broadcast %shift_left3A_755 : i32 to vector<16xi32>
      %shift_left3A_757 = arith.shli %sub3A_754, %shift_left3A_756 : vector<16xi32>
      %or3A_758 = arith.ori %shift_left3A_757, %add3A_105 : vector<16xi32>
      %bitcast3A_759 = vector.bitcast %or3A_758 : vector<16xi32> to vector<16xf32>
      %add3A_760 = arith.constant 1280 : i32
      %add3A_761 = arith.addi %add3A_669, %add3A_760 : i32
      %mul3A_762 = arith.constant 16 : i32
      %mul3A_763 = arith.muli %add3A_761, %mul3A_762 : i32
      %swap3A_764 = arith.index_cast %mul3A_763 : i32 to index
      %swap3A_765 = tpu.vector_load %arg7[%swap3A_764] {strides = array<i32>} : memref<32768xf32, #tpu.memory_space<vmem>>, vector<16xf32>,
      tpu.vector_store %arg7[%swap3A_764], %bitcast3A_759 {strides = array<i32>} : memref<32768xf32, #tpu.memory_space<vmem>>, vector<16xf32>,
      %sub3A_766 = arith.constant 1 : i32
      %sub3A_767 = vector.broadcast %sub3A_766 : i32 to vector<16xi32>
      %sub3A_768 = arith.subi %add3A_683, %sub3A_767 : vector<16xi32>
      %shift_left3A_769 = arith.constant 15 : i32
      %shift_left3A_770 = vector.broadcast %shift_left3A_769 : i32 to vector<16xi32>
      %shift_left3A_771 = arith.shli %sub3A_768, %shift_left3A_770 : vector<16xi32>
      %or3A_772 = arith.ori %shift_left3A_771, %add3A_112 : vector<16xi32>
      %bitcast3A_773 = vector.bitcast %or3A_772 : vector<16xi32> to vector<16xf32>
      %add3A_774 = arith.constant 1536 : i32
      %add3A_775 = arith.addi %add3A_669, %add3A_774 : i32
      %mul3A_776 = arith.constant 16 : i32
      %mul3A_777 = arith.muli %add3A_775, %mul3A_776 : i32
      %swap3A_778 = arith.index_cast %mul3A_777 : i32 to index
      %swap3A_779 = tpu.vector_load %arg7[%swap3A_778] {strides = array<i32>} : memref<32768xf32, #tpu.memory_space<vmem>>, vector<16xf32>,
      tpu.vector_store %arg7[%swap3A_778], %bitcast3A_773 {strides = array<i32>} : memref<32768xf32, #tpu.memory_space<vmem>>, vector<16xf32>,
      %sub3A_780 = arith.constant 1 : i32
      %sub3A_781 = vector.broadcast %sub3A_780 : i32 to vector<16xi32>
      %sub3A_782 = arith.subi %add3A_684, %sub3A_781 : vector<16xi32>
      %shift_left3A_783 = arith.constant 15 : i32
      %shift_left3A_784 = vector.broadcast %shift_left3A_783 : i32 to vector<16xi32>
      %shift_left3A_785 = arith.shli %sub3A_782, %shift_left3A_784 : vector<16xi32>
      %or3A_786 = arith.ori %shift_left3A_785, %add3A_119 : vector<16xi32>
      %bitcast3A_787 = vector.bitcast %or3A_786 : vector<16xi32> to vector<16xf32>
      %add3A_788 = arith.constant 1792 : i32
      %add3A_789 = arith.addi %add3A_669, %add3A_788 : i32
      %mul3A_790 = arith.constant 16 : i32
      %mul3A_791 = arith.muli %add3A_789, %mul3A_790 : i32
      %swap3A_792 = arith.index_cast %mul3A_791 : i32 to index
      %swap3A_793 = tpu.vector_load %arg7[%swap3A_792] {strides = array<i32>} : memref<32768xf32, #tpu.memory_space<vmem>>, vector<16xf32>,
      tpu.vector_store %arg7[%swap3A_792], %bitcast3A_787 {strides = array<i32>} : memref<32768xf32, #tpu.memory_space<vmem>>, vector<16xf32>,
      %mul3A_794 = arith.constant 2 : i32
      %mul3A_795 = arith.muli %mul3A_794, %scan3A_59 : i32
      %add3A_796 = arith.constant 1 : i32
      %add3A_797 = arith.addi %mul3A_795, %add3A_796 : i32
      %gather3A_798 = tpu.vector_load_idx %arg8[%and3A_591] : memref<2048xi32, #tpu.memory_space<vmem>>[vector<16xi32>], vector<16xi32>,
      %gather3A_799 = tpu.vector_load_idx %arg9[%and3A_597] : memref<2048xi32, #tpu.memory_space<vmem>>[vector<16xi32>], vector<16xi32>,
      %gather3A_800 = tpu.vector_load_idx %arg10[%and3A_603] : memref<2048xi32, #tpu.memory_space<vmem>>[vector<16xi32>], vector<16xi32>,
      %gather3A_801 = tpu.vector_load_idx %arg11[%and3A_609] : memref<2048xi32, #tpu.memory_space<vmem>>[vector<16xi32>], vector<16xi32>,
      %gather3A_802 = tpu.vector_load_idx %arg12[%and3A_615] : memref<2048xi32, #tpu.memory_space<vmem>>[vector<16xi32>], vector<16xi32>,
      %gather3A_803 = tpu.vector_load_idx %arg13[%and3A_621] : memref<2048xi32, #tpu.memory_space<vmem>>[vector<16xi32>], vector<16xi32>,
      %gather3A_804 = tpu.vector_load_idx %arg14[%and3A_627] : memref<2048xi32, #tpu.memory_space<vmem>>[vector<16xi32>], vector<16xi32>,
      %gather3A_805 = tpu.vector_load_idx %arg15[%and3A_633] : memref<2048xi32, #tpu.memory_space<vmem>>[vector<16xi32>], vector<16xi32>,
      %add3A_806 = arith.addi %gather3A_798, %unique3A_637 : vector<16xi32>
      %add3A_807 = arith.addi %gather3A_799, %unique3A_641 : vector<16xi32>
      %add3A_808 = arith.addi %gather3A_800, %unique3A_645 : vector<16xi32>
      %add3A_809 = arith.addi %gather3A_801, %unique3A_649 : vector<16xi32>
      %add3A_810 = arith.addi %gather3A_802, %unique3A_653 : vector<16xi32>
      %add3A_811 = arith.addi %gather3A_803, %unique3A_657 : vector<16xi32>
      %add3A_812 = arith.addi %gather3A_804, %unique3A_661 : vector<16xi32>
      %add3A_813 = arith.addi %gather3A_805, %unique3A_665 : vector<16xi32>
      tpu.vector_store_idx %arg8[%and3A_591], %add3A_806 masked %unique3A_636 : memref<2048xi32, #tpu.memory_space<vmem>>[vector<16xi32>], vector<16xi32>, vector<16xi1>
      tpu.vector_store_idx %arg9[%and3A_597], %add3A_807 masked %unique3A_640 : memref<2048xi32, #tpu.memory_space<vmem>>[vector<16xi32>], vector<16xi32>, vector<16xi1>
      tpu.vector_store_idx %arg10[%and3A_603], %add3A_808 masked %unique3A_644 : memref<2048xi32, #tpu.memory_space<vmem>>[vector<16xi32>], vector<16xi32>, vector<16xi1>
      tpu.vector_store_idx %arg11[%and3A_609], %add3A_809 masked %unique3A_648 : memref<2048xi32, #tpu.memory_space<vmem>>[vector<16xi32>], vector<16xi32>, vector<16xi1>
      tpu.vector_store_idx %arg12[%and3A_615], %add3A_810 masked %unique3A_652 : memref<2048xi32, #tpu.memory_space<vmem>>[vector<16xi32>], vector<16xi32>, vector<16xi1>
      tpu.vector_store_idx %arg13[%and3A_621], %add3A_811 masked %unique3A_656 : memref<2048xi32, #tpu.memory_space<vmem>>[vector<16xi32>], vector<16xi32>, vector<16xi1>
      tpu.vector_store_idx %arg14[%and3A_627], %add3A_812 masked %unique3A_660 : memref<2048xi32, #tpu.memory_space<vmem>>[vector<16xi32>], vector<16xi32>, vector<16xi1>
      tpu.vector_store_idx %arg15[%and3A_633], %add3A_813 masked %unique3A_664 : memref<2048xi32, #tpu.memory_space<vmem>>[vector<16xi32>], vector<16xi32>, vector<16xi1>
      %sub3A_814 = arith.constant 1 : i32
      %sub3A_815 = vector.broadcast %sub3A_814 : i32 to vector<16xi32>
      %sub3A_816 = arith.subi %add3A_806, %sub3A_815 : vector<16xi32>
      %shift_left3A_817 = arith.constant 15 : i32
      %shift_left3A_818 = vector.broadcast %shift_left3A_817 : i32 to vector<16xi32>
      %shift_left3A_819 = arith.shli %sub3A_816, %shift_left3A_818 : vector<16xi32>
      %or3A_820 = arith.ori %shift_left3A_819, %add3A_368 : vector<16xi32>
      %bitcast3A_821 = vector.bitcast %or3A_820 : vector<16xi32> to vector<16xf32>
      %add3A_822 = arith.constant 0 : i32
      %add3A_823 = arith.addi %add3A_797, %add3A_822 : i32
      %mul3A_824 = arith.constant 16 : i32
      %mul3A_825 = arith.muli %add3A_823, %mul3A_824 : i32
      %swap3A_826 = arith.index_cast %mul3A_825 : i32 to index
      %swap3A_827 = tpu.vector_load %arg7[%swap3A_826] {strides = array<i32>} : memref<32768xf32, #tpu.memory_space<vmem>>, vector<16xf32>,
      tpu.vector_store %arg7[%swap3A_826], %bitcast3A_821 {strides = array<i32>} : memref<32768xf32, #tpu.memory_space<vmem>>, vector<16xf32>,
      %sub3A_828 = arith.constant 1 : i32
      %sub3A_829 = vector.broadcast %sub3A_828 : i32 to vector<16xi32>
      %sub3A_830 = arith.subi %add3A_807, %sub3A_829 : vector<16xi32>
      %shift_left3A_831 = arith.constant 15 : i32
      %shift_left3A_832 = vector.broadcast %shift_left3A_831 : i32 to vector<16xi32>
      %shift_left3A_833 = arith.shli %sub3A_830, %shift_left3A_832 : vector<16xi32>
      %or3A_834 = arith.ori %shift_left3A_833, %add3A_375 : vector<16xi32>
      %bitcast3A_835 = vector.bitcast %or3A_834 : vector<16xi32> to vector<16xf32>
      %add3A_836 = arith.constant 256 : i32
      %add3A_837 = arith.addi %add3A_797, %add3A_836 : i32
      %mul3A_838 = arith.constant 16 : i32
      %mul3A_839 = arith.muli %add3A_837, %mul3A_838 : i32
      %swap3A_840 = arith.index_cast %mul3A_839 : i32 to index
      %swap3A_841 = tpu.vector_load %arg7[%swap3A_840] {strides = array<i32>} : memref<32768xf32, #tpu.memory_space<vmem>>, vector<16xf32>,
      tpu.vector_store %arg7[%swap3A_840], %bitcast3A_835 {strides = array<i32>} : memref<32768xf32, #tpu.memory_space<vmem>>, vector<16xf32>,
      %sub3A_842 = arith.constant 1 : i32
      %sub3A_843 = vector.broadcast %sub3A_842 : i32 to vector<16xi32>
      %sub3A_844 = arith.subi %add3A_808, %sub3A_843 : vector<16xi32>
      %shift_left3A_845 = arith.constant 15 : i32
      %shift_left3A_846 = vector.broadcast %shift_left3A_845 : i32 to vector<16xi32>
      %shift_left3A_847 = arith.shli %sub3A_844, %shift_left3A_846 : vector<16xi32>
      %or3A_848 = arith.ori %shift_left3A_847, %add3A_382 : vector<16xi32>
      %bitcast3A_849 = vector.bitcast %or3A_848 : vector<16xi32> to vector<16xf32>
      %add3A_850 = arith.constant 512 : i32
      %add3A_851 = arith.addi %add3A_797, %add3A_850 : i32
      %mul3A_852 = arith.constant 16 : i32
      %mul3A_853 = arith.muli %add3A_851, %mul3A_852 : i32
      %swap3A_854 = arith.index_cast %mul3A_853 : i32 to index
      %swap3A_855 = tpu.vector_load %arg7[%swap3A_854] {strides = array<i32>} : memref<32768xf32, #tpu.memory_space<vmem>>, vector<16xf32>,
      tpu.vector_store %arg7[%swap3A_854], %bitcast3A_849 {strides = array<i32>} : memref<32768xf32, #tpu.memory_space<vmem>>, vector<16xf32>,
      %sub3A_856 = arith.constant 1 : i32
      %sub3A_857 = vector.broadcast %sub3A_856 : i32 to vector<16xi32>
      %sub3A_858 = arith.subi %add3A_809, %sub3A_857 : vector<16xi32>
      %shift_left3A_859 = arith.constant 15 : i32
      %shift_left3A_860 = vector.broadcast %shift_left3A_859 : i32 to vector<16xi32>
      %shift_left3A_861 = arith.shli %sub3A_858, %shift_left3A_860 : vector<16xi32>
      %or3A_862 = arith.ori %shift_left3A_861, %add3A_389 : vector<16xi32>
      %bitcast3A_863 = vector.bitcast %or3A_862 : vector<16xi32> to vector<16xf32>
      %add3A_864 = arith.constant 768 : i32
      %add3A_865 = arith.addi %add3A_797, %add3A_864 : i32
      %mul3A_866 = arith.constant 16 : i32
      %mul3A_867 = arith.muli %add3A_865, %mul3A_866 : i32
      %swap3A_868 = arith.index_cast %mul3A_867 : i32 to index
      %swap3A_869 = tpu.vector_load %arg7[%swap3A_868] {strides = array<i32>} : memref<32768xf32, #tpu.memory_space<vmem>>, vector<16xf32>,
      tpu.vector_store %arg7[%swap3A_868], %bitcast3A_863 {strides = array<i32>} : memref<32768xf32, #tpu.memory_space<vmem>>, vector<16xf32>,
      %sub3A_870 = arith.constant 1 : i32
      %sub3A_871 = vector.broadcast %sub3A_870 : i32 to vector<16xi32>
      %sub3A_872 = arith.subi %add3A_810, %sub3A_871 : vector<16xi32>
      %shift_left3A_873 = arith.constant 15 : i32
      %shift_left3A_874 = vector.broadcast %shift_left3A_873 : i32 to vector<16xi32>
      %shift_left3A_875 = arith.shli %sub3A_872, %shift_left3A_874 : vector<16xi32>
      %or3A_876 = arith.ori %shift_left3A_875, %add3A_396 : vector<16xi32>
      %bitcast3A_877 = vector.bitcast %or3A_876 : vector<16xi32> to vector<16xf32>
      %add3A_878 = arith.constant 1024 : i32
      %add3A_879 = arith.addi %add3A_797, %add3A_878 : i32
      %mul3A_880 = arith.constant 16 : i32
      %mul3A_881 = arith.muli %add3A_879, %mul3A_880 : i32
      %swap3A_882 = arith.index_cast %mul3A_881 : i32 to index
      %swap3A_883 = tpu.vector_load %arg7[%swap3A_882] {strides = array<i32>} : memref<32768xf32, #tpu.memory_space<vmem>>, vector<16xf32>,
      tpu.vector_store %arg7[%swap3A_882], %bitcast3A_877 {strides = array<i32>} : memref<32768xf32, #tpu.memory_space<vmem>>, vector<16xf32>,
      %sub3A_884 = arith.constant 1 : i32
      %sub3A_885 = vector.broadcast %sub3A_884 : i32 to vector<16xi32>
      %sub3A_886 = arith.subi %add3A_811, %sub3A_885 : vector<16xi32>
      %shift_left3A_887 = arith.constant 15 : i32
      %shift_left3A_888 = vector.broadcast %shift_left3A_887 : i32 to vector<16xi32>
      %shift_left3A_889 = arith.shli %sub3A_886, %shift_left3A_888 : vector<16xi32>
      %or3A_890 = arith.ori %shift_left3A_889, %add3A_403 : vector<16xi32>
      %bitcast3A_891 = vector.bitcast %or3A_890 : vector<16xi32> to vector<16xf32>
      %add3A_892 = arith.constant 1280 : i32
      %add3A_893 = arith.addi %add3A_797, %add3A_892 : i32
      %mul3A_894 = arith.constant 16 : i32
      %mul3A_895 = arith.muli %add3A_893, %mul3A_894 : i32
      %swap3A_896 = arith.index_cast %mul3A_895 : i32 to index
      %swap3A_897 = tpu.vector_load %arg7[%swap3A_896] {strides = array<i32>} : memref<32768xf32, #tpu.memory_space<vmem>>, vector<16xf32>,
      tpu.vector_store %arg7[%swap3A_896], %bitcast3A_891 {strides = array<i32>} : memref<32768xf32, #tpu.memory_space<vmem>>, vector<16xf32>,
      %sub3A_898 = arith.constant 1 : i32
      %sub3A_899 = vector.broadcast %sub3A_898 : i32 to vector<16xi32>
      %sub3A_900 = arith.subi %add3A_812, %sub3A_899 : vector<16xi32>
      %shift_left3A_901 = arith.constant 15 : i32
      %shift_left3A_902 = vector.broadcast %shift_left3A_901 : i32 to vector<16xi32>
      %shift_left3A_903 = arith.shli %sub3A_900, %shift_left3A_902 : vector<16xi32>
      %or3A_904 = arith.ori %shift_left3A_903, %add3A_410 : vector<16xi32>
      %bitcast3A_905 = vector.bitcast %or3A_904 : vector<16xi32> to vector<16xf32>
      %add3A_906 = arith.constant 1536 : i32
      %add3A_907 = arith.addi %add3A_797, %add3A_906 : i32
      %mul3A_908 = arith.constant 16 : i32
      %mul3A_909 = arith.muli %add3A_907, %mul3A_908 : i32
      %swap3A_910 = arith.index_cast %mul3A_909 : i32 to index
      %swap3A_911 = tpu.vector_load %arg7[%swap3A_910] {strides = array<i32>} : memref<32768xf32, #tpu.memory_space<vmem>>, vector<16xf32>,
      tpu.vector_store %arg7[%swap3A_910], %bitcast3A_905 {strides = array<i32>} : memref<32768xf32, #tpu.memory_space<vmem>>, vector<16xf32>,
      %sub3A_912 = arith.constant 1 : i32
      %sub3A_913 = vector.broadcast %sub3A_912 : i32 to vector<16xi32>
      %sub3A_914 = arith.subi %add3A_813, %sub3A_913 : vector<16xi32>
      %shift_left3A_915 = arith.constant 15 : i32
      %shift_left3A_916 = vector.broadcast %shift_left3A_915 : i32 to vector<16xi32>
      %shift_left3A_917 = arith.shli %sub3A_914, %shift_left3A_916 : vector<16xi32>
      %or3A_918 = arith.ori %shift_left3A_917, %add3A_417 : vector<16xi32>
      %bitcast3A_919 = vector.bitcast %or3A_918 : vector<16xi32> to vector<16xf32>
      %add3A_920 = arith.constant 1792 : i32
      %add3A_921 = arith.addi %add3A_797, %add3A_920 : i32
      %mul3A_922 = arith.constant 16 : i32
      %mul3A_923 = arith.muli %add3A_921, %mul3A_922 : i32
      %swap3A_924 = arith.index_cast %mul3A_923 : i32 to index
      %swap3A_925 = tpu.vector_load %arg7[%swap3A_924] {strides = array<i32>} : memref<32768xf32, #tpu.memory_space<vmem>>, vector<16xf32>,
      tpu.vector_store %arg7[%swap3A_924], %bitcast3A_919 {strides = array<i32>} : memref<32768xf32, #tpu.memory_space<vmem>>, vector<16xf32>,
    }
    %scan3A_7 = arith.constant 128 : i32
    %scan3A_8 = arith.constant 0 : i32
    %scan3A_9 = arith.constant 0 : i32
    %scan3A_10 = arith.constant 128 : i32
    %scan3A_11 = arith.addi %scan3A_9, %scan3A_10 : i32
    %scan3A_12 = arith.constant 1 : i32
    %scan3A_13 = scf.for %scan3A_59 = %scan3A_9 to %scan3A_11 step %scan3A_12 iter_args(%scan3A_60 = %scan3A_8) -> (i32)  : i32 {
      %mul3A_61 = arith.constant 16 : i32
      %mul3A_62 = arith.muli %scan3A_59, %mul3A_61 : i32
      %get3A = arith.index_cast %mul3A_62 : i32 to index
      %get3A_63 = tpu.vector_load %arg8[%get3A] {strides = array<i32>} : memref<2048xi32, #tpu.memory_space<vmem>>, vector<16xi32>,
      %mul3A_64 = arith.constant 16 : i32
      %mul3A_65 = arith.muli %scan3A_59, %mul3A_64 : i32
      %get3A_66 = arith.index_cast %mul3A_65 : i32 to index
      %get3A_67 = tpu.vector_load %arg9[%get3A_66] {strides = array<i32>} : memref<2048xi32, #tpu.memory_space<vmem>>, vector<16xi32>,
      %mul3A_68 = arith.constant 16 : i32
      %mul3A_69 = arith.muli %scan3A_59, %mul3A_68 : i32
      %get3A_70 = arith.index_cast %mul3A_69 : i32 to index
      %get3A_71 = tpu.vector_load %arg10[%get3A_70] {strides = array<i32>} : memref<2048xi32, #tpu.memory_space<vmem>>, vector<16xi32>,
      %mul3A_72 = arith.constant 16 : i32
      %mul3A_73 = arith.muli %scan3A_59, %mul3A_72 : i32
      %get3A_74 = arith.index_cast %mul3A_73 : i32 to index
      %get3A_75 = tpu.vector_load %arg11[%get3A_74] {strides = array<i32>} : memref<2048xi32, #tpu.memory_space<vmem>>, vector<16xi32>,
      %mul3A_76 = arith.constant 16 : i32
      %mul3A_77 = arith.muli %scan3A_59, %mul3A_76 : i32
      %get3A_78 = arith.index_cast %mul3A_77 : i32 to index
      %get3A_79 = tpu.vector_load %arg12[%get3A_78] {strides = array<i32>} : memref<2048xi32, #tpu.memory_space<vmem>>, vector<16xi32>,
      %mul3A_80 = arith.constant 16 : i32
      %mul3A_81 = arith.muli %scan3A_59, %mul3A_80 : i32
      %get3A_82 = arith.index_cast %mul3A_81 : i32 to index
      %get3A_83 = tpu.vector_load %arg13[%get3A_82] {strides = array<i32>} : memref<2048xi32, #tpu.memory_space<vmem>>, vector<16xi32>,
      %mul3A_84 = arith.constant 16 : i32
      %mul3A_85 = arith.muli %scan3A_59, %mul3A_84 : i32
      %get3A_86 = arith.index_cast %mul3A_85 : i32 to index
      %get3A_87 = tpu.vector_load %arg14[%get3A_86] {strides = array<i32>} : memref<2048xi32, #tpu.memory_space<vmem>>, vector<16xi32>,
      %mul3A_88 = arith.constant 16 : i32
      %mul3A_89 = arith.muli %scan3A_59, %mul3A_88 : i32
      %get3A_90 = arith.index_cast %mul3A_89 : i32 to index
      %get3A_91 = tpu.vector_load %arg15[%get3A_90] {strides = array<i32>} : memref<2048xi32, #tpu.memory_space<vmem>>, vector<16xi32>,
      %add3A_92 = arith.addi %get3A_63, %get3A_67 : vector<16xi32>
      %add3A_93 = arith.addi %add3A_92, %get3A_71 : vector<16xi32>
      %add3A_94 = arith.addi %add3A_93, %get3A_75 : vector<16xi32>
      %add3A_95 = arith.addi %add3A_94, %get3A_79 : vector<16xi32>
      %add3A_96 = arith.addi %add3A_95, %get3A_83 : vector<16xi32>
      %add3A_97 = arith.addi %add3A_96, %get3A_87 : vector<16xi32>
      %add3A_98 = arith.addi %add3A_97, %get3A_91 : vector<16xi32>
      %broadcast_in_dim3A = arith.constant true
      %broadcast_in_dim3A_99 = vector.broadcast %broadcast_in_dim3A : i1 to vector<16xi1>
      %masked_cumsum3A = tpu.scan <sum>, %add3A_98 masked %broadcast_in_dim3A_99 : vector<16xi32>, vector<16xi1> -> vector<16xi32>
      %sub3A = arith.subi %masked_cumsum3A, %add3A_98 : vector<16xi32>
      %add3A_100 = vector.broadcast %scan3A_60 : i32 to vector<16xi32>
      %add3A_101 = arith.addi %sub3A, %add3A_100 : vector<16xi32>
      %mul3A_102 = arith.constant 16 : i32
      %mul3A_103 = arith.muli %scan3A_59, %mul3A_102 : i32
      %swap3A = arith.index_cast %mul3A_103 : i32 to index
      %swap3A_104 = tpu.vector_load %arg8[%swap3A] {strides = array<i32>} : memref<2048xi32, #tpu.memory_space<vmem>>, vector<16xi32>,
      tpu.vector_store %arg8[%swap3A], %add3A_101 {strides = array<i32>} : memref<2048xi32, #tpu.memory_space<vmem>>, vector<16xi32>,
      %add3A_105 = arith.addi %add3A_101, %get3A_63 : vector<16xi32>
      %mul3A_106 = arith.constant 16 : i32
      %mul3A_107 = arith.muli %scan3A_59, %mul3A_106 : i32
      %swap3A_108 = arith.index_cast %mul3A_107 : i32 to index
      %swap3A_109 = tpu.vector_load %arg9[%swap3A_108] {strides = array<i32>} : memref<2048xi32, #tpu.memory_space<vmem>>, vector<16xi32>,
      tpu.vector_store %arg9[%swap3A_108], %add3A_105 {strides = array<i32>} : memref<2048xi32, #tpu.memory_space<vmem>>, vector<16xi32>,
      %add3A_110 = arith.addi %add3A_105, %get3A_67 : vector<16xi32>
      %mul3A_111 = arith.constant 16 : i32
      %mul3A_112 = arith.muli %scan3A_59, %mul3A_111 : i32
      %swap3A_113 = arith.index_cast %mul3A_112 : i32 to index
      %swap3A_114 = tpu.vector_load %arg10[%swap3A_113] {strides = array<i32>} : memref<2048xi32, #tpu.memory_space<vmem>>, vector<16xi32>,
      tpu.vector_store %arg10[%swap3A_113], %add3A_110 {strides = array<i32>} : memref<2048xi32, #tpu.memory_space<vmem>>, vector<16xi32>,
      %add3A_115 = arith.addi %add3A_110, %get3A_71 : vector<16xi32>
      %mul3A_116 = arith.constant 16 : i32
      %mul3A_117 = arith.muli %scan3A_59, %mul3A_116 : i32
      %swap3A_118 = arith.index_cast %mul3A_117 : i32 to index
      %swap3A_119 = tpu.vector_load %arg11[%swap3A_118] {strides = array<i32>} : memref<2048xi32, #tpu.memory_space<vmem>>, vector<16xi32>,
      tpu.vector_store %arg11[%swap3A_118], %add3A_115 {strides = array<i32>} : memref<2048xi32, #tpu.memory_space<vmem>>, vector<16xi32>,
      %add3A_120 = arith.addi %add3A_115, %get3A_75 : vector<16xi32>
      %mul3A_121 = arith.constant 16 : i32
      %mul3A_122 = arith.muli %scan3A_59, %mul3A_121 : i32
      %swap3A_123 = arith.index_cast %mul3A_122 : i32 to index
      %swap3A_124 = tpu.vector_load %arg12[%swap3A_123] {strides = array<i32>} : memref<2048xi32, #tpu.memory_space<vmem>>, vector<16xi32>,
      tpu.vector_store %arg12[%swap3A_123], %add3A_120 {strides = array<i32>} : memref<2048xi32, #tpu.memory_space<vmem>>, vector<16xi32>,
      %add3A_125 = arith.addi %add3A_120, %get3A_79 : vector<16xi32>
      %mul3A_126 = arith.constant 16 : i32
      %mul3A_127 = arith.muli %scan3A_59, %mul3A_126 : i32
      %swap3A_128 = arith.index_cast %mul3A_127 : i32 to index
      %swap3A_129 = tpu.vector_load %arg13[%swap3A_128] {strides = array<i32>} : memref<2048xi32, #tpu.memory_space<vmem>>, vector<16xi32>,
      tpu.vector_store %arg13[%swap3A_128], %add3A_125 {strides = array<i32>} : memref<2048xi32, #tpu.memory_space<vmem>>, vector<16xi32>,
      %add3A_130 = arith.addi %add3A_125, %get3A_83 : vector<16xi32>
      %mul3A_131 = arith.constant 16 : i32
      %mul3A_132 = arith.muli %scan3A_59, %mul3A_131 : i32
      %swap3A_133 = arith.index_cast %mul3A_132 : i32 to index
      %swap3A_134 = tpu.vector_load %arg14[%swap3A_133] {strides = array<i32>} : memref<2048xi32, #tpu.memory_space<vmem>>, vector<16xi32>,
      tpu.vector_store %arg14[%swap3A_133], %add3A_130 {strides = array<i32>} : memref<2048xi32, #tpu.memory_space<vmem>>, vector<16xi32>,
      %add3A_135 = arith.addi %add3A_130, %get3A_87 : vector<16xi32>
      %mul3A_136 = arith.constant 16 : i32
      %mul3A_137 = arith.muli %scan3A_59, %mul3A_136 : i32
      %swap3A_138 = arith.index_cast %mul3A_137 : i32 to index
      %swap3A_139 = tpu.vector_load %arg15[%swap3A_138] {strides = array<i32>} : memref<2048xi32, #tpu.memory_space<vmem>>, vector<16xi32>,
      tpu.vector_store %arg15[%swap3A_138], %add3A_135 {strides = array<i32>} : memref<2048xi32, #tpu.memory_space<vmem>>, vector<16xi32>,
      %add3A_140 = arith.addi %add3A_135, %get3A_91 : vector<16xi32>
      %reduce_sum3A = arith.constant true
      %reduce_sum3A_141 = vector.broadcast %reduce_sum3A : i1 to vector<16xi1>
      %reduce_sum3A_142 = tpu.scan <sum>, %add3A_98 masked %reduce_sum3A_141 : vector<16xi32>, vector<16xi1> -> vector<16xi32>
      %reduce_sum3A_143 = vector.extract %reduce_sum3A_142[15] : i32 from vector<16xi32>
      %add3A_144 = arith.addi %scan3A_60, %reduce_sum3A_143 : i32
      scf.yield %add3A_144 : i32
    }
    %scan3A_14 = arith.constant 128 : i32
    %parallel_loop3A_15 = arith.constant 0 : i32
    %parallel_loop3A_16 = arith.constant 256 : i32
    %parallel_loop3A_17 = arith.constant 2 : i32
    scf.for %parallel_loop3A_59 = %parallel_loop3A_15 to %parallel_loop3A_16 step %parallel_loop3A_17  : i32 {
      %parallel_loop3A_60 = arith.constant 0 : i32
      %parallel_loop3A_61 = arith.addi %parallel_loop3A_59, %parallel_loop3A_60 : i32
      %parallel_loop3A_62 = arith.constant 0 : i32
      %parallel_loop3A_63 = arith.addi %parallel_loop3A_59, %parallel_loop3A_62 : i32
      %parallel_loop3A_64 = arith.constant 0 : i32
      %parallel_loop3A_65 = arith.addi %parallel_loop3A_59, %parallel_loop3A_64 : i32
      %parallel_loop3A_66 = arith.constant 0 : i32
      %parallel_loop3A_67 = arith.addi %parallel_loop3A_59, %parallel_loop3A_66 : i32
      %parallel_loop3A_68 = arith.constant 0 : i32
      %parallel_loop3A_69 = arith.addi %parallel_loop3A_59, %parallel_loop3A_68 : i32
      %parallel_loop3A_70 = arith.constant 0 : i32
      %parallel_loop3A_71 = arith.addi %parallel_loop3A_59, %parallel_loop3A_70 : i32
      %parallel_loop3A_72 = arith.constant 0 : i32
      %parallel_loop3A_73 = arith.addi %parallel_loop3A_59, %parallel_loop3A_72 : i32
      %parallel_loop3A_74 = arith.constant 0 : i32
      %parallel_loop3A_75 = arith.addi %parallel_loop3A_59, %parallel_loop3A_74 : i32
      %parallel_loop3A_76 = arith.constant 1 : i32
      %parallel_loop3A_77 = arith.addi %parallel_loop3A_59, %parallel_loop3A_76 : i32
      %parallel_loop3A_78 = arith.constant 1 : i32
      %parallel_loop3A_79 = arith.addi %parallel_loop3A_59, %parallel_loop3A_78 : i32
      %parallel_loop3A_80 = arith.constant 1 : i32
      %parallel_loop3A_81 = arith.addi %parallel_loop3A_59, %parallel_loop3A_80 : i32
      %parallel_loop3A_82 = arith.constant 1 : i32
      %parallel_loop3A_83 = arith.addi %parallel_loop3A_59, %parallel_loop3A_82 : i32
      %parallel_loop3A_84 = arith.constant 1 : i32
      %parallel_loop3A_85 = arith.addi %parallel_loop3A_59, %parallel_loop3A_84 : i32
      %parallel_loop3A_86 = arith.constant 1 : i32
      %parallel_loop3A_87 = arith.addi %parallel_loop3A_59, %parallel_loop3A_86 : i32
      %parallel_loop3A_88 = arith.constant 1 : i32
      %parallel_loop3A_89 = arith.addi %parallel_loop3A_59, %parallel_loop3A_88 : i32
      %parallel_loop3A_90 = arith.constant 1 : i32
      %parallel_loop3A_91 = arith.addi %parallel_loop3A_59, %parallel_loop3A_90 : i32
      %parallel_loop3A_92 = arith.constant 0 : i32
      %parallel_loop3A_93 = arith.addi %parallel_loop3A_61, %parallel_loop3A_92 : i32
      %parallel_loop3A_94 = arith.constant 16 : i32
      %parallel_loop3A_95 = arith.muli %parallel_loop3A_93, %parallel_loop3A_94 : i32
      %parallel_loop3A_96 = arith.index_cast %parallel_loop3A_95 : i32 to index
      %parallel_loop3A_97 = tpu.vector_load %arg7[%parallel_loop3A_96] {strides = array<i32>} : memref<32768xf32, #tpu.memory_space<vmem>>, vector<16xf32>,
      %parallel_loop3A_98 = vector.bitcast %parallel_loop3A_97 : vector<16xf32> to vector<16xi32>
      %parallel_loop3A_99 = arith.constant 256 : i32
      %parallel_loop3A_100 = arith.addi %parallel_loop3A_63, %parallel_loop3A_99 : i32
      %parallel_loop3A_101 = arith.constant 16 : i32
      %parallel_loop3A_102 = arith.muli %parallel_loop3A_100, %parallel_loop3A_101 : i32
      %parallel_loop3A_103 = arith.index_cast %parallel_loop3A_102 : i32 to index
      %parallel_loop3A_104 = tpu.vector_load %arg7[%parallel_loop3A_103] {strides = array<i32>} : memref<32768xf32, #tpu.memory_space<vmem>>, vector<16xf32>,
      %parallel_loop3A_105 = vector.bitcast %parallel_loop3A_104 : vector<16xf32> to vector<16xi32>
      %parallel_loop3A_106 = arith.constant 512 : i32
      %parallel_loop3A_107 = arith.addi %parallel_loop3A_65, %parallel_loop3A_106 : i32
      %parallel_loop3A_108 = arith.constant 16 : i32
      %parallel_loop3A_109 = arith.muli %parallel_loop3A_107, %parallel_loop3A_108 : i32
      %parallel_loop3A_110 = arith.index_cast %parallel_loop3A_109 : i32 to index
      %parallel_loop3A_111 = tpu.vector_load %arg7[%parallel_loop3A_110] {strides = array<i32>} : memref<32768xf32, #tpu.memory_space<vmem>>, vector<16xf32>,
      %parallel_loop3A_112 = vector.bitcast %parallel_loop3A_111 : vector<16xf32> to vector<16xi32>
      %parallel_loop3A_113 = arith.constant 768 : i32
      %parallel_loop3A_114 = arith.addi %parallel_loop3A_67, %parallel_loop3A_113 : i32
      %parallel_loop3A_115 = arith.constant 16 : i32
      %parallel_loop3A_116 = arith.muli %parallel_loop3A_114, %parallel_loop3A_115 : i32
      %parallel_loop3A_117 = arith.index_cast %parallel_loop3A_116 : i32 to index
      %parallel_loop3A_118 = tpu.vector_load %arg7[%parallel_loop3A_117] {strides = array<i32>} : memref<32768xf32, #tpu.memory_space<vmem>>, vector<16xf32>,
      %parallel_loop3A_119 = vector.bitcast %parallel_loop3A_118 : vector<16xf32> to vector<16xi32>
      %parallel_loop3A_120 = arith.constant 1024 : i32
      %parallel_loop3A_121 = arith.addi %parallel_loop3A_69, %parallel_loop3A_120 : i32
      %parallel_loop3A_122 = arith.constant 16 : i32
      %parallel_loop3A_123 = arith.muli %parallel_loop3A_121, %parallel_loop3A_122 : i32
      %parallel_loop3A_124 = arith.index_cast %parallel_loop3A_123 : i32 to index
      %parallel_loop3A_125 = tpu.vector_load %arg7[%parallel_loop3A_124] {strides = array<i32>} : memref<32768xf32, #tpu.memory_space<vmem>>, vector<16xf32>,
      %parallel_loop3A_126 = vector.bitcast %parallel_loop3A_125 : vector<16xf32> to vector<16xi32>
      %parallel_loop3A_127 = arith.constant 1280 : i32
      %parallel_loop3A_128 = arith.addi %parallel_loop3A_71, %parallel_loop3A_127 : i32
      %parallel_loop3A_129 = arith.constant 16 : i32
      %parallel_loop3A_130 = arith.muli %parallel_loop3A_128, %parallel_loop3A_129 : i32
      %parallel_loop3A_131 = arith.index_cast %parallel_loop3A_130 : i32 to index
      %parallel_loop3A_132 = tpu.vector_load %arg7[%parallel_loop3A_131] {strides = array<i32>} : memref<32768xf32, #tpu.memory_space<vmem>>, vector<16xf32>,
      %parallel_loop3A_133 = vector.bitcast %parallel_loop3A_132 : vector<16xf32> to vector<16xi32>
      %parallel_loop3A_134 = arith.constant 1536 : i32
      %parallel_loop3A_135 = arith.addi %parallel_loop3A_73, %parallel_loop3A_134 : i32
      %parallel_loop3A_136 = arith.constant 16 : i32
      %parallel_loop3A_137 = arith.muli %parallel_loop3A_135, %parallel_loop3A_136 : i32
      %parallel_loop3A_138 = arith.index_cast %parallel_loop3A_137 : i32 to index
      %parallel_loop3A_139 = tpu.vector_load %arg7[%parallel_loop3A_138] {strides = array<i32>} : memref<32768xf32, #tpu.memory_space<vmem>>, vector<16xf32>,
      %parallel_loop3A_140 = vector.bitcast %parallel_loop3A_139 : vector<16xf32> to vector<16xi32>
      %parallel_loop3A_141 = arith.constant 1792 : i32
      %parallel_loop3A_142 = arith.addi %parallel_loop3A_75, %parallel_loop3A_141 : i32
      %parallel_loop3A_143 = arith.constant 16 : i32
      %parallel_loop3A_144 = arith.muli %parallel_loop3A_142, %parallel_loop3A_143 : i32
      %parallel_loop3A_145 = arith.index_cast %parallel_loop3A_144 : i32 to index
      %parallel_loop3A_146 = tpu.vector_load %arg7[%parallel_loop3A_145] {strides = array<i32>} : memref<32768xf32, #tpu.memory_space<vmem>>, vector<16xf32>,
      %parallel_loop3A_147 = vector.bitcast %parallel_loop3A_146 : vector<16xf32> to vector<16xi32>
      %parallel_loop3A_148 = arith.constant 0 : i32
      %parallel_loop3A_149 = arith.addi %parallel_loop3A_77, %parallel_loop3A_148 : i32
      %parallel_loop3A_150 = arith.constant 16 : i32
      %parallel_loop3A_151 = arith.muli %parallel_loop3A_149, %parallel_loop3A_150 : i32
      %parallel_loop3A_152 = arith.index_cast %parallel_loop3A_151 : i32 to index
      %parallel_loop3A_153 = tpu.vector_load %arg7[%parallel_loop3A_152] {strides = array<i32>} : memref<32768xf32, #tpu.memory_space<vmem>>, vector<16xf32>,
      %parallel_loop3A_154 = vector.bitcast %parallel_loop3A_153 : vector<16xf32> to vector<16xi32>
      %parallel_loop3A_155 = arith.constant 256 : i32
      %parallel_loop3A_156 = arith.addi %parallel_loop3A_79, %parallel_loop3A_155 : i32
      %parallel_loop3A_157 = arith.constant 16 : i32
      %parallel_loop3A_158 = arith.muli %parallel_loop3A_156, %parallel_loop3A_157 : i32
      %parallel_loop3A_159 = arith.index_cast %parallel_loop3A_158 : i32 to index
      %parallel_loop3A_160 = tpu.vector_load %arg7[%parallel_loop3A_159] {strides = array<i32>} : memref<32768xf32, #tpu.memory_space<vmem>>, vector<16xf32>,
      %parallel_loop3A_161 = vector.bitcast %parallel_loop3A_160 : vector<16xf32> to vector<16xi32>
      %parallel_loop3A_162 = arith.constant 512 : i32
      %parallel_loop3A_163 = arith.addi %parallel_loop3A_81, %parallel_loop3A_162 : i32
      %parallel_loop3A_164 = arith.constant 16 : i32
      %parallel_loop3A_165 = arith.muli %parallel_loop3A_163, %parallel_loop3A_164 : i32
      %parallel_loop3A_166 = arith.index_cast %parallel_loop3A_165 : i32 to index
      %parallel_loop3A_167 = tpu.vector_load %arg7[%parallel_loop3A_166] {strides = array<i32>} : memref<32768xf32, #tpu.memory_space<vmem>>, vector<16xf32>,
      %parallel_loop3A_168 = vector.bitcast %parallel_loop3A_167 : vector<16xf32> to vector<16xi32>
      %parallel_loop3A_169 = arith.constant 768 : i32
      %parallel_loop3A_170 = arith.addi %parallel_loop3A_83, %parallel_loop3A_169 : i32
      %parallel_loop3A_171 = arith.constant 16 : i32
      %parallel_loop3A_172 = arith.muli %parallel_loop3A_170, %parallel_loop3A_171 : i32
      %parallel_loop3A_173 = arith.index_cast %parallel_loop3A_172 : i32 to index
      %parallel_loop3A_174 = tpu.vector_load %arg7[%parallel_loop3A_173] {strides = array<i32>} : memref<32768xf32, #tpu.memory_space<vmem>>, vector<16xf32>,
      %parallel_loop3A_175 = vector.bitcast %parallel_loop3A_174 : vector<16xf32> to vector<16xi32>
      %parallel_loop3A_176 = arith.constant 1024 : i32
      %parallel_loop3A_177 = arith.addi %parallel_loop3A_85, %parallel_loop3A_176 : i32
      %parallel_loop3A_178 = arith.constant 16 : i32
      %parallel_loop3A_179 = arith.muli %parallel_loop3A_177, %parallel_loop3A_178 : i32
      %parallel_loop3A_180 = arith.index_cast %parallel_loop3A_179 : i32 to index
      %parallel_loop3A_181 = tpu.vector_load %arg7[%parallel_loop3A_180] {strides = array<i32>} : memref<32768xf32, #tpu.memory_space<vmem>>, vector<16xf32>,
      %parallel_loop3A_182 = vector.bitcast %parallel_loop3A_181 : vector<16xf32> to vector<16xi32>
      %parallel_loop3A_183 = arith.constant 1280 : i32
      %parallel_loop3A_184 = arith.addi %parallel_loop3A_87, %parallel_loop3A_183 : i32
      %parallel_loop3A_185 = arith.constant 16 : i32
      %parallel_loop3A_186 = arith.muli %parallel_loop3A_184, %parallel_loop3A_185 : i32
      %parallel_loop3A_187 = arith.index_cast %parallel_loop3A_186 : i32 to index
      %parallel_loop3A_188 = tpu.vector_load %arg7[%parallel_loop3A_187] {strides = array<i32>} : memref<32768xf32, #tpu.memory_space<vmem>>, vector<16xf32>,
      %parallel_loop3A_189 = vector.bitcast %parallel_loop3A_188 : vector<16xf32> to vector<16xi32>
      %parallel_loop3A_190 = arith.constant 1536 : i32
      %parallel_loop3A_191 = arith.addi %parallel_loop3A_89, %parallel_loop3A_190 : i32
      %parallel_loop3A_192 = arith.constant 16 : i32
      %parallel_loop3A_193 = arith.muli %parallel_loop3A_191, %parallel_loop3A_192 : i32
      %parallel_loop3A_194 = arith.index_cast %parallel_loop3A_193 : i32 to index
      %parallel_loop3A_195 = tpu.vector_load %arg7[%parallel_loop3A_194] {strides = array<i32>} : memref<32768xf32, #tpu.memory_space<vmem>>, vector<16xf32>,
      %parallel_loop3A_196 = vector.bitcast %parallel_loop3A_195 : vector<16xf32> to vector<16xi32>
      %parallel_loop3A_197 = arith.constant 1792 : i32
      %parallel_loop3A_198 = arith.addi %parallel_loop3A_91, %parallel_loop3A_197 : i32
      %parallel_loop3A_199 = arith.constant 16 : i32
      %parallel_loop3A_200 = arith.muli %parallel_loop3A_198, %parallel_loop3A_199 : i32
      %parallel_loop3A_201 = arith.index_cast %parallel_loop3A_200 : i32 to index
      %parallel_loop3A_202 = tpu.vector_load %arg7[%parallel_loop3A_201] {strides = array<i32>} : memref<32768xf32, #tpu.memory_space<vmem>>, vector<16xf32>,
      %parallel_loop3A_203 = vector.bitcast %parallel_loop3A_202 : vector<16xf32> to vector<16xi32>
      %parallel_loop3A_204 = arith.constant 32767 : i32
      %parallel_loop3A_205 = vector.broadcast %parallel_loop3A_204 : i32 to vector<16xi32>
      %parallel_loop3A_206 = arith.andi %parallel_loop3A_98, %parallel_loop3A_205 : vector<16xi32>
      %parallel_loop3A_207 = arith.constant 32767 : i32
      %parallel_loop3A_208 = vector.broadcast %parallel_loop3A_207 : i32 to vector<16xi32>
      %parallel_loop3A_209 = arith.andi %parallel_loop3A_105, %parallel_loop3A_208 : vector<16xi32>
      %parallel_loop3A_210 = arith.constant 32767 : i32
      %parallel_loop3A_211 = vector.broadcast %parallel_loop3A_210 : i32 to vector<16xi32>
      %parallel_loop3A_212 = arith.andi %parallel_loop3A_112, %parallel_loop3A_211 : vector<16xi32>
      %parallel_loop3A_213 = arith.constant 32767 : i32
      %parallel_loop3A_214 = vector.broadcast %parallel_loop3A_213 : i32 to vector<16xi32>
      %parallel_loop3A_215 = arith.andi %parallel_loop3A_119, %parallel_loop3A_214 : vector<16xi32>
      %parallel_loop3A_216 = arith.constant 32767 : i32
      %parallel_loop3A_217 = vector.broadcast %parallel_loop3A_216 : i32 to vector<16xi32>
      %parallel_loop3A_218 = arith.andi %parallel_loop3A_126, %parallel_loop3A_217 : vector<16xi32>
      %parallel_loop3A_219 = arith.constant 32767 : i32
      %parallel_loop3A_220 = vector.broadcast %parallel_loop3A_219 : i32 to vector<16xi32>
      %parallel_loop3A_221 = arith.andi %parallel_loop3A_133, %parallel_loop3A_220 : vector<16xi32>
      %parallel_loop3A_222 = arith.constant 32767 : i32
      %parallel_loop3A_223 = vector.broadcast %parallel_loop3A_222 : i32 to vector<16xi32>
      %parallel_loop3A_224 = arith.andi %parallel_loop3A_140, %parallel_loop3A_223 : vector<16xi32>
      %parallel_loop3A_225 = arith.constant 32767 : i32
      %parallel_loop3A_226 = vector.broadcast %parallel_loop3A_225 : i32 to vector<16xi32>
      %parallel_loop3A_227 = arith.andi %parallel_loop3A_147, %parallel_loop3A_226 : vector<16xi32>
      %parallel_loop3A_228 = arith.constant 32767 : i32
      %parallel_loop3A_229 = vector.broadcast %parallel_loop3A_228 : i32 to vector<16xi32>
      %parallel_loop3A_230 = arith.andi %parallel_loop3A_154, %parallel_loop3A_229 : vector<16xi32>
      %parallel_loop3A_231 = arith.constant 32767 : i32
      %parallel_loop3A_232 = vector.broadcast %parallel_loop3A_231 : i32 to vector<16xi32>
      %parallel_loop3A_233 = arith.andi %parallel_loop3A_161, %parallel_loop3A_232 : vector<16xi32>
      %parallel_loop3A_234 = arith.constant 32767 : i32
      %parallel_loop3A_235 = vector.broadcast %parallel_loop3A_234 : i32 to vector<16xi32>
      %parallel_loop3A_236 = arith.andi %parallel_loop3A_168, %parallel_loop3A_235 : vector<16xi32>
      %parallel_loop3A_237 = arith.constant 32767 : i32
      %parallel_loop3A_238 = vector.broadcast %parallel_loop3A_237 : i32 to vector<16xi32>
      %parallel_loop3A_239 = arith.andi %parallel_loop3A_175, %parallel_loop3A_238 : vector<16xi32>
      %parallel_loop3A_240 = arith.constant 32767 : i32
      %parallel_loop3A_241 = vector.broadcast %parallel_loop3A_240 : i32 to vector<16xi32>
      %parallel_loop3A_242 = arith.andi %parallel_loop3A_182, %parallel_loop3A_241 : vector<16xi32>
      %parallel_loop3A_243 = arith.constant 32767 : i32
      %parallel_loop3A_244 = vector.broadcast %parallel_loop3A_243 : i32 to vector<16xi32>
      %parallel_loop3A_245 = arith.andi %parallel_loop3A_189, %parallel_loop3A_244 : vector<16xi32>
      %parallel_loop3A_246 = arith.constant 32767 : i32
      %parallel_loop3A_247 = vector.broadcast %parallel_loop3A_246 : i32 to vector<16xi32>
      %parallel_loop3A_248 = arith.andi %parallel_loop3A_196, %parallel_loop3A_247 : vector<16xi32>
      %parallel_loop3A_249 = arith.constant 32767 : i32
      %parallel_loop3A_250 = vector.broadcast %parallel_loop3A_249 : i32 to vector<16xi32>
      %parallel_loop3A_251 = arith.andi %parallel_loop3A_203, %parallel_loop3A_250 : vector<16xi32>
      %parallel_loop3A_252 = arith.constant 15 : i32
      %parallel_loop3A_253 = vector.broadcast %parallel_loop3A_252 : i32 to vector<16xi32>
      %parallel_loop3A_254 = arith.shrui %parallel_loop3A_98, %parallel_loop3A_253 : vector<16xi32>
      %parallel_loop3A_255 = arith.constant 15 : i32
      %parallel_loop3A_256 = vector.broadcast %parallel_loop3A_255 : i32 to vector<16xi32>
      %parallel_loop3A_257 = arith.shrui %parallel_loop3A_105, %parallel_loop3A_256 : vector<16xi32>
      %parallel_loop3A_258 = arith.constant 15 : i32
      %parallel_loop3A_259 = vector.broadcast %parallel_loop3A_258 : i32 to vector<16xi32>
      %parallel_loop3A_260 = arith.shrui %parallel_loop3A_112, %parallel_loop3A_259 : vector<16xi32>
      %parallel_loop3A_261 = arith.constant 15 : i32
      %parallel_loop3A_262 = vector.broadcast %parallel_loop3A_261 : i32 to vector<16xi32>
      %parallel_loop3A_263 = arith.shrui %parallel_loop3A_119, %parallel_loop3A_262 : vector<16xi32>
      %parallel_loop3A_264 = arith.constant 15 : i32
      %parallel_loop3A_265 = vector.broadcast %parallel_loop3A_264 : i32 to vector<16xi32>
      %parallel_loop3A_266 = arith.shrui %parallel_loop3A_126, %parallel_loop3A_265 : vector<16xi32>
      %parallel_loop3A_267 = arith.constant 15 : i32
      %parallel_loop3A_268 = vector.broadcast %parallel_loop3A_267 : i32 to vector<16xi32>
      %parallel_loop3A_269 = arith.shrui %parallel_loop3A_133, %parallel_loop3A_268 : vector<16xi32>
      %parallel_loop3A_270 = arith.constant 15 : i32
      %parallel_loop3A_271 = vector.broadcast %parallel_loop3A_270 : i32 to vector<16xi32>
      %parallel_loop3A_272 = arith.shrui %parallel_loop3A_140, %parallel_loop3A_271 : vector<16xi32>
      %parallel_loop3A_273 = arith.constant 15 : i32
      %parallel_loop3A_274 = vector.broadcast %parallel_loop3A_273 : i32 to vector<16xi32>
      %parallel_loop3A_275 = arith.shrui %parallel_loop3A_147, %parallel_loop3A_274 : vector<16xi32>
      %parallel_loop3A_276 = arith.constant 15 : i32
      %parallel_loop3A_277 = vector.broadcast %parallel_loop3A_276 : i32 to vector<16xi32>
      %parallel_loop3A_278 = arith.shrui %parallel_loop3A_154, %parallel_loop3A_277 : vector<16xi32>
      %parallel_loop3A_279 = arith.constant 15 : i32
      %parallel_loop3A_280 = vector.broadcast %parallel_loop3A_279 : i32 to vector<16xi32>
      %parallel_loop3A_281 = arith.shrui %parallel_loop3A_161, %parallel_loop3A_280 : vector<16xi32>
      %parallel_loop3A_282 = arith.constant 15 : i32
      %parallel_loop3A_283 = vector.broadcast %parallel_loop3A_282 : i32 to vector<16xi32>
      %parallel_loop3A_284 = arith.shrui %parallel_loop3A_168, %parallel_loop3A_283 : vector<16xi32>
      %parallel_loop3A_285 = arith.constant 15 : i32
      %parallel_loop3A_286 = vector.broadcast %parallel_loop3A_285 : i32 to vector<16xi32>
      %parallel_loop3A_287 = arith.shrui %parallel_loop3A_175, %parallel_loop3A_286 : vector<16xi32>
      %parallel_loop3A_288 = arith.constant 15 : i32
      %parallel_loop3A_289 = vector.broadcast %parallel_loop3A_288 : i32 to vector<16xi32>
      %parallel_loop3A_290 = arith.shrui %parallel_loop3A_182, %parallel_loop3A_289 : vector<16xi32>
      %parallel_loop3A_291 = arith.constant 15 : i32
      %parallel_loop3A_292 = vector.broadcast %parallel_loop3A_291 : i32 to vector<16xi32>
      %parallel_loop3A_293 = arith.shrui %parallel_loop3A_189, %parallel_loop3A_292 : vector<16xi32>
      %parallel_loop3A_294 = arith.constant 15 : i32
      %parallel_loop3A_295 = vector.broadcast %parallel_loop3A_294 : i32 to vector<16xi32>
      %parallel_loop3A_296 = arith.shrui %parallel_loop3A_196, %parallel_loop3A_295 : vector<16xi32>
      %parallel_loop3A_297 = arith.constant 15 : i32
      %parallel_loop3A_298 = vector.broadcast %parallel_loop3A_297 : i32 to vector<16xi32>
      %parallel_loop3A_299 = arith.shrui %parallel_loop3A_203, %parallel_loop3A_298 : vector<16xi32>
      %parallel_loop3A_300 = tpu.vector_load_idx %arg5[%parallel_loop3A_206] : memref<32768xf32, #tpu.memory_space<vmem>>[vector<16xi32>], vector<16xf32>,
      %parallel_loop3A_301 = vector.bitcast %parallel_loop3A_300 : vector<16xf32> to vector<16xi32>
      %parallel_loop3A_302 = tpu.vector_load_idx %arg5[%parallel_loop3A_209] : memref<32768xf32, #tpu.memory_space<vmem>>[vector<16xi32>], vector<16xf32>,
      %parallel_loop3A_303 = vector.bitcast %parallel_loop3A_302 : vector<16xf32> to vector<16xi32>
      %parallel_loop3A_304 = tpu.vector_load_idx %arg5[%parallel_loop3A_212] : memref<32768xf32, #tpu.memory_space<vmem>>[vector<16xi32>], vector<16xf32>,
      %parallel_loop3A_305 = vector.bitcast %parallel_loop3A_304 : vector<16xf32> to vector<16xi32>
      %parallel_loop3A_306 = tpu.vector_load_idx %arg5[%parallel_loop3A_215] : memref<32768xf32, #tpu.memory_space<vmem>>[vector<16xi32>], vector<16xf32>,
      %parallel_loop3A_307 = vector.bitcast %parallel_loop3A_306 : vector<16xf32> to vector<16xi32>
      %parallel_loop3A_308 = tpu.vector_load_idx %arg5[%parallel_loop3A_218] : memref<32768xf32, #tpu.memory_space<vmem>>[vector<16xi32>], vector<16xf32>,
      %parallel_loop3A_309 = vector.bitcast %parallel_loop3A_308 : vector<16xf32> to vector<16xi32>
      %parallel_loop3A_310 = tpu.vector_load_idx %arg5[%parallel_loop3A_221] : memref<32768xf32, #tpu.memory_space<vmem>>[vector<16xi32>], vector<16xf32>,
      %parallel_loop3A_311 = vector.bitcast %parallel_loop3A_310 : vector<16xf32> to vector<16xi32>
      %parallel_loop3A_312 = tpu.vector_load_idx %arg5[%parallel_loop3A_224] : memref<32768xf32, #tpu.memory_space<vmem>>[vector<16xi32>], vector<16xf32>,
      %parallel_loop3A_313 = vector.bitcast %parallel_loop3A_312 : vector<16xf32> to vector<16xi32>
      %parallel_loop3A_314 = tpu.vector_load_idx %arg5[%parallel_loop3A_227] : memref<32768xf32, #tpu.memory_space<vmem>>[vector<16xi32>], vector<16xf32>,
      %parallel_loop3A_315 = vector.bitcast %parallel_loop3A_314 : vector<16xf32> to vector<16xi32>
      %parallel_loop3A_316 = tpu.vector_load_idx %arg5[%parallel_loop3A_230] : memref<32768xf32, #tpu.memory_space<vmem>>[vector<16xi32>], vector<16xf32>,
      %parallel_loop3A_317 = vector.bitcast %parallel_loop3A_316 : vector<16xf32> to vector<16xi32>
      %parallel_loop3A_318 = tpu.vector_load_idx %arg5[%parallel_loop3A_233] : memref<32768xf32, #tpu.memory_space<vmem>>[vector<16xi32>], vector<16xf32>,
      %parallel_loop3A_319 = vector.bitcast %parallel_loop3A_318 : vector<16xf32> to vector<16xi32>
      %parallel_loop3A_320 = tpu.vector_load_idx %arg5[%parallel_loop3A_236] : memref<32768xf32, #tpu.memory_space<vmem>>[vector<16xi32>], vector<16xf32>,
      %parallel_loop3A_321 = vector.bitcast %parallel_loop3A_320 : vector<16xf32> to vector<16xi32>
      %parallel_loop3A_322 = tpu.vector_load_idx %arg5[%parallel_loop3A_239] : memref<32768xf32, #tpu.memory_space<vmem>>[vector<16xi32>], vector<16xf32>,
      %parallel_loop3A_323 = vector.bitcast %parallel_loop3A_322 : vector<16xf32> to vector<16xi32>
      %parallel_loop3A_324 = tpu.vector_load_idx %arg5[%parallel_loop3A_242] : memref<32768xf32, #tpu.memory_space<vmem>>[vector<16xi32>], vector<16xf32>,
      %parallel_loop3A_325 = vector.bitcast %parallel_loop3A_324 : vector<16xf32> to vector<16xi32>
      %parallel_loop3A_326 = tpu.vector_load_idx %arg5[%parallel_loop3A_245] : memref<32768xf32, #tpu.memory_space<vmem>>[vector<16xi32>], vector<16xf32>,
      %parallel_loop3A_327 = vector.bitcast %parallel_loop3A_326 : vector<16xf32> to vector<16xi32>
      %parallel_loop3A_328 = tpu.vector_load_idx %arg5[%parallel_loop3A_248] : memref<32768xf32, #tpu.memory_space<vmem>>[vector<16xi32>], vector<16xf32>,
      %parallel_loop3A_329 = vector.bitcast %parallel_loop3A_328 : vector<16xf32> to vector<16xi32>
      %parallel_loop3A_330 = tpu.vector_load_idx %arg5[%parallel_loop3A_251] : memref<32768xf32, #tpu.memory_space<vmem>>[vector<16xi32>], vector<16xf32>,
      %parallel_loop3A_331 = vector.bitcast %parallel_loop3A_330 : vector<16xf32> to vector<16xi32>
      %parallel_loop3A_332 = arith.constant 0 : i32
      %parallel_loop3A_333 = vector.broadcast %parallel_loop3A_332 : i32 to vector<16xi32>
      %parallel_loop3A_334 = arith.shrui %parallel_loop3A_301, %parallel_loop3A_333 : vector<16xi32>
      %parallel_loop3A_335 = arith.constant 2047 : i32
      %parallel_loop3A_336 = vector.broadcast %parallel_loop3A_335 : i32 to vector<16xi32>
      %parallel_loop3A_337 = arith.andi %parallel_loop3A_334, %parallel_loop3A_336 : vector<16xi32>
      %parallel_loop3A_338 = tpu.vector_load_idx %arg8[%parallel_loop3A_337] : memref<2048xi32, #tpu.memory_space<vmem>>[vector<16xi32>], vector<16xi32>,
      %parallel_loop3A_339 = arith.constant 0 : i32
      %parallel_loop3A_340 = vector.broadcast %parallel_loop3A_339 : i32 to vector<16xi32>
      %parallel_loop3A_341 = arith.shrui %parallel_loop3A_303, %parallel_loop3A_340 : vector<16xi32>
      %parallel_loop3A_342 = arith.constant 2047 : i32
      %parallel_loop3A_343 = vector.broadcast %parallel_loop3A_342 : i32 to vector<16xi32>
      %parallel_loop3A_344 = arith.andi %parallel_loop3A_341, %parallel_loop3A_343 : vector<16xi32>
      %parallel_loop3A_345 = tpu.vector_load_idx %arg9[%parallel_loop3A_344] : memref<2048xi32, #tpu.memory_space<vmem>>[vector<16xi32>], vector<16xi32>,
      %parallel_loop3A_346 = arith.constant 0 : i32
      %parallel_loop3A_347 = vector.broadcast %parallel_loop3A_346 : i32 to vector<16xi32>
      %parallel_loop3A_348 = arith.shrui %parallel_loop3A_305, %parallel_loop3A_347 : vector<16xi32>
      %parallel_loop3A_349 = arith.constant 2047 : i32
      %parallel_loop3A_350 = vector.broadcast %parallel_loop3A_349 : i32 to vector<16xi32>
      %parallel_loop3A_351 = arith.andi %parallel_loop3A_348, %parallel_loop3A_350 : vector<16xi32>
      %parallel_loop3A_352 = tpu.vector_load_idx %arg10[%parallel_loop3A_351] : memref<2048xi32, #tpu.memory_space<vmem>>[vector<16xi32>], vector<16xi32>,
      %parallel_loop3A_353 = arith.constant 0 : i32
      %parallel_loop3A_354 = vector.broadcast %parallel_loop3A_353 : i32 to vector<16xi32>
      %parallel_loop3A_355 = arith.shrui %parallel_loop3A_307, %parallel_loop3A_354 : vector<16xi32>
      %parallel_loop3A_356 = arith.constant 2047 : i32
      %parallel_loop3A_357 = vector.broadcast %parallel_loop3A_356 : i32 to vector<16xi32>
      %parallel_loop3A_358 = arith.andi %parallel_loop3A_355, %parallel_loop3A_357 : vector<16xi32>
      %parallel_loop3A_359 = tpu.vector_load_idx %arg11[%parallel_loop3A_358] : memref<2048xi32, #tpu.memory_space<vmem>>[vector<16xi32>], vector<16xi32>,
      %parallel_loop3A_360 = arith.constant 0 : i32
      %parallel_loop3A_361 = vector.broadcast %parallel_loop3A_360 : i32 to vector<16xi32>
      %parallel_loop3A_362 = arith.shrui %parallel_loop3A_309, %parallel_loop3A_361 : vector<16xi32>
      %parallel_loop3A_363 = arith.constant 2047 : i32
      %parallel_loop3A_364 = vector.broadcast %parallel_loop3A_363 : i32 to vector<16xi32>
      %parallel_loop3A_365 = arith.andi %parallel_loop3A_362, %parallel_loop3A_364 : vector<16xi32>
      %parallel_loop3A_366 = tpu.vector_load_idx %arg12[%parallel_loop3A_365] : memref<2048xi32, #tpu.memory_space<vmem>>[vector<16xi32>], vector<16xi32>,
      %parallel_loop3A_367 = arith.constant 0 : i32
      %parallel_loop3A_368 = vector.broadcast %parallel_loop3A_367 : i32 to vector<16xi32>
      %parallel_loop3A_369 = arith.shrui %parallel_loop3A_311, %parallel_loop3A_368 : vector<16xi32>
      %parallel_loop3A_370 = arith.constant 2047 : i32
      %parallel_loop3A_371 = vector.broadcast %parallel_loop3A_370 : i32 to vector<16xi32>
      %parallel_loop3A_372 = arith.andi %parallel_loop3A_369, %parallel_loop3A_371 : vector<16xi32>
      %parallel_loop3A_373 = tpu.vector_load_idx %arg13[%parallel_loop3A_372] : memref<2048xi32, #tpu.memory_space<vmem>>[vector<16xi32>], vector<16xi32>,
      %parallel_loop3A_374 = arith.constant 0 : i32
      %parallel_loop3A_375 = vector.broadcast %parallel_loop3A_374 : i32 to vector<16xi32>
      %parallel_loop3A_376 = arith.shrui %parallel_loop3A_313, %parallel_loop3A_375 : vector<16xi32>
      %parallel_loop3A_377 = arith.constant 2047 : i32
      %parallel_loop3A_378 = vector.broadcast %parallel_loop3A_377 : i32 to vector<16xi32>
      %parallel_loop3A_379 = arith.andi %parallel_loop3A_376, %parallel_loop3A_378 : vector<16xi32>
      %parallel_loop3A_380 = tpu.vector_load_idx %arg14[%parallel_loop3A_379] : memref<2048xi32, #tpu.memory_space<vmem>>[vector<16xi32>], vector<16xi32>,
      %parallel_loop3A_381 = arith.constant 0 : i32
      %parallel_loop3A_382 = vector.broadcast %parallel_loop3A_381 : i32 to vector<16xi32>
      %parallel_loop3A_383 = arith.shrui %parallel_loop3A_315, %parallel_loop3A_382 : vector<16xi32>
      %parallel_loop3A_384 = arith.constant 2047 : i32
      %parallel_loop3A_385 = vector.broadcast %parallel_loop3A_384 : i32 to vector<16xi32>
      %parallel_loop3A_386 = arith.andi %parallel_loop3A_383, %parallel_loop3A_385 : vector<16xi32>
      %parallel_loop3A_387 = tpu.vector_load_idx %arg15[%parallel_loop3A_386] : memref<2048xi32, #tpu.memory_space<vmem>>[vector<16xi32>], vector<16xi32>,
      %parallel_loop3A_388 = arith.constant 0 : i32
      %parallel_loop3A_389 = vector.broadcast %parallel_loop3A_388 : i32 to vector<16xi32>
      %parallel_loop3A_390 = arith.shrui %parallel_loop3A_317, %parallel_loop3A_389 : vector<16xi32>
      %parallel_loop3A_391 = arith.constant 2047 : i32
      %parallel_loop3A_392 = vector.broadcast %parallel_loop3A_391 : i32 to vector<16xi32>
      %parallel_loop3A_393 = arith.andi %parallel_loop3A_390, %parallel_loop3A_392 : vector<16xi32>
      %parallel_loop3A_394 = tpu.vector_load_idx %arg8[%parallel_loop3A_393] : memref<2048xi32, #tpu.memory_space<vmem>>[vector<16xi32>], vector<16xi32>,
      %parallel_loop3A_395 = arith.constant 0 : i32
      %parallel_loop3A_396 = vector.broadcast %parallel_loop3A_395 : i32 to vector<16xi32>
      %parallel_loop3A_397 = arith.shrui %parallel_loop3A_319, %parallel_loop3A_396 : vector<16xi32>
      %parallel_loop3A_398 = arith.constant 2047 : i32
      %parallel_loop3A_399 = vector.broadcast %parallel_loop3A_398 : i32 to vector<16xi32>
      %parallel_loop3A_400 = arith.andi %parallel_loop3A_397, %parallel_loop3A_399 : vector<16xi32>
      %parallel_loop3A_401 = tpu.vector_load_idx %arg9[%parallel_loop3A_400] : memref<2048xi32, #tpu.memory_space<vmem>>[vector<16xi32>], vector<16xi32>,
      %parallel_loop3A_402 = arith.constant 0 : i32
      %parallel_loop3A_403 = vector.broadcast %parallel_loop3A_402 : i32 to vector<16xi32>
      %parallel_loop3A_404 = arith.shrui %parallel_loop3A_321, %parallel_loop3A_403 : vector<16xi32>
      %parallel_loop3A_405 = arith.constant 2047 : i32
      %parallel_loop3A_406 = vector.broadcast %parallel_loop3A_405 : i32 to vector<16xi32>
      %parallel_loop3A_407 = arith.andi %parallel_loop3A_404, %parallel_loop3A_406 : vector<16xi32>
      %parallel_loop3A_408 = tpu.vector_load_idx %arg10[%parallel_loop3A_407] : memref<2048xi32, #tpu.memory_space<vmem>>[vector<16xi32>], vector<16xi32>,
      %parallel_loop3A_409 = arith.constant 0 : i32
      %parallel_loop3A_410 = vector.broadcast %parallel_loop3A_409 : i32 to vector<16xi32>
      %parallel_loop3A_411 = arith.shrui %parallel_loop3A_323, %parallel_loop3A_410 : vector<16xi32>
      %parallel_loop3A_412 = arith.constant 2047 : i32
      %parallel_loop3A_413 = vector.broadcast %parallel_loop3A_412 : i32 to vector<16xi32>
      %parallel_loop3A_414 = arith.andi %parallel_loop3A_411, %parallel_loop3A_413 : vector<16xi32>
      %parallel_loop3A_415 = tpu.vector_load_idx %arg11[%parallel_loop3A_414] : memref<2048xi32, #tpu.memory_space<vmem>>[vector<16xi32>], vector<16xi32>,
      %parallel_loop3A_416 = arith.constant 0 : i32
      %parallel_loop3A_417 = vector.broadcast %parallel_loop3A_416 : i32 to vector<16xi32>
      %parallel_loop3A_418 = arith.shrui %parallel_loop3A_325, %parallel_loop3A_417 : vector<16xi32>
      %parallel_loop3A_419 = arith.constant 2047 : i32
      %parallel_loop3A_420 = vector.broadcast %parallel_loop3A_419 : i32 to vector<16xi32>
      %parallel_loop3A_421 = arith.andi %parallel_loop3A_418, %parallel_loop3A_420 : vector<16xi32>
      %parallel_loop3A_422 = tpu.vector_load_idx %arg12[%parallel_loop3A_421] : memref<2048xi32, #tpu.memory_space<vmem>>[vector<16xi32>], vector<16xi32>,
      %parallel_loop3A_423 = arith.constant 0 : i32
      %parallel_loop3A_424 = vector.broadcast %parallel_loop3A_423 : i32 to vector<16xi32>
      %parallel_loop3A_425 = arith.shrui %parallel_loop3A_327, %parallel_loop3A_424 : vector<16xi32>
      %parallel_loop3A_426 = arith.constant 2047 : i32
      %parallel_loop3A_427 = vector.broadcast %parallel_loop3A_426 : i32 to vector<16xi32>
      %parallel_loop3A_428 = arith.andi %parallel_loop3A_425, %parallel_loop3A_427 : vector<16xi32>
      %parallel_loop3A_429 = tpu.vector_load_idx %arg13[%parallel_loop3A_428] : memref<2048xi32, #tpu.memory_space<vmem>>[vector<16xi32>], vector<16xi32>,
      %parallel_loop3A_430 = arith.constant 0 : i32
      %parallel_loop3A_431 = vector.broadcast %parallel_loop3A_430 : i32 to vector<16xi32>
      %parallel_loop3A_432 = arith.shrui %parallel_loop3A_329, %parallel_loop3A_431 : vector<16xi32>
      %parallel_loop3A_433 = arith.constant 2047 : i32
      %parallel_loop3A_434 = vector.broadcast %parallel_loop3A_433 : i32 to vector<16xi32>
      %parallel_loop3A_435 = arith.andi %parallel_loop3A_432, %parallel_loop3A_434 : vector<16xi32>
      %parallel_loop3A_436 = tpu.vector_load_idx %arg14[%parallel_loop3A_435] : memref<2048xi32, #tpu.memory_space<vmem>>[vector<16xi32>], vector<16xi32>,
      %parallel_loop3A_437 = arith.constant 0 : i32
      %parallel_loop3A_438 = vector.broadcast %parallel_loop3A_437 : i32 to vector<16xi32>
      %parallel_loop3A_439 = arith.shrui %parallel_loop3A_331, %parallel_loop3A_438 : vector<16xi32>
      %parallel_loop3A_440 = arith.constant 2047 : i32
      %parallel_loop3A_441 = vector.broadcast %parallel_loop3A_440 : i32 to vector<16xi32>
      %parallel_loop3A_442 = arith.andi %parallel_loop3A_439, %parallel_loop3A_441 : vector<16xi32>
      %parallel_loop3A_443 = tpu.vector_load_idx %arg15[%parallel_loop3A_442] : memref<2048xi32, #tpu.memory_space<vmem>>[vector<16xi32>], vector<16xi32>,
      %parallel_loop3A_444 = arith.addi %parallel_loop3A_338, %parallel_loop3A_254 : vector<16xi32>
      tpu.vector_store_idx %arg6[%parallel_loop3A_444], %parallel_loop3A_206 : memref<32768xi32, #tpu.memory_space<vmem>>[vector<16xi32>], vector<16xi32>,
      %parallel_loop3A_445 = arith.addi %parallel_loop3A_345, %parallel_loop3A_257 : vector<16xi32>
      tpu.vector_store_idx %arg6[%parallel_loop3A_445], %parallel_loop3A_209 : memref<32768xi32, #tpu.memory_space<vmem>>[vector<16xi32>], vector<16xi32>,
      %parallel_loop3A_446 = arith.addi %parallel_loop3A_352, %parallel_loop3A_260 : vector<16xi32>
      tpu.vector_store_idx %arg6[%parallel_loop3A_446], %parallel_loop3A_212 : memref<32768xi32, #tpu.memory_space<vmem>>[vector<16xi32>], vector<16xi32>,
      %parallel_loop3A_447 = arith.addi %parallel_loop3A_359, %parallel_loop3A_263 : vector<16xi32>
      tpu.vector_store_idx %arg6[%parallel_loop3A_447], %parallel_loop3A_215 : memref<32768xi32, #tpu.memory_space<vmem>>[vector<16xi32>], vector<16xi32>,
      %parallel_loop3A_448 = arith.addi %parallel_loop3A_366, %parallel_loop3A_266 : vector<16xi32>
      tpu.vector_store_idx %arg6[%parallel_loop3A_448], %parallel_loop3A_218 : memref<32768xi32, #tpu.memory_space<vmem>>[vector<16xi32>], vector<16xi32>,
      %parallel_loop3A_449 = arith.addi %parallel_loop3A_373, %parallel_loop3A_269 : vector<16xi32>
      tpu.vector_store_idx %arg6[%parallel_loop3A_449], %parallel_loop3A_221 : memref<32768xi32, #tpu.memory_space<vmem>>[vector<16xi32>], vector<16xi32>,
      %parallel_loop3A_450 = arith.addi %parallel_loop3A_380, %parallel_loop3A_272 : vector<16xi32>
      tpu.vector_store_idx %arg6[%parallel_loop3A_450], %parallel_loop3A_224 : memref<32768xi32, #tpu.memory_space<vmem>>[vector<16xi32>], vector<16xi32>,
      %parallel_loop3A_451 = arith.addi %parallel_loop3A_387, %parallel_loop3A_275 : vector<16xi32>
      tpu.vector_store_idx %arg6[%parallel_loop3A_451], %parallel_loop3A_227 : memref<32768xi32, #tpu.memory_space<vmem>>[vector<16xi32>], vector<16xi32>,
      %parallel_loop3A_452 = arith.addi %parallel_loop3A_394, %parallel_loop3A_278 : vector<16xi32>
      tpu.vector_store_idx %arg6[%parallel_loop3A_452], %parallel_loop3A_230 : memref<32768xi32, #tpu.memory_space<vmem>>[vector<16xi32>], vector<16xi32>,
      %parallel_loop3A_453 = arith.addi %parallel_loop3A_401, %parallel_loop3A_281 : vector<16xi32>
      tpu.vector_store_idx %arg6[%parallel_loop3A_453], %parallel_loop3A_233 : memref<32768xi32, #tpu.memory_space<vmem>>[vector<16xi32>], vector<16xi32>,
      %parallel_loop3A_454 = arith.addi %parallel_loop3A_408, %parallel_loop3A_284 : vector<16xi32>
      tpu.vector_store_idx %arg6[%parallel_loop3A_454], %parallel_loop3A_236 : memref<32768xi32, #tpu.memory_space<vmem>>[vector<16xi32>], vector<16xi32>,
      %parallel_loop3A_455 = arith.addi %parallel_loop3A_415, %parallel_loop3A_287 : vector<16xi32>
      tpu.vector_store_idx %arg6[%parallel_loop3A_455], %parallel_loop3A_239 : memref<32768xi32, #tpu.memory_space<vmem>>[vector<16xi32>], vector<16xi32>,
      %parallel_loop3A_456 = arith.addi %parallel_loop3A_422, %parallel_loop3A_290 : vector<16xi32>
      tpu.vector_store_idx %arg6[%parallel_loop3A_456], %parallel_loop3A_242 : memref<32768xi32, #tpu.memory_space<vmem>>[vector<16xi32>], vector<16xi32>,
      %parallel_loop3A_457 = arith.addi %parallel_loop3A_429, %parallel_loop3A_293 : vector<16xi32>
      tpu.vector_store_idx %arg6[%parallel_loop3A_457], %parallel_loop3A_245 : memref<32768xi32, #tpu.memory_space<vmem>>[vector<16xi32>], vector<16xi32>,
      %parallel_loop3A_458 = arith.addi %parallel_loop3A_436, %parallel_loop3A_296 : vector<16xi32>
      tpu.vector_store_idx %arg6[%parallel_loop3A_458], %parallel_loop3A_248 : memref<32768xi32, #tpu.memory_space<vmem>>[vector<16xi32>], vector<16xi32>,
      %parallel_loop3A_459 = arith.addi %parallel_loop3A_443, %parallel_loop3A_299 : vector<16xi32>
      tpu.vector_store_idx %arg6[%parallel_loop3A_459], %parallel_loop3A_251 : memref<32768xi32, #tpu.memory_space<vmem>>[vector<16xi32>], vector<16xi32>,
    } {sc.loop_unroll_factor = 1 : i64, sc.parallel_access}
    %parallel_loop3A_18 = arith.constant 0 : i32
    %parallel_loop3A_19 = arith.constant 128 : i32
    %parallel_loop3A_20 = arith.constant 1 : i32
    scf.for %parallel_loop3A_59 = %parallel_loop3A_18 to %parallel_loop3A_19 step %parallel_loop3A_20  : i32 {
      %parallel_loop3A_60 = arith.constant 0 : i32
      %parallel_loop3A_61 = vector.broadcast %parallel_loop3A_60 : i32 to vector<16xi32>
      %parallel_loop3A_62 = arith.constant 16 : i32
      %parallel_loop3A_63 = arith.muli %parallel_loop3A_59, %parallel_loop3A_62 : i32
      %parallel_loop3A_64 = arith.index_cast %parallel_loop3A_63 : i32 to index
      %parallel_loop3A_65 = tpu.vector_load %arg8[%parallel_loop3A_64] {strides = array<i32>} : memref<2048xi32, #tpu.memory_space<vmem>>, vector<16xi32>,
      tpu.vector_store %arg8[%parallel_loop3A_64], %parallel_loop3A_61 {strides = array<i32>} : memref<2048xi32, #tpu.memory_space<vmem>>, vector<16xi32>,
      %parallel_loop3A_66 = arith.constant 0 : i32
      %parallel_loop3A_67 = vector.broadcast %parallel_loop3A_66 : i32 to vector<16xi32>
      %parallel_loop3A_68 = arith.constant 16 : i32
      %parallel_loop3A_69 = arith.muli %parallel_loop3A_59, %parallel_loop3A_68 : i32
      %parallel_loop3A_70 = arith.index_cast %parallel_loop3A_69 : i32 to index
      %parallel_loop3A_71 = tpu.vector_load %arg9[%parallel_loop3A_70] {strides = array<i32>} : memref<2048xi32, #tpu.memory_space<vmem>>, vector<16xi32>,
      tpu.vector_store %arg9[%parallel_loop3A_70], %parallel_loop3A_67 {strides = array<i32>} : memref<2048xi32, #tpu.memory_space<vmem>>, vector<16xi32>,
      %parallel_loop3A_72 = arith.constant 0 : i32
      %parallel_loop3A_73 = vector.broadcast %parallel_loop3A_72 : i32 to vector<16xi32>
      %parallel_loop3A_74 = arith.constant 16 : i32
      %parallel_loop3A_75 = arith.muli %parallel_loop3A_59, %parallel_loop3A_74 : i32
      %parallel_loop3A_76 = arith.index_cast %parallel_loop3A_75 : i32 to index
      %parallel_loop3A_77 = tpu.vector_load %arg10[%parallel_loop3A_76] {strides = array<i32>} : memref<2048xi32, #tpu.memory_space<vmem>>, vector<16xi32>,
      tpu.vector_store %arg10[%parallel_loop3A_76], %parallel_loop3A_73 {strides = array<i32>} : memref<2048xi32, #tpu.memory_space<vmem>>, vector<16xi32>,
      %parallel_loop3A_78 = arith.constant 0 : i32
      %parallel_loop3A_79 = vector.broadcast %parallel_loop3A_78 : i32 to vector<16xi32>
      %parallel_loop3A_80 = arith.constant 16 : i32
      %parallel_loop3A_81 = arith.muli %parallel_loop3A_59, %parallel_loop3A_80 : i32
      %parallel_loop3A_82 = arith.index_cast %parallel_loop3A_81 : i32 to index
      %parallel_loop3A_83 = tpu.vector_load %arg11[%parallel_loop3A_82] {strides = array<i32>} : memref<2048xi32, #tpu.memory_space<vmem>>, vector<16xi32>,
      tpu.vector_store %arg11[%parallel_loop3A_82], %parallel_loop3A_79 {strides = array<i32>} : memref<2048xi32, #tpu.memory_space<vmem>>, vector<16xi32>,
      %parallel_loop3A_84 = arith.constant 0 : i32
      %parallel_loop3A_85 = vector.broadcast %parallel_loop3A_84 : i32 to vector<16xi32>
      %parallel_loop3A_86 = arith.constant 16 : i32
      %parallel_loop3A_87 = arith.muli %parallel_loop3A_59, %parallel_loop3A_86 : i32
      %parallel_loop3A_88 = arith.index_cast %parallel_loop3A_87 : i32 to index
      %parallel_loop3A_89 = tpu.vector_load %arg12[%parallel_loop3A_88] {strides = array<i32>} : memref<2048xi32, #tpu.memory_space<vmem>>, vector<16xi32>,
      tpu.vector_store %arg12[%parallel_loop3A_88], %parallel_loop3A_85 {strides = array<i32>} : memref<2048xi32, #tpu.memory_space<vmem>>, vector<16xi32>,
      %parallel_loop3A_90 = arith.constant 0 : i32
      %parallel_loop3A_91 = vector.broadcast %parallel_loop3A_90 : i32 to vector<16xi32>
      %parallel_loop3A_92 = arith.constant 16 : i32
      %parallel_loop3A_93 = arith.muli %parallel_loop3A_59, %parallel_loop3A_92 : i32
      %parallel_loop3A_94 = arith.index_cast %parallel_loop3A_93 : i32 to index
      %parallel_loop3A_95 = tpu.vector_load %arg13[%parallel_loop3A_94] {strides = array<i32>} : memref<2048xi32, #tpu.memory_space<vmem>>, vector<16xi32>,
      tpu.vector_store %arg13[%parallel_loop3A_94], %parallel_loop3A_91 {strides = array<i32>} : memref<2048xi32, #tpu.memory_space<vmem>>, vector<16xi32>,
      %parallel_loop3A_96 = arith.constant 0 : i32
      %parallel_loop3A_97 = vector.broadcast %parallel_loop3A_96 : i32 to vector<16xi32>
      %parallel_loop3A_98 = arith.constant 16 : i32
      %parallel_loop3A_99 = arith.muli %parallel_loop3A_59, %parallel_loop3A_98 : i32
      %parallel_loop3A_100 = arith.index_cast %parallel_loop3A_99 : i32 to index
      %parallel_loop3A_101 = tpu.vector_load %arg14[%parallel_loop3A_100] {strides = array<i32>} : memref<2048xi32, #tpu.memory_space<vmem>>, vector<16xi32>,
      tpu.vector_store %arg14[%parallel_loop3A_100], %parallel_loop3A_97 {strides = array<i32>} : memref<2048xi32, #tpu.memory_space<vmem>>, vector<16xi32>,
      %parallel_loop3A_102 = arith.constant 0 : i32
      %parallel_loop3A_103 = vector.broadcast %parallel_loop3A_102 : i32 to vector<16xi32>
      %parallel_loop3A_104 = arith.constant 16 : i32
      %parallel_loop3A_105 = arith.muli %parallel_loop3A_59, %parallel_loop3A_104 : i32
      %parallel_loop3A_106 = arith.index_cast %parallel_loop3A_105 : i32 to index
      %parallel_loop3A_107 = tpu.vector_load %arg15[%parallel_loop3A_106] {strides = array<i32>} : memref<2048xi32, #tpu.memory_space<vmem>>, vector<16xi32>,
      tpu.vector_store %arg15[%parallel_loop3A_106], %parallel_loop3A_103 {strides = array<i32>} : memref<2048xi32, #tpu.memory_space<vmem>>, vector<16xi32>,
    } {sc.loop_unroll_factor = 8 : i64, sc.parallel_access}
    %scan3A_21 = arith.constant 0 : i32
    %scan3A_22 = arith.constant 0 : i32
    %scan3A_23 = arith.constant 128 : i32
    %scan3A_24 = arith.addi %scan3A_22, %scan3A_23 : i32
    %scan3A_25 = arith.constant 1 : i32
    scf.for %scan3A_59 = %scan3A_22 to %scan3A_24 step %scan3A_25  : i32 {
      %mul3A_60 = arith.constant 2 : i32
      %mul3A_61 = arith.muli %mul3A_60, %scan3A_59 : i32
      %add3A_62 = arith.constant 0 : i32
      %add3A_63 = arith.addi %mul3A_61, %add3A_62 : i32
      %add3A_64 = arith.constant 0 : i32
      %add3A_65 = arith.addi %add3A_63, %add3A_64 : i32
      %mul3A_66 = arith.constant 16 : i32
      %mul3A_67 = arith.muli %add3A_65, %mul3A_66 : i32
      %get3A = arith.index_cast %mul3A_67 : i32 to index
      %get3A_68 = tpu.vector_load %arg6[%get3A] {strides = array<i32>} : memref<32768xi32, #tpu.memory_space<vmem>>, vector<16xi32>,
      %add3A_69 = arith.constant 256 : i32
      %add3A_70 = arith.addi %add3A_63, %add3A_69 : i32
      %mul3A_71 = arith.constant 16 : i32
      %mul3A_72 = arith.muli %add3A_70, %mul3A_71 : i32
      %get3A_73 = arith.index_cast %mul3A_72 : i32 to index
      %get3A_74 = tpu.vector_load %arg6[%get3A_73] {strides = array<i32>} : memref<32768xi32, #tpu.memory_space<vmem>>, vector<16xi32>,
      %add3A_75 = arith.constant 512 : i32
      %add3A_76 = arith.addi %add3A_63, %add3A_75 : i32
      %mul3A_77 = arith.constant 16 : i32
      %mul3A_78 = arith.muli %add3A_76, %mul3A_77 : i32
      %get3A_79 = arith.index_cast %mul3A_78 : i32 to index
      %get3A_80 = tpu.vector_load %arg6[%get3A_79] {strides = array<i32>} : memref<32768xi32, #tpu.memory_space<vmem>>, vector<16xi32>,
      %add3A_81 = arith.constant 768 : i32
      %add3A_82 = arith.addi %add3A_63, %add3A_81 : i32
      %mul3A_83 = arith.constant 16 : i32
      %mul3A_84 = arith.muli %add3A_82, %mul3A_83 : i32
      %get3A_85 = arith.index_cast %mul3A_84 : i32 to index
      %get3A_86 = tpu.vector_load %arg6[%get3A_85] {strides = array<i32>} : memref<32768xi32, #tpu.memory_space<vmem>>, vector<16xi32>,
      %add3A_87 = arith.constant 1024 : i32
      %add3A_88 = arith.addi %add3A_63, %add3A_87 : i32
      %mul3A_89 = arith.constant 16 : i32
      %mul3A_90 = arith.muli %add3A_88, %mul3A_89 : i32
      %get3A_91 = arith.index_cast %mul3A_90 : i32 to index
      %get3A_92 = tpu.vector_load %arg6[%get3A_91] {strides = array<i32>} : memref<32768xi32, #tpu.memory_space<vmem>>, vector<16xi32>,
      %add3A_93 = arith.constant 1280 : i32
      %add3A_94 = arith.addi %add3A_63, %add3A_93 : i32
      %mul3A_95 = arith.constant 16 : i32
      %mul3A_96 = arith.muli %add3A_94, %mul3A_95 : i32
      %get3A_97 = arith.index_cast %mul3A_96 : i32 to index
      %get3A_98 = tpu.vector_load %arg6[%get3A_97] {strides = array<i32>} : memref<32768xi32, #tpu.memory_space<vmem>>, vector<16xi32>,
      %add3A_99 = arith.constant 1536 : i32
      %add3A_100 = arith.addi %add3A_63, %add3A_99 : i32
      %mul3A_101 = arith.constant 16 : i32
      %mul3A_102 = arith.muli %add3A_100, %mul3A_101 : i32
      %get3A_103 = arith.index_cast %mul3A_102 : i32 to index
      %get3A_104 = tpu.vector_load %arg6[%get3A_103] {strides = array<i32>} : memref<32768xi32, #tpu.memory_space<vmem>>, vector<16xi32>,
      %add3A_105 = arith.constant 1792 : i32
      %add3A_106 = arith.addi %add3A_63, %add3A_105 : i32
      %mul3A_107 = arith.constant 16 : i32
      %mul3A_108 = arith.muli %add3A_106, %mul3A_107 : i32
      %get3A_109 = arith.index_cast %mul3A_108 : i32 to index
      %get3A_110 = tpu.vector_load %arg6[%get3A_109] {strides = array<i32>} : memref<32768xi32, #tpu.memory_space<vmem>>, vector<16xi32>,
      %gather3A = tpu.vector_load_idx %arg5[%get3A_68] : memref<32768xf32, #tpu.memory_space<vmem>>[vector<16xi32>], vector<16xf32>,
      %bitcast3A = vector.bitcast %gather3A : vector<16xf32> to vector<16xi32>
      %gather3A_111 = tpu.vector_load_idx %arg5[%get3A_74] : memref<32768xf32, #tpu.memory_space<vmem>>[vector<16xi32>], vector<16xf32>,
      %bitcast3A_112 = vector.bitcast %gather3A_111 : vector<16xf32> to vector<16xi32>
      %gather3A_113 = tpu.vector_load_idx %arg5[%get3A_80] : memref<32768xf32, #tpu.memory_space<vmem>>[vector<16xi32>], vector<16xf32>,
      %bitcast3A_114 = vector.bitcast %gather3A_113 : vector<16xf32> to vector<16xi32>
      %gather3A_115 = tpu.vector_load_idx %arg5[%get3A_86] : memref<32768xf32, #tpu.memory_space<vmem>>[vector<16xi32>], vector<16xf32>,
      %bitcast3A_116 = vector.bitcast %gather3A_115 : vector<16xf32> to vector<16xi32>
      %gather3A_117 = tpu.vector_load_idx %arg5[%get3A_92] : memref<32768xf32, #tpu.memory_space<vmem>>[vector<16xi32>], vector<16xf32>,
      %bitcast3A_118 = vector.bitcast %gather3A_117 : vector<16xf32> to vector<16xi32>
      %gather3A_119 = tpu.vector_load_idx %arg5[%get3A_98] : memref<32768xf32, #tpu.memory_space<vmem>>[vector<16xi32>], vector<16xf32>,
      %bitcast3A_120 = vector.bitcast %gather3A_119 : vector<16xf32> to vector<16xi32>
      %gather3A_121 = tpu.vector_load_idx %arg5[%get3A_104] : memref<32768xf32, #tpu.memory_space<vmem>>[vector<16xi32>], vector<16xf32>,
      %bitcast3A_122 = vector.bitcast %gather3A_121 : vector<16xf32> to vector<16xi32>
      %gather3A_123 = tpu.vector_load_idx %arg5[%get3A_110] : memref<32768xf32, #tpu.memory_space<vmem>>[vector<16xi32>], vector<16xf32>,
      %bitcast3A_124 = vector.bitcast %gather3A_123 : vector<16xf32> to vector<16xi32>
      %shift_right_logical3A = arith.constant 11 : i32
      %shift_right_logical3A_125 = vector.broadcast %shift_right_logical3A : i32 to vector<16xi32>
      %shift_right_logical3A_126 = arith.shrui %bitcast3A, %shift_right_logical3A_125 : vector<16xi32>
      %and3A = arith.constant 2047 : i32
      %and3A_127 = vector.broadcast %and3A : i32 to vector<16xi32>
      %and3A_128 = arith.andi %shift_right_logical3A_126, %and3A_127 : vector<16xi32>
      %shift_right_logical3A_129 = arith.constant 11 : i32
      %shift_right_logical3A_130 = vector.broadcast %shift_right_logical3A_129 : i32 to vector<16xi32>
      %shift_right_logical3A_131 = arith.shrui %bitcast3A_112, %shift_right_logical3A_130 : vector<16xi32>
      %and3A_132 = arith.constant 2047 : i32
      %and3A_133 = vector.broadcast %and3A_132 : i32 to vector<16xi32>
      %and3A_134 = arith.andi %shift_right_logical3A_131, %and3A_133 : vector<16xi32>
      %shift_right_logical3A_135 = arith.constant 11 : i32
      %shift_right_logical3A_136 = vector.broadcast %shift_right_logical3A_135 : i32 to vector<16xi32>
      %shift_right_logical3A_137 = arith.shrui %bitcast3A_114, %shift_right_logical3A_136 : vector<16xi32>
      %and3A_138 = arith.constant 2047 : i32
      %and3A_139 = vector.broadcast %and3A_138 : i32 to vector<16xi32>
      %and3A_140 = arith.andi %shift_right_logical3A_137, %and3A_139 : vector<16xi32>
      %shift_right_logical3A_141 = arith.constant 11 : i32
      %shift_right_logical3A_142 = vector.broadcast %shift_right_logical3A_141 : i32 to vector<16xi32>
      %shift_right_logical3A_143 = arith.shrui %bitcast3A_116, %shift_right_logical3A_142 : vector<16xi32>
      %and3A_144 = arith.constant 2047 : i32
      %and3A_145 = vector.broadcast %and3A_144 : i32 to vector<16xi32>
      %and3A_146 = arith.andi %shift_right_logical3A_143, %and3A_145 : vector<16xi32>
      %shift_right_logical3A_147 = arith.constant 11 : i32
      %shift_right_logical3A_148 = vector.broadcast %shift_right_logical3A_147 : i32 to vector<16xi32>
      %shift_right_logical3A_149 = arith.shrui %bitcast3A_118, %shift_right_logical3A_148 : vector<16xi32>
      %and3A_150 = arith.constant 2047 : i32
      %and3A_151 = vector.broadcast %and3A_150 : i32 to vector<16xi32>
      %and3A_152 = arith.andi %shift_right_logical3A_149, %and3A_151 : vector<16xi32>
      %shift_right_logical3A_153 = arith.constant 11 : i32
      %shift_right_logical3A_154 = vector.broadcast %shift_right_logical3A_153 : i32 to vector<16xi32>
      %shift_right_logical3A_155 = arith.shrui %bitcast3A_120, %shift_right_logical3A_154 : vector<16xi32>
      %and3A_156 = arith.constant 2047 : i32
      %and3A_157 = vector.broadcast %and3A_156 : i32 to vector<16xi32>
      %and3A_158 = arith.andi %shift_right_logical3A_155, %and3A_157 : vector<16xi32>
      %shift_right_logical3A_159 = arith.constant 11 : i32
      %shift_right_logical3A_160 = vector.broadcast %shift_right_logical3A_159 : i32 to vector<16xi32>
      %shift_right_logical3A_161 = arith.shrui %bitcast3A_122, %shift_right_logical3A_160 : vector<16xi32>
      %and3A_162 = arith.constant 2047 : i32
      %and3A_163 = vector.broadcast %and3A_162 : i32 to vector<16xi32>
      %and3A_164 = arith.andi %shift_right_logical3A_161, %and3A_163 : vector<16xi32>
      %shift_right_logical3A_165 = arith.constant 11 : i32
      %shift_right_logical3A_166 = vector.broadcast %shift_right_logical3A_165 : i32 to vector<16xi32>
      %shift_right_logical3A_167 = arith.shrui %bitcast3A_124, %shift_right_logical3A_166 : vector<16xi32>
      %and3A_168 = arith.constant 2047 : i32
      %and3A_169 = vector.broadcast %and3A_168 : i32 to vector<16xi32>
      %and3A_170 = arith.andi %shift_right_logical3A_167, %and3A_169 : vector<16xi32>
      %broadcast_in_dim3A = arith.constant true
      %broadcast_in_dim3A_171 = vector.broadcast %broadcast_in_dim3A : i1 to vector<16xi1>
      %unique3A, %unique3A_172 = tpu.scan_count mask(%broadcast_in_dim3A_171 : vector<16xi1>) value(%and3A_128 : vector<16xi32>) : vector<16xi1>, vector<16xi32>
      %broadcast_in_dim3A_173 = arith.constant true
      %broadcast_in_dim3A_174 = vector.broadcast %broadcast_in_dim3A_173 : i1 to vector<16xi1>
      %unique3A_175, %unique3A_176 = tpu.scan_count mask(%broadcast_in_dim3A_174 : vector<16xi1>) value(%and3A_134 : vector<16xi32>) : vector<16xi1>, vector<16xi32>
      %broadcast_in_dim3A_177 = arith.constant true
      %broadcast_in_dim3A_178 = vector.broadcast %broadcast_in_dim3A_177 : i1 to vector<16xi1>
      %unique3A_179, %unique3A_180 = tpu.scan_count mask(%broadcast_in_dim3A_178 : vector<16xi1>) value(%and3A_140 : vector<16xi32>) : vector<16xi1>, vector<16xi32>
      %broadcast_in_dim3A_181 = arith.constant true
      %broadcast_in_dim3A_182 = vector.broadcast %broadcast_in_dim3A_181 : i1 to vector<16xi1>
      %unique3A_183, %unique3A_184 = tpu.scan_count mask(%broadcast_in_dim3A_182 : vector<16xi1>) value(%and3A_146 : vector<16xi32>) : vector<16xi1>, vector<16xi32>
      %broadcast_in_dim3A_185 = arith.constant true
      %broadcast_in_dim3A_186 = vector.broadcast %broadcast_in_dim3A_185 : i1 to vector<16xi1>
      %unique3A_187, %unique3A_188 = tpu.scan_count mask(%broadcast_in_dim3A_186 : vector<16xi1>) value(%and3A_152 : vector<16xi32>) : vector<16xi1>, vector<16xi32>
      %broadcast_in_dim3A_189 = arith.constant true
      %broadcast_in_dim3A_190 = vector.broadcast %broadcast_in_dim3A_189 : i1 to vector<16xi1>
      %unique3A_191, %unique3A_192 = tpu.scan_count mask(%broadcast_in_dim3A_190 : vector<16xi1>) value(%and3A_158 : vector<16xi32>) : vector<16xi1>, vector<16xi32>
      %broadcast_in_dim3A_193 = arith.constant true
      %broadcast_in_dim3A_194 = vector.broadcast %broadcast_in_dim3A_193 : i1 to vector<16xi1>
      %unique3A_195, %unique3A_196 = tpu.scan_count mask(%broadcast_in_dim3A_194 : vector<16xi1>) value(%and3A_164 : vector<16xi32>) : vector<16xi1>, vector<16xi32>
      %broadcast_in_dim3A_197 = arith.constant true
      %broadcast_in_dim3A_198 = vector.broadcast %broadcast_in_dim3A_197 : i1 to vector<16xi1>
      %unique3A_199, %unique3A_200 = tpu.scan_count mask(%broadcast_in_dim3A_198 : vector<16xi1>) value(%and3A_170 : vector<16xi32>) : vector<16xi1>, vector<16xi32>
      %mul3A_201 = arith.constant 2 : i32
      %mul3A_202 = arith.muli %mul3A_201, %scan3A_59 : i32
      %add3A_203 = arith.constant 1 : i32
      %add3A_204 = arith.addi %mul3A_202, %add3A_203 : i32
      %add3A_205 = arith.constant 0 : i32
      %add3A_206 = arith.addi %add3A_204, %add3A_205 : i32
      %mul3A_207 = arith.constant 16 : i32
      %mul3A_208 = arith.muli %add3A_206, %mul3A_207 : i32
      %get3A_209 = arith.index_cast %mul3A_208 : i32 to index
      %get3A_210 = tpu.vector_load %arg6[%get3A_209] {strides = array<i32>} : memref<32768xi32, #tpu.memory_space<vmem>>, vector<16xi32>,
      %add3A_211 = arith.constant 256 : i32
      %add3A_212 = arith.addi %add3A_204, %add3A_211 : i32
      %mul3A_213 = arith.constant 16 : i32
      %mul3A_214 = arith.muli %add3A_212, %mul3A_213 : i32
      %get3A_215 = arith.index_cast %mul3A_214 : i32 to index
      %get3A_216 = tpu.vector_load %arg6[%get3A_215] {strides = array<i32>} : memref<32768xi32, #tpu.memory_space<vmem>>, vector<16xi32>,
      %add3A_217 = arith.constant 512 : i32
      %add3A_218 = arith.addi %add3A_204, %add3A_217 : i32
      %mul3A_219 = arith.constant 16 : i32
      %mul3A_220 = arith.muli %add3A_218, %mul3A_219 : i32
      %get3A_221 = arith.index_cast %mul3A_220 : i32 to index
      %get3A_222 = tpu.vector_load %arg6[%get3A_221] {strides = array<i32>} : memref<32768xi32, #tpu.memory_space<vmem>>, vector<16xi32>,
      %add3A_223 = arith.constant 768 : i32
      %add3A_224 = arith.addi %add3A_204, %add3A_223 : i32
      %mul3A_225 = arith.constant 16 : i32
      %mul3A_226 = arith.muli %add3A_224, %mul3A_225 : i32
      %get3A_227 = arith.index_cast %mul3A_226 : i32 to index
      %get3A_228 = tpu.vector_load %arg6[%get3A_227] {strides = array<i32>} : memref<32768xi32, #tpu.memory_space<vmem>>, vector<16xi32>,
      %add3A_229 = arith.constant 1024 : i32
      %add3A_230 = arith.addi %add3A_204, %add3A_229 : i32
      %mul3A_231 = arith.constant 16 : i32
      %mul3A_232 = arith.muli %add3A_230, %mul3A_231 : i32
      %get3A_233 = arith.index_cast %mul3A_232 : i32 to index
      %get3A_234 = tpu.vector_load %arg6[%get3A_233] {strides = array<i32>} : memref<32768xi32, #tpu.memory_space<vmem>>, vector<16xi32>,
      %add3A_235 = arith.constant 1280 : i32
      %add3A_236 = arith.addi %add3A_204, %add3A_235 : i32
      %mul3A_237 = arith.constant 16 : i32
      %mul3A_238 = arith.muli %add3A_236, %mul3A_237 : i32
      %get3A_239 = arith.index_cast %mul3A_238 : i32 to index
      %get3A_240 = tpu.vector_load %arg6[%get3A_239] {strides = array<i32>} : memref<32768xi32, #tpu.memory_space<vmem>>, vector<16xi32>,
      %add3A_241 = arith.constant 1536 : i32
      %add3A_242 = arith.addi %add3A_204, %add3A_241 : i32
      %mul3A_243 = arith.constant 16 : i32
      %mul3A_244 = arith.muli %add3A_242, %mul3A_243 : i32
      %get3A_245 = arith.index_cast %mul3A_244 : i32 to index
      %get3A_246 = tpu.vector_load %arg6[%get3A_245] {strides = array<i32>} : memref<32768xi32, #tpu.memory_space<vmem>>, vector<16xi32>,
      %add3A_247 = arith.constant 1792 : i32
      %add3A_248 = arith.addi %add3A_204, %add3A_247 : i32
      %mul3A_249 = arith.constant 16 : i32
      %mul3A_250 = arith.muli %add3A_248, %mul3A_249 : i32
      %get3A_251 = arith.index_cast %mul3A_250 : i32 to index
      %get3A_252 = tpu.vector_load %arg6[%get3A_251] {strides = array<i32>} : memref<32768xi32, #tpu.memory_space<vmem>>, vector<16xi32>,
      %gather3A_253 = tpu.vector_load_idx %arg5[%get3A_210] : memref<32768xf32, #tpu.memory_space<vmem>>[vector<16xi32>], vector<16xf32>,
      %bitcast3A_254 = vector.bitcast %gather3A_253 : vector<16xf32> to vector<16xi32>
      %gather3A_255 = tpu.vector_load_idx %arg5[%get3A_216] : memref<32768xf32, #tpu.memory_space<vmem>>[vector<16xi32>], vector<16xf32>,
      %bitcast3A_256 = vector.bitcast %gather3A_255 : vector<16xf32> to vector<16xi32>
      %gather3A_257 = tpu.vector_load_idx %arg5[%get3A_222] : memref<32768xf32, #tpu.memory_space<vmem>>[vector<16xi32>], vector<16xf32>,
      %bitcast3A_258 = vector.bitcast %gather3A_257 : vector<16xf32> to vector<16xi32>
      %gather3A_259 = tpu.vector_load_idx %arg5[%get3A_228] : memref<32768xf32, #tpu.memory_space<vmem>>[vector<16xi32>], vector<16xf32>,
      %bitcast3A_260 = vector.bitcast %gather3A_259 : vector<16xf32> to vector<16xi32>
      %gather3A_261 = tpu.vector_load_idx %arg5[%get3A_234] : memref<32768xf32, #tpu.memory_space<vmem>>[vector<16xi32>], vector<16xf32>,
      %bitcast3A_262 = vector.bitcast %gather3A_261 : vector<16xf32> to vector<16xi32>
      %gather3A_263 = tpu.vector_load_idx %arg5[%get3A_240] : memref<32768xf32, #tpu.memory_space<vmem>>[vector<16xi32>], vector<16xf32>,
      %bitcast3A_264 = vector.bitcast %gather3A_263 : vector<16xf32> to vector<16xi32>
      %gather3A_265 = tpu.vector_load_idx %arg5[%get3A_246] : memref<32768xf32, #tpu.memory_space<vmem>>[vector<16xi32>], vector<16xf32>,
      %bitcast3A_266 = vector.bitcast %gather3A_265 : vector<16xf32> to vector<16xi32>
      %gather3A_267 = tpu.vector_load_idx %arg5[%get3A_252] : memref<32768xf32, #tpu.memory_space<vmem>>[vector<16xi32>], vector<16xf32>,
      %bitcast3A_268 = vector.bitcast %gather3A_267 : vector<16xf32> to vector<16xi32>
      %shift_right_logical3A_269 = arith.constant 11 : i32
      %shift_right_logical3A_270 = vector.broadcast %shift_right_logical3A_269 : i32 to vector<16xi32>
      %shift_right_logical3A_271 = arith.shrui %bitcast3A_254, %shift_right_logical3A_270 : vector<16xi32>
      %and3A_272 = arith.constant 2047 : i32
      %and3A_273 = vector.broadcast %and3A_272 : i32 to vector<16xi32>
      %and3A_274 = arith.andi %shift_right_logical3A_271, %and3A_273 : vector<16xi32>
      %shift_right_logical3A_275 = arith.constant 11 : i32
      %shift_right_logical3A_276 = vector.broadcast %shift_right_logical3A_275 : i32 to vector<16xi32>
      %shift_right_logical3A_277 = arith.shrui %bitcast3A_256, %shift_right_logical3A_276 : vector<16xi32>
      %and3A_278 = arith.constant 2047 : i32
      %and3A_279 = vector.broadcast %and3A_278 : i32 to vector<16xi32>
      %and3A_280 = arith.andi %shift_right_logical3A_277, %and3A_279 : vector<16xi32>
      %shift_right_logical3A_281 = arith.constant 11 : i32
      %shift_right_logical3A_282 = vector.broadcast %shift_right_logical3A_281 : i32 to vector<16xi32>
      %shift_right_logical3A_283 = arith.shrui %bitcast3A_258, %shift_right_logical3A_282 : vector<16xi32>
      %and3A_284 = arith.constant 2047 : i32
      %and3A_285 = vector.broadcast %and3A_284 : i32 to vector<16xi32>
      %and3A_286 = arith.andi %shift_right_logical3A_283, %and3A_285 : vector<16xi32>
      %shift_right_logical3A_287 = arith.constant 11 : i32
      %shift_right_logical3A_288 = vector.broadcast %shift_right_logical3A_287 : i32 to vector<16xi32>
      %shift_right_logical3A_289 = arith.shrui %bitcast3A_260, %shift_right_logical3A_288 : vector<16xi32>
      %and3A_290 = arith.constant 2047 : i32
      %and3A_291 = vector.broadcast %and3A_290 : i32 to vector<16xi32>
      %and3A_292 = arith.andi %shift_right_logical3A_289, %and3A_291 : vector<16xi32>
      %shift_right_logical3A_293 = arith.constant 11 : i32
      %shift_right_logical3A_294 = vector.broadcast %shift_right_logical3A_293 : i32 to vector<16xi32>
      %shift_right_logical3A_295 = arith.shrui %bitcast3A_262, %shift_right_logical3A_294 : vector<16xi32>
      %and3A_296 = arith.constant 2047 : i32
      %and3A_297 = vector.broadcast %and3A_296 : i32 to vector<16xi32>
      %and3A_298 = arith.andi %shift_right_logical3A_295, %and3A_297 : vector<16xi32>
      %shift_right_logical3A_299 = arith.constant 11 : i32
      %shift_right_logical3A_300 = vector.broadcast %shift_right_logical3A_299 : i32 to vector<16xi32>
      %shift_right_logical3A_301 = arith.shrui %bitcast3A_264, %shift_right_logical3A_300 : vector<16xi32>
      %and3A_302 = arith.constant 2047 : i32
      %and3A_303 = vector.broadcast %and3A_302 : i32 to vector<16xi32>
      %and3A_304 = arith.andi %shift_right_logical3A_301, %and3A_303 : vector<16xi32>
      %shift_right_logical3A_305 = arith.constant 11 : i32
      %shift_right_logical3A_306 = vector.broadcast %shift_right_logical3A_305 : i32 to vector<16xi32>
      %shift_right_logical3A_307 = arith.shrui %bitcast3A_266, %shift_right_logical3A_306 : vector<16xi32>
      %and3A_308 = arith.constant 2047 : i32
      %and3A_309 = vector.broadcast %and3A_308 : i32 to vector<16xi32>
      %and3A_310 = arith.andi %shift_right_logical3A_307, %and3A_309 : vector<16xi32>
      %shift_right_logical3A_311 = arith.constant 11 : i32
      %shift_right_logical3A_312 = vector.broadcast %shift_right_logical3A_311 : i32 to vector<16xi32>
      %shift_right_logical3A_313 = arith.shrui %bitcast3A_268, %shift_right_logical3A_312 : vector<16xi32>
      %and3A_314 = arith.constant 2047 : i32
      %and3A_315 = vector.broadcast %and3A_314 : i32 to vector<16xi32>
      %and3A_316 = arith.andi %shift_right_logical3A_313, %and3A_315 : vector<16xi32>
      %broadcast_in_dim3A_317 = arith.constant true
      %broadcast_in_dim3A_318 = vector.broadcast %broadcast_in_dim3A_317 : i1 to vector<16xi1>
      %unique3A_319, %unique3A_320 = tpu.scan_count mask(%broadcast_in_dim3A_318 : vector<16xi1>) value(%and3A_274 : vector<16xi32>) : vector<16xi1>, vector<16xi32>
      %broadcast_in_dim3A_321 = arith.constant true
      %broadcast_in_dim3A_322 = vector.broadcast %broadcast_in_dim3A_321 : i1 to vector<16xi1>
      %unique3A_323, %unique3A_324 = tpu.scan_count mask(%broadcast_in_dim3A_322 : vector<16xi1>) value(%and3A_280 : vector<16xi32>) : vector<16xi1>, vector<16xi32>
      %broadcast_in_dim3A_325 = arith.constant true
      %broadcast_in_dim3A_326 = vector.broadcast %broadcast_in_dim3A_325 : i1 to vector<16xi1>
      %unique3A_327, %unique3A_328 = tpu.scan_count mask(%broadcast_in_dim3A_326 : vector<16xi1>) value(%and3A_286 : vector<16xi32>) : vector<16xi1>, vector<16xi32>
      %broadcast_in_dim3A_329 = arith.constant true
      %broadcast_in_dim3A_330 = vector.broadcast %broadcast_in_dim3A_329 : i1 to vector<16xi1>
      %unique3A_331, %unique3A_332 = tpu.scan_count mask(%broadcast_in_dim3A_330 : vector<16xi1>) value(%and3A_292 : vector<16xi32>) : vector<16xi1>, vector<16xi32>
      %broadcast_in_dim3A_333 = arith.constant true
      %broadcast_in_dim3A_334 = vector.broadcast %broadcast_in_dim3A_333 : i1 to vector<16xi1>
      %unique3A_335, %unique3A_336 = tpu.scan_count mask(%broadcast_in_dim3A_334 : vector<16xi1>) value(%and3A_298 : vector<16xi32>) : vector<16xi1>, vector<16xi32>
      %broadcast_in_dim3A_337 = arith.constant true
      %broadcast_in_dim3A_338 = vector.broadcast %broadcast_in_dim3A_337 : i1 to vector<16xi1>
      %unique3A_339, %unique3A_340 = tpu.scan_count mask(%broadcast_in_dim3A_338 : vector<16xi1>) value(%and3A_304 : vector<16xi32>) : vector<16xi1>, vector<16xi32>
      %broadcast_in_dim3A_341 = arith.constant true
      %broadcast_in_dim3A_342 = vector.broadcast %broadcast_in_dim3A_341 : i1 to vector<16xi1>
      %unique3A_343, %unique3A_344 = tpu.scan_count mask(%broadcast_in_dim3A_342 : vector<16xi1>) value(%and3A_310 : vector<16xi32>) : vector<16xi1>, vector<16xi32>
      %broadcast_in_dim3A_345 = arith.constant true
      %broadcast_in_dim3A_346 = vector.broadcast %broadcast_in_dim3A_345 : i1 to vector<16xi1>
      %unique3A_347, %unique3A_348 = tpu.scan_count mask(%broadcast_in_dim3A_346 : vector<16xi1>) value(%and3A_316 : vector<16xi32>) : vector<16xi1>, vector<16xi32>
      %mul3A_349 = arith.constant 2 : i32
      %mul3A_350 = arith.muli %mul3A_349, %scan3A_59 : i32
      %add3A_351 = arith.constant 0 : i32
      %add3A_352 = arith.addi %mul3A_350, %add3A_351 : i32
      %gather3A_353 = tpu.vector_load_idx %arg8[%and3A_128] : memref<2048xi32, #tpu.memory_space<vmem>>[vector<16xi32>], vector<16xi32>,
      %gather3A_354 = tpu.vector_load_idx %arg9[%and3A_134] : memref<2048xi32, #tpu.memory_space<vmem>>[vector<16xi32>], vector<16xi32>,
      %gather3A_355 = tpu.vector_load_idx %arg10[%and3A_140] : memref<2048xi32, #tpu.memory_space<vmem>>[vector<16xi32>], vector<16xi32>,
      %gather3A_356 = tpu.vector_load_idx %arg11[%and3A_146] : memref<2048xi32, #tpu.memory_space<vmem>>[vector<16xi32>], vector<16xi32>,
      %gather3A_357 = tpu.vector_load_idx %arg12[%and3A_152] : memref<2048xi32, #tpu.memory_space<vmem>>[vector<16xi32>], vector<16xi32>,
      %gather3A_358 = tpu.vector_load_idx %arg13[%and3A_158] : memref<2048xi32, #tpu.memory_space<vmem>>[vector<16xi32>], vector<16xi32>,
      %gather3A_359 = tpu.vector_load_idx %arg14[%and3A_164] : memref<2048xi32, #tpu.memory_space<vmem>>[vector<16xi32>], vector<16xi32>,
      %gather3A_360 = tpu.vector_load_idx %arg15[%and3A_170] : memref<2048xi32, #tpu.memory_space<vmem>>[vector<16xi32>], vector<16xi32>,
      %add3A_361 = arith.addi %gather3A_353, %unique3A_172 : vector<16xi32>
      %add3A_362 = arith.addi %gather3A_354, %unique3A_176 : vector<16xi32>
      %add3A_363 = arith.addi %gather3A_355, %unique3A_180 : vector<16xi32>
      %add3A_364 = arith.addi %gather3A_356, %unique3A_184 : vector<16xi32>
      %add3A_365 = arith.addi %gather3A_357, %unique3A_188 : vector<16xi32>
      %add3A_366 = arith.addi %gather3A_358, %unique3A_192 : vector<16xi32>
      %add3A_367 = arith.addi %gather3A_359, %unique3A_196 : vector<16xi32>
      %add3A_368 = arith.addi %gather3A_360, %unique3A_200 : vector<16xi32>
      tpu.vector_store_idx %arg8[%and3A_128], %add3A_361 masked %unique3A : memref<2048xi32, #tpu.memory_space<vmem>>[vector<16xi32>], vector<16xi32>, vector<16xi1>
      tpu.vector_store_idx %arg9[%and3A_134], %add3A_362 masked %unique3A_175 : memref<2048xi32, #tpu.memory_space<vmem>>[vector<16xi32>], vector<16xi32>, vector<16xi1>
      tpu.vector_store_idx %arg10[%and3A_140], %add3A_363 masked %unique3A_179 : memref<2048xi32, #tpu.memory_space<vmem>>[vector<16xi32>], vector<16xi32>, vector<16xi1>
      tpu.vector_store_idx %arg11[%and3A_146], %add3A_364 masked %unique3A_183 : memref<2048xi32, #tpu.memory_space<vmem>>[vector<16xi32>], vector<16xi32>, vector<16xi1>
      tpu.vector_store_idx %arg12[%and3A_152], %add3A_365 masked %unique3A_187 : memref<2048xi32, #tpu.memory_space<vmem>>[vector<16xi32>], vector<16xi32>, vector<16xi1>
      tpu.vector_store_idx %arg13[%and3A_158], %add3A_366 masked %unique3A_191 : memref<2048xi32, #tpu.memory_space<vmem>>[vector<16xi32>], vector<16xi32>, vector<16xi1>
      tpu.vector_store_idx %arg14[%and3A_164], %add3A_367 masked %unique3A_195 : memref<2048xi32, #tpu.memory_space<vmem>>[vector<16xi32>], vector<16xi32>, vector<16xi1>
      tpu.vector_store_idx %arg15[%and3A_170], %add3A_368 masked %unique3A_199 : memref<2048xi32, #tpu.memory_space<vmem>>[vector<16xi32>], vector<16xi32>, vector<16xi1>
      %sub3A = arith.constant 1 : i32
      %sub3A_369 = vector.broadcast %sub3A : i32 to vector<16xi32>
      %sub3A_370 = arith.subi %add3A_361, %sub3A_369 : vector<16xi32>
      %shift_left3A = arith.constant 15 : i32
      %shift_left3A_371 = vector.broadcast %shift_left3A : i32 to vector<16xi32>
      %shift_left3A_372 = arith.shli %sub3A_370, %shift_left3A_371 : vector<16xi32>
      %or3A = arith.ori %shift_left3A_372, %get3A_68 : vector<16xi32>
      %bitcast3A_373 = vector.bitcast %or3A : vector<16xi32> to vector<16xf32>
      %add3A_374 = arith.constant 0 : i32
      %add3A_375 = arith.addi %add3A_352, %add3A_374 : i32
      %mul3A_376 = arith.constant 16 : i32
      %mul3A_377 = arith.muli %add3A_375, %mul3A_376 : i32
      %swap3A = arith.index_cast %mul3A_377 : i32 to index
      %swap3A_378 = tpu.vector_load %arg7[%swap3A] {strides = array<i32>} : memref<32768xf32, #tpu.memory_space<vmem>>, vector<16xf32>,
      tpu.vector_store %arg7[%swap3A], %bitcast3A_373 {strides = array<i32>} : memref<32768xf32, #tpu.memory_space<vmem>>, vector<16xf32>,
      %sub3A_379 = arith.constant 1 : i32
      %sub3A_380 = vector.broadcast %sub3A_379 : i32 to vector<16xi32>
      %sub3A_381 = arith.subi %add3A_362, %sub3A_380 : vector<16xi32>
      %shift_left3A_382 = arith.constant 15 : i32
      %shift_left3A_383 = vector.broadcast %shift_left3A_382 : i32 to vector<16xi32>
      %shift_left3A_384 = arith.shli %sub3A_381, %shift_left3A_383 : vector<16xi32>
      %or3A_385 = arith.ori %shift_left3A_384, %get3A_74 : vector<16xi32>
      %bitcast3A_386 = vector.bitcast %or3A_385 : vector<16xi32> to vector<16xf32>
      %add3A_387 = arith.constant 256 : i32
      %add3A_388 = arith.addi %add3A_352, %add3A_387 : i32
      %mul3A_389 = arith.constant 16 : i32
      %mul3A_390 = arith.muli %add3A_388, %mul3A_389 : i32
      %swap3A_391 = arith.index_cast %mul3A_390 : i32 to index
      %swap3A_392 = tpu.vector_load %arg7[%swap3A_391] {strides = array<i32>} : memref<32768xf32, #tpu.memory_space<vmem>>, vector<16xf32>,
      tpu.vector_store %arg7[%swap3A_391], %bitcast3A_386 {strides = array<i32>} : memref<32768xf32, #tpu.memory_space<vmem>>, vector<16xf32>,
      %sub3A_393 = arith.constant 1 : i32
      %sub3A_394 = vector.broadcast %sub3A_393 : i32 to vector<16xi32>
      %sub3A_395 = arith.subi %add3A_363, %sub3A_394 : vector<16xi32>
      %shift_left3A_396 = arith.constant 15 : i32
      %shift_left3A_397 = vector.broadcast %shift_left3A_396 : i32 to vector<16xi32>
      %shift_left3A_398 = arith.shli %sub3A_395, %shift_left3A_397 : vector<16xi32>
      %or3A_399 = arith.ori %shift_left3A_398, %get3A_80 : vector<16xi32>
      %bitcast3A_400 = vector.bitcast %or3A_399 : vector<16xi32> to vector<16xf32>
      %add3A_401 = arith.constant 512 : i32
      %add3A_402 = arith.addi %add3A_352, %add3A_401 : i32
      %mul3A_403 = arith.constant 16 : i32
      %mul3A_404 = arith.muli %add3A_402, %mul3A_403 : i32
      %swap3A_405 = arith.index_cast %mul3A_404 : i32 to index
      %swap3A_406 = tpu.vector_load %arg7[%swap3A_405] {strides = array<i32>} : memref<32768xf32, #tpu.memory_space<vmem>>, vector<16xf32>,
      tpu.vector_store %arg7[%swap3A_405], %bitcast3A_400 {strides = array<i32>} : memref<32768xf32, #tpu.memory_space<vmem>>, vector<16xf32>,
      %sub3A_407 = arith.constant 1 : i32
      %sub3A_408 = vector.broadcast %sub3A_407 : i32 to vector<16xi32>
      %sub3A_409 = arith.subi %add3A_364, %sub3A_408 : vector<16xi32>
      %shift_left3A_410 = arith.constant 15 : i32
      %shift_left3A_411 = vector.broadcast %shift_left3A_410 : i32 to vector<16xi32>
      %shift_left3A_412 = arith.shli %sub3A_409, %shift_left3A_411 : vector<16xi32>
      %or3A_413 = arith.ori %shift_left3A_412, %get3A_86 : vector<16xi32>
      %bitcast3A_414 = vector.bitcast %or3A_413 : vector<16xi32> to vector<16xf32>
      %add3A_415 = arith.constant 768 : i32
      %add3A_416 = arith.addi %add3A_352, %add3A_415 : i32
      %mul3A_417 = arith.constant 16 : i32
      %mul3A_418 = arith.muli %add3A_416, %mul3A_417 : i32
      %swap3A_419 = arith.index_cast %mul3A_418 : i32 to index
      %swap3A_420 = tpu.vector_load %arg7[%swap3A_419] {strides = array<i32>} : memref<32768xf32, #tpu.memory_space<vmem>>, vector<16xf32>,
      tpu.vector_store %arg7[%swap3A_419], %bitcast3A_414 {strides = array<i32>} : memref<32768xf32, #tpu.memory_space<vmem>>, vector<16xf32>,
      %sub3A_421 = arith.constant 1 : i32
      %sub3A_422 = vector.broadcast %sub3A_421 : i32 to vector<16xi32>
      %sub3A_423 = arith.subi %add3A_365, %sub3A_422 : vector<16xi32>
      %shift_left3A_424 = arith.constant 15 : i32
      %shift_left3A_425 = vector.broadcast %shift_left3A_424 : i32 to vector<16xi32>
      %shift_left3A_426 = arith.shli %sub3A_423, %shift_left3A_425 : vector<16xi32>
      %or3A_427 = arith.ori %shift_left3A_426, %get3A_92 : vector<16xi32>
      %bitcast3A_428 = vector.bitcast %or3A_427 : vector<16xi32> to vector<16xf32>
      %add3A_429 = arith.constant 1024 : i32
      %add3A_430 = arith.addi %add3A_352, %add3A_429 : i32
      %mul3A_431 = arith.constant 16 : i32
      %mul3A_432 = arith.muli %add3A_430, %mul3A_431 : i32
      %swap3A_433 = arith.index_cast %mul3A_432 : i32 to index
      %swap3A_434 = tpu.vector_load %arg7[%swap3A_433] {strides = array<i32>} : memref<32768xf32, #tpu.memory_space<vmem>>, vector<16xf32>,
      tpu.vector_store %arg7[%swap3A_433], %bitcast3A_428 {strides = array<i32>} : memref<32768xf32, #tpu.memory_space<vmem>>, vector<16xf32>,
      %sub3A_435 = arith.constant 1 : i32
      %sub3A_436 = vector.broadcast %sub3A_435 : i32 to vector<16xi32>
      %sub3A_437 = arith.subi %add3A_366, %sub3A_436 : vector<16xi32>
      %shift_left3A_438 = arith.constant 15 : i32
      %shift_left3A_439 = vector.broadcast %shift_left3A_438 : i32 to vector<16xi32>
      %shift_left3A_440 = arith.shli %sub3A_437, %shift_left3A_439 : vector<16xi32>
      %or3A_441 = arith.ori %shift_left3A_440, %get3A_98 : vector<16xi32>
      %bitcast3A_442 = vector.bitcast %or3A_441 : vector<16xi32> to vector<16xf32>
      %add3A_443 = arith.constant 1280 : i32
      %add3A_444 = arith.addi %add3A_352, %add3A_443 : i32
      %mul3A_445 = arith.constant 16 : i32
      %mul3A_446 = arith.muli %add3A_444, %mul3A_445 : i32
      %swap3A_447 = arith.index_cast %mul3A_446 : i32 to index
      %swap3A_448 = tpu.vector_load %arg7[%swap3A_447] {strides = array<i32>} : memref<32768xf32, #tpu.memory_space<vmem>>, vector<16xf32>,
      tpu.vector_store %arg7[%swap3A_447], %bitcast3A_442 {strides = array<i32>} : memref<32768xf32, #tpu.memory_space<vmem>>, vector<16xf32>,
      %sub3A_449 = arith.constant 1 : i32
      %sub3A_450 = vector.broadcast %sub3A_449 : i32 to vector<16xi32>
      %sub3A_451 = arith.subi %add3A_367, %sub3A_450 : vector<16xi32>
      %shift_left3A_452 = arith.constant 15 : i32
      %shift_left3A_453 = vector.broadcast %shift_left3A_452 : i32 to vector<16xi32>
      %shift_left3A_454 = arith.shli %sub3A_451, %shift_left3A_453 : vector<16xi32>
      %or3A_455 = arith.ori %shift_left3A_454, %get3A_104 : vector<16xi32>
      %bitcast3A_456 = vector.bitcast %or3A_455 : vector<16xi32> to vector<16xf32>
      %add3A_457 = arith.constant 1536 : i32
      %add3A_458 = arith.addi %add3A_352, %add3A_457 : i32
      %mul3A_459 = arith.constant 16 : i32
      %mul3A_460 = arith.muli %add3A_458, %mul3A_459 : i32
      %swap3A_461 = arith.index_cast %mul3A_460 : i32 to index
      %swap3A_462 = tpu.vector_load %arg7[%swap3A_461] {strides = array<i32>} : memref<32768xf32, #tpu.memory_space<vmem>>, vector<16xf32>,
      tpu.vector_store %arg7[%swap3A_461], %bitcast3A_456 {strides = array<i32>} : memref<32768xf32, #tpu.memory_space<vmem>>, vector<16xf32>,
      %sub3A_463 = arith.constant 1 : i32
      %sub3A_464 = vector.broadcast %sub3A_463 : i32 to vector<16xi32>
      %sub3A_465 = arith.subi %add3A_368, %sub3A_464 : vector<16xi32>
      %shift_left3A_466 = arith.constant 15 : i32
      %shift_left3A_467 = vector.broadcast %shift_left3A_466 : i32 to vector<16xi32>
      %shift_left3A_468 = arith.shli %sub3A_465, %shift_left3A_467 : vector<16xi32>
      %or3A_469 = arith.ori %shift_left3A_468, %get3A_110 : vector<16xi32>
      %bitcast3A_470 = vector.bitcast %or3A_469 : vector<16xi32> to vector<16xf32>
      %add3A_471 = arith.constant 1792 : i32
      %add3A_472 = arith.addi %add3A_352, %add3A_471 : i32
      %mul3A_473 = arith.constant 16 : i32
      %mul3A_474 = arith.muli %add3A_472, %mul3A_473 : i32
      %swap3A_475 = arith.index_cast %mul3A_474 : i32 to index
      %swap3A_476 = tpu.vector_load %arg7[%swap3A_475] {strides = array<i32>} : memref<32768xf32, #tpu.memory_space<vmem>>, vector<16xf32>,
      tpu.vector_store %arg7[%swap3A_475], %bitcast3A_470 {strides = array<i32>} : memref<32768xf32, #tpu.memory_space<vmem>>, vector<16xf32>,
      %mul3A_477 = arith.constant 2 : i32
      %mul3A_478 = arith.muli %mul3A_477, %scan3A_59 : i32
      %add3A_479 = arith.constant 1 : i32
      %add3A_480 = arith.addi %mul3A_478, %add3A_479 : i32
      %gather3A_481 = tpu.vector_load_idx %arg8[%and3A_274] : memref<2048xi32, #tpu.memory_space<vmem>>[vector<16xi32>], vector<16xi32>,
      %gather3A_482 = tpu.vector_load_idx %arg9[%and3A_280] : memref<2048xi32, #tpu.memory_space<vmem>>[vector<16xi32>], vector<16xi32>,
      %gather3A_483 = tpu.vector_load_idx %arg10[%and3A_286] : memref<2048xi32, #tpu.memory_space<vmem>>[vector<16xi32>], vector<16xi32>,
      %gather3A_484 = tpu.vector_load_idx %arg11[%and3A_292] : memref<2048xi32, #tpu.memory_space<vmem>>[vector<16xi32>], vector<16xi32>,
      %gather3A_485 = tpu.vector_load_idx %arg12[%and3A_298] : memref<2048xi32, #tpu.memory_space<vmem>>[vector<16xi32>], vector<16xi32>,
      %gather3A_486 = tpu.vector_load_idx %arg13[%and3A_304] : memref<2048xi32, #tpu.memory_space<vmem>>[vector<16xi32>], vector<16xi32>,
      %gather3A_487 = tpu.vector_load_idx %arg14[%and3A_310] : memref<2048xi32, #tpu.memory_space<vmem>>[vector<16xi32>], vector<16xi32>,
      %gather3A_488 = tpu.vector_load_idx %arg15[%and3A_316] : memref<2048xi32, #tpu.memory_space<vmem>>[vector<16xi32>], vector<16xi32>,
      %add3A_489 = arith.addi %gather3A_481, %unique3A_320 : vector<16xi32>
      %add3A_490 = arith.addi %gather3A_482, %unique3A_324 : vector<16xi32>
      %add3A_491 = arith.addi %gather3A_483, %unique3A_328 : vector<16xi32>
      %add3A_492 = arith.addi %gather3A_484, %unique3A_332 : vector<16xi32>
      %add3A_493 = arith.addi %gather3A_485, %unique3A_336 : vector<16xi32>
      %add3A_494 = arith.addi %gather3A_486, %unique3A_340 : vector<16xi32>
      %add3A_495 = arith.addi %gather3A_487, %unique3A_344 : vector<16xi32>
      %add3A_496 = arith.addi %gather3A_488, %unique3A_348 : vector<16xi32>
      tpu.vector_store_idx %arg8[%and3A_274], %add3A_489 masked %unique3A_319 : memref<2048xi32, #tpu.memory_space<vmem>>[vector<16xi32>], vector<16xi32>, vector<16xi1>
      tpu.vector_store_idx %arg9[%and3A_280], %add3A_490 masked %unique3A_323 : memref<2048xi32, #tpu.memory_space<vmem>>[vector<16xi32>], vector<16xi32>, vector<16xi1>
      tpu.vector_store_idx %arg10[%and3A_286], %add3A_491 masked %unique3A_327 : memref<2048xi32, #tpu.memory_space<vmem>>[vector<16xi32>], vector<16xi32>, vector<16xi1>
      tpu.vector_store_idx %arg11[%and3A_292], %add3A_492 masked %unique3A_331 : memref<2048xi32, #tpu.memory_space<vmem>>[vector<16xi32>], vector<16xi32>, vector<16xi1>
      tpu.vector_store_idx %arg12[%and3A_298], %add3A_493 masked %unique3A_335 : memref<2048xi32, #tpu.memory_space<vmem>>[vector<16xi32>], vector<16xi32>, vector<16xi1>
      tpu.vector_store_idx %arg13[%and3A_304], %add3A_494 masked %unique3A_339 : memref<2048xi32, #tpu.memory_space<vmem>>[vector<16xi32>], vector<16xi32>, vector<16xi1>
      tpu.vector_store_idx %arg14[%and3A_310], %add3A_495 masked %unique3A_343 : memref<2048xi32, #tpu.memory_space<vmem>>[vector<16xi32>], vector<16xi32>, vector<16xi1>
      tpu.vector_store_idx %arg15[%and3A_316], %add3A_496 masked %unique3A_347 : memref<2048xi32, #tpu.memory_space<vmem>>[vector<16xi32>], vector<16xi32>, vector<16xi1>
      %sub3A_497 = arith.constant 1 : i32
      %sub3A_498 = vector.broadcast %sub3A_497 : i32 to vector<16xi32>
      %sub3A_499 = arith.subi %add3A_489, %sub3A_498 : vector<16xi32>
      %shift_left3A_500 = arith.constant 15 : i32
      %shift_left3A_501 = vector.broadcast %shift_left3A_500 : i32 to vector<16xi32>
      %shift_left3A_502 = arith.shli %sub3A_499, %shift_left3A_501 : vector<16xi32>
      %or3A_503 = arith.ori %shift_left3A_502, %get3A_210 : vector<16xi32>
      %bitcast3A_504 = vector.bitcast %or3A_503 : vector<16xi32> to vector<16xf32>
      %add3A_505 = arith.constant 0 : i32
      %add3A_506 = arith.addi %add3A_480, %add3A_505 : i32
      %mul3A_507 = arith.constant 16 : i32
      %mul3A_508 = arith.muli %add3A_506, %mul3A_507 : i32
      %swap3A_509 = arith.index_cast %mul3A_508 : i32 to index
      %swap3A_510 = tpu.vector_load %arg7[%swap3A_509] {strides = array<i32>} : memref<32768xf32, #tpu.memory_space<vmem>>, vector<16xf32>,
      tpu.vector_store %arg7[%swap3A_509], %bitcast3A_504 {strides = array<i32>} : memref<32768xf32, #tpu.memory_space<vmem>>, vector<16xf32>,
      %sub3A_511 = arith.constant 1 : i32
      %sub3A_512 = vector.broadcast %sub3A_511 : i32 to vector<16xi32>
      %sub3A_513 = arith.subi %add3A_490, %sub3A_512 : vector<16xi32>
      %shift_left3A_514 = arith.constant 15 : i32
      %shift_left3A_515 = vector.broadcast %shift_left3A_514 : i32 to vector<16xi32>
      %shift_left3A_516 = arith.shli %sub3A_513, %shift_left3A_515 : vector<16xi32>
      %or3A_517 = arith.ori %shift_left3A_516, %get3A_216 : vector<16xi32>
      %bitcast3A_518 = vector.bitcast %or3A_517 : vector<16xi32> to vector<16xf32>
      %add3A_519 = arith.constant 256 : i32
      %add3A_520 = arith.addi %add3A_480, %add3A_519 : i32
      %mul3A_521 = arith.constant 16 : i32
      %mul3A_522 = arith.muli %add3A_520, %mul3A_521 : i32
      %swap3A_523 = arith.index_cast %mul3A_522 : i32 to index
      %swap3A_524 = tpu.vector_load %arg7[%swap3A_523] {strides = array<i32>} : memref<32768xf32, #tpu.memory_space<vmem>>, vector<16xf32>,
      tpu.vector_store %arg7[%swap3A_523], %bitcast3A_518 {strides = array<i32>} : memref<32768xf32, #tpu.memory_space<vmem>>, vector<16xf32>,
      %sub3A_525 = arith.constant 1 : i32
      %sub3A_526 = vector.broadcast %sub3A_525 : i32 to vector<16xi32>
      %sub3A_527 = arith.subi %add3A_491, %sub3A_526 : vector<16xi32>
      %shift_left3A_528 = arith.constant 15 : i32
      %shift_left3A_529 = vector.broadcast %shift_left3A_528 : i32 to vector<16xi32>
      %shift_left3A_530 = arith.shli %sub3A_527, %shift_left3A_529 : vector<16xi32>
      %or3A_531 = arith.ori %shift_left3A_530, %get3A_222 : vector<16xi32>
      %bitcast3A_532 = vector.bitcast %or3A_531 : vector<16xi32> to vector<16xf32>
      %add3A_533 = arith.constant 512 : i32
      %add3A_534 = arith.addi %add3A_480, %add3A_533 : i32
      %mul3A_535 = arith.constant 16 : i32
      %mul3A_536 = arith.muli %add3A_534, %mul3A_535 : i32
      %swap3A_537 = arith.index_cast %mul3A_536 : i32 to index
      %swap3A_538 = tpu.vector_load %arg7[%swap3A_537] {strides = array<i32>} : memref<32768xf32, #tpu.memory_space<vmem>>, vector<16xf32>,
      tpu.vector_store %arg7[%swap3A_537], %bitcast3A_532 {strides = array<i32>} : memref<32768xf32, #tpu.memory_space<vmem>>, vector<16xf32>,
      %sub3A_539 = arith.constant 1 : i32
      %sub3A_540 = vector.broadcast %sub3A_539 : i32 to vector<16xi32>
      %sub3A_541 = arith.subi %add3A_492, %sub3A_540 : vector<16xi32>
      %shift_left3A_542 = arith.constant 15 : i32
      %shift_left3A_543 = vector.broadcast %shift_left3A_542 : i32 to vector<16xi32>
      %shift_left3A_544 = arith.shli %sub3A_541, %shift_left3A_543 : vector<16xi32>
      %or3A_545 = arith.ori %shift_left3A_544, %get3A_228 : vector<16xi32>
      %bitcast3A_546 = vector.bitcast %or3A_545 : vector<16xi32> to vector<16xf32>
      %add3A_547 = arith.constant 768 : i32
      %add3A_548 = arith.addi %add3A_480, %add3A_547 : i32
      %mul3A_549 = arith.constant 16 : i32
      %mul3A_550 = arith.muli %add3A_548, %mul3A_549 : i32
      %swap3A_551 = arith.index_cast %mul3A_550 : i32 to index
      %swap3A_552 = tpu.vector_load %arg7[%swap3A_551] {strides = array<i32>} : memref<32768xf32, #tpu.memory_space<vmem>>, vector<16xf32>,
      tpu.vector_store %arg7[%swap3A_551], %bitcast3A_546 {strides = array<i32>} : memref<32768xf32, #tpu.memory_space<vmem>>, vector<16xf32>,
      %sub3A_553 = arith.constant 1 : i32
      %sub3A_554 = vector.broadcast %sub3A_553 : i32 to vector<16xi32>
      %sub3A_555 = arith.subi %add3A_493, %sub3A_554 : vector<16xi32>
      %shift_left3A_556 = arith.constant 15 : i32
      %shift_left3A_557 = vector.broadcast %shift_left3A_556 : i32 to vector<16xi32>
      %shift_left3A_558 = arith.shli %sub3A_555, %shift_left3A_557 : vector<16xi32>
      %or3A_559 = arith.ori %shift_left3A_558, %get3A_234 : vector<16xi32>
      %bitcast3A_560 = vector.bitcast %or3A_559 : vector<16xi32> to vector<16xf32>
      %add3A_561 = arith.constant 1024 : i32
      %add3A_562 = arith.addi %add3A_480, %add3A_561 : i32
      %mul3A_563 = arith.constant 16 : i32
      %mul3A_564 = arith.muli %add3A_562, %mul3A_563 : i32
      %swap3A_565 = arith.index_cast %mul3A_564 : i32 to index
      %swap3A_566 = tpu.vector_load %arg7[%swap3A_565] {strides = array<i32>} : memref<32768xf32, #tpu.memory_space<vmem>>, vector<16xf32>,
      tpu.vector_store %arg7[%swap3A_565], %bitcast3A_560 {strides = array<i32>} : memref<32768xf32, #tpu.memory_space<vmem>>, vector<16xf32>,
      %sub3A_567 = arith.constant 1 : i32
      %sub3A_568 = vector.broadcast %sub3A_567 : i32 to vector<16xi32>
      %sub3A_569 = arith.subi %add3A_494, %sub3A_568 : vector<16xi32>
      %shift_left3A_570 = arith.constant 15 : i32
      %shift_left3A_571 = vector.broadcast %shift_left3A_570 : i32 to vector<16xi32>
      %shift_left3A_572 = arith.shli %sub3A_569, %shift_left3A_571 : vector<16xi32>
      %or3A_573 = arith.ori %shift_left3A_572, %get3A_240 : vector<16xi32>
      %bitcast3A_574 = vector.bitcast %or3A_573 : vector<16xi32> to vector<16xf32>
      %add3A_575 = arith.constant 1280 : i32
      %add3A_576 = arith.addi %add3A_480, %add3A_575 : i32
      %mul3A_577 = arith.constant 16 : i32
      %mul3A_578 = arith.muli %add3A_576, %mul3A_577 : i32
      %swap3A_579 = arith.index_cast %mul3A_578 : i32 to index
      %swap3A_580 = tpu.vector_load %arg7[%swap3A_579] {strides = array<i32>} : memref<32768xf32, #tpu.memory_space<vmem>>, vector<16xf32>,
      tpu.vector_store %arg7[%swap3A_579], %bitcast3A_574 {strides = array<i32>} : memref<32768xf32, #tpu.memory_space<vmem>>, vector<16xf32>,
      %sub3A_581 = arith.constant 1 : i32
      %sub3A_582 = vector.broadcast %sub3A_581 : i32 to vector<16xi32>
      %sub3A_583 = arith.subi %add3A_495, %sub3A_582 : vector<16xi32>
      %shift_left3A_584 = arith.constant 15 : i32
      %shift_left3A_585 = vector.broadcast %shift_left3A_584 : i32 to vector<16xi32>
      %shift_left3A_586 = arith.shli %sub3A_583, %shift_left3A_585 : vector<16xi32>
      %or3A_587 = arith.ori %shift_left3A_586, %get3A_246 : vector<16xi32>
      %bitcast3A_588 = vector.bitcast %or3A_587 : vector<16xi32> to vector<16xf32>
      %add3A_589 = arith.constant 1536 : i32
      %add3A_590 = arith.addi %add3A_480, %add3A_589 : i32
      %mul3A_591 = arith.constant 16 : i32
      %mul3A_592 = arith.muli %add3A_590, %mul3A_591 : i32
      %swap3A_593 = arith.index_cast %mul3A_592 : i32 to index
      %swap3A_594 = tpu.vector_load %arg7[%swap3A_593] {strides = array<i32>} : memref<32768xf32, #tpu.memory_space<vmem>>, vector<16xf32>,
      tpu.vector_store %arg7[%swap3A_593], %bitcast3A_588 {strides = array<i32>} : memref<32768xf32, #tpu.memory_space<vmem>>, vector<16xf32>,
      %sub3A_595 = arith.constant 1 : i32
      %sub3A_596 = vector.broadcast %sub3A_595 : i32 to vector<16xi32>
      %sub3A_597 = arith.subi %add3A_496, %sub3A_596 : vector<16xi32>
      %shift_left3A_598 = arith.constant 15 : i32
      %shift_left3A_599 = vector.broadcast %shift_left3A_598 : i32 to vector<16xi32>
      %shift_left3A_600 = arith.shli %sub3A_597, %shift_left3A_599 : vector<16xi32>
      %or3A_601 = arith.ori %shift_left3A_600, %get3A_252 : vector<16xi32>
      %bitcast3A_602 = vector.bitcast %or3A_601 : vector<16xi32> to vector<16xf32>
      %add3A_603 = arith.constant 1792 : i32
      %add3A_604 = arith.addi %add3A_480, %add3A_603 : i32
      %mul3A_605 = arith.constant 16 : i32
      %mul3A_606 = arith.muli %add3A_604, %mul3A_605 : i32
      %swap3A_607 = arith.index_cast %mul3A_606 : i32 to index
      %swap3A_608 = tpu.vector_load %arg7[%swap3A_607] {strides = array<i32>} : memref<32768xf32, #tpu.memory_space<vmem>>, vector<16xf32>,
      tpu.vector_store %arg7[%swap3A_607], %bitcast3A_602 {strides = array<i32>} : memref<32768xf32, #tpu.memory_space<vmem>>, vector<16xf32>,
    }
    %scan3A_26 = arith.constant 128 : i32
    %scan3A_27 = arith.constant 0 : i32
    %scan3A_28 = arith.constant 0 : i32
    %scan3A_29 = arith.constant 128 : i32
    %scan3A_30 = arith.addi %scan3A_28, %scan3A_29 : i32
    %scan3A_31 = arith.constant 1 : i32
    %scan3A_32 = scf.for %scan3A_59 = %scan3A_28 to %scan3A_30 step %scan3A_31 iter_args(%scan3A_60 = %scan3A_27) -> (i32)  : i32 {
      %mul3A_61 = arith.constant 16 : i32
      %mul3A_62 = arith.muli %scan3A_59, %mul3A_61 : i32
      %get3A = arith.index_cast %mul3A_62 : i32 to index
      %get3A_63 = tpu.vector_load %arg8[%get3A] {strides = array<i32>} : memref<2048xi32, #tpu.memory_space<vmem>>, vector<16xi32>,
      %mul3A_64 = arith.constant 16 : i32
      %mul3A_65 = arith.muli %scan3A_59, %mul3A_64 : i32
      %get3A_66 = arith.index_cast %mul3A_65 : i32 to index
      %get3A_67 = tpu.vector_load %arg9[%get3A_66] {strides = array<i32>} : memref<2048xi32, #tpu.memory_space<vmem>>, vector<16xi32>,
      %mul3A_68 = arith.constant 16 : i32
      %mul3A_69 = arith.muli %scan3A_59, %mul3A_68 : i32
      %get3A_70 = arith.index_cast %mul3A_69 : i32 to index
      %get3A_71 = tpu.vector_load %arg10[%get3A_70] {strides = array<i32>} : memref<2048xi32, #tpu.memory_space<vmem>>, vector<16xi32>,
      %mul3A_72 = arith.constant 16 : i32
      %mul3A_73 = arith.muli %scan3A_59, %mul3A_72 : i32
      %get3A_74 = arith.index_cast %mul3A_73 : i32 to index
      %get3A_75 = tpu.vector_load %arg11[%get3A_74] {strides = array<i32>} : memref<2048xi32, #tpu.memory_space<vmem>>, vector<16xi32>,
      %mul3A_76 = arith.constant 16 : i32
      %mul3A_77 = arith.muli %scan3A_59, %mul3A_76 : i32
      %get3A_78 = arith.index_cast %mul3A_77 : i32 to index
      %get3A_79 = tpu.vector_load %arg12[%get3A_78] {strides = array<i32>} : memref<2048xi32, #tpu.memory_space<vmem>>, vector<16xi32>,
      %mul3A_80 = arith.constant 16 : i32
      %mul3A_81 = arith.muli %scan3A_59, %mul3A_80 : i32
      %get3A_82 = arith.index_cast %mul3A_81 : i32 to index
      %get3A_83 = tpu.vector_load %arg13[%get3A_82] {strides = array<i32>} : memref<2048xi32, #tpu.memory_space<vmem>>, vector<16xi32>,
      %mul3A_84 = arith.constant 16 : i32
      %mul3A_85 = arith.muli %scan3A_59, %mul3A_84 : i32
      %get3A_86 = arith.index_cast %mul3A_85 : i32 to index
      %get3A_87 = tpu.vector_load %arg14[%get3A_86] {strides = array<i32>} : memref<2048xi32, #tpu.memory_space<vmem>>, vector<16xi32>,
      %mul3A_88 = arith.constant 16 : i32
      %mul3A_89 = arith.muli %scan3A_59, %mul3A_88 : i32
      %get3A_90 = arith.index_cast %mul3A_89 : i32 to index
      %get3A_91 = tpu.vector_load %arg15[%get3A_90] {strides = array<i32>} : memref<2048xi32, #tpu.memory_space<vmem>>, vector<16xi32>,
      %add3A_92 = arith.addi %get3A_63, %get3A_67 : vector<16xi32>
      %add3A_93 = arith.addi %add3A_92, %get3A_71 : vector<16xi32>
      %add3A_94 = arith.addi %add3A_93, %get3A_75 : vector<16xi32>
      %add3A_95 = arith.addi %add3A_94, %get3A_79 : vector<16xi32>
      %add3A_96 = arith.addi %add3A_95, %get3A_83 : vector<16xi32>
      %add3A_97 = arith.addi %add3A_96, %get3A_87 : vector<16xi32>
      %add3A_98 = arith.addi %add3A_97, %get3A_91 : vector<16xi32>
      %broadcast_in_dim3A = arith.constant true
      %broadcast_in_dim3A_99 = vector.broadcast %broadcast_in_dim3A : i1 to vector<16xi1>
      %masked_cumsum3A = tpu.scan <sum>, %add3A_98 masked %broadcast_in_dim3A_99 : vector<16xi32>, vector<16xi1> -> vector<16xi32>
      %sub3A = arith.subi %masked_cumsum3A, %add3A_98 : vector<16xi32>
      %add3A_100 = vector.broadcast %scan3A_60 : i32 to vector<16xi32>
      %add3A_101 = arith.addi %sub3A, %add3A_100 : vector<16xi32>
      %mul3A_102 = arith.constant 16 : i32
      %mul3A_103 = arith.muli %scan3A_59, %mul3A_102 : i32
      %swap3A = arith.index_cast %mul3A_103 : i32 to index
      %swap3A_104 = tpu.vector_load %arg8[%swap3A] {strides = array<i32>} : memref<2048xi32, #tpu.memory_space<vmem>>, vector<16xi32>,
      tpu.vector_store %arg8[%swap3A], %add3A_101 {strides = array<i32>} : memref<2048xi32, #tpu.memory_space<vmem>>, vector<16xi32>,
      %add3A_105 = arith.addi %add3A_101, %get3A_63 : vector<16xi32>
      %mul3A_106 = arith.constant 16 : i32
      %mul3A_107 = arith.muli %scan3A_59, %mul3A_106 : i32
      %swap3A_108 = arith.index_cast %mul3A_107 : i32 to index
      %swap3A_109 = tpu.vector_load %arg9[%swap3A_108] {strides = array<i32>} : memref<2048xi32, #tpu.memory_space<vmem>>, vector<16xi32>,
      tpu.vector_store %arg9[%swap3A_108], %add3A_105 {strides = array<i32>} : memref<2048xi32, #tpu.memory_space<vmem>>, vector<16xi32>,
      %add3A_110 = arith.addi %add3A_105, %get3A_67 : vector<16xi32>
      %mul3A_111 = arith.constant 16 : i32
      %mul3A_112 = arith.muli %scan3A_59, %mul3A_111 : i32
      %swap3A_113 = arith.index_cast %mul3A_112 : i32 to index
      %swap3A_114 = tpu.vector_load %arg10[%swap3A_113] {strides = array<i32>} : memref<2048xi32, #tpu.memory_space<vmem>>, vector<16xi32>,
      tpu.vector_store %arg10[%swap3A_113], %add3A_110 {strides = array<i32>} : memref<2048xi32, #tpu.memory_space<vmem>>, vector<16xi32>,
      %add3A_115 = arith.addi %add3A_110, %get3A_71 : vector<16xi32>
      %mul3A_116 = arith.constant 16 : i32
      %mul3A_117 = arith.muli %scan3A_59, %mul3A_116 : i32
      %swap3A_118 = arith.index_cast %mul3A_117 : i32 to index
      %swap3A_119 = tpu.vector_load %arg11[%swap3A_118] {strides = array<i32>} : memref<2048xi32, #tpu.memory_space<vmem>>, vector<16xi32>,
      tpu.vector_store %arg11[%swap3A_118], %add3A_115 {strides = array<i32>} : memref<2048xi32, #tpu.memory_space<vmem>>, vector<16xi32>,
      %add3A_120 = arith.addi %add3A_115, %get3A_75 : vector<16xi32>
      %mul3A_121 = arith.constant 16 : i32
      %mul3A_122 = arith.muli %scan3A_59, %mul3A_121 : i32
      %swap3A_123 = arith.index_cast %mul3A_122 : i32 to index
      %swap3A_124 = tpu.vector_load %arg12[%swap3A_123] {strides = array<i32>} : memref<2048xi32, #tpu.memory_space<vmem>>, vector<16xi32>,
      tpu.vector_store %arg12[%swap3A_123], %add3A_120 {strides = array<i32>} : memref<2048xi32, #tpu.memory_space<vmem>>, vector<16xi32>,
      %add3A_125 = arith.addi %add3A_120, %get3A_79 : vector<16xi32>
      %mul3A_126 = arith.constant 16 : i32
      %mul3A_127 = arith.muli %scan3A_59, %mul3A_126 : i32
      %swap3A_128 = arith.index_cast %mul3A_127 : i32 to index
      %swap3A_129 = tpu.vector_load %arg13[%swap3A_128] {strides = array<i32>} : memref<2048xi32, #tpu.memory_space<vmem>>, vector<16xi32>,
      tpu.vector_store %arg13[%swap3A_128], %add3A_125 {strides = array<i32>} : memref<2048xi32, #tpu.memory_space<vmem>>, vector<16xi32>,
      %add3A_130 = arith.addi %add3A_125, %get3A_83 : vector<16xi32>
      %mul3A_131 = arith.constant 16 : i32
      %mul3A_132 = arith.muli %scan3A_59, %mul3A_131 : i32
      %swap3A_133 = arith.index_cast %mul3A_132 : i32 to index
      %swap3A_134 = tpu.vector_load %arg14[%swap3A_133] {strides = array<i32>} : memref<2048xi32, #tpu.memory_space<vmem>>, vector<16xi32>,
      tpu.vector_store %arg14[%swap3A_133], %add3A_130 {strides = array<i32>} : memref<2048xi32, #tpu.memory_space<vmem>>, vector<16xi32>,
      %add3A_135 = arith.addi %add3A_130, %get3A_87 : vector<16xi32>
      %mul3A_136 = arith.constant 16 : i32
      %mul3A_137 = arith.muli %scan3A_59, %mul3A_136 : i32
      %swap3A_138 = arith.index_cast %mul3A_137 : i32 to index
      %swap3A_139 = tpu.vector_load %arg15[%swap3A_138] {strides = array<i32>} : memref<2048xi32, #tpu.memory_space<vmem>>, vector<16xi32>,
      tpu.vector_store %arg15[%swap3A_138], %add3A_135 {strides = array<i32>} : memref<2048xi32, #tpu.memory_space<vmem>>, vector<16xi32>,
      %add3A_140 = arith.addi %add3A_135, %get3A_91 : vector<16xi32>
      %reduce_sum3A = arith.constant true
      %reduce_sum3A_141 = vector.broadcast %reduce_sum3A : i1 to vector<16xi1>
      %reduce_sum3A_142 = tpu.scan <sum>, %add3A_98 masked %reduce_sum3A_141 : vector<16xi32>, vector<16xi1> -> vector<16xi32>
      %reduce_sum3A_143 = vector.extract %reduce_sum3A_142[15] : i32 from vector<16xi32>
      %add3A_144 = arith.addi %scan3A_60, %reduce_sum3A_143 : i32
      scf.yield %add3A_144 : i32
    }
    %scan3A_33 = arith.constant 128 : i32
    %parallel_loop3A_34 = arith.constant 0 : i32
    %parallel_loop3A_35 = arith.constant 256 : i32
    %parallel_loop3A_36 = arith.constant 2 : i32
    scf.for %parallel_loop3A_59 = %parallel_loop3A_34 to %parallel_loop3A_35 step %parallel_loop3A_36  : i32 {
      %parallel_loop3A_60 = arith.constant 0 : i32
      %parallel_loop3A_61 = arith.addi %parallel_loop3A_59, %parallel_loop3A_60 : i32
      %parallel_loop3A_62 = arith.constant 0 : i32
      %parallel_loop3A_63 = arith.addi %parallel_loop3A_59, %parallel_loop3A_62 : i32
      %parallel_loop3A_64 = arith.constant 0 : i32
      %parallel_loop3A_65 = arith.addi %parallel_loop3A_59, %parallel_loop3A_64 : i32
      %parallel_loop3A_66 = arith.constant 0 : i32
      %parallel_loop3A_67 = arith.addi %parallel_loop3A_59, %parallel_loop3A_66 : i32
      %parallel_loop3A_68 = arith.constant 0 : i32
      %parallel_loop3A_69 = arith.addi %parallel_loop3A_59, %parallel_loop3A_68 : i32
      %parallel_loop3A_70 = arith.constant 0 : i32
      %parallel_loop3A_71 = arith.addi %parallel_loop3A_59, %parallel_loop3A_70 : i32
      %parallel_loop3A_72 = arith.constant 0 : i32
      %parallel_loop3A_73 = arith.addi %parallel_loop3A_59, %parallel_loop3A_72 : i32
      %parallel_loop3A_74 = arith.constant 0 : i32
      %parallel_loop3A_75 = arith.addi %parallel_loop3A_59, %parallel_loop3A_74 : i32
      %parallel_loop3A_76 = arith.constant 1 : i32
      %parallel_loop3A_77 = arith.addi %parallel_loop3A_59, %parallel_loop3A_76 : i32
      %parallel_loop3A_78 = arith.constant 1 : i32
      %parallel_loop3A_79 = arith.addi %parallel_loop3A_59, %parallel_loop3A_78 : i32
      %parallel_loop3A_80 = arith.constant 1 : i32
      %parallel_loop3A_81 = arith.addi %parallel_loop3A_59, %parallel_loop3A_80 : i32
      %parallel_loop3A_82 = arith.constant 1 : i32
      %parallel_loop3A_83 = arith.addi %parallel_loop3A_59, %parallel_loop3A_82 : i32
      %parallel_loop3A_84 = arith.constant 1 : i32
      %parallel_loop3A_85 = arith.addi %parallel_loop3A_59, %parallel_loop3A_84 : i32
      %parallel_loop3A_86 = arith.constant 1 : i32
      %parallel_loop3A_87 = arith.addi %parallel_loop3A_59, %parallel_loop3A_86 : i32
      %parallel_loop3A_88 = arith.constant 1 : i32
      %parallel_loop3A_89 = arith.addi %parallel_loop3A_59, %parallel_loop3A_88 : i32
      %parallel_loop3A_90 = arith.constant 1 : i32
      %parallel_loop3A_91 = arith.addi %parallel_loop3A_59, %parallel_loop3A_90 : i32
      %parallel_loop3A_92 = arith.constant 0 : i32
      %parallel_loop3A_93 = arith.addi %parallel_loop3A_61, %parallel_loop3A_92 : i32
      %parallel_loop3A_94 = arith.constant 16 : i32
      %parallel_loop3A_95 = arith.muli %parallel_loop3A_93, %parallel_loop3A_94 : i32
      %parallel_loop3A_96 = arith.index_cast %parallel_loop3A_95 : i32 to index
      %parallel_loop3A_97 = tpu.vector_load %arg7[%parallel_loop3A_96] {strides = array<i32>} : memref<32768xf32, #tpu.memory_space<vmem>>, vector<16xf32>,
      %parallel_loop3A_98 = vector.bitcast %parallel_loop3A_97 : vector<16xf32> to vector<16xi32>
      %parallel_loop3A_99 = arith.constant 256 : i32
      %parallel_loop3A_100 = arith.addi %parallel_loop3A_63, %parallel_loop3A_99 : i32
      %parallel_loop3A_101 = arith.constant 16 : i32
      %parallel_loop3A_102 = arith.muli %parallel_loop3A_100, %parallel_loop3A_101 : i32
      %parallel_loop3A_103 = arith.index_cast %parallel_loop3A_102 : i32 to index
      %parallel_loop3A_104 = tpu.vector_load %arg7[%parallel_loop3A_103] {strides = array<i32>} : memref<32768xf32, #tpu.memory_space<vmem>>, vector<16xf32>,
      %parallel_loop3A_105 = vector.bitcast %parallel_loop3A_104 : vector<16xf32> to vector<16xi32>
      %parallel_loop3A_106 = arith.constant 512 : i32
      %parallel_loop3A_107 = arith.addi %parallel_loop3A_65, %parallel_loop3A_106 : i32
      %parallel_loop3A_108 = arith.constant 16 : i32
      %parallel_loop3A_109 = arith.muli %parallel_loop3A_107, %parallel_loop3A_108 : i32
      %parallel_loop3A_110 = arith.index_cast %parallel_loop3A_109 : i32 to index
      %parallel_loop3A_111 = tpu.vector_load %arg7[%parallel_loop3A_110] {strides = array<i32>} : memref<32768xf32, #tpu.memory_space<vmem>>, vector<16xf32>,
      %parallel_loop3A_112 = vector.bitcast %parallel_loop3A_111 : vector<16xf32> to vector<16xi32>
      %parallel_loop3A_113 = arith.constant 768 : i32
      %parallel_loop3A_114 = arith.addi %parallel_loop3A_67, %parallel_loop3A_113 : i32
      %parallel_loop3A_115 = arith.constant 16 : i32
      %parallel_loop3A_116 = arith.muli %parallel_loop3A_114, %parallel_loop3A_115 : i32
      %parallel_loop3A_117 = arith.index_cast %parallel_loop3A_116 : i32 to index
      %parallel_loop3A_118 = tpu.vector_load %arg7[%parallel_loop3A_117] {strides = array<i32>} : memref<32768xf32, #tpu.memory_space<vmem>>, vector<16xf32>,
      %parallel_loop3A_119 = vector.bitcast %parallel_loop3A_118 : vector<16xf32> to vector<16xi32>
      %parallel_loop3A_120 = arith.constant 1024 : i32
      %parallel_loop3A_121 = arith.addi %parallel_loop3A_69, %parallel_loop3A_120 : i32
      %parallel_loop3A_122 = arith.constant 16 : i32
      %parallel_loop3A_123 = arith.muli %parallel_loop3A_121, %parallel_loop3A_122 : i32
      %parallel_loop3A_124 = arith.index_cast %parallel_loop3A_123 : i32 to index
      %parallel_loop3A_125 = tpu.vector_load %arg7[%parallel_loop3A_124] {strides = array<i32>} : memref<32768xf32, #tpu.memory_space<vmem>>, vector<16xf32>,
      %parallel_loop3A_126 = vector.bitcast %parallel_loop3A_125 : vector<16xf32> to vector<16xi32>
      %parallel_loop3A_127 = arith.constant 1280 : i32
      %parallel_loop3A_128 = arith.addi %parallel_loop3A_71, %parallel_loop3A_127 : i32
      %parallel_loop3A_129 = arith.constant 16 : i32
      %parallel_loop3A_130 = arith.muli %parallel_loop3A_128, %parallel_loop3A_129 : i32
      %parallel_loop3A_131 = arith.index_cast %parallel_loop3A_130 : i32 to index
      %parallel_loop3A_132 = tpu.vector_load %arg7[%parallel_loop3A_131] {strides = array<i32>} : memref<32768xf32, #tpu.memory_space<vmem>>, vector<16xf32>,
      %parallel_loop3A_133 = vector.bitcast %parallel_loop3A_132 : vector<16xf32> to vector<16xi32>
      %parallel_loop3A_134 = arith.constant 1536 : i32
      %parallel_loop3A_135 = arith.addi %parallel_loop3A_73, %parallel_loop3A_134 : i32
      %parallel_loop3A_136 = arith.constant 16 : i32
      %parallel_loop3A_137 = arith.muli %parallel_loop3A_135, %parallel_loop3A_136 : i32
      %parallel_loop3A_138 = arith.index_cast %parallel_loop3A_137 : i32 to index
      %parallel_loop3A_139 = tpu.vector_load %arg7[%parallel_loop3A_138] {strides = array<i32>} : memref<32768xf32, #tpu.memory_space<vmem>>, vector<16xf32>,
      %parallel_loop3A_140 = vector.bitcast %parallel_loop3A_139 : vector<16xf32> to vector<16xi32>
      %parallel_loop3A_141 = arith.constant 1792 : i32
      %parallel_loop3A_142 = arith.addi %parallel_loop3A_75, %parallel_loop3A_141 : i32
      %parallel_loop3A_143 = arith.constant 16 : i32
      %parallel_loop3A_144 = arith.muli %parallel_loop3A_142, %parallel_loop3A_143 : i32
      %parallel_loop3A_145 = arith.index_cast %parallel_loop3A_144 : i32 to index
      %parallel_loop3A_146 = tpu.vector_load %arg7[%parallel_loop3A_145] {strides = array<i32>} : memref<32768xf32, #tpu.memory_space<vmem>>, vector<16xf32>,
      %parallel_loop3A_147 = vector.bitcast %parallel_loop3A_146 : vector<16xf32> to vector<16xi32>
      %parallel_loop3A_148 = arith.constant 0 : i32
      %parallel_loop3A_149 = arith.addi %parallel_loop3A_77, %parallel_loop3A_148 : i32
      %parallel_loop3A_150 = arith.constant 16 : i32
      %parallel_loop3A_151 = arith.muli %parallel_loop3A_149, %parallel_loop3A_150 : i32
      %parallel_loop3A_152 = arith.index_cast %parallel_loop3A_151 : i32 to index
      %parallel_loop3A_153 = tpu.vector_load %arg7[%parallel_loop3A_152] {strides = array<i32>} : memref<32768xf32, #tpu.memory_space<vmem>>, vector<16xf32>,
      %parallel_loop3A_154 = vector.bitcast %parallel_loop3A_153 : vector<16xf32> to vector<16xi32>
      %parallel_loop3A_155 = arith.constant 256 : i32
      %parallel_loop3A_156 = arith.addi %parallel_loop3A_79, %parallel_loop3A_155 : i32
      %parallel_loop3A_157 = arith.constant 16 : i32
      %parallel_loop3A_158 = arith.muli %parallel_loop3A_156, %parallel_loop3A_157 : i32
      %parallel_loop3A_159 = arith.index_cast %parallel_loop3A_158 : i32 to index
      %parallel_loop3A_160 = tpu.vector_load %arg7[%parallel_loop3A_159] {strides = array<i32>} : memref<32768xf32, #tpu.memory_space<vmem>>, vector<16xf32>,
      %parallel_loop3A_161 = vector.bitcast %parallel_loop3A_160 : vector<16xf32> to vector<16xi32>
      %parallel_loop3A_162 = arith.constant 512 : i32
      %parallel_loop3A_163 = arith.addi %parallel_loop3A_81, %parallel_loop3A_162 : i32
      %parallel_loop3A_164 = arith.constant 16 : i32
      %parallel_loop3A_165 = arith.muli %parallel_loop3A_163, %parallel_loop3A_164 : i32
      %parallel_loop3A_166 = arith.index_cast %parallel_loop3A_165 : i32 to index
      %parallel_loop3A_167 = tpu.vector_load %arg7[%parallel_loop3A_166] {strides = array<i32>} : memref<32768xf32, #tpu.memory_space<vmem>>, vector<16xf32>,
      %parallel_loop3A_168 = vector.bitcast %parallel_loop3A_167 : vector<16xf32> to vector<16xi32>
      %parallel_loop3A_169 = arith.constant 768 : i32
      %parallel_loop3A_170 = arith.addi %parallel_loop3A_83, %parallel_loop3A_169 : i32
      %parallel_loop3A_171 = arith.constant 16 : i32
      %parallel_loop3A_172 = arith.muli %parallel_loop3A_170, %parallel_loop3A_171 : i32
      %parallel_loop3A_173 = arith.index_cast %parallel_loop3A_172 : i32 to index
      %parallel_loop3A_174 = tpu.vector_load %arg7[%parallel_loop3A_173] {strides = array<i32>} : memref<32768xf32, #tpu.memory_space<vmem>>, vector<16xf32>,
      %parallel_loop3A_175 = vector.bitcast %parallel_loop3A_174 : vector<16xf32> to vector<16xi32>
      %parallel_loop3A_176 = arith.constant 1024 : i32
      %parallel_loop3A_177 = arith.addi %parallel_loop3A_85, %parallel_loop3A_176 : i32
      %parallel_loop3A_178 = arith.constant 16 : i32
      %parallel_loop3A_179 = arith.muli %parallel_loop3A_177, %parallel_loop3A_178 : i32
      %parallel_loop3A_180 = arith.index_cast %parallel_loop3A_179 : i32 to index
      %parallel_loop3A_181 = tpu.vector_load %arg7[%parallel_loop3A_180] {strides = array<i32>} : memref<32768xf32, #tpu.memory_space<vmem>>, vector<16xf32>,
      %parallel_loop3A_182 = vector.bitcast %parallel_loop3A_181 : vector<16xf32> to vector<16xi32>
      %parallel_loop3A_183 = arith.constant 1280 : i32
      %parallel_loop3A_184 = arith.addi %parallel_loop3A_87, %parallel_loop3A_183 : i32
      %parallel_loop3A_185 = arith.constant 16 : i32
      %parallel_loop3A_186 = arith.muli %parallel_loop3A_184, %parallel_loop3A_185 : i32
      %parallel_loop3A_187 = arith.index_cast %parallel_loop3A_186 : i32 to index
      %parallel_loop3A_188 = tpu.vector_load %arg7[%parallel_loop3A_187] {strides = array<i32>} : memref<32768xf32, #tpu.memory_space<vmem>>, vector<16xf32>,
      %parallel_loop3A_189 = vector.bitcast %parallel_loop3A_188 : vector<16xf32> to vector<16xi32>
      %parallel_loop3A_190 = arith.constant 1536 : i32
      %parallel_loop3A_191 = arith.addi %parallel_loop3A_89, %parallel_loop3A_190 : i32
      %parallel_loop3A_192 = arith.constant 16 : i32
      %parallel_loop3A_193 = arith.muli %parallel_loop3A_191, %parallel_loop3A_192 : i32
      %parallel_loop3A_194 = arith.index_cast %parallel_loop3A_193 : i32 to index
      %parallel_loop3A_195 = tpu.vector_load %arg7[%parallel_loop3A_194] {strides = array<i32>} : memref<32768xf32, #tpu.memory_space<vmem>>, vector<16xf32>,
      %parallel_loop3A_196 = vector.bitcast %parallel_loop3A_195 : vector<16xf32> to vector<16xi32>
      %parallel_loop3A_197 = arith.constant 1792 : i32
      %parallel_loop3A_198 = arith.addi %parallel_loop3A_91, %parallel_loop3A_197 : i32
      %parallel_loop3A_199 = arith.constant 16 : i32
      %parallel_loop3A_200 = arith.muli %parallel_loop3A_198, %parallel_loop3A_199 : i32
      %parallel_loop3A_201 = arith.index_cast %parallel_loop3A_200 : i32 to index
      %parallel_loop3A_202 = tpu.vector_load %arg7[%parallel_loop3A_201] {strides = array<i32>} : memref<32768xf32, #tpu.memory_space<vmem>>, vector<16xf32>,
      %parallel_loop3A_203 = vector.bitcast %parallel_loop3A_202 : vector<16xf32> to vector<16xi32>
      %parallel_loop3A_204 = arith.constant 32767 : i32
      %parallel_loop3A_205 = vector.broadcast %parallel_loop3A_204 : i32 to vector<16xi32>
      %parallel_loop3A_206 = arith.andi %parallel_loop3A_98, %parallel_loop3A_205 : vector<16xi32>
      %parallel_loop3A_207 = arith.constant 32767 : i32
      %parallel_loop3A_208 = vector.broadcast %parallel_loop3A_207 : i32 to vector<16xi32>
      %parallel_loop3A_209 = arith.andi %parallel_loop3A_105, %parallel_loop3A_208 : vector<16xi32>
      %parallel_loop3A_210 = arith.constant 32767 : i32
      %parallel_loop3A_211 = vector.broadcast %parallel_loop3A_210 : i32 to vector<16xi32>
      %parallel_loop3A_212 = arith.andi %parallel_loop3A_112, %parallel_loop3A_211 : vector<16xi32>
      %parallel_loop3A_213 = arith.constant 32767 : i32
      %parallel_loop3A_214 = vector.broadcast %parallel_loop3A_213 : i32 to vector<16xi32>
      %parallel_loop3A_215 = arith.andi %parallel_loop3A_119, %parallel_loop3A_214 : vector<16xi32>
      %parallel_loop3A_216 = arith.constant 32767 : i32
      %parallel_loop3A_217 = vector.broadcast %parallel_loop3A_216 : i32 to vector<16xi32>
      %parallel_loop3A_218 = arith.andi %parallel_loop3A_126, %parallel_loop3A_217 : vector<16xi32>
      %parallel_loop3A_219 = arith.constant 32767 : i32
      %parallel_loop3A_220 = vector.broadcast %parallel_loop3A_219 : i32 to vector<16xi32>
      %parallel_loop3A_221 = arith.andi %parallel_loop3A_133, %parallel_loop3A_220 : vector<16xi32>
      %parallel_loop3A_222 = arith.constant 32767 : i32
      %parallel_loop3A_223 = vector.broadcast %parallel_loop3A_222 : i32 to vector<16xi32>
      %parallel_loop3A_224 = arith.andi %parallel_loop3A_140, %parallel_loop3A_223 : vector<16xi32>
      %parallel_loop3A_225 = arith.constant 32767 : i32
      %parallel_loop3A_226 = vector.broadcast %parallel_loop3A_225 : i32 to vector<16xi32>
      %parallel_loop3A_227 = arith.andi %parallel_loop3A_147, %parallel_loop3A_226 : vector<16xi32>
      %parallel_loop3A_228 = arith.constant 32767 : i32
      %parallel_loop3A_229 = vector.broadcast %parallel_loop3A_228 : i32 to vector<16xi32>
      %parallel_loop3A_230 = arith.andi %parallel_loop3A_154, %parallel_loop3A_229 : vector<16xi32>
      %parallel_loop3A_231 = arith.constant 32767 : i32
      %parallel_loop3A_232 = vector.broadcast %parallel_loop3A_231 : i32 to vector<16xi32>
      %parallel_loop3A_233 = arith.andi %parallel_loop3A_161, %parallel_loop3A_232 : vector<16xi32>
      %parallel_loop3A_234 = arith.constant 32767 : i32
      %parallel_loop3A_235 = vector.broadcast %parallel_loop3A_234 : i32 to vector<16xi32>
      %parallel_loop3A_236 = arith.andi %parallel_loop3A_168, %parallel_loop3A_235 : vector<16xi32>
      %parallel_loop3A_237 = arith.constant 32767 : i32
      %parallel_loop3A_238 = vector.broadcast %parallel_loop3A_237 : i32 to vector<16xi32>
      %parallel_loop3A_239 = arith.andi %parallel_loop3A_175, %parallel_loop3A_238 : vector<16xi32>
      %parallel_loop3A_240 = arith.constant 32767 : i32
      %parallel_loop3A_241 = vector.broadcast %parallel_loop3A_240 : i32 to vector<16xi32>
      %parallel_loop3A_242 = arith.andi %parallel_loop3A_182, %parallel_loop3A_241 : vector<16xi32>
      %parallel_loop3A_243 = arith.constant 32767 : i32
      %parallel_loop3A_244 = vector.broadcast %parallel_loop3A_243 : i32 to vector<16xi32>
      %parallel_loop3A_245 = arith.andi %parallel_loop3A_189, %parallel_loop3A_244 : vector<16xi32>
      %parallel_loop3A_246 = arith.constant 32767 : i32
      %parallel_loop3A_247 = vector.broadcast %parallel_loop3A_246 : i32 to vector<16xi32>
      %parallel_loop3A_248 = arith.andi %parallel_loop3A_196, %parallel_loop3A_247 : vector<16xi32>
      %parallel_loop3A_249 = arith.constant 32767 : i32
      %parallel_loop3A_250 = vector.broadcast %parallel_loop3A_249 : i32 to vector<16xi32>
      %parallel_loop3A_251 = arith.andi %parallel_loop3A_203, %parallel_loop3A_250 : vector<16xi32>
      %parallel_loop3A_252 = arith.constant 15 : i32
      %parallel_loop3A_253 = vector.broadcast %parallel_loop3A_252 : i32 to vector<16xi32>
      %parallel_loop3A_254 = arith.shrui %parallel_loop3A_98, %parallel_loop3A_253 : vector<16xi32>
      %parallel_loop3A_255 = arith.constant 15 : i32
      %parallel_loop3A_256 = vector.broadcast %parallel_loop3A_255 : i32 to vector<16xi32>
      %parallel_loop3A_257 = arith.shrui %parallel_loop3A_105, %parallel_loop3A_256 : vector<16xi32>
      %parallel_loop3A_258 = arith.constant 15 : i32
      %parallel_loop3A_259 = vector.broadcast %parallel_loop3A_258 : i32 to vector<16xi32>
      %parallel_loop3A_260 = arith.shrui %parallel_loop3A_112, %parallel_loop3A_259 : vector<16xi32>
      %parallel_loop3A_261 = arith.constant 15 : i32
      %parallel_loop3A_262 = vector.broadcast %parallel_loop3A_261 : i32 to vector<16xi32>
      %parallel_loop3A_263 = arith.shrui %parallel_loop3A_119, %parallel_loop3A_262 : vector<16xi32>
      %parallel_loop3A_264 = arith.constant 15 : i32
      %parallel_loop3A_265 = vector.broadcast %parallel_loop3A_264 : i32 to vector<16xi32>
      %parallel_loop3A_266 = arith.shrui %parallel_loop3A_126, %parallel_loop3A_265 : vector<16xi32>
      %parallel_loop3A_267 = arith.constant 15 : i32
      %parallel_loop3A_268 = vector.broadcast %parallel_loop3A_267 : i32 to vector<16xi32>
      %parallel_loop3A_269 = arith.shrui %parallel_loop3A_133, %parallel_loop3A_268 : vector<16xi32>
      %parallel_loop3A_270 = arith.constant 15 : i32
      %parallel_loop3A_271 = vector.broadcast %parallel_loop3A_270 : i32 to vector<16xi32>
      %parallel_loop3A_272 = arith.shrui %parallel_loop3A_140, %parallel_loop3A_271 : vector<16xi32>
      %parallel_loop3A_273 = arith.constant 15 : i32
      %parallel_loop3A_274 = vector.broadcast %parallel_loop3A_273 : i32 to vector<16xi32>
      %parallel_loop3A_275 = arith.shrui %parallel_loop3A_147, %parallel_loop3A_274 : vector<16xi32>
      %parallel_loop3A_276 = arith.constant 15 : i32
      %parallel_loop3A_277 = vector.broadcast %parallel_loop3A_276 : i32 to vector<16xi32>
      %parallel_loop3A_278 = arith.shrui %parallel_loop3A_154, %parallel_loop3A_277 : vector<16xi32>
      %parallel_loop3A_279 = arith.constant 15 : i32
      %parallel_loop3A_280 = vector.broadcast %parallel_loop3A_279 : i32 to vector<16xi32>
      %parallel_loop3A_281 = arith.shrui %parallel_loop3A_161, %parallel_loop3A_280 : vector<16xi32>
      %parallel_loop3A_282 = arith.constant 15 : i32
      %parallel_loop3A_283 = vector.broadcast %parallel_loop3A_282 : i32 to vector<16xi32>
      %parallel_loop3A_284 = arith.shrui %parallel_loop3A_168, %parallel_loop3A_283 : vector<16xi32>
      %parallel_loop3A_285 = arith.constant 15 : i32
      %parallel_loop3A_286 = vector.broadcast %parallel_loop3A_285 : i32 to vector<16xi32>
      %parallel_loop3A_287 = arith.shrui %parallel_loop3A_175, %parallel_loop3A_286 : vector<16xi32>
      %parallel_loop3A_288 = arith.constant 15 : i32
      %parallel_loop3A_289 = vector.broadcast %parallel_loop3A_288 : i32 to vector<16xi32>
      %parallel_loop3A_290 = arith.shrui %parallel_loop3A_182, %parallel_loop3A_289 : vector<16xi32>
      %parallel_loop3A_291 = arith.constant 15 : i32
      %parallel_loop3A_292 = vector.broadcast %parallel_loop3A_291 : i32 to vector<16xi32>
      %parallel_loop3A_293 = arith.shrui %parallel_loop3A_189, %parallel_loop3A_292 : vector<16xi32>
      %parallel_loop3A_294 = arith.constant 15 : i32
      %parallel_loop3A_295 = vector.broadcast %parallel_loop3A_294 : i32 to vector<16xi32>
      %parallel_loop3A_296 = arith.shrui %parallel_loop3A_196, %parallel_loop3A_295 : vector<16xi32>
      %parallel_loop3A_297 = arith.constant 15 : i32
      %parallel_loop3A_298 = vector.broadcast %parallel_loop3A_297 : i32 to vector<16xi32>
      %parallel_loop3A_299 = arith.shrui %parallel_loop3A_203, %parallel_loop3A_298 : vector<16xi32>
      %parallel_loop3A_300 = tpu.vector_load_idx %arg5[%parallel_loop3A_206] : memref<32768xf32, #tpu.memory_space<vmem>>[vector<16xi32>], vector<16xf32>,
      %parallel_loop3A_301 = vector.bitcast %parallel_loop3A_300 : vector<16xf32> to vector<16xi32>
      %parallel_loop3A_302 = tpu.vector_load_idx %arg5[%parallel_loop3A_209] : memref<32768xf32, #tpu.memory_space<vmem>>[vector<16xi32>], vector<16xf32>,
      %parallel_loop3A_303 = vector.bitcast %parallel_loop3A_302 : vector<16xf32> to vector<16xi32>
      %parallel_loop3A_304 = tpu.vector_load_idx %arg5[%parallel_loop3A_212] : memref<32768xf32, #tpu.memory_space<vmem>>[vector<16xi32>], vector<16xf32>,
      %parallel_loop3A_305 = vector.bitcast %parallel_loop3A_304 : vector<16xf32> to vector<16xi32>
      %parallel_loop3A_306 = tpu.vector_load_idx %arg5[%parallel_loop3A_215] : memref<32768xf32, #tpu.memory_space<vmem>>[vector<16xi32>], vector<16xf32>,
      %parallel_loop3A_307 = vector.bitcast %parallel_loop3A_306 : vector<16xf32> to vector<16xi32>
      %parallel_loop3A_308 = tpu.vector_load_idx %arg5[%parallel_loop3A_218] : memref<32768xf32, #tpu.memory_space<vmem>>[vector<16xi32>], vector<16xf32>,
      %parallel_loop3A_309 = vector.bitcast %parallel_loop3A_308 : vector<16xf32> to vector<16xi32>
      %parallel_loop3A_310 = tpu.vector_load_idx %arg5[%parallel_loop3A_221] : memref<32768xf32, #tpu.memory_space<vmem>>[vector<16xi32>], vector<16xf32>,
      %parallel_loop3A_311 = vector.bitcast %parallel_loop3A_310 : vector<16xf32> to vector<16xi32>
      %parallel_loop3A_312 = tpu.vector_load_idx %arg5[%parallel_loop3A_224] : memref<32768xf32, #tpu.memory_space<vmem>>[vector<16xi32>], vector<16xf32>,
      %parallel_loop3A_313 = vector.bitcast %parallel_loop3A_312 : vector<16xf32> to vector<16xi32>
      %parallel_loop3A_314 = tpu.vector_load_idx %arg5[%parallel_loop3A_227] : memref<32768xf32, #tpu.memory_space<vmem>>[vector<16xi32>], vector<16xf32>,
      %parallel_loop3A_315 = vector.bitcast %parallel_loop3A_314 : vector<16xf32> to vector<16xi32>
      %parallel_loop3A_316 = tpu.vector_load_idx %arg5[%parallel_loop3A_230] : memref<32768xf32, #tpu.memory_space<vmem>>[vector<16xi32>], vector<16xf32>,
      %parallel_loop3A_317 = vector.bitcast %parallel_loop3A_316 : vector<16xf32> to vector<16xi32>
      %parallel_loop3A_318 = tpu.vector_load_idx %arg5[%parallel_loop3A_233] : memref<32768xf32, #tpu.memory_space<vmem>>[vector<16xi32>], vector<16xf32>,
      %parallel_loop3A_319 = vector.bitcast %parallel_loop3A_318 : vector<16xf32> to vector<16xi32>
      %parallel_loop3A_320 = tpu.vector_load_idx %arg5[%parallel_loop3A_236] : memref<32768xf32, #tpu.memory_space<vmem>>[vector<16xi32>], vector<16xf32>,
      %parallel_loop3A_321 = vector.bitcast %parallel_loop3A_320 : vector<16xf32> to vector<16xi32>
      %parallel_loop3A_322 = tpu.vector_load_idx %arg5[%parallel_loop3A_239] : memref<32768xf32, #tpu.memory_space<vmem>>[vector<16xi32>], vector<16xf32>,
      %parallel_loop3A_323 = vector.bitcast %parallel_loop3A_322 : vector<16xf32> to vector<16xi32>
      %parallel_loop3A_324 = tpu.vector_load_idx %arg5[%parallel_loop3A_242] : memref<32768xf32, #tpu.memory_space<vmem>>[vector<16xi32>], vector<16xf32>,
      %parallel_loop3A_325 = vector.bitcast %parallel_loop3A_324 : vector<16xf32> to vector<16xi32>
      %parallel_loop3A_326 = tpu.vector_load_idx %arg5[%parallel_loop3A_245] : memref<32768xf32, #tpu.memory_space<vmem>>[vector<16xi32>], vector<16xf32>,
      %parallel_loop3A_327 = vector.bitcast %parallel_loop3A_326 : vector<16xf32> to vector<16xi32>
      %parallel_loop3A_328 = tpu.vector_load_idx %arg5[%parallel_loop3A_248] : memref<32768xf32, #tpu.memory_space<vmem>>[vector<16xi32>], vector<16xf32>,
      %parallel_loop3A_329 = vector.bitcast %parallel_loop3A_328 : vector<16xf32> to vector<16xi32>
      %parallel_loop3A_330 = tpu.vector_load_idx %arg5[%parallel_loop3A_251] : memref<32768xf32, #tpu.memory_space<vmem>>[vector<16xi32>], vector<16xf32>,
      %parallel_loop3A_331 = vector.bitcast %parallel_loop3A_330 : vector<16xf32> to vector<16xi32>
      %parallel_loop3A_332 = arith.constant 11 : i32
      %parallel_loop3A_333 = vector.broadcast %parallel_loop3A_332 : i32 to vector<16xi32>
      %parallel_loop3A_334 = arith.shrui %parallel_loop3A_301, %parallel_loop3A_333 : vector<16xi32>
      %parallel_loop3A_335 = arith.constant 2047 : i32
      %parallel_loop3A_336 = vector.broadcast %parallel_loop3A_335 : i32 to vector<16xi32>
      %parallel_loop3A_337 = arith.andi %parallel_loop3A_334, %parallel_loop3A_336 : vector<16xi32>
      %parallel_loop3A_338 = tpu.vector_load_idx %arg8[%parallel_loop3A_337] : memref<2048xi32, #tpu.memory_space<vmem>>[vector<16xi32>], vector<16xi32>,
      %parallel_loop3A_339 = arith.constant 11 : i32
      %parallel_loop3A_340 = vector.broadcast %parallel_loop3A_339 : i32 to vector<16xi32>
      %parallel_loop3A_341 = arith.shrui %parallel_loop3A_303, %parallel_loop3A_340 : vector<16xi32>
      %parallel_loop3A_342 = arith.constant 2047 : i32
      %parallel_loop3A_343 = vector.broadcast %parallel_loop3A_342 : i32 to vector<16xi32>
      %parallel_loop3A_344 = arith.andi %parallel_loop3A_341, %parallel_loop3A_343 : vector<16xi32>
      %parallel_loop3A_345 = tpu.vector_load_idx %arg9[%parallel_loop3A_344] : memref<2048xi32, #tpu.memory_space<vmem>>[vector<16xi32>], vector<16xi32>,
      %parallel_loop3A_346 = arith.constant 11 : i32
      %parallel_loop3A_347 = vector.broadcast %parallel_loop3A_346 : i32 to vector<16xi32>
      %parallel_loop3A_348 = arith.shrui %parallel_loop3A_305, %parallel_loop3A_347 : vector<16xi32>
      %parallel_loop3A_349 = arith.constant 2047 : i32
      %parallel_loop3A_350 = vector.broadcast %parallel_loop3A_349 : i32 to vector<16xi32>
      %parallel_loop3A_351 = arith.andi %parallel_loop3A_348, %parallel_loop3A_350 : vector<16xi32>
      %parallel_loop3A_352 = tpu.vector_load_idx %arg10[%parallel_loop3A_351] : memref<2048xi32, #tpu.memory_space<vmem>>[vector<16xi32>], vector<16xi32>,
      %parallel_loop3A_353 = arith.constant 11 : i32
      %parallel_loop3A_354 = vector.broadcast %parallel_loop3A_353 : i32 to vector<16xi32>
      %parallel_loop3A_355 = arith.shrui %parallel_loop3A_307, %parallel_loop3A_354 : vector<16xi32>
      %parallel_loop3A_356 = arith.constant 2047 : i32
      %parallel_loop3A_357 = vector.broadcast %parallel_loop3A_356 : i32 to vector<16xi32>
      %parallel_loop3A_358 = arith.andi %parallel_loop3A_355, %parallel_loop3A_357 : vector<16xi32>
      %parallel_loop3A_359 = tpu.vector_load_idx %arg11[%parallel_loop3A_358] : memref<2048xi32, #tpu.memory_space<vmem>>[vector<16xi32>], vector<16xi32>,
      %parallel_loop3A_360 = arith.constant 11 : i32
      %parallel_loop3A_361 = vector.broadcast %parallel_loop3A_360 : i32 to vector<16xi32>
      %parallel_loop3A_362 = arith.shrui %parallel_loop3A_309, %parallel_loop3A_361 : vector<16xi32>
      %parallel_loop3A_363 = arith.constant 2047 : i32
      %parallel_loop3A_364 = vector.broadcast %parallel_loop3A_363 : i32 to vector<16xi32>
      %parallel_loop3A_365 = arith.andi %parallel_loop3A_362, %parallel_loop3A_364 : vector<16xi32>
      %parallel_loop3A_366 = tpu.vector_load_idx %arg12[%parallel_loop3A_365] : memref<2048xi32, #tpu.memory_space<vmem>>[vector<16xi32>], vector<16xi32>,
      %parallel_loop3A_367 = arith.constant 11 : i32
      %parallel_loop3A_368 = vector.broadcast %parallel_loop3A_367 : i32 to vector<16xi32>
      %parallel_loop3A_369 = arith.shrui %parallel_loop3A_311, %parallel_loop3A_368 : vector<16xi32>
      %parallel_loop3A_370 = arith.constant 2047 : i32
      %parallel_loop3A_371 = vector.broadcast %parallel_loop3A_370 : i32 to vector<16xi32>
      %parallel_loop3A_372 = arith.andi %parallel_loop3A_369, %parallel_loop3A_371 : vector<16xi32>
      %parallel_loop3A_373 = tpu.vector_load_idx %arg13[%parallel_loop3A_372] : memref<2048xi32, #tpu.memory_space<vmem>>[vector<16xi32>], vector<16xi32>,
      %parallel_loop3A_374 = arith.constant 11 : i32
      %parallel_loop3A_375 = vector.broadcast %parallel_loop3A_374 : i32 to vector<16xi32>
      %parallel_loop3A_376 = arith.shrui %parallel_loop3A_313, %parallel_loop3A_375 : vector<16xi32>
      %parallel_loop3A_377 = arith.constant 2047 : i32
      %parallel_loop3A_378 = vector.broadcast %parallel_loop3A_377 : i32 to vector<16xi32>
      %parallel_loop3A_379 = arith.andi %parallel_loop3A_376, %parallel_loop3A_378 : vector<16xi32>
      %parallel_loop3A_380 = tpu.vector_load_idx %arg14[%parallel_loop3A_379] : memref<2048xi32, #tpu.memory_space<vmem>>[vector<16xi32>], vector<16xi32>,
      %parallel_loop3A_381 = arith.constant 11 : i32
      %parallel_loop3A_382 = vector.broadcast %parallel_loop3A_381 : i32 to vector<16xi32>
      %parallel_loop3A_383 = arith.shrui %parallel_loop3A_315, %parallel_loop3A_382 : vector<16xi32>
      %parallel_loop3A_384 = arith.constant 2047 : i32
      %parallel_loop3A_385 = vector.broadcast %parallel_loop3A_384 : i32 to vector<16xi32>
      %parallel_loop3A_386 = arith.andi %parallel_loop3A_383, %parallel_loop3A_385 : vector<16xi32>
      %parallel_loop3A_387 = tpu.vector_load_idx %arg15[%parallel_loop3A_386] : memref<2048xi32, #tpu.memory_space<vmem>>[vector<16xi32>], vector<16xi32>,
      %parallel_loop3A_388 = arith.constant 11 : i32
      %parallel_loop3A_389 = vector.broadcast %parallel_loop3A_388 : i32 to vector<16xi32>
      %parallel_loop3A_390 = arith.shrui %parallel_loop3A_317, %parallel_loop3A_389 : vector<16xi32>
      %parallel_loop3A_391 = arith.constant 2047 : i32
      %parallel_loop3A_392 = vector.broadcast %parallel_loop3A_391 : i32 to vector<16xi32>
      %parallel_loop3A_393 = arith.andi %parallel_loop3A_390, %parallel_loop3A_392 : vector<16xi32>
      %parallel_loop3A_394 = tpu.vector_load_idx %arg8[%parallel_loop3A_393] : memref<2048xi32, #tpu.memory_space<vmem>>[vector<16xi32>], vector<16xi32>,
      %parallel_loop3A_395 = arith.constant 11 : i32
      %parallel_loop3A_396 = vector.broadcast %parallel_loop3A_395 : i32 to vector<16xi32>
      %parallel_loop3A_397 = arith.shrui %parallel_loop3A_319, %parallel_loop3A_396 : vector<16xi32>
      %parallel_loop3A_398 = arith.constant 2047 : i32
      %parallel_loop3A_399 = vector.broadcast %parallel_loop3A_398 : i32 to vector<16xi32>
      %parallel_loop3A_400 = arith.andi %parallel_loop3A_397, %parallel_loop3A_399 : vector<16xi32>
      %parallel_loop3A_401 = tpu.vector_load_idx %arg9[%parallel_loop3A_400] : memref<2048xi32, #tpu.memory_space<vmem>>[vector<16xi32>], vector<16xi32>,
      %parallel_loop3A_402 = arith.constant 11 : i32
      %parallel_loop3A_403 = vector.broadcast %parallel_loop3A_402 : i32 to vector<16xi32>
      %parallel_loop3A_404 = arith.shrui %parallel_loop3A_321, %parallel_loop3A_403 : vector<16xi32>
      %parallel_loop3A_405 = arith.constant 2047 : i32
      %parallel_loop3A_406 = vector.broadcast %parallel_loop3A_405 : i32 to vector<16xi32>
      %parallel_loop3A_407 = arith.andi %parallel_loop3A_404, %parallel_loop3A_406 : vector<16xi32>
      %parallel_loop3A_408 = tpu.vector_load_idx %arg10[%parallel_loop3A_407] : memref<2048xi32, #tpu.memory_space<vmem>>[vector<16xi32>], vector<16xi32>,
      %parallel_loop3A_409 = arith.constant 11 : i32
      %parallel_loop3A_410 = vector.broadcast %parallel_loop3A_409 : i32 to vector<16xi32>
      %parallel_loop3A_411 = arith.shrui %parallel_loop3A_323, %parallel_loop3A_410 : vector<16xi32>
      %parallel_loop3A_412 = arith.constant 2047 : i32
      %parallel_loop3A_413 = vector.broadcast %parallel_loop3A_412 : i32 to vector<16xi32>
      %parallel_loop3A_414 = arith.andi %parallel_loop3A_411, %parallel_loop3A_413 : vector<16xi32>
      %parallel_loop3A_415 = tpu.vector_load_idx %arg11[%parallel_loop3A_414] : memref<2048xi32, #tpu.memory_space<vmem>>[vector<16xi32>], vector<16xi32>,
      %parallel_loop3A_416 = arith.constant 11 : i32
      %parallel_loop3A_417 = vector.broadcast %parallel_loop3A_416 : i32 to vector<16xi32>
      %parallel_loop3A_418 = arith.shrui %parallel_loop3A_325, %parallel_loop3A_417 : vector<16xi32>
      %parallel_loop3A_419 = arith.constant 2047 : i32
      %parallel_loop3A_420 = vector.broadcast %parallel_loop3A_419 : i32 to vector<16xi32>
      %parallel_loop3A_421 = arith.andi %parallel_loop3A_418, %parallel_loop3A_420 : vector<16xi32>
      %parallel_loop3A_422 = tpu.vector_load_idx %arg12[%parallel_loop3A_421] : memref<2048xi32, #tpu.memory_space<vmem>>[vector<16xi32>], vector<16xi32>,
      %parallel_loop3A_423 = arith.constant 11 : i32
      %parallel_loop3A_424 = vector.broadcast %parallel_loop3A_423 : i32 to vector<16xi32>
      %parallel_loop3A_425 = arith.shrui %parallel_loop3A_327, %parallel_loop3A_424 : vector<16xi32>
      %parallel_loop3A_426 = arith.constant 2047 : i32
      %parallel_loop3A_427 = vector.broadcast %parallel_loop3A_426 : i32 to vector<16xi32>
      %parallel_loop3A_428 = arith.andi %parallel_loop3A_425, %parallel_loop3A_427 : vector<16xi32>
      %parallel_loop3A_429 = tpu.vector_load_idx %arg13[%parallel_loop3A_428] : memref<2048xi32, #tpu.memory_space<vmem>>[vector<16xi32>], vector<16xi32>,
      %parallel_loop3A_430 = arith.constant 11 : i32
      %parallel_loop3A_431 = vector.broadcast %parallel_loop3A_430 : i32 to vector<16xi32>
      %parallel_loop3A_432 = arith.shrui %parallel_loop3A_329, %parallel_loop3A_431 : vector<16xi32>
      %parallel_loop3A_433 = arith.constant 2047 : i32
      %parallel_loop3A_434 = vector.broadcast %parallel_loop3A_433 : i32 to vector<16xi32>
      %parallel_loop3A_435 = arith.andi %parallel_loop3A_432, %parallel_loop3A_434 : vector<16xi32>
      %parallel_loop3A_436 = tpu.vector_load_idx %arg14[%parallel_loop3A_435] : memref<2048xi32, #tpu.memory_space<vmem>>[vector<16xi32>], vector<16xi32>,
      %parallel_loop3A_437 = arith.constant 11 : i32
      %parallel_loop3A_438 = vector.broadcast %parallel_loop3A_437 : i32 to vector<16xi32>
      %parallel_loop3A_439 = arith.shrui %parallel_loop3A_331, %parallel_loop3A_438 : vector<16xi32>
      %parallel_loop3A_440 = arith.constant 2047 : i32
      %parallel_loop3A_441 = vector.broadcast %parallel_loop3A_440 : i32 to vector<16xi32>
      %parallel_loop3A_442 = arith.andi %parallel_loop3A_439, %parallel_loop3A_441 : vector<16xi32>
      %parallel_loop3A_443 = tpu.vector_load_idx %arg15[%parallel_loop3A_442] : memref<2048xi32, #tpu.memory_space<vmem>>[vector<16xi32>], vector<16xi32>,
      %parallel_loop3A_444 = arith.addi %parallel_loop3A_338, %parallel_loop3A_254 : vector<16xi32>
      tpu.vector_store_idx %arg6[%parallel_loop3A_444], %parallel_loop3A_206 : memref<32768xi32, #tpu.memory_space<vmem>>[vector<16xi32>], vector<16xi32>,
      %parallel_loop3A_445 = arith.addi %parallel_loop3A_345, %parallel_loop3A_257 : vector<16xi32>
      tpu.vector_store_idx %arg6[%parallel_loop3A_445], %parallel_loop3A_209 : memref<32768xi32, #tpu.memory_space<vmem>>[vector<16xi32>], vector<16xi32>,
      %parallel_loop3A_446 = arith.addi %parallel_loop3A_352, %parallel_loop3A_260 : vector<16xi32>
      tpu.vector_store_idx %arg6[%parallel_loop3A_446], %parallel_loop3A_212 : memref<32768xi32, #tpu.memory_space<vmem>>[vector<16xi32>], vector<16xi32>,
      %parallel_loop3A_447 = arith.addi %parallel_loop3A_359, %parallel_loop3A_263 : vector<16xi32>
      tpu.vector_store_idx %arg6[%parallel_loop3A_447], %parallel_loop3A_215 : memref<32768xi32, #tpu.memory_space<vmem>>[vector<16xi32>], vector<16xi32>,
      %parallel_loop3A_448 = arith.addi %parallel_loop3A_366, %parallel_loop3A_266 : vector<16xi32>
      tpu.vector_store_idx %arg6[%parallel_loop3A_448], %parallel_loop3A_218 : memref<32768xi32, #tpu.memory_space<vmem>>[vector<16xi32>], vector<16xi32>,
      %parallel_loop3A_449 = arith.addi %parallel_loop3A_373, %parallel_loop3A_269 : vector<16xi32>
      tpu.vector_store_idx %arg6[%parallel_loop3A_449], %parallel_loop3A_221 : memref<32768xi32, #tpu.memory_space<vmem>>[vector<16xi32>], vector<16xi32>,
      %parallel_loop3A_450 = arith.addi %parallel_loop3A_380, %parallel_loop3A_272 : vector<16xi32>
      tpu.vector_store_idx %arg6[%parallel_loop3A_450], %parallel_loop3A_224 : memref<32768xi32, #tpu.memory_space<vmem>>[vector<16xi32>], vector<16xi32>,
      %parallel_loop3A_451 = arith.addi %parallel_loop3A_387, %parallel_loop3A_275 : vector<16xi32>
      tpu.vector_store_idx %arg6[%parallel_loop3A_451], %parallel_loop3A_227 : memref<32768xi32, #tpu.memory_space<vmem>>[vector<16xi32>], vector<16xi32>,
      %parallel_loop3A_452 = arith.addi %parallel_loop3A_394, %parallel_loop3A_278 : vector<16xi32>
      tpu.vector_store_idx %arg6[%parallel_loop3A_452], %parallel_loop3A_230 : memref<32768xi32, #tpu.memory_space<vmem>>[vector<16xi32>], vector<16xi32>,
      %parallel_loop3A_453 = arith.addi %parallel_loop3A_401, %parallel_loop3A_281 : vector<16xi32>
      tpu.vector_store_idx %arg6[%parallel_loop3A_453], %parallel_loop3A_233 : memref<32768xi32, #tpu.memory_space<vmem>>[vector<16xi32>], vector<16xi32>,
      %parallel_loop3A_454 = arith.addi %parallel_loop3A_408, %parallel_loop3A_284 : vector<16xi32>
      tpu.vector_store_idx %arg6[%parallel_loop3A_454], %parallel_loop3A_236 : memref<32768xi32, #tpu.memory_space<vmem>>[vector<16xi32>], vector<16xi32>,
      %parallel_loop3A_455 = arith.addi %parallel_loop3A_415, %parallel_loop3A_287 : vector<16xi32>
      tpu.vector_store_idx %arg6[%parallel_loop3A_455], %parallel_loop3A_239 : memref<32768xi32, #tpu.memory_space<vmem>>[vector<16xi32>], vector<16xi32>,
      %parallel_loop3A_456 = arith.addi %parallel_loop3A_422, %parallel_loop3A_290 : vector<16xi32>
      tpu.vector_store_idx %arg6[%parallel_loop3A_456], %parallel_loop3A_242 : memref<32768xi32, #tpu.memory_space<vmem>>[vector<16xi32>], vector<16xi32>,
      %parallel_loop3A_457 = arith.addi %parallel_loop3A_429, %parallel_loop3A_293 : vector<16xi32>
      tpu.vector_store_idx %arg6[%parallel_loop3A_457], %parallel_loop3A_245 : memref<32768xi32, #tpu.memory_space<vmem>>[vector<16xi32>], vector<16xi32>,
      %parallel_loop3A_458 = arith.addi %parallel_loop3A_436, %parallel_loop3A_296 : vector<16xi32>
      tpu.vector_store_idx %arg6[%parallel_loop3A_458], %parallel_loop3A_248 : memref<32768xi32, #tpu.memory_space<vmem>>[vector<16xi32>], vector<16xi32>,
      %parallel_loop3A_459 = arith.addi %parallel_loop3A_443, %parallel_loop3A_299 : vector<16xi32>
      tpu.vector_store_idx %arg6[%parallel_loop3A_459], %parallel_loop3A_251 : memref<32768xi32, #tpu.memory_space<vmem>>[vector<16xi32>], vector<16xi32>,
    } {sc.loop_unroll_factor = 1 : i64, sc.parallel_access}
    %parallel_loop3A_37 = arith.constant 0 : i32
    %parallel_loop3A_38 = arith.constant 64 : i32
    %parallel_loop3A_39 = arith.constant 1 : i32
    scf.for %parallel_loop3A_59 = %parallel_loop3A_37 to %parallel_loop3A_38 step %parallel_loop3A_39  : i32 {
      %parallel_loop3A_60 = arith.constant 0 : i32
      %parallel_loop3A_61 = vector.broadcast %parallel_loop3A_60 : i32 to vector<16xi32>
      %parallel_loop3A_62 = arith.constant 16 : i32
      %parallel_loop3A_63 = arith.muli %parallel_loop3A_59, %parallel_loop3A_62 : i32
      %parallel_loop3A_64 = arith.index_cast %parallel_loop3A_63 : i32 to index
      %parallel_loop3A_65 = tpu.vector_load %arg8[%parallel_loop3A_64] {strides = array<i32>} : memref<2048xi32, #tpu.memory_space<vmem>>, vector<16xi32>,
      tpu.vector_store %arg8[%parallel_loop3A_64], %parallel_loop3A_61 {strides = array<i32>} : memref<2048xi32, #tpu.memory_space<vmem>>, vector<16xi32>,
      %parallel_loop3A_66 = arith.constant 0 : i32
      %parallel_loop3A_67 = vector.broadcast %parallel_loop3A_66 : i32 to vector<16xi32>
      %parallel_loop3A_68 = arith.constant 16 : i32
      %parallel_loop3A_69 = arith.muli %parallel_loop3A_59, %parallel_loop3A_68 : i32
      %parallel_loop3A_70 = arith.index_cast %parallel_loop3A_69 : i32 to index
      %parallel_loop3A_71 = tpu.vector_load %arg9[%parallel_loop3A_70] {strides = array<i32>} : memref<2048xi32, #tpu.memory_space<vmem>>, vector<16xi32>,
      tpu.vector_store %arg9[%parallel_loop3A_70], %parallel_loop3A_67 {strides = array<i32>} : memref<2048xi32, #tpu.memory_space<vmem>>, vector<16xi32>,
      %parallel_loop3A_72 = arith.constant 0 : i32
      %parallel_loop3A_73 = vector.broadcast %parallel_loop3A_72 : i32 to vector<16xi32>
      %parallel_loop3A_74 = arith.constant 16 : i32
      %parallel_loop3A_75 = arith.muli %parallel_loop3A_59, %parallel_loop3A_74 : i32
      %parallel_loop3A_76 = arith.index_cast %parallel_loop3A_75 : i32 to index
      %parallel_loop3A_77 = tpu.vector_load %arg10[%parallel_loop3A_76] {strides = array<i32>} : memref<2048xi32, #tpu.memory_space<vmem>>, vector<16xi32>,
      tpu.vector_store %arg10[%parallel_loop3A_76], %parallel_loop3A_73 {strides = array<i32>} : memref<2048xi32, #tpu.memory_space<vmem>>, vector<16xi32>,
      %parallel_loop3A_78 = arith.constant 0 : i32
      %parallel_loop3A_79 = vector.broadcast %parallel_loop3A_78 : i32 to vector<16xi32>
      %parallel_loop3A_80 = arith.constant 16 : i32
      %parallel_loop3A_81 = arith.muli %parallel_loop3A_59, %parallel_loop3A_80 : i32
      %parallel_loop3A_82 = arith.index_cast %parallel_loop3A_81 : i32 to index
      %parallel_loop3A_83 = tpu.vector_load %arg11[%parallel_loop3A_82] {strides = array<i32>} : memref<2048xi32, #tpu.memory_space<vmem>>, vector<16xi32>,
      tpu.vector_store %arg11[%parallel_loop3A_82], %parallel_loop3A_79 {strides = array<i32>} : memref<2048xi32, #tpu.memory_space<vmem>>, vector<16xi32>,
      %parallel_loop3A_84 = arith.constant 0 : i32
      %parallel_loop3A_85 = vector.broadcast %parallel_loop3A_84 : i32 to vector<16xi32>
      %parallel_loop3A_86 = arith.constant 16 : i32
      %parallel_loop3A_87 = arith.muli %parallel_loop3A_59, %parallel_loop3A_86 : i32
      %parallel_loop3A_88 = arith.index_cast %parallel_loop3A_87 : i32 to index
      %parallel_loop3A_89 = tpu.vector_load %arg12[%parallel_loop3A_88] {strides = array<i32>} : memref<2048xi32, #tpu.memory_space<vmem>>, vector<16xi32>,
      tpu.vector_store %arg12[%parallel_loop3A_88], %parallel_loop3A_85 {strides = array<i32>} : memref<2048xi32, #tpu.memory_space<vmem>>, vector<16xi32>,
      %parallel_loop3A_90 = arith.constant 0 : i32
      %parallel_loop3A_91 = vector.broadcast %parallel_loop3A_90 : i32 to vector<16xi32>
      %parallel_loop3A_92 = arith.constant 16 : i32
      %parallel_loop3A_93 = arith.muli %parallel_loop3A_59, %parallel_loop3A_92 : i32
      %parallel_loop3A_94 = arith.index_cast %parallel_loop3A_93 : i32 to index
      %parallel_loop3A_95 = tpu.vector_load %arg13[%parallel_loop3A_94] {strides = array<i32>} : memref<2048xi32, #tpu.memory_space<vmem>>, vector<16xi32>,
      tpu.vector_store %arg13[%parallel_loop3A_94], %parallel_loop3A_91 {strides = array<i32>} : memref<2048xi32, #tpu.memory_space<vmem>>, vector<16xi32>,
      %parallel_loop3A_96 = arith.constant 0 : i32
      %parallel_loop3A_97 = vector.broadcast %parallel_loop3A_96 : i32 to vector<16xi32>
      %parallel_loop3A_98 = arith.constant 16 : i32
      %parallel_loop3A_99 = arith.muli %parallel_loop3A_59, %parallel_loop3A_98 : i32
      %parallel_loop3A_100 = arith.index_cast %parallel_loop3A_99 : i32 to index
      %parallel_loop3A_101 = tpu.vector_load %arg14[%parallel_loop3A_100] {strides = array<i32>} : memref<2048xi32, #tpu.memory_space<vmem>>, vector<16xi32>,
      tpu.vector_store %arg14[%parallel_loop3A_100], %parallel_loop3A_97 {strides = array<i32>} : memref<2048xi32, #tpu.memory_space<vmem>>, vector<16xi32>,
      %parallel_loop3A_102 = arith.constant 0 : i32
      %parallel_loop3A_103 = vector.broadcast %parallel_loop3A_102 : i32 to vector<16xi32>
      %parallel_loop3A_104 = arith.constant 16 : i32
      %parallel_loop3A_105 = arith.muli %parallel_loop3A_59, %parallel_loop3A_104 : i32
      %parallel_loop3A_106 = arith.index_cast %parallel_loop3A_105 : i32 to index
      %parallel_loop3A_107 = tpu.vector_load %arg15[%parallel_loop3A_106] {strides = array<i32>} : memref<2048xi32, #tpu.memory_space<vmem>>, vector<16xi32>,
      tpu.vector_store %arg15[%parallel_loop3A_106], %parallel_loop3A_103 {strides = array<i32>} : memref<2048xi32, #tpu.memory_space<vmem>>, vector<16xi32>,
    } {sc.loop_unroll_factor = 8 : i64, sc.parallel_access}
    %scan3A_40 = arith.constant 0 : i32
    %scan3A_41 = arith.constant 0 : i32
    %scan3A_42 = arith.constant 128 : i32
    %scan3A_43 = arith.addi %scan3A_41, %scan3A_42 : i32
    %scan3A_44 = arith.constant 1 : i32
    scf.for %scan3A_59 = %scan3A_41 to %scan3A_43 step %scan3A_44  : i32 {
      %mul3A_60 = arith.constant 2 : i32
      %mul3A_61 = arith.muli %mul3A_60, %scan3A_59 : i32
      %add3A_62 = arith.constant 0 : i32
      %add3A_63 = arith.addi %mul3A_61, %add3A_62 : i32
      %add3A_64 = arith.constant 0 : i32
      %add3A_65 = arith.addi %add3A_63, %add3A_64 : i32
      %mul3A_66 = arith.constant 16 : i32
      %mul3A_67 = arith.muli %add3A_65, %mul3A_66 : i32
      %get3A = arith.index_cast %mul3A_67 : i32 to index
      %get3A_68 = tpu.vector_load %arg6[%get3A] {strides = array<i32>} : memref<32768xi32, #tpu.memory_space<vmem>>, vector<16xi32>,
      %add3A_69 = arith.constant 256 : i32
      %add3A_70 = arith.addi %add3A_63, %add3A_69 : i32
      %mul3A_71 = arith.constant 16 : i32
      %mul3A_72 = arith.muli %add3A_70, %mul3A_71 : i32
      %get3A_73 = arith.index_cast %mul3A_72 : i32 to index
      %get3A_74 = tpu.vector_load %arg6[%get3A_73] {strides = array<i32>} : memref<32768xi32, #tpu.memory_space<vmem>>, vector<16xi32>,
      %add3A_75 = arith.constant 512 : i32
      %add3A_76 = arith.addi %add3A_63, %add3A_75 : i32
      %mul3A_77 = arith.constant 16 : i32
      %mul3A_78 = arith.muli %add3A_76, %mul3A_77 : i32
      %get3A_79 = arith.index_cast %mul3A_78 : i32 to index
      %get3A_80 = tpu.vector_load %arg6[%get3A_79] {strides = array<i32>} : memref<32768xi32, #tpu.memory_space<vmem>>, vector<16xi32>,
      %add3A_81 = arith.constant 768 : i32
      %add3A_82 = arith.addi %add3A_63, %add3A_81 : i32
      %mul3A_83 = arith.constant 16 : i32
      %mul3A_84 = arith.muli %add3A_82, %mul3A_83 : i32
      %get3A_85 = arith.index_cast %mul3A_84 : i32 to index
      %get3A_86 = tpu.vector_load %arg6[%get3A_85] {strides = array<i32>} : memref<32768xi32, #tpu.memory_space<vmem>>, vector<16xi32>,
      %add3A_87 = arith.constant 1024 : i32
      %add3A_88 = arith.addi %add3A_63, %add3A_87 : i32
      %mul3A_89 = arith.constant 16 : i32
      %mul3A_90 = arith.muli %add3A_88, %mul3A_89 : i32
      %get3A_91 = arith.index_cast %mul3A_90 : i32 to index
      %get3A_92 = tpu.vector_load %arg6[%get3A_91] {strides = array<i32>} : memref<32768xi32, #tpu.memory_space<vmem>>, vector<16xi32>,
      %add3A_93 = arith.constant 1280 : i32
      %add3A_94 = arith.addi %add3A_63, %add3A_93 : i32
      %mul3A_95 = arith.constant 16 : i32
      %mul3A_96 = arith.muli %add3A_94, %mul3A_95 : i32
      %get3A_97 = arith.index_cast %mul3A_96 : i32 to index
      %get3A_98 = tpu.vector_load %arg6[%get3A_97] {strides = array<i32>} : memref<32768xi32, #tpu.memory_space<vmem>>, vector<16xi32>,
      %add3A_99 = arith.constant 1536 : i32
      %add3A_100 = arith.addi %add3A_63, %add3A_99 : i32
      %mul3A_101 = arith.constant 16 : i32
      %mul3A_102 = arith.muli %add3A_100, %mul3A_101 : i32
      %get3A_103 = arith.index_cast %mul3A_102 : i32 to index
      %get3A_104 = tpu.vector_load %arg6[%get3A_103] {strides = array<i32>} : memref<32768xi32, #tpu.memory_space<vmem>>, vector<16xi32>,
      %add3A_105 = arith.constant 1792 : i32
      %add3A_106 = arith.addi %add3A_63, %add3A_105 : i32
      %mul3A_107 = arith.constant 16 : i32
      %mul3A_108 = arith.muli %add3A_106, %mul3A_107 : i32
      %get3A_109 = arith.index_cast %mul3A_108 : i32 to index
      %get3A_110 = tpu.vector_load %arg6[%get3A_109] {strides = array<i32>} : memref<32768xi32, #tpu.memory_space<vmem>>, vector<16xi32>,
      %gather3A = tpu.vector_load_idx %arg5[%get3A_68] : memref<32768xf32, #tpu.memory_space<vmem>>[vector<16xi32>], vector<16xf32>,
      %bitcast3A = vector.bitcast %gather3A : vector<16xf32> to vector<16xi32>
      %gather3A_111 = tpu.vector_load_idx %arg5[%get3A_74] : memref<32768xf32, #tpu.memory_space<vmem>>[vector<16xi32>], vector<16xf32>,
      %bitcast3A_112 = vector.bitcast %gather3A_111 : vector<16xf32> to vector<16xi32>
      %gather3A_113 = tpu.vector_load_idx %arg5[%get3A_80] : memref<32768xf32, #tpu.memory_space<vmem>>[vector<16xi32>], vector<16xf32>,
      %bitcast3A_114 = vector.bitcast %gather3A_113 : vector<16xf32> to vector<16xi32>
      %gather3A_115 = tpu.vector_load_idx %arg5[%get3A_86] : memref<32768xf32, #tpu.memory_space<vmem>>[vector<16xi32>], vector<16xf32>,
      %bitcast3A_116 = vector.bitcast %gather3A_115 : vector<16xf32> to vector<16xi32>
      %gather3A_117 = tpu.vector_load_idx %arg5[%get3A_92] : memref<32768xf32, #tpu.memory_space<vmem>>[vector<16xi32>], vector<16xf32>,
      %bitcast3A_118 = vector.bitcast %gather3A_117 : vector<16xf32> to vector<16xi32>
      %gather3A_119 = tpu.vector_load_idx %arg5[%get3A_98] : memref<32768xf32, #tpu.memory_space<vmem>>[vector<16xi32>], vector<16xf32>,
      %bitcast3A_120 = vector.bitcast %gather3A_119 : vector<16xf32> to vector<16xi32>
      %gather3A_121 = tpu.vector_load_idx %arg5[%get3A_104] : memref<32768xf32, #tpu.memory_space<vmem>>[vector<16xi32>], vector<16xf32>,
      %bitcast3A_122 = vector.bitcast %gather3A_121 : vector<16xf32> to vector<16xi32>
      %gather3A_123 = tpu.vector_load_idx %arg5[%get3A_110] : memref<32768xf32, #tpu.memory_space<vmem>>[vector<16xi32>], vector<16xf32>,
      %bitcast3A_124 = vector.bitcast %gather3A_123 : vector<16xf32> to vector<16xi32>
      %shift_right_logical3A = arith.constant 22 : i32
      %shift_right_logical3A_125 = vector.broadcast %shift_right_logical3A : i32 to vector<16xi32>
      %shift_right_logical3A_126 = arith.shrui %bitcast3A, %shift_right_logical3A_125 : vector<16xi32>
      %and3A = arith.constant 1023 : i32
      %and3A_127 = vector.broadcast %and3A : i32 to vector<16xi32>
      %and3A_128 = arith.andi %shift_right_logical3A_126, %and3A_127 : vector<16xi32>
      %shift_right_logical3A_129 = arith.constant 22 : i32
      %shift_right_logical3A_130 = vector.broadcast %shift_right_logical3A_129 : i32 to vector<16xi32>
      %shift_right_logical3A_131 = arith.shrui %bitcast3A_112, %shift_right_logical3A_130 : vector<16xi32>
      %and3A_132 = arith.constant 1023 : i32
      %and3A_133 = vector.broadcast %and3A_132 : i32 to vector<16xi32>
      %and3A_134 = arith.andi %shift_right_logical3A_131, %and3A_133 : vector<16xi32>
      %shift_right_logical3A_135 = arith.constant 22 : i32
      %shift_right_logical3A_136 = vector.broadcast %shift_right_logical3A_135 : i32 to vector<16xi32>
      %shift_right_logical3A_137 = arith.shrui %bitcast3A_114, %shift_right_logical3A_136 : vector<16xi32>
      %and3A_138 = arith.constant 1023 : i32
      %and3A_139 = vector.broadcast %and3A_138 : i32 to vector<16xi32>
      %and3A_140 = arith.andi %shift_right_logical3A_137, %and3A_139 : vector<16xi32>
      %shift_right_logical3A_141 = arith.constant 22 : i32
      %shift_right_logical3A_142 = vector.broadcast %shift_right_logical3A_141 : i32 to vector<16xi32>
      %shift_right_logical3A_143 = arith.shrui %bitcast3A_116, %shift_right_logical3A_142 : vector<16xi32>
      %and3A_144 = arith.constant 1023 : i32
      %and3A_145 = vector.broadcast %and3A_144 : i32 to vector<16xi32>
      %and3A_146 = arith.andi %shift_right_logical3A_143, %and3A_145 : vector<16xi32>
      %shift_right_logical3A_147 = arith.constant 22 : i32
      %shift_right_logical3A_148 = vector.broadcast %shift_right_logical3A_147 : i32 to vector<16xi32>
      %shift_right_logical3A_149 = arith.shrui %bitcast3A_118, %shift_right_logical3A_148 : vector<16xi32>
      %and3A_150 = arith.constant 1023 : i32
      %and3A_151 = vector.broadcast %and3A_150 : i32 to vector<16xi32>
      %and3A_152 = arith.andi %shift_right_logical3A_149, %and3A_151 : vector<16xi32>
      %shift_right_logical3A_153 = arith.constant 22 : i32
      %shift_right_logical3A_154 = vector.broadcast %shift_right_logical3A_153 : i32 to vector<16xi32>
      %shift_right_logical3A_155 = arith.shrui %bitcast3A_120, %shift_right_logical3A_154 : vector<16xi32>
      %and3A_156 = arith.constant 1023 : i32
      %and3A_157 = vector.broadcast %and3A_156 : i32 to vector<16xi32>
      %and3A_158 = arith.andi %shift_right_logical3A_155, %and3A_157 : vector<16xi32>
      %shift_right_logical3A_159 = arith.constant 22 : i32
      %shift_right_logical3A_160 = vector.broadcast %shift_right_logical3A_159 : i32 to vector<16xi32>
      %shift_right_logical3A_161 = arith.shrui %bitcast3A_122, %shift_right_logical3A_160 : vector<16xi32>
      %and3A_162 = arith.constant 1023 : i32
      %and3A_163 = vector.broadcast %and3A_162 : i32 to vector<16xi32>
      %and3A_164 = arith.andi %shift_right_logical3A_161, %and3A_163 : vector<16xi32>
      %shift_right_logical3A_165 = arith.constant 22 : i32
      %shift_right_logical3A_166 = vector.broadcast %shift_right_logical3A_165 : i32 to vector<16xi32>
      %shift_right_logical3A_167 = arith.shrui %bitcast3A_124, %shift_right_logical3A_166 : vector<16xi32>
      %and3A_168 = arith.constant 1023 : i32
      %and3A_169 = vector.broadcast %and3A_168 : i32 to vector<16xi32>
      %and3A_170 = arith.andi %shift_right_logical3A_167, %and3A_169 : vector<16xi32>
      %broadcast_in_dim3A = arith.constant true
      %broadcast_in_dim3A_171 = vector.broadcast %broadcast_in_dim3A : i1 to vector<16xi1>
      %unique3A, %unique3A_172 = tpu.scan_count mask(%broadcast_in_dim3A_171 : vector<16xi1>) value(%and3A_128 : vector<16xi32>) : vector<16xi1>, vector<16xi32>
      %broadcast_in_dim3A_173 = arith.constant true
      %broadcast_in_dim3A_174 = vector.broadcast %broadcast_in_dim3A_173 : i1 to vector<16xi1>
      %unique3A_175, %unique3A_176 = tpu.scan_count mask(%broadcast_in_dim3A_174 : vector<16xi1>) value(%and3A_134 : vector<16xi32>) : vector<16xi1>, vector<16xi32>
      %broadcast_in_dim3A_177 = arith.constant true
      %broadcast_in_dim3A_178 = vector.broadcast %broadcast_in_dim3A_177 : i1 to vector<16xi1>
      %unique3A_179, %unique3A_180 = tpu.scan_count mask(%broadcast_in_dim3A_178 : vector<16xi1>) value(%and3A_140 : vector<16xi32>) : vector<16xi1>, vector<16xi32>
      %broadcast_in_dim3A_181 = arith.constant true
      %broadcast_in_dim3A_182 = vector.broadcast %broadcast_in_dim3A_181 : i1 to vector<16xi1>
      %unique3A_183, %unique3A_184 = tpu.scan_count mask(%broadcast_in_dim3A_182 : vector<16xi1>) value(%and3A_146 : vector<16xi32>) : vector<16xi1>, vector<16xi32>
      %broadcast_in_dim3A_185 = arith.constant true
      %broadcast_in_dim3A_186 = vector.broadcast %broadcast_in_dim3A_185 : i1 to vector<16xi1>
      %unique3A_187, %unique3A_188 = tpu.scan_count mask(%broadcast_in_dim3A_186 : vector<16xi1>) value(%and3A_152 : vector<16xi32>) : vector<16xi1>, vector<16xi32>
      %broadcast_in_dim3A_189 = arith.constant true
      %broadcast_in_dim3A_190 = vector.broadcast %broadcast_in_dim3A_189 : i1 to vector<16xi1>
      %unique3A_191, %unique3A_192 = tpu.scan_count mask(%broadcast_in_dim3A_190 : vector<16xi1>) value(%and3A_158 : vector<16xi32>) : vector<16xi1>, vector<16xi32>
      %broadcast_in_dim3A_193 = arith.constant true
      %broadcast_in_dim3A_194 = vector.broadcast %broadcast_in_dim3A_193 : i1 to vector<16xi1>
      %unique3A_195, %unique3A_196 = tpu.scan_count mask(%broadcast_in_dim3A_194 : vector<16xi1>) value(%and3A_164 : vector<16xi32>) : vector<16xi1>, vector<16xi32>
      %broadcast_in_dim3A_197 = arith.constant true
      %broadcast_in_dim3A_198 = vector.broadcast %broadcast_in_dim3A_197 : i1 to vector<16xi1>
      %unique3A_199, %unique3A_200 = tpu.scan_count mask(%broadcast_in_dim3A_198 : vector<16xi1>) value(%and3A_170 : vector<16xi32>) : vector<16xi1>, vector<16xi32>
      %mul3A_201 = arith.constant 2 : i32
      %mul3A_202 = arith.muli %mul3A_201, %scan3A_59 : i32
      %add3A_203 = arith.constant 1 : i32
      %add3A_204 = arith.addi %mul3A_202, %add3A_203 : i32
      %add3A_205 = arith.constant 0 : i32
      %add3A_206 = arith.addi %add3A_204, %add3A_205 : i32
      %mul3A_207 = arith.constant 16 : i32
      %mul3A_208 = arith.muli %add3A_206, %mul3A_207 : i32
      %get3A_209 = arith.index_cast %mul3A_208 : i32 to index
      %get3A_210 = tpu.vector_load %arg6[%get3A_209] {strides = array<i32>} : memref<32768xi32, #tpu.memory_space<vmem>>, vector<16xi32>,
      %add3A_211 = arith.constant 256 : i32
      %add3A_212 = arith.addi %add3A_204, %add3A_211 : i32
      %mul3A_213 = arith.constant 16 : i32
      %mul3A_214 = arith.muli %add3A_212, %mul3A_213 : i32
      %get3A_215 = arith.index_cast %mul3A_214 : i32 to index
      %get3A_216 = tpu.vector_load %arg6[%get3A_215] {strides = array<i32>} : memref<32768xi32, #tpu.memory_space<vmem>>, vector<16xi32>,
      %add3A_217 = arith.constant 512 : i32
      %add3A_218 = arith.addi %add3A_204, %add3A_217 : i32
      %mul3A_219 = arith.constant 16 : i32
      %mul3A_220 = arith.muli %add3A_218, %mul3A_219 : i32
      %get3A_221 = arith.index_cast %mul3A_220 : i32 to index
      %get3A_222 = tpu.vector_load %arg6[%get3A_221] {strides = array<i32>} : memref<32768xi32, #tpu.memory_space<vmem>>, vector<16xi32>,
      %add3A_223 = arith.constant 768 : i32
      %add3A_224 = arith.addi %add3A_204, %add3A_223 : i32
      %mul3A_225 = arith.constant 16 : i32
      %mul3A_226 = arith.muli %add3A_224, %mul3A_225 : i32
      %get3A_227 = arith.index_cast %mul3A_226 : i32 to index
      %get3A_228 = tpu.vector_load %arg6[%get3A_227] {strides = array<i32>} : memref<32768xi32, #tpu.memory_space<vmem>>, vector<16xi32>,
      %add3A_229 = arith.constant 1024 : i32
      %add3A_230 = arith.addi %add3A_204, %add3A_229 : i32
      %mul3A_231 = arith.constant 16 : i32
      %mul3A_232 = arith.muli %add3A_230, %mul3A_231 : i32
      %get3A_233 = arith.index_cast %mul3A_232 : i32 to index
      %get3A_234 = tpu.vector_load %arg6[%get3A_233] {strides = array<i32>} : memref<32768xi32, #tpu.memory_space<vmem>>, vector<16xi32>,
      %add3A_235 = arith.constant 1280 : i32
      %add3A_236 = arith.addi %add3A_204, %add3A_235 : i32
      %mul3A_237 = arith.constant 16 : i32
      %mul3A_238 = arith.muli %add3A_236, %mul3A_237 : i32
      %get3A_239 = arith.index_cast %mul3A_238 : i32 to index
      %get3A_240 = tpu.vector_load %arg6[%get3A_239] {strides = array<i32>} : memref<32768xi32, #tpu.memory_space<vmem>>, vector<16xi32>,
      %add3A_241 = arith.constant 1536 : i32
      %add3A_242 = arith.addi %add3A_204, %add3A_241 : i32
      %mul3A_243 = arith.constant 16 : i32
      %mul3A_244 = arith.muli %add3A_242, %mul3A_243 : i32
      %get3A_245 = arith.index_cast %mul3A_244 : i32 to index
      %get3A_246 = tpu.vector_load %arg6[%get3A_245] {strides = array<i32>} : memref<32768xi32, #tpu.memory_space<vmem>>, vector<16xi32>,
      %add3A_247 = arith.constant 1792 : i32
      %add3A_248 = arith.addi %add3A_204, %add3A_247 : i32
      %mul3A_249 = arith.constant 16 : i32
      %mul3A_250 = arith.muli %add3A_248, %mul3A_249 : i32
      %get3A_251 = arith.index_cast %mul3A_250 : i32 to index
      %get3A_252 = tpu.vector_load %arg6[%get3A_251] {strides = array<i32>} : memref<32768xi32, #tpu.memory_space<vmem>>, vector<16xi32>,
      %gather3A_253 = tpu.vector_load_idx %arg5[%get3A_210] : memref<32768xf32, #tpu.memory_space<vmem>>[vector<16xi32>], vector<16xf32>,
      %bitcast3A_254 = vector.bitcast %gather3A_253 : vector<16xf32> to vector<16xi32>
      %gather3A_255 = tpu.vector_load_idx %arg5[%get3A_216] : memref<32768xf32, #tpu.memory_space<vmem>>[vector<16xi32>], vector<16xf32>,
      %bitcast3A_256 = vector.bitcast %gather3A_255 : vector<16xf32> to vector<16xi32>
      %gather3A_257 = tpu.vector_load_idx %arg5[%get3A_222] : memref<32768xf32, #tpu.memory_space<vmem>>[vector<16xi32>], vector<16xf32>,
      %bitcast3A_258 = vector.bitcast %gather3A_257 : vector<16xf32> to vector<16xi32>
      %gather3A_259 = tpu.vector_load_idx %arg5[%get3A_228] : memref<32768xf32, #tpu.memory_space<vmem>>[vector<16xi32>], vector<16xf32>,
      %bitcast3A_260 = vector.bitcast %gather3A_259 : vector<16xf32> to vector<16xi32>
      %gather3A_261 = tpu.vector_load_idx %arg5[%get3A_234] : memref<32768xf32, #tpu.memory_space<vmem>>[vector<16xi32>], vector<16xf32>,
      %bitcast3A_262 = vector.bitcast %gather3A_261 : vector<16xf32> to vector<16xi32>
      %gather3A_263 = tpu.vector_load_idx %arg5[%get3A_240] : memref<32768xf32, #tpu.memory_space<vmem>>[vector<16xi32>], vector<16xf32>,
      %bitcast3A_264 = vector.bitcast %gather3A_263 : vector<16xf32> to vector<16xi32>
      %gather3A_265 = tpu.vector_load_idx %arg5[%get3A_246] : memref<32768xf32, #tpu.memory_space<vmem>>[vector<16xi32>], vector<16xf32>,
      %bitcast3A_266 = vector.bitcast %gather3A_265 : vector<16xf32> to vector<16xi32>
      %gather3A_267 = tpu.vector_load_idx %arg5[%get3A_252] : memref<32768xf32, #tpu.memory_space<vmem>>[vector<16xi32>], vector<16xf32>,
      %bitcast3A_268 = vector.bitcast %gather3A_267 : vector<16xf32> to vector<16xi32>
      %shift_right_logical3A_269 = arith.constant 22 : i32
      %shift_right_logical3A_270 = vector.broadcast %shift_right_logical3A_269 : i32 to vector<16xi32>
      %shift_right_logical3A_271 = arith.shrui %bitcast3A_254, %shift_right_logical3A_270 : vector<16xi32>
      %and3A_272 = arith.constant 1023 : i32
      %and3A_273 = vector.broadcast %and3A_272 : i32 to vector<16xi32>
      %and3A_274 = arith.andi %shift_right_logical3A_271, %and3A_273 : vector<16xi32>
      %shift_right_logical3A_275 = arith.constant 22 : i32
      %shift_right_logical3A_276 = vector.broadcast %shift_right_logical3A_275 : i32 to vector<16xi32>
      %shift_right_logical3A_277 = arith.shrui %bitcast3A_256, %shift_right_logical3A_276 : vector<16xi32>
      %and3A_278 = arith.constant 1023 : i32
      %and3A_279 = vector.broadcast %and3A_278 : i32 to vector<16xi32>
      %and3A_280 = arith.andi %shift_right_logical3A_277, %and3A_279 : vector<16xi32>
      %shift_right_logical3A_281 = arith.constant 22 : i32
      %shift_right_logical3A_282 = vector.broadcast %shift_right_logical3A_281 : i32 to vector<16xi32>
      %shift_right_logical3A_283 = arith.shrui %bitcast3A_258, %shift_right_logical3A_282 : vector<16xi32>
      %and3A_284 = arith.constant 1023 : i32
      %and3A_285 = vector.broadcast %and3A_284 : i32 to vector<16xi32>
      %and3A_286 = arith.andi %shift_right_logical3A_283, %and3A_285 : vector<16xi32>
      %shift_right_logical3A_287 = arith.constant 22 : i32
      %shift_right_logical3A_288 = vector.broadcast %shift_right_logical3A_287 : i32 to vector<16xi32>
      %shift_right_logical3A_289 = arith.shrui %bitcast3A_260, %shift_right_logical3A_288 : vector<16xi32>
      %and3A_290 = arith.constant 1023 : i32
      %and3A_291 = vector.broadcast %and3A_290 : i32 to vector<16xi32>
      %and3A_292 = arith.andi %shift_right_logical3A_289, %and3A_291 : vector<16xi32>
      %shift_right_logical3A_293 = arith.constant 22 : i32
      %shift_right_logical3A_294 = vector.broadcast %shift_right_logical3A_293 : i32 to vector<16xi32>
      %shift_right_logical3A_295 = arith.shrui %bitcast3A_262, %shift_right_logical3A_294 : vector<16xi32>
      %and3A_296 = arith.constant 1023 : i32
      %and3A_297 = vector.broadcast %and3A_296 : i32 to vector<16xi32>
      %and3A_298 = arith.andi %shift_right_logical3A_295, %and3A_297 : vector<16xi32>
      %shift_right_logical3A_299 = arith.constant 22 : i32
      %shift_right_logical3A_300 = vector.broadcast %shift_right_logical3A_299 : i32 to vector<16xi32>
      %shift_right_logical3A_301 = arith.shrui %bitcast3A_264, %shift_right_logical3A_300 : vector<16xi32>
      %and3A_302 = arith.constant 1023 : i32
      %and3A_303 = vector.broadcast %and3A_302 : i32 to vector<16xi32>
      %and3A_304 = arith.andi %shift_right_logical3A_301, %and3A_303 : vector<16xi32>
      %shift_right_logical3A_305 = arith.constant 22 : i32
      %shift_right_logical3A_306 = vector.broadcast %shift_right_logical3A_305 : i32 to vector<16xi32>
      %shift_right_logical3A_307 = arith.shrui %bitcast3A_266, %shift_right_logical3A_306 : vector<16xi32>
      %and3A_308 = arith.constant 1023 : i32
      %and3A_309 = vector.broadcast %and3A_308 : i32 to vector<16xi32>
      %and3A_310 = arith.andi %shift_right_logical3A_307, %and3A_309 : vector<16xi32>
      %shift_right_logical3A_311 = arith.constant 22 : i32
      %shift_right_logical3A_312 = vector.broadcast %shift_right_logical3A_311 : i32 to vector<16xi32>
      %shift_right_logical3A_313 = arith.shrui %bitcast3A_268, %shift_right_logical3A_312 : vector<16xi32>
      %and3A_314 = arith.constant 1023 : i32
      %and3A_315 = vector.broadcast %and3A_314 : i32 to vector<16xi32>
      %and3A_316 = arith.andi %shift_right_logical3A_313, %and3A_315 : vector<16xi32>
      %broadcast_in_dim3A_317 = arith.constant true
      %broadcast_in_dim3A_318 = vector.broadcast %broadcast_in_dim3A_317 : i1 to vector<16xi1>
      %unique3A_319, %unique3A_320 = tpu.scan_count mask(%broadcast_in_dim3A_318 : vector<16xi1>) value(%and3A_274 : vector<16xi32>) : vector<16xi1>, vector<16xi32>
      %broadcast_in_dim3A_321 = arith.constant true
      %broadcast_in_dim3A_322 = vector.broadcast %broadcast_in_dim3A_321 : i1 to vector<16xi1>
      %unique3A_323, %unique3A_324 = tpu.scan_count mask(%broadcast_in_dim3A_322 : vector<16xi1>) value(%and3A_280 : vector<16xi32>) : vector<16xi1>, vector<16xi32>
      %broadcast_in_dim3A_325 = arith.constant true
      %broadcast_in_dim3A_326 = vector.broadcast %broadcast_in_dim3A_325 : i1 to vector<16xi1>
      %unique3A_327, %unique3A_328 = tpu.scan_count mask(%broadcast_in_dim3A_326 : vector<16xi1>) value(%and3A_286 : vector<16xi32>) : vector<16xi1>, vector<16xi32>
      %broadcast_in_dim3A_329 = arith.constant true
      %broadcast_in_dim3A_330 = vector.broadcast %broadcast_in_dim3A_329 : i1 to vector<16xi1>
      %unique3A_331, %unique3A_332 = tpu.scan_count mask(%broadcast_in_dim3A_330 : vector<16xi1>) value(%and3A_292 : vector<16xi32>) : vector<16xi1>, vector<16xi32>
      %broadcast_in_dim3A_333 = arith.constant true
      %broadcast_in_dim3A_334 = vector.broadcast %broadcast_in_dim3A_333 : i1 to vector<16xi1>
      %unique3A_335, %unique3A_336 = tpu.scan_count mask(%broadcast_in_dim3A_334 : vector<16xi1>) value(%and3A_298 : vector<16xi32>) : vector<16xi1>, vector<16xi32>
      %broadcast_in_dim3A_337 = arith.constant true
      %broadcast_in_dim3A_338 = vector.broadcast %broadcast_in_dim3A_337 : i1 to vector<16xi1>
      %unique3A_339, %unique3A_340 = tpu.scan_count mask(%broadcast_in_dim3A_338 : vector<16xi1>) value(%and3A_304 : vector<16xi32>) : vector<16xi1>, vector<16xi32>
      %broadcast_in_dim3A_341 = arith.constant true
      %broadcast_in_dim3A_342 = vector.broadcast %broadcast_in_dim3A_341 : i1 to vector<16xi1>
      %unique3A_343, %unique3A_344 = tpu.scan_count mask(%broadcast_in_dim3A_342 : vector<16xi1>) value(%and3A_310 : vector<16xi32>) : vector<16xi1>, vector<16xi32>
      %broadcast_in_dim3A_345 = arith.constant true
      %broadcast_in_dim3A_346 = vector.broadcast %broadcast_in_dim3A_345 : i1 to vector<16xi1>
      %unique3A_347, %unique3A_348 = tpu.scan_count mask(%broadcast_in_dim3A_346 : vector<16xi1>) value(%and3A_316 : vector<16xi32>) : vector<16xi1>, vector<16xi32>
      %mul3A_349 = arith.constant 2 : i32
      %mul3A_350 = arith.muli %mul3A_349, %scan3A_59 : i32
      %add3A_351 = arith.constant 0 : i32
      %add3A_352 = arith.addi %mul3A_350, %add3A_351 : i32
      %gather3A_353 = tpu.vector_load_idx %arg8[%and3A_128] : memref<2048xi32, #tpu.memory_space<vmem>>[vector<16xi32>], vector<16xi32>,
      %gather3A_354 = tpu.vector_load_idx %arg9[%and3A_134] : memref<2048xi32, #tpu.memory_space<vmem>>[vector<16xi32>], vector<16xi32>,
      %gather3A_355 = tpu.vector_load_idx %arg10[%and3A_140] : memref<2048xi32, #tpu.memory_space<vmem>>[vector<16xi32>], vector<16xi32>,
      %gather3A_356 = tpu.vector_load_idx %arg11[%and3A_146] : memref<2048xi32, #tpu.memory_space<vmem>>[vector<16xi32>], vector<16xi32>,
      %gather3A_357 = tpu.vector_load_idx %arg12[%and3A_152] : memref<2048xi32, #tpu.memory_space<vmem>>[vector<16xi32>], vector<16xi32>,
      %gather3A_358 = tpu.vector_load_idx %arg13[%and3A_158] : memref<2048xi32, #tpu.memory_space<vmem>>[vector<16xi32>], vector<16xi32>,
      %gather3A_359 = tpu.vector_load_idx %arg14[%and3A_164] : memref<2048xi32, #tpu.memory_space<vmem>>[vector<16xi32>], vector<16xi32>,
      %gather3A_360 = tpu.vector_load_idx %arg15[%and3A_170] : memref<2048xi32, #tpu.memory_space<vmem>>[vector<16xi32>], vector<16xi32>,
      %add3A_361 = arith.addi %gather3A_353, %unique3A_172 : vector<16xi32>
      %add3A_362 = arith.addi %gather3A_354, %unique3A_176 : vector<16xi32>
      %add3A_363 = arith.addi %gather3A_355, %unique3A_180 : vector<16xi32>
      %add3A_364 = arith.addi %gather3A_356, %unique3A_184 : vector<16xi32>
      %add3A_365 = arith.addi %gather3A_357, %unique3A_188 : vector<16xi32>
      %add3A_366 = arith.addi %gather3A_358, %unique3A_192 : vector<16xi32>
      %add3A_367 = arith.addi %gather3A_359, %unique3A_196 : vector<16xi32>
      %add3A_368 = arith.addi %gather3A_360, %unique3A_200 : vector<16xi32>
      tpu.vector_store_idx %arg8[%and3A_128], %add3A_361 masked %unique3A : memref<2048xi32, #tpu.memory_space<vmem>>[vector<16xi32>], vector<16xi32>, vector<16xi1>
      tpu.vector_store_idx %arg9[%and3A_134], %add3A_362 masked %unique3A_175 : memref<2048xi32, #tpu.memory_space<vmem>>[vector<16xi32>], vector<16xi32>, vector<16xi1>
      tpu.vector_store_idx %arg10[%and3A_140], %add3A_363 masked %unique3A_179 : memref<2048xi32, #tpu.memory_space<vmem>>[vector<16xi32>], vector<16xi32>, vector<16xi1>
      tpu.vector_store_idx %arg11[%and3A_146], %add3A_364 masked %unique3A_183 : memref<2048xi32, #tpu.memory_space<vmem>>[vector<16xi32>], vector<16xi32>, vector<16xi1>
      tpu.vector_store_idx %arg12[%and3A_152], %add3A_365 masked %unique3A_187 : memref<2048xi32, #tpu.memory_space<vmem>>[vector<16xi32>], vector<16xi32>, vector<16xi1>
      tpu.vector_store_idx %arg13[%and3A_158], %add3A_366 masked %unique3A_191 : memref<2048xi32, #tpu.memory_space<vmem>>[vector<16xi32>], vector<16xi32>, vector<16xi1>
      tpu.vector_store_idx %arg14[%and3A_164], %add3A_367 masked %unique3A_195 : memref<2048xi32, #tpu.memory_space<vmem>>[vector<16xi32>], vector<16xi32>, vector<16xi1>
      tpu.vector_store_idx %arg15[%and3A_170], %add3A_368 masked %unique3A_199 : memref<2048xi32, #tpu.memory_space<vmem>>[vector<16xi32>], vector<16xi32>, vector<16xi1>
      %sub3A = arith.constant 1 : i32
      %sub3A_369 = vector.broadcast %sub3A : i32 to vector<16xi32>
      %sub3A_370 = arith.subi %add3A_361, %sub3A_369 : vector<16xi32>
      %shift_left3A = arith.constant 15 : i32
      %shift_left3A_371 = vector.broadcast %shift_left3A : i32 to vector<16xi32>
      %shift_left3A_372 = arith.shli %sub3A_370, %shift_left3A_371 : vector<16xi32>
      %or3A = arith.ori %shift_left3A_372, %get3A_68 : vector<16xi32>
      %bitcast3A_373 = vector.bitcast %or3A : vector<16xi32> to vector<16xf32>
      %add3A_374 = arith.constant 0 : i32
      %add3A_375 = arith.addi %add3A_352, %add3A_374 : i32
      %mul3A_376 = arith.constant 16 : i32
      %mul3A_377 = arith.muli %add3A_375, %mul3A_376 : i32
      %swap3A = arith.index_cast %mul3A_377 : i32 to index
      %swap3A_378 = tpu.vector_load %arg7[%swap3A] {strides = array<i32>} : memref<32768xf32, #tpu.memory_space<vmem>>, vector<16xf32>,
      tpu.vector_store %arg7[%swap3A], %bitcast3A_373 {strides = array<i32>} : memref<32768xf32, #tpu.memory_space<vmem>>, vector<16xf32>,
      %sub3A_379 = arith.constant 1 : i32
      %sub3A_380 = vector.broadcast %sub3A_379 : i32 to vector<16xi32>
      %sub3A_381 = arith.subi %add3A_362, %sub3A_380 : vector<16xi32>
      %shift_left3A_382 = arith.constant 15 : i32
      %shift_left3A_383 = vector.broadcast %shift_left3A_382 : i32 to vector<16xi32>
      %shift_left3A_384 = arith.shli %sub3A_381, %shift_left3A_383 : vector<16xi32>
      %or3A_385 = arith.ori %shift_left3A_384, %get3A_74 : vector<16xi32>
      %bitcast3A_386 = vector.bitcast %or3A_385 : vector<16xi32> to vector<16xf32>
      %add3A_387 = arith.constant 256 : i32
      %add3A_388 = arith.addi %add3A_352, %add3A_387 : i32
      %mul3A_389 = arith.constant 16 : i32
      %mul3A_390 = arith.muli %add3A_388, %mul3A_389 : i32
      %swap3A_391 = arith.index_cast %mul3A_390 : i32 to index
      %swap3A_392 = tpu.vector_load %arg7[%swap3A_391] {strides = array<i32>} : memref<32768xf32, #tpu.memory_space<vmem>>, vector<16xf32>,
      tpu.vector_store %arg7[%swap3A_391], %bitcast3A_386 {strides = array<i32>} : memref<32768xf32, #tpu.memory_space<vmem>>, vector<16xf32>,
      %sub3A_393 = arith.constant 1 : i32
      %sub3A_394 = vector.broadcast %sub3A_393 : i32 to vector<16xi32>
      %sub3A_395 = arith.subi %add3A_363, %sub3A_394 : vector<16xi32>
      %shift_left3A_396 = arith.constant 15 : i32
      %shift_left3A_397 = vector.broadcast %shift_left3A_396 : i32 to vector<16xi32>
      %shift_left3A_398 = arith.shli %sub3A_395, %shift_left3A_397 : vector<16xi32>
      %or3A_399 = arith.ori %shift_left3A_398, %get3A_80 : vector<16xi32>
      %bitcast3A_400 = vector.bitcast %or3A_399 : vector<16xi32> to vector<16xf32>
      %add3A_401 = arith.constant 512 : i32
      %add3A_402 = arith.addi %add3A_352, %add3A_401 : i32
      %mul3A_403 = arith.constant 16 : i32
      %mul3A_404 = arith.muli %add3A_402, %mul3A_403 : i32
      %swap3A_405 = arith.index_cast %mul3A_404 : i32 to index
      %swap3A_406 = tpu.vector_load %arg7[%swap3A_405] {strides = array<i32>} : memref<32768xf32, #tpu.memory_space<vmem>>, vector<16xf32>,
      tpu.vector_store %arg7[%swap3A_405], %bitcast3A_400 {strides = array<i32>} : memref<32768xf32, #tpu.memory_space<vmem>>, vector<16xf32>,
      %sub3A_407 = arith.constant 1 : i32
      %sub3A_408 = vector.broadcast %sub3A_407 : i32 to vector<16xi32>
      %sub3A_409 = arith.subi %add3A_364, %sub3A_408 : vector<16xi32>
      %shift_left3A_410 = arith.constant 15 : i32
      %shift_left3A_411 = vector.broadcast %shift_left3A_410 : i32 to vector<16xi32>
      %shift_left3A_412 = arith.shli %sub3A_409, %shift_left3A_411 : vector<16xi32>
      %or3A_413 = arith.ori %shift_left3A_412, %get3A_86 : vector<16xi32>
      %bitcast3A_414 = vector.bitcast %or3A_413 : vector<16xi32> to vector<16xf32>
      %add3A_415 = arith.constant 768 : i32
      %add3A_416 = arith.addi %add3A_352, %add3A_415 : i32
      %mul3A_417 = arith.constant 16 : i32
      %mul3A_418 = arith.muli %add3A_416, %mul3A_417 : i32
      %swap3A_419 = arith.index_cast %mul3A_418 : i32 to index
      %swap3A_420 = tpu.vector_load %arg7[%swap3A_419] {strides = array<i32>} : memref<32768xf32, #tpu.memory_space<vmem>>, vector<16xf32>,
      tpu.vector_store %arg7[%swap3A_419], %bitcast3A_414 {strides = array<i32>} : memref<32768xf32, #tpu.memory_space<vmem>>, vector<16xf32>,
      %sub3A_421 = arith.constant 1 : i32
      %sub3A_422 = vector.broadcast %sub3A_421 : i32 to vector<16xi32>
      %sub3A_423 = arith.subi %add3A_365, %sub3A_422 : vector<16xi32>
      %shift_left3A_424 = arith.constant 15 : i32
      %shift_left3A_425 = vector.broadcast %shift_left3A_424 : i32 to vector<16xi32>
      %shift_left3A_426 = arith.shli %sub3A_423, %shift_left3A_425 : vector<16xi32>
      %or3A_427 = arith.ori %shift_left3A_426, %get3A_92 : vector<16xi32>
      %bitcast3A_428 = vector.bitcast %or3A_427 : vector<16xi32> to vector<16xf32>
      %add3A_429 = arith.constant 1024 : i32
      %add3A_430 = arith.addi %add3A_352, %add3A_429 : i32
      %mul3A_431 = arith.constant 16 : i32
      %mul3A_432 = arith.muli %add3A_430, %mul3A_431 : i32
      %swap3A_433 = arith.index_cast %mul3A_432 : i32 to index
      %swap3A_434 = tpu.vector_load %arg7[%swap3A_433] {strides = array<i32>} : memref<32768xf32, #tpu.memory_space<vmem>>, vector<16xf32>,
      tpu.vector_store %arg7[%swap3A_433], %bitcast3A_428 {strides = array<i32>} : memref<32768xf32, #tpu.memory_space<vmem>>, vector<16xf32>,
      %sub3A_435 = arith.constant 1 : i32
      %sub3A_436 = vector.broadcast %sub3A_435 : i32 to vector<16xi32>
      %sub3A_437 = arith.subi %add3A_366, %sub3A_436 : vector<16xi32>
      %shift_left3A_438 = arith.constant 15 : i32
      %shift_left3A_439 = vector.broadcast %shift_left3A_438 : i32 to vector<16xi32>
      %shift_left3A_440 = arith.shli %sub3A_437, %shift_left3A_439 : vector<16xi32>
      %or3A_441 = arith.ori %shift_left3A_440, %get3A_98 : vector<16xi32>
      %bitcast3A_442 = vector.bitcast %or3A_441 : vector<16xi32> to vector<16xf32>
      %add3A_443 = arith.constant 1280 : i32
      %add3A_444 = arith.addi %add3A_352, %add3A_443 : i32
      %mul3A_445 = arith.constant 16 : i32
      %mul3A_446 = arith.muli %add3A_444, %mul3A_445 : i32
      %swap3A_447 = arith.index_cast %mul3A_446 : i32 to index
      %swap3A_448 = tpu.vector_load %arg7[%swap3A_447] {strides = array<i32>} : memref<32768xf32, #tpu.memory_space<vmem>>, vector<16xf32>,
      tpu.vector_store %arg7[%swap3A_447], %bitcast3A_442 {strides = array<i32>} : memref<32768xf32, #tpu.memory_space<vmem>>, vector<16xf32>,
      %sub3A_449 = arith.constant 1 : i32
      %sub3A_450 = vector.broadcast %sub3A_449 : i32 to vector<16xi32>
      %sub3A_451 = arith.subi %add3A_367, %sub3A_450 : vector<16xi32>
      %shift_left3A_452 = arith.constant 15 : i32
      %shift_left3A_453 = vector.broadcast %shift_left3A_452 : i32 to vector<16xi32>
      %shift_left3A_454 = arith.shli %sub3A_451, %shift_left3A_453 : vector<16xi32>
      %or3A_455 = arith.ori %shift_left3A_454, %get3A_104 : vector<16xi32>
      %bitcast3A_456 = vector.bitcast %or3A_455 : vector<16xi32> to vector<16xf32>
      %add3A_457 = arith.constant 1536 : i32
      %add3A_458 = arith.addi %add3A_352, %add3A_457 : i32
      %mul3A_459 = arith.constant 16 : i32
      %mul3A_460 = arith.muli %add3A_458, %mul3A_459 : i32
      %swap3A_461 = arith.index_cast %mul3A_460 : i32 to index
      %swap3A_462 = tpu.vector_load %arg7[%swap3A_461] {strides = array<i32>} : memref<32768xf32, #tpu.memory_space<vmem>>, vector<16xf32>,
      tpu.vector_store %arg7[%swap3A_461], %bitcast3A_456 {strides = array<i32>} : memref<32768xf32, #tpu.memory_space<vmem>>, vector<16xf32>,
      %sub3A_463 = arith.constant 1 : i32
      %sub3A_464 = vector.broadcast %sub3A_463 : i32 to vector<16xi32>
      %sub3A_465 = arith.subi %add3A_368, %sub3A_464 : vector<16xi32>
      %shift_left3A_466 = arith.constant 15 : i32
      %shift_left3A_467 = vector.broadcast %shift_left3A_466 : i32 to vector<16xi32>
      %shift_left3A_468 = arith.shli %sub3A_465, %shift_left3A_467 : vector<16xi32>
      %or3A_469 = arith.ori %shift_left3A_468, %get3A_110 : vector<16xi32>
      %bitcast3A_470 = vector.bitcast %or3A_469 : vector<16xi32> to vector<16xf32>
      %add3A_471 = arith.constant 1792 : i32
      %add3A_472 = arith.addi %add3A_352, %add3A_471 : i32
      %mul3A_473 = arith.constant 16 : i32
      %mul3A_474 = arith.muli %add3A_472, %mul3A_473 : i32
      %swap3A_475 = arith.index_cast %mul3A_474 : i32 to index
      %swap3A_476 = tpu.vector_load %arg7[%swap3A_475] {strides = array<i32>} : memref<32768xf32, #tpu.memory_space<vmem>>, vector<16xf32>,
      tpu.vector_store %arg7[%swap3A_475], %bitcast3A_470 {strides = array<i32>} : memref<32768xf32, #tpu.memory_space<vmem>>, vector<16xf32>,
      %mul3A_477 = arith.constant 2 : i32
      %mul3A_478 = arith.muli %mul3A_477, %scan3A_59 : i32
      %add3A_479 = arith.constant 1 : i32
      %add3A_480 = arith.addi %mul3A_478, %add3A_479 : i32
      %gather3A_481 = tpu.vector_load_idx %arg8[%and3A_274] : memref<2048xi32, #tpu.memory_space<vmem>>[vector<16xi32>], vector<16xi32>,
      %gather3A_482 = tpu.vector_load_idx %arg9[%and3A_280] : memref<2048xi32, #tpu.memory_space<vmem>>[vector<16xi32>], vector<16xi32>,
      %gather3A_483 = tpu.vector_load_idx %arg10[%and3A_286] : memref<2048xi32, #tpu.memory_space<vmem>>[vector<16xi32>], vector<16xi32>,
      %gather3A_484 = tpu.vector_load_idx %arg11[%and3A_292] : memref<2048xi32, #tpu.memory_space<vmem>>[vector<16xi32>], vector<16xi32>,
      %gather3A_485 = tpu.vector_load_idx %arg12[%and3A_298] : memref<2048xi32, #tpu.memory_space<vmem>>[vector<16xi32>], vector<16xi32>,
      %gather3A_486 = tpu.vector_load_idx %arg13[%and3A_304] : memref<2048xi32, #tpu.memory_space<vmem>>[vector<16xi32>], vector<16xi32>,
      %gather3A_487 = tpu.vector_load_idx %arg14[%and3A_310] : memref<2048xi32, #tpu.memory_space<vmem>>[vector<16xi32>], vector<16xi32>,
      %gather3A_488 = tpu.vector_load_idx %arg15[%and3A_316] : memref<2048xi32, #tpu.memory_space<vmem>>[vector<16xi32>], vector<16xi32>,
      %add3A_489 = arith.addi %gather3A_481, %unique3A_320 : vector<16xi32>
      %add3A_490 = arith.addi %gather3A_482, %unique3A_324 : vector<16xi32>
      %add3A_491 = arith.addi %gather3A_483, %unique3A_328 : vector<16xi32>
      %add3A_492 = arith.addi %gather3A_484, %unique3A_332 : vector<16xi32>
      %add3A_493 = arith.addi %gather3A_485, %unique3A_336 : vector<16xi32>
      %add3A_494 = arith.addi %gather3A_486, %unique3A_340 : vector<16xi32>
      %add3A_495 = arith.addi %gather3A_487, %unique3A_344 : vector<16xi32>
      %add3A_496 = arith.addi %gather3A_488, %unique3A_348 : vector<16xi32>
      tpu.vector_store_idx %arg8[%and3A_274], %add3A_489 masked %unique3A_319 : memref<2048xi32, #tpu.memory_space<vmem>>[vector<16xi32>], vector<16xi32>, vector<16xi1>
      tpu.vector_store_idx %arg9[%and3A_280], %add3A_490 masked %unique3A_323 : memref<2048xi32, #tpu.memory_space<vmem>>[vector<16xi32>], vector<16xi32>, vector<16xi1>
      tpu.vector_store_idx %arg10[%and3A_286], %add3A_491 masked %unique3A_327 : memref<2048xi32, #tpu.memory_space<vmem>>[vector<16xi32>], vector<16xi32>, vector<16xi1>
      tpu.vector_store_idx %arg11[%and3A_292], %add3A_492 masked %unique3A_331 : memref<2048xi32, #tpu.memory_space<vmem>>[vector<16xi32>], vector<16xi32>, vector<16xi1>
      tpu.vector_store_idx %arg12[%and3A_298], %add3A_493 masked %unique3A_335 : memref<2048xi32, #tpu.memory_space<vmem>>[vector<16xi32>], vector<16xi32>, vector<16xi1>
      tpu.vector_store_idx %arg13[%and3A_304], %add3A_494 masked %unique3A_339 : memref<2048xi32, #tpu.memory_space<vmem>>[vector<16xi32>], vector<16xi32>, vector<16xi1>
      tpu.vector_store_idx %arg14[%and3A_310], %add3A_495 masked %unique3A_343 : memref<2048xi32, #tpu.memory_space<vmem>>[vector<16xi32>], vector<16xi32>, vector<16xi1>
      tpu.vector_store_idx %arg15[%and3A_316], %add3A_496 masked %unique3A_347 : memref<2048xi32, #tpu.memory_space<vmem>>[vector<16xi32>], vector<16xi32>, vector<16xi1>
      %sub3A_497 = arith.constant 1 : i32
      %sub3A_498 = vector.broadcast %sub3A_497 : i32 to vector<16xi32>
      %sub3A_499 = arith.subi %add3A_489, %sub3A_498 : vector<16xi32>
      %shift_left3A_500 = arith.constant 15 : i32
      %shift_left3A_501 = vector.broadcast %shift_left3A_500 : i32 to vector<16xi32>
      %shift_left3A_502 = arith.shli %sub3A_499, %shift_left3A_501 : vector<16xi32>
      %or3A_503 = arith.ori %shift_left3A_502, %get3A_210 : vector<16xi32>
      %bitcast3A_504 = vector.bitcast %or3A_503 : vector<16xi32> to vector<16xf32>
      %add3A_505 = arith.constant 0 : i32
      %add3A_506 = arith.addi %add3A_480, %add3A_505 : i32
      %mul3A_507 = arith.constant 16 : i32
      %mul3A_508 = arith.muli %add3A_506, %mul3A_507 : i32
      %swap3A_509 = arith.index_cast %mul3A_508 : i32 to index
      %swap3A_510 = tpu.vector_load %arg7[%swap3A_509] {strides = array<i32>} : memref<32768xf32, #tpu.memory_space<vmem>>, vector<16xf32>,
      tpu.vector_store %arg7[%swap3A_509], %bitcast3A_504 {strides = array<i32>} : memref<32768xf32, #tpu.memory_space<vmem>>, vector<16xf32>,
      %sub3A_511 = arith.constant 1 : i32
      %sub3A_512 = vector.broadcast %sub3A_511 : i32 to vector<16xi32>
      %sub3A_513 = arith.subi %add3A_490, %sub3A_512 : vector<16xi32>
      %shift_left3A_514 = arith.constant 15 : i32
      %shift_left3A_515 = vector.broadcast %shift_left3A_514 : i32 to vector<16xi32>
      %shift_left3A_516 = arith.shli %sub3A_513, %shift_left3A_515 : vector<16xi32>
      %or3A_517 = arith.ori %shift_left3A_516, %get3A_216 : vector<16xi32>
      %bitcast3A_518 = vector.bitcast %or3A_517 : vector<16xi32> to vector<16xf32>
      %add3A_519 = arith.constant 256 : i32
      %add3A_520 = arith.addi %add3A_480, %add3A_519 : i32
      %mul3A_521 = arith.constant 16 : i32
      %mul3A_522 = arith.muli %add3A_520, %mul3A_521 : i32
      %swap3A_523 = arith.index_cast %mul3A_522 : i32 to index
      %swap3A_524 = tpu.vector_load %arg7[%swap3A_523] {strides = array<i32>} : memref<32768xf32, #tpu.memory_space<vmem>>, vector<16xf32>,
      tpu.vector_store %arg7[%swap3A_523], %bitcast3A_518 {strides = array<i32>} : memref<32768xf32, #tpu.memory_space<vmem>>, vector<16xf32>,
      %sub3A_525 = arith.constant 1 : i32
      %sub3A_526 = vector.broadcast %sub3A_525 : i32 to vector<16xi32>
      %sub3A_527 = arith.subi %add3A_491, %sub3A_526 : vector<16xi32>
      %shift_left3A_528 = arith.constant 15 : i32
      %shift_left3A_529 = vector.broadcast %shift_left3A_528 : i32 to vector<16xi32>
      %shift_left3A_530 = arith.shli %sub3A_527, %shift_left3A_529 : vector<16xi32>
      %or3A_531 = arith.ori %shift_left3A_530, %get3A_222 : vector<16xi32>
      %bitcast3A_532 = vector.bitcast %or3A_531 : vector<16xi32> to vector<16xf32>
      %add3A_533 = arith.constant 512 : i32
      %add3A_534 = arith.addi %add3A_480, %add3A_533 : i32
      %mul3A_535 = arith.constant 16 : i32
      %mul3A_536 = arith.muli %add3A_534, %mul3A_535 : i32
      %swap3A_537 = arith.index_cast %mul3A_536 : i32 to index
      %swap3A_538 = tpu.vector_load %arg7[%swap3A_537] {strides = array<i32>} : memref<32768xf32, #tpu.memory_space<vmem>>, vector<16xf32>,
      tpu.vector_store %arg7[%swap3A_537], %bitcast3A_532 {strides = array<i32>} : memref<32768xf32, #tpu.memory_space<vmem>>, vector<16xf32>,
      %sub3A_539 = arith.constant 1 : i32
      %sub3A_540 = vector.broadcast %sub3A_539 : i32 to vector<16xi32>
      %sub3A_541 = arith.subi %add3A_492, %sub3A_540 : vector<16xi32>
      %shift_left3A_542 = arith.constant 15 : i32
      %shift_left3A_543 = vector.broadcast %shift_left3A_542 : i32 to vector<16xi32>
      %shift_left3A_544 = arith.shli %sub3A_541, %shift_left3A_543 : vector<16xi32>
      %or3A_545 = arith.ori %shift_left3A_544, %get3A_228 : vector<16xi32>
      %bitcast3A_546 = vector.bitcast %or3A_545 : vector<16xi32> to vector<16xf32>
      %add3A_547 = arith.constant 768 : i32
      %add3A_548 = arith.addi %add3A_480, %add3A_547 : i32
      %mul3A_549 = arith.constant 16 : i32
      %mul3A_550 = arith.muli %add3A_548, %mul3A_549 : i32
      %swap3A_551 = arith.index_cast %mul3A_550 : i32 to index
      %swap3A_552 = tpu.vector_load %arg7[%swap3A_551] {strides = array<i32>} : memref<32768xf32, #tpu.memory_space<vmem>>, vector<16xf32>,
      tpu.vector_store %arg7[%swap3A_551], %bitcast3A_546 {strides = array<i32>} : memref<32768xf32, #tpu.memory_space<vmem>>, vector<16xf32>,
      %sub3A_553 = arith.constant 1 : i32
      %sub3A_554 = vector.broadcast %sub3A_553 : i32 to vector<16xi32>
      %sub3A_555 = arith.subi %add3A_493, %sub3A_554 : vector<16xi32>
      %shift_left3A_556 = arith.constant 15 : i32
      %shift_left3A_557 = vector.broadcast %shift_left3A_556 : i32 to vector<16xi32>
      %shift_left3A_558 = arith.shli %sub3A_555, %shift_left3A_557 : vector<16xi32>
      %or3A_559 = arith.ori %shift_left3A_558, %get3A_234 : vector<16xi32>
      %bitcast3A_560 = vector.bitcast %or3A_559 : vector<16xi32> to vector<16xf32>
      %add3A_561 = arith.constant 1024 : i32
      %add3A_562 = arith.addi %add3A_480, %add3A_561 : i32
      %mul3A_563 = arith.constant 16 : i32
      %mul3A_564 = arith.muli %add3A_562, %mul3A_563 : i32
      %swap3A_565 = arith.index_cast %mul3A_564 : i32 to index
      %swap3A_566 = tpu.vector_load %arg7[%swap3A_565] {strides = array<i32>} : memref<32768xf32, #tpu.memory_space<vmem>>, vector<16xf32>,
      tpu.vector_store %arg7[%swap3A_565], %bitcast3A_560 {strides = array<i32>} : memref<32768xf32, #tpu.memory_space<vmem>>, vector<16xf32>,
      %sub3A_567 = arith.constant 1 : i32
      %sub3A_568 = vector.broadcast %sub3A_567 : i32 to vector<16xi32>
      %sub3A_569 = arith.subi %add3A_494, %sub3A_568 : vector<16xi32>
      %shift_left3A_570 = arith.constant 15 : i32
      %shift_left3A_571 = vector.broadcast %shift_left3A_570 : i32 to vector<16xi32>
      %shift_left3A_572 = arith.shli %sub3A_569, %shift_left3A_571 : vector<16xi32>
      %or3A_573 = arith.ori %shift_left3A_572, %get3A_240 : vector<16xi32>
      %bitcast3A_574 = vector.bitcast %or3A_573 : vector<16xi32> to vector<16xf32>
      %add3A_575 = arith.constant 1280 : i32
      %add3A_576 = arith.addi %add3A_480, %add3A_575 : i32
      %mul3A_577 = arith.constant 16 : i32
      %mul3A_578 = arith.muli %add3A_576, %mul3A_577 : i32
      %swap3A_579 = arith.index_cast %mul3A_578 : i32 to index
      %swap3A_580 = tpu.vector_load %arg7[%swap3A_579] {strides = array<i32>} : memref<32768xf32, #tpu.memory_space<vmem>>, vector<16xf32>,
      tpu.vector_store %arg7[%swap3A_579], %bitcast3A_574 {strides = array<i32>} : memref<32768xf32, #tpu.memory_space<vmem>>, vector<16xf32>,
      %sub3A_581 = arith.constant 1 : i32
      %sub3A_582 = vector.broadcast %sub3A_581 : i32 to vector<16xi32>
      %sub3A_583 = arith.subi %add3A_495, %sub3A_582 : vector<16xi32>
      %shift_left3A_584 = arith.constant 15 : i32
      %shift_left3A_585 = vector.broadcast %shift_left3A_584 : i32 to vector<16xi32>
      %shift_left3A_586 = arith.shli %sub3A_583, %shift_left3A_585 : vector<16xi32>
      %or3A_587 = arith.ori %shift_left3A_586, %get3A_246 : vector<16xi32>
      %bitcast3A_588 = vector.bitcast %or3A_587 : vector<16xi32> to vector<16xf32>
      %add3A_589 = arith.constant 1536 : i32
      %add3A_590 = arith.addi %add3A_480, %add3A_589 : i32
      %mul3A_591 = arith.constant 16 : i32
      %mul3A_592 = arith.muli %add3A_590, %mul3A_591 : i32
      %swap3A_593 = arith.index_cast %mul3A_592 : i32 to index
      %swap3A_594 = tpu.vector_load %arg7[%swap3A_593] {strides = array<i32>} : memref<32768xf32, #tpu.memory_space<vmem>>, vector<16xf32>,
      tpu.vector_store %arg7[%swap3A_593], %bitcast3A_588 {strides = array<i32>} : memref<32768xf32, #tpu.memory_space<vmem>>, vector<16xf32>,
      %sub3A_595 = arith.constant 1 : i32
      %sub3A_596 = vector.broadcast %sub3A_595 : i32 to vector<16xi32>
      %sub3A_597 = arith.subi %add3A_496, %sub3A_596 : vector<16xi32>
      %shift_left3A_598 = arith.constant 15 : i32
      %shift_left3A_599 = vector.broadcast %shift_left3A_598 : i32 to vector<16xi32>
      %shift_left3A_600 = arith.shli %sub3A_597, %shift_left3A_599 : vector<16xi32>
      %or3A_601 = arith.ori %shift_left3A_600, %get3A_252 : vector<16xi32>
      %bitcast3A_602 = vector.bitcast %or3A_601 : vector<16xi32> to vector<16xf32>
      %add3A_603 = arith.constant 1792 : i32
      %add3A_604 = arith.addi %add3A_480, %add3A_603 : i32
      %mul3A_605 = arith.constant 16 : i32
      %mul3A_606 = arith.muli %add3A_604, %mul3A_605 : i32
      %swap3A_607 = arith.index_cast %mul3A_606 : i32 to index
      %swap3A_608 = tpu.vector_load %arg7[%swap3A_607] {strides = array<i32>} : memref<32768xf32, #tpu.memory_space<vmem>>, vector<16xf32>,
      tpu.vector_store %arg7[%swap3A_607], %bitcast3A_602 {strides = array<i32>} : memref<32768xf32, #tpu.memory_space<vmem>>, vector<16xf32>,
    }
    %scan3A_45 = arith.constant 128 : i32
    %scan3A_46 = arith.constant 0 : i32
    %scan3A_47 = arith.constant 0 : i32
    %scan3A_48 = arith.constant 64 : i32
    %scan3A_49 = arith.addi %scan3A_47, %scan3A_48 : i32
    %scan3A_50 = arith.constant 1 : i32
    %scan3A_51 = scf.for %scan3A_59 = %scan3A_47 to %scan3A_49 step %scan3A_50 iter_args(%scan3A_60 = %scan3A_46) -> (i32)  : i32 {
      %mul3A_61 = arith.constant 16 : i32
      %mul3A_62 = arith.muli %scan3A_59, %mul3A_61 : i32
      %get3A = arith.index_cast %mul3A_62 : i32 to index
      %get3A_63 = tpu.vector_load %arg8[%get3A] {strides = array<i32>} : memref<2048xi32, #tpu.memory_space<vmem>>, vector<16xi32>,
      %mul3A_64 = arith.constant 16 : i32
      %mul3A_65 = arith.muli %scan3A_59, %mul3A_64 : i32
      %get3A_66 = arith.index_cast %mul3A_65 : i32 to index
      %get3A_67 = tpu.vector_load %arg9[%get3A_66] {strides = array<i32>} : memref<2048xi32, #tpu.memory_space<vmem>>, vector<16xi32>,
      %mul3A_68 = arith.constant 16 : i32
      %mul3A_69 = arith.muli %scan3A_59, %mul3A_68 : i32
      %get3A_70 = arith.index_cast %mul3A_69 : i32 to index
      %get3A_71 = tpu.vector_load %arg10[%get3A_70] {strides = array<i32>} : memref<2048xi32, #tpu.memory_space<vmem>>, vector<16xi32>,
      %mul3A_72 = arith.constant 16 : i32
      %mul3A_73 = arith.muli %scan3A_59, %mul3A_72 : i32
      %get3A_74 = arith.index_cast %mul3A_73 : i32 to index
      %get3A_75 = tpu.vector_load %arg11[%get3A_74] {strides = array<i32>} : memref<2048xi32, #tpu.memory_space<vmem>>, vector<16xi32>,
      %mul3A_76 = arith.constant 16 : i32
      %mul3A_77 = arith.muli %scan3A_59, %mul3A_76 : i32
      %get3A_78 = arith.index_cast %mul3A_77 : i32 to index
      %get3A_79 = tpu.vector_load %arg12[%get3A_78] {strides = array<i32>} : memref<2048xi32, #tpu.memory_space<vmem>>, vector<16xi32>,
      %mul3A_80 = arith.constant 16 : i32
      %mul3A_81 = arith.muli %scan3A_59, %mul3A_80 : i32
      %get3A_82 = arith.index_cast %mul3A_81 : i32 to index
      %get3A_83 = tpu.vector_load %arg13[%get3A_82] {strides = array<i32>} : memref<2048xi32, #tpu.memory_space<vmem>>, vector<16xi32>,
      %mul3A_84 = arith.constant 16 : i32
      %mul3A_85 = arith.muli %scan3A_59, %mul3A_84 : i32
      %get3A_86 = arith.index_cast %mul3A_85 : i32 to index
      %get3A_87 = tpu.vector_load %arg14[%get3A_86] {strides = array<i32>} : memref<2048xi32, #tpu.memory_space<vmem>>, vector<16xi32>,
      %mul3A_88 = arith.constant 16 : i32
      %mul3A_89 = arith.muli %scan3A_59, %mul3A_88 : i32
      %get3A_90 = arith.index_cast %mul3A_89 : i32 to index
      %get3A_91 = tpu.vector_load %arg15[%get3A_90] {strides = array<i32>} : memref<2048xi32, #tpu.memory_space<vmem>>, vector<16xi32>,
      %add3A_92 = arith.addi %get3A_63, %get3A_67 : vector<16xi32>
      %add3A_93 = arith.addi %add3A_92, %get3A_71 : vector<16xi32>
      %add3A_94 = arith.addi %add3A_93, %get3A_75 : vector<16xi32>
      %add3A_95 = arith.addi %add3A_94, %get3A_79 : vector<16xi32>
      %add3A_96 = arith.addi %add3A_95, %get3A_83 : vector<16xi32>
      %add3A_97 = arith.addi %add3A_96, %get3A_87 : vector<16xi32>
      %add3A_98 = arith.addi %add3A_97, %get3A_91 : vector<16xi32>
      %broadcast_in_dim3A = arith.constant true
      %broadcast_in_dim3A_99 = vector.broadcast %broadcast_in_dim3A : i1 to vector<16xi1>
      %masked_cumsum3A = tpu.scan <sum>, %add3A_98 masked %broadcast_in_dim3A_99 : vector<16xi32>, vector<16xi1> -> vector<16xi32>
      %sub3A = arith.subi %masked_cumsum3A, %add3A_98 : vector<16xi32>
      %add3A_100 = vector.broadcast %scan3A_60 : i32 to vector<16xi32>
      %add3A_101 = arith.addi %sub3A, %add3A_100 : vector<16xi32>
      %mul3A_102 = arith.constant 16 : i32
      %mul3A_103 = arith.muli %scan3A_59, %mul3A_102 : i32
      %swap3A = arith.index_cast %mul3A_103 : i32 to index
      %swap3A_104 = tpu.vector_load %arg8[%swap3A] {strides = array<i32>} : memref<2048xi32, #tpu.memory_space<vmem>>, vector<16xi32>,
      tpu.vector_store %arg8[%swap3A], %add3A_101 {strides = array<i32>} : memref<2048xi32, #tpu.memory_space<vmem>>, vector<16xi32>,
      %add3A_105 = arith.addi %add3A_101, %get3A_63 : vector<16xi32>
      %mul3A_106 = arith.constant 16 : i32
      %mul3A_107 = arith.muli %scan3A_59, %mul3A_106 : i32
      %swap3A_108 = arith.index_cast %mul3A_107 : i32 to index
      %swap3A_109 = tpu.vector_load %arg9[%swap3A_108] {strides = array<i32>} : memref<2048xi32, #tpu.memory_space<vmem>>, vector<16xi32>,
      tpu.vector_store %arg9[%swap3A_108], %add3A_105 {strides = array<i32>} : memref<2048xi32, #tpu.memory_space<vmem>>, vector<16xi32>,
      %add3A_110 = arith.addi %add3A_105, %get3A_67 : vector<16xi32>
      %mul3A_111 = arith.constant 16 : i32
      %mul3A_112 = arith.muli %scan3A_59, %mul3A_111 : i32
      %swap3A_113 = arith.index_cast %mul3A_112 : i32 to index
      %swap3A_114 = tpu.vector_load %arg10[%swap3A_113] {strides = array<i32>} : memref<2048xi32, #tpu.memory_space<vmem>>, vector<16xi32>,
      tpu.vector_store %arg10[%swap3A_113], %add3A_110 {strides = array<i32>} : memref<2048xi32, #tpu.memory_space<vmem>>, vector<16xi32>,
      %add3A_115 = arith.addi %add3A_110, %get3A_71 : vector<16xi32>
      %mul3A_116 = arith.constant 16 : i32
      %mul3A_117 = arith.muli %scan3A_59, %mul3A_116 : i32
      %swap3A_118 = arith.index_cast %mul3A_117 : i32 to index
      %swap3A_119 = tpu.vector_load %arg11[%swap3A_118] {strides = array<i32>} : memref<2048xi32, #tpu.memory_space<vmem>>, vector<16xi32>,
      tpu.vector_store %arg11[%swap3A_118], %add3A_115 {strides = array<i32>} : memref<2048xi32, #tpu.memory_space<vmem>>, vector<16xi32>,
      %add3A_120 = arith.addi %add3A_115, %get3A_75 : vector<16xi32>
      %mul3A_121 = arith.constant 16 : i32
      %mul3A_122 = arith.muli %scan3A_59, %mul3A_121 : i32
      %swap3A_123 = arith.index_cast %mul3A_122 : i32 to index
      %swap3A_124 = tpu.vector_load %arg12[%swap3A_123] {strides = array<i32>} : memref<2048xi32, #tpu.memory_space<vmem>>, vector<16xi32>,
      tpu.vector_store %arg12[%swap3A_123], %add3A_120 {strides = array<i32>} : memref<2048xi32, #tpu.memory_space<vmem>>, vector<16xi32>,
      %add3A_125 = arith.addi %add3A_120, %get3A_79 : vector<16xi32>
      %mul3A_126 = arith.constant 16 : i32
      %mul3A_127 = arith.muli %scan3A_59, %mul3A_126 : i32
      %swap3A_128 = arith.index_cast %mul3A_127 : i32 to index
      %swap3A_129 = tpu.vector_load %arg13[%swap3A_128] {strides = array<i32>} : memref<2048xi32, #tpu.memory_space<vmem>>, vector<16xi32>,
      tpu.vector_store %arg13[%swap3A_128], %add3A_125 {strides = array<i32>} : memref<2048xi32, #tpu.memory_space<vmem>>, vector<16xi32>,
      %add3A_130 = arith.addi %add3A_125, %get3A_83 : vector<16xi32>
      %mul3A_131 = arith.constant 16 : i32
      %mul3A_132 = arith.muli %scan3A_59, %mul3A_131 : i32
      %swap3A_133 = arith.index_cast %mul3A_132 : i32 to index
      %swap3A_134 = tpu.vector_load %arg14[%swap3A_133] {strides = array<i32>} : memref<2048xi32, #tpu.memory_space<vmem>>, vector<16xi32>,
      tpu.vector_store %arg14[%swap3A_133], %add3A_130 {strides = array<i32>} : memref<2048xi32, #tpu.memory_space<vmem>>, vector<16xi32>,
      %add3A_135 = arith.addi %add3A_130, %get3A_87 : vector<16xi32>
      %mul3A_136 = arith.constant 16 : i32
      %mul3A_137 = arith.muli %scan3A_59, %mul3A_136 : i32
      %swap3A_138 = arith.index_cast %mul3A_137 : i32 to index
      %swap3A_139 = tpu.vector_load %arg15[%swap3A_138] {strides = array<i32>} : memref<2048xi32, #tpu.memory_space<vmem>>, vector<16xi32>,
      tpu.vector_store %arg15[%swap3A_138], %add3A_135 {strides = array<i32>} : memref<2048xi32, #tpu.memory_space<vmem>>, vector<16xi32>,
      %add3A_140 = arith.addi %add3A_135, %get3A_91 : vector<16xi32>
      %reduce_sum3A = arith.constant true
      %reduce_sum3A_141 = vector.broadcast %reduce_sum3A : i1 to vector<16xi1>
      %reduce_sum3A_142 = tpu.scan <sum>, %add3A_98 masked %reduce_sum3A_141 : vector<16xi32>, vector<16xi1> -> vector<16xi32>
      %reduce_sum3A_143 = vector.extract %reduce_sum3A_142[15] : i32 from vector<16xi32>
      %add3A_144 = arith.addi %scan3A_60, %reduce_sum3A_143 : i32
      scf.yield %add3A_144 : i32
    }
    %scan3A_52 = arith.constant 64 : i32
    %parallel_loop3A_53 = arith.constant 0 : i32
    %parallel_loop3A_54 = arith.constant 256 : i32
    %parallel_loop3A_55 = arith.constant 2 : i32
    scf.for %parallel_loop3A_59 = %parallel_loop3A_53 to %parallel_loop3A_54 step %parallel_loop3A_55  : i32 {
      %parallel_loop3A_60 = arith.constant 0 : i32
      %parallel_loop3A_61 = arith.addi %parallel_loop3A_59, %parallel_loop3A_60 : i32
      %parallel_loop3A_62 = arith.constant 0 : i32
      %parallel_loop3A_63 = arith.addi %parallel_loop3A_59, %parallel_loop3A_62 : i32
      %parallel_loop3A_64 = arith.constant 0 : i32
      %parallel_loop3A_65 = arith.addi %parallel_loop3A_59, %parallel_loop3A_64 : i32
      %parallel_loop3A_66 = arith.constant 0 : i32
      %parallel_loop3A_67 = arith.addi %parallel_loop3A_59, %parallel_loop3A_66 : i32
      %parallel_loop3A_68 = arith.constant 0 : i32
      %parallel_loop3A_69 = arith.addi %parallel_loop3A_59, %parallel_loop3A_68 : i32
      %parallel_loop3A_70 = arith.constant 0 : i32
      %parallel_loop3A_71 = arith.addi %parallel_loop3A_59, %parallel_loop3A_70 : i32
      %parallel_loop3A_72 = arith.constant 0 : i32
      %parallel_loop3A_73 = arith.addi %parallel_loop3A_59, %parallel_loop3A_72 : i32
      %parallel_loop3A_74 = arith.constant 0 : i32
      %parallel_loop3A_75 = arith.addi %parallel_loop3A_59, %parallel_loop3A_74 : i32
      %parallel_loop3A_76 = arith.constant 1 : i32
      %parallel_loop3A_77 = arith.addi %parallel_loop3A_59, %parallel_loop3A_76 : i32
      %parallel_loop3A_78 = arith.constant 1 : i32
      %parallel_loop3A_79 = arith.addi %parallel_loop3A_59, %parallel_loop3A_78 : i32
      %parallel_loop3A_80 = arith.constant 1 : i32
      %parallel_loop3A_81 = arith.addi %parallel_loop3A_59, %parallel_loop3A_80 : i32
      %parallel_loop3A_82 = arith.constant 1 : i32
      %parallel_loop3A_83 = arith.addi %parallel_loop3A_59, %parallel_loop3A_82 : i32
      %parallel_loop3A_84 = arith.constant 1 : i32
      %parallel_loop3A_85 = arith.addi %parallel_loop3A_59, %parallel_loop3A_84 : i32
      %parallel_loop3A_86 = arith.constant 1 : i32
      %parallel_loop3A_87 = arith.addi %parallel_loop3A_59, %parallel_loop3A_86 : i32
      %parallel_loop3A_88 = arith.constant 1 : i32
      %parallel_loop3A_89 = arith.addi %parallel_loop3A_59, %parallel_loop3A_88 : i32
      %parallel_loop3A_90 = arith.constant 1 : i32
      %parallel_loop3A_91 = arith.addi %parallel_loop3A_59, %parallel_loop3A_90 : i32
      %parallel_loop3A_92 = arith.constant 0 : i32
      %parallel_loop3A_93 = arith.addi %parallel_loop3A_61, %parallel_loop3A_92 : i32
      %parallel_loop3A_94 = arith.constant 16 : i32
      %parallel_loop3A_95 = arith.muli %parallel_loop3A_93, %parallel_loop3A_94 : i32
      %parallel_loop3A_96 = arith.index_cast %parallel_loop3A_95 : i32 to index
      %parallel_loop3A_97 = tpu.vector_load %arg7[%parallel_loop3A_96] {strides = array<i32>} : memref<32768xf32, #tpu.memory_space<vmem>>, vector<16xf32>,
      %parallel_loop3A_98 = vector.bitcast %parallel_loop3A_97 : vector<16xf32> to vector<16xi32>
      %parallel_loop3A_99 = arith.constant 256 : i32
      %parallel_loop3A_100 = arith.addi %parallel_loop3A_63, %parallel_loop3A_99 : i32
      %parallel_loop3A_101 = arith.constant 16 : i32
      %parallel_loop3A_102 = arith.muli %parallel_loop3A_100, %parallel_loop3A_101 : i32
      %parallel_loop3A_103 = arith.index_cast %parallel_loop3A_102 : i32 to index
      %parallel_loop3A_104 = tpu.vector_load %arg7[%parallel_loop3A_103] {strides = array<i32>} : memref<32768xf32, #tpu.memory_space<vmem>>, vector<16xf32>,
      %parallel_loop3A_105 = vector.bitcast %parallel_loop3A_104 : vector<16xf32> to vector<16xi32>
      %parallel_loop3A_106 = arith.constant 512 : i32
      %parallel_loop3A_107 = arith.addi %parallel_loop3A_65, %parallel_loop3A_106 : i32
      %parallel_loop3A_108 = arith.constant 16 : i32
      %parallel_loop3A_109 = arith.muli %parallel_loop3A_107, %parallel_loop3A_108 : i32
      %parallel_loop3A_110 = arith.index_cast %parallel_loop3A_109 : i32 to index
      %parallel_loop3A_111 = tpu.vector_load %arg7[%parallel_loop3A_110] {strides = array<i32>} : memref<32768xf32, #tpu.memory_space<vmem>>, vector<16xf32>,
      %parallel_loop3A_112 = vector.bitcast %parallel_loop3A_111 : vector<16xf32> to vector<16xi32>
      %parallel_loop3A_113 = arith.constant 768 : i32
      %parallel_loop3A_114 = arith.addi %parallel_loop3A_67, %parallel_loop3A_113 : i32
      %parallel_loop3A_115 = arith.constant 16 : i32
      %parallel_loop3A_116 = arith.muli %parallel_loop3A_114, %parallel_loop3A_115 : i32
      %parallel_loop3A_117 = arith.index_cast %parallel_loop3A_116 : i32 to index
      %parallel_loop3A_118 = tpu.vector_load %arg7[%parallel_loop3A_117] {strides = array<i32>} : memref<32768xf32, #tpu.memory_space<vmem>>, vector<16xf32>,
      %parallel_loop3A_119 = vector.bitcast %parallel_loop3A_118 : vector<16xf32> to vector<16xi32>
      %parallel_loop3A_120 = arith.constant 1024 : i32
      %parallel_loop3A_121 = arith.addi %parallel_loop3A_69, %parallel_loop3A_120 : i32
      %parallel_loop3A_122 = arith.constant 16 : i32
      %parallel_loop3A_123 = arith.muli %parallel_loop3A_121, %parallel_loop3A_122 : i32
      %parallel_loop3A_124 = arith.index_cast %parallel_loop3A_123 : i32 to index
      %parallel_loop3A_125 = tpu.vector_load %arg7[%parallel_loop3A_124] {strides = array<i32>} : memref<32768xf32, #tpu.memory_space<vmem>>, vector<16xf32>,
      %parallel_loop3A_126 = vector.bitcast %parallel_loop3A_125 : vector<16xf32> to vector<16xi32>
      %parallel_loop3A_127 = arith.constant 1280 : i32
      %parallel_loop3A_128 = arith.addi %parallel_loop3A_71, %parallel_loop3A_127 : i32
      %parallel_loop3A_129 = arith.constant 16 : i32
      %parallel_loop3A_130 = arith.muli %parallel_loop3A_128, %parallel_loop3A_129 : i32
      %parallel_loop3A_131 = arith.index_cast %parallel_loop3A_130 : i32 to index
      %parallel_loop3A_132 = tpu.vector_load %arg7[%parallel_loop3A_131] {strides = array<i32>} : memref<32768xf32, #tpu.memory_space<vmem>>, vector<16xf32>,
      %parallel_loop3A_133 = vector.bitcast %parallel_loop3A_132 : vector<16xf32> to vector<16xi32>
      %parallel_loop3A_134 = arith.constant 1536 : i32
      %parallel_loop3A_135 = arith.addi %parallel_loop3A_73, %parallel_loop3A_134 : i32
      %parallel_loop3A_136 = arith.constant 16 : i32
      %parallel_loop3A_137 = arith.muli %parallel_loop3A_135, %parallel_loop3A_136 : i32
      %parallel_loop3A_138 = arith.index_cast %parallel_loop3A_137 : i32 to index
      %parallel_loop3A_139 = tpu.vector_load %arg7[%parallel_loop3A_138] {strides = array<i32>} : memref<32768xf32, #tpu.memory_space<vmem>>, vector<16xf32>,
      %parallel_loop3A_140 = vector.bitcast %parallel_loop3A_139 : vector<16xf32> to vector<16xi32>
      %parallel_loop3A_141 = arith.constant 1792 : i32
      %parallel_loop3A_142 = arith.addi %parallel_loop3A_75, %parallel_loop3A_141 : i32
      %parallel_loop3A_143 = arith.constant 16 : i32
      %parallel_loop3A_144 = arith.muli %parallel_loop3A_142, %parallel_loop3A_143 : i32
      %parallel_loop3A_145 = arith.index_cast %parallel_loop3A_144 : i32 to index
      %parallel_loop3A_146 = tpu.vector_load %arg7[%parallel_loop3A_145] {strides = array<i32>} : memref<32768xf32, #tpu.memory_space<vmem>>, vector<16xf32>,
      %parallel_loop3A_147 = vector.bitcast %parallel_loop3A_146 : vector<16xf32> to vector<16xi32>
      %parallel_loop3A_148 = arith.constant 0 : i32
      %parallel_loop3A_149 = arith.addi %parallel_loop3A_77, %parallel_loop3A_148 : i32
      %parallel_loop3A_150 = arith.constant 16 : i32
      %parallel_loop3A_151 = arith.muli %parallel_loop3A_149, %parallel_loop3A_150 : i32
      %parallel_loop3A_152 = arith.index_cast %parallel_loop3A_151 : i32 to index
      %parallel_loop3A_153 = tpu.vector_load %arg7[%parallel_loop3A_152] {strides = array<i32>} : memref<32768xf32, #tpu.memory_space<vmem>>, vector<16xf32>,
      %parallel_loop3A_154 = vector.bitcast %parallel_loop3A_153 : vector<16xf32> to vector<16xi32>
      %parallel_loop3A_155 = arith.constant 256 : i32
      %parallel_loop3A_156 = arith.addi %parallel_loop3A_79, %parallel_loop3A_155 : i32
      %parallel_loop3A_157 = arith.constant 16 : i32
      %parallel_loop3A_158 = arith.muli %parallel_loop3A_156, %parallel_loop3A_157 : i32
      %parallel_loop3A_159 = arith.index_cast %parallel_loop3A_158 : i32 to index
      %parallel_loop3A_160 = tpu.vector_load %arg7[%parallel_loop3A_159] {strides = array<i32>} : memref<32768xf32, #tpu.memory_space<vmem>>, vector<16xf32>,
      %parallel_loop3A_161 = vector.bitcast %parallel_loop3A_160 : vector<16xf32> to vector<16xi32>
      %parallel_loop3A_162 = arith.constant 512 : i32
      %parallel_loop3A_163 = arith.addi %parallel_loop3A_81, %parallel_loop3A_162 : i32
      %parallel_loop3A_164 = arith.constant 16 : i32
      %parallel_loop3A_165 = arith.muli %parallel_loop3A_163, %parallel_loop3A_164 : i32
      %parallel_loop3A_166 = arith.index_cast %parallel_loop3A_165 : i32 to index
      %parallel_loop3A_167 = tpu.vector_load %arg7[%parallel_loop3A_166] {strides = array<i32>} : memref<32768xf32, #tpu.memory_space<vmem>>, vector<16xf32>,
      %parallel_loop3A_168 = vector.bitcast %parallel_loop3A_167 : vector<16xf32> to vector<16xi32>
      %parallel_loop3A_169 = arith.constant 768 : i32
      %parallel_loop3A_170 = arith.addi %parallel_loop3A_83, %parallel_loop3A_169 : i32
      %parallel_loop3A_171 = arith.constant 16 : i32
      %parallel_loop3A_172 = arith.muli %parallel_loop3A_170, %parallel_loop3A_171 : i32
      %parallel_loop3A_173 = arith.index_cast %parallel_loop3A_172 : i32 to index
      %parallel_loop3A_174 = tpu.vector_load %arg7[%parallel_loop3A_173] {strides = array<i32>} : memref<32768xf32, #tpu.memory_space<vmem>>, vector<16xf32>,
      %parallel_loop3A_175 = vector.bitcast %parallel_loop3A_174 : vector<16xf32> to vector<16xi32>
      %parallel_loop3A_176 = arith.constant 1024 : i32
      %parallel_loop3A_177 = arith.addi %parallel_loop3A_85, %parallel_loop3A_176 : i32
      %parallel_loop3A_178 = arith.constant 16 : i32
      %parallel_loop3A_179 = arith.muli %parallel_loop3A_177, %parallel_loop3A_178 : i32
      %parallel_loop3A_180 = arith.index_cast %parallel_loop3A_179 : i32 to index
      %parallel_loop3A_181 = tpu.vector_load %arg7[%parallel_loop3A_180] {strides = array<i32>} : memref<32768xf32, #tpu.memory_space<vmem>>, vector<16xf32>,
      %parallel_loop3A_182 = vector.bitcast %parallel_loop3A_181 : vector<16xf32> to vector<16xi32>
      %parallel_loop3A_183 = arith.constant 1280 : i32
      %parallel_loop3A_184 = arith.addi %parallel_loop3A_87, %parallel_loop3A_183 : i32
      %parallel_loop3A_185 = arith.constant 16 : i32
      %parallel_loop3A_186 = arith.muli %parallel_loop3A_184, %parallel_loop3A_185 : i32
      %parallel_loop3A_187 = arith.index_cast %parallel_loop3A_186 : i32 to index
      %parallel_loop3A_188 = tpu.vector_load %arg7[%parallel_loop3A_187] {strides = array<i32>} : memref<32768xf32, #tpu.memory_space<vmem>>, vector<16xf32>,
      %parallel_loop3A_189 = vector.bitcast %parallel_loop3A_188 : vector<16xf32> to vector<16xi32>
      %parallel_loop3A_190 = arith.constant 1536 : i32
      %parallel_loop3A_191 = arith.addi %parallel_loop3A_89, %parallel_loop3A_190 : i32
      %parallel_loop3A_192 = arith.constant 16 : i32
      %parallel_loop3A_193 = arith.muli %parallel_loop3A_191, %parallel_loop3A_192 : i32
      %parallel_loop3A_194 = arith.index_cast %parallel_loop3A_193 : i32 to index
      %parallel_loop3A_195 = tpu.vector_load %arg7[%parallel_loop3A_194] {strides = array<i32>} : memref<32768xf32, #tpu.memory_space<vmem>>, vector<16xf32>,
      %parallel_loop3A_196 = vector.bitcast %parallel_loop3A_195 : vector<16xf32> to vector<16xi32>
      %parallel_loop3A_197 = arith.constant 1792 : i32
      %parallel_loop3A_198 = arith.addi %parallel_loop3A_91, %parallel_loop3A_197 : i32
      %parallel_loop3A_199 = arith.constant 16 : i32
      %parallel_loop3A_200 = arith.muli %parallel_loop3A_198, %parallel_loop3A_199 : i32
      %parallel_loop3A_201 = arith.index_cast %parallel_loop3A_200 : i32 to index
      %parallel_loop3A_202 = tpu.vector_load %arg7[%parallel_loop3A_201] {strides = array<i32>} : memref<32768xf32, #tpu.memory_space<vmem>>, vector<16xf32>,
      %parallel_loop3A_203 = vector.bitcast %parallel_loop3A_202 : vector<16xf32> to vector<16xi32>
      %parallel_loop3A_204 = arith.constant 32767 : i32
      %parallel_loop3A_205 = vector.broadcast %parallel_loop3A_204 : i32 to vector<16xi32>
      %parallel_loop3A_206 = arith.andi %parallel_loop3A_98, %parallel_loop3A_205 : vector<16xi32>
      %parallel_loop3A_207 = arith.constant 32767 : i32
      %parallel_loop3A_208 = vector.broadcast %parallel_loop3A_207 : i32 to vector<16xi32>
      %parallel_loop3A_209 = arith.andi %parallel_loop3A_105, %parallel_loop3A_208 : vector<16xi32>
      %parallel_loop3A_210 = arith.constant 32767 : i32
      %parallel_loop3A_211 = vector.broadcast %parallel_loop3A_210 : i32 to vector<16xi32>
      %parallel_loop3A_212 = arith.andi %parallel_loop3A_112, %parallel_loop3A_211 : vector<16xi32>
      %parallel_loop3A_213 = arith.constant 32767 : i32
      %parallel_loop3A_214 = vector.broadcast %parallel_loop3A_213 : i32 to vector<16xi32>
      %parallel_loop3A_215 = arith.andi %parallel_loop3A_119, %parallel_loop3A_214 : vector<16xi32>
      %parallel_loop3A_216 = arith.constant 32767 : i32
      %parallel_loop3A_217 = vector.broadcast %parallel_loop3A_216 : i32 to vector<16xi32>
      %parallel_loop3A_218 = arith.andi %parallel_loop3A_126, %parallel_loop3A_217 : vector<16xi32>
      %parallel_loop3A_219 = arith.constant 32767 : i32
      %parallel_loop3A_220 = vector.broadcast %parallel_loop3A_219 : i32 to vector<16xi32>
      %parallel_loop3A_221 = arith.andi %parallel_loop3A_133, %parallel_loop3A_220 : vector<16xi32>
      %parallel_loop3A_222 = arith.constant 32767 : i32
      %parallel_loop3A_223 = vector.broadcast %parallel_loop3A_222 : i32 to vector<16xi32>
      %parallel_loop3A_224 = arith.andi %parallel_loop3A_140, %parallel_loop3A_223 : vector<16xi32>
      %parallel_loop3A_225 = arith.constant 32767 : i32
      %parallel_loop3A_226 = vector.broadcast %parallel_loop3A_225 : i32 to vector<16xi32>
      %parallel_loop3A_227 = arith.andi %parallel_loop3A_147, %parallel_loop3A_226 : vector<16xi32>
      %parallel_loop3A_228 = arith.constant 32767 : i32
      %parallel_loop3A_229 = vector.broadcast %parallel_loop3A_228 : i32 to vector<16xi32>
      %parallel_loop3A_230 = arith.andi %parallel_loop3A_154, %parallel_loop3A_229 : vector<16xi32>
      %parallel_loop3A_231 = arith.constant 32767 : i32
      %parallel_loop3A_232 = vector.broadcast %parallel_loop3A_231 : i32 to vector<16xi32>
      %parallel_loop3A_233 = arith.andi %parallel_loop3A_161, %parallel_loop3A_232 : vector<16xi32>
      %parallel_loop3A_234 = arith.constant 32767 : i32
      %parallel_loop3A_235 = vector.broadcast %parallel_loop3A_234 : i32 to vector<16xi32>
      %parallel_loop3A_236 = arith.andi %parallel_loop3A_168, %parallel_loop3A_235 : vector<16xi32>
      %parallel_loop3A_237 = arith.constant 32767 : i32
      %parallel_loop3A_238 = vector.broadcast %parallel_loop3A_237 : i32 to vector<16xi32>
      %parallel_loop3A_239 = arith.andi %parallel_loop3A_175, %parallel_loop3A_238 : vector<16xi32>
      %parallel_loop3A_240 = arith.constant 32767 : i32
      %parallel_loop3A_241 = vector.broadcast %parallel_loop3A_240 : i32 to vector<16xi32>
      %parallel_loop3A_242 = arith.andi %parallel_loop3A_182, %parallel_loop3A_241 : vector<16xi32>
      %parallel_loop3A_243 = arith.constant 32767 : i32
      %parallel_loop3A_244 = vector.broadcast %parallel_loop3A_243 : i32 to vector<16xi32>
      %parallel_loop3A_245 = arith.andi %parallel_loop3A_189, %parallel_loop3A_244 : vector<16xi32>
      %parallel_loop3A_246 = arith.constant 32767 : i32
      %parallel_loop3A_247 = vector.broadcast %parallel_loop3A_246 : i32 to vector<16xi32>
      %parallel_loop3A_248 = arith.andi %parallel_loop3A_196, %parallel_loop3A_247 : vector<16xi32>
      %parallel_loop3A_249 = arith.constant 32767 : i32
      %parallel_loop3A_250 = vector.broadcast %parallel_loop3A_249 : i32 to vector<16xi32>
      %parallel_loop3A_251 = arith.andi %parallel_loop3A_203, %parallel_loop3A_250 : vector<16xi32>
      %parallel_loop3A_252 = arith.constant 15 : i32
      %parallel_loop3A_253 = vector.broadcast %parallel_loop3A_252 : i32 to vector<16xi32>
      %parallel_loop3A_254 = arith.shrui %parallel_loop3A_98, %parallel_loop3A_253 : vector<16xi32>
      %parallel_loop3A_255 = arith.constant 15 : i32
      %parallel_loop3A_256 = vector.broadcast %parallel_loop3A_255 : i32 to vector<16xi32>
      %parallel_loop3A_257 = arith.shrui %parallel_loop3A_105, %parallel_loop3A_256 : vector<16xi32>
      %parallel_loop3A_258 = arith.constant 15 : i32
      %parallel_loop3A_259 = vector.broadcast %parallel_loop3A_258 : i32 to vector<16xi32>
      %parallel_loop3A_260 = arith.shrui %parallel_loop3A_112, %parallel_loop3A_259 : vector<16xi32>
      %parallel_loop3A_261 = arith.constant 15 : i32
      %parallel_loop3A_262 = vector.broadcast %parallel_loop3A_261 : i32 to vector<16xi32>
      %parallel_loop3A_263 = arith.shrui %parallel_loop3A_119, %parallel_loop3A_262 : vector<16xi32>
      %parallel_loop3A_264 = arith.constant 15 : i32
      %parallel_loop3A_265 = vector.broadcast %parallel_loop3A_264 : i32 to vector<16xi32>
      %parallel_loop3A_266 = arith.shrui %parallel_loop3A_126, %parallel_loop3A_265 : vector<16xi32>
      %parallel_loop3A_267 = arith.constant 15 : i32
      %parallel_loop3A_268 = vector.broadcast %parallel_loop3A_267 : i32 to vector<16xi32>
      %parallel_loop3A_269 = arith.shrui %parallel_loop3A_133, %parallel_loop3A_268 : vector<16xi32>
      %parallel_loop3A_270 = arith.constant 15 : i32
      %parallel_loop3A_271 = vector.broadcast %parallel_loop3A_270 : i32 to vector<16xi32>
      %parallel_loop3A_272 = arith.shrui %parallel_loop3A_140, %parallel_loop3A_271 : vector<16xi32>
      %parallel_loop3A_273 = arith.constant 15 : i32
      %parallel_loop3A_274 = vector.broadcast %parallel_loop3A_273 : i32 to vector<16xi32>
      %parallel_loop3A_275 = arith.shrui %parallel_loop3A_147, %parallel_loop3A_274 : vector<16xi32>
      %parallel_loop3A_276 = arith.constant 15 : i32
      %parallel_loop3A_277 = vector.broadcast %parallel_loop3A_276 : i32 to vector<16xi32>
      %parallel_loop3A_278 = arith.shrui %parallel_loop3A_154, %parallel_loop3A_277 : vector<16xi32>
      %parallel_loop3A_279 = arith.constant 15 : i32
      %parallel_loop3A_280 = vector.broadcast %parallel_loop3A_279 : i32 to vector<16xi32>
      %parallel_loop3A_281 = arith.shrui %parallel_loop3A_161, %parallel_loop3A_280 : vector<16xi32>
      %parallel_loop3A_282 = arith.constant 15 : i32
      %parallel_loop3A_283 = vector.broadcast %parallel_loop3A_282 : i32 to vector<16xi32>
      %parallel_loop3A_284 = arith.shrui %parallel_loop3A_168, %parallel_loop3A_283 : vector<16xi32>
      %parallel_loop3A_285 = arith.constant 15 : i32
      %parallel_loop3A_286 = vector.broadcast %parallel_loop3A_285 : i32 to vector<16xi32>
      %parallel_loop3A_287 = arith.shrui %parallel_loop3A_175, %parallel_loop3A_286 : vector<16xi32>
      %parallel_loop3A_288 = arith.constant 15 : i32
      %parallel_loop3A_289 = vector.broadcast %parallel_loop3A_288 : i32 to vector<16xi32>
      %parallel_loop3A_290 = arith.shrui %parallel_loop3A_182, %parallel_loop3A_289 : vector<16xi32>
      %parallel_loop3A_291 = arith.constant 15 : i32
      %parallel_loop3A_292 = vector.broadcast %parallel_loop3A_291 : i32 to vector<16xi32>
      %parallel_loop3A_293 = arith.shrui %parallel_loop3A_189, %parallel_loop3A_292 : vector<16xi32>
      %parallel_loop3A_294 = arith.constant 15 : i32
      %parallel_loop3A_295 = vector.broadcast %parallel_loop3A_294 : i32 to vector<16xi32>
      %parallel_loop3A_296 = arith.shrui %parallel_loop3A_196, %parallel_loop3A_295 : vector<16xi32>
      %parallel_loop3A_297 = arith.constant 15 : i32
      %parallel_loop3A_298 = vector.broadcast %parallel_loop3A_297 : i32 to vector<16xi32>
      %parallel_loop3A_299 = arith.shrui %parallel_loop3A_203, %parallel_loop3A_298 : vector<16xi32>
      %parallel_loop3A_300 = tpu.vector_load_idx %arg5[%parallel_loop3A_206] : memref<32768xf32, #tpu.memory_space<vmem>>[vector<16xi32>], vector<16xf32>,
      %parallel_loop3A_301 = vector.bitcast %parallel_loop3A_300 : vector<16xf32> to vector<16xi32>
      %parallel_loop3A_302 = tpu.vector_load_idx %arg5[%parallel_loop3A_209] : memref<32768xf32, #tpu.memory_space<vmem>>[vector<16xi32>], vector<16xf32>,
      %parallel_loop3A_303 = vector.bitcast %parallel_loop3A_302 : vector<16xf32> to vector<16xi32>
      %parallel_loop3A_304 = tpu.vector_load_idx %arg5[%parallel_loop3A_212] : memref<32768xf32, #tpu.memory_space<vmem>>[vector<16xi32>], vector<16xf32>,
      %parallel_loop3A_305 = vector.bitcast %parallel_loop3A_304 : vector<16xf32> to vector<16xi32>
      %parallel_loop3A_306 = tpu.vector_load_idx %arg5[%parallel_loop3A_215] : memref<32768xf32, #tpu.memory_space<vmem>>[vector<16xi32>], vector<16xf32>,
      %parallel_loop3A_307 = vector.bitcast %parallel_loop3A_306 : vector<16xf32> to vector<16xi32>
      %parallel_loop3A_308 = tpu.vector_load_idx %arg5[%parallel_loop3A_218] : memref<32768xf32, #tpu.memory_space<vmem>>[vector<16xi32>], vector<16xf32>,
      %parallel_loop3A_309 = vector.bitcast %parallel_loop3A_308 : vector<16xf32> to vector<16xi32>
      %parallel_loop3A_310 = tpu.vector_load_idx %arg5[%parallel_loop3A_221] : memref<32768xf32, #tpu.memory_space<vmem>>[vector<16xi32>], vector<16xf32>,
      %parallel_loop3A_311 = vector.bitcast %parallel_loop3A_310 : vector<16xf32> to vector<16xi32>
      %parallel_loop3A_312 = tpu.vector_load_idx %arg5[%parallel_loop3A_224] : memref<32768xf32, #tpu.memory_space<vmem>>[vector<16xi32>], vector<16xf32>,
      %parallel_loop3A_313 = vector.bitcast %parallel_loop3A_312 : vector<16xf32> to vector<16xi32>
      %parallel_loop3A_314 = tpu.vector_load_idx %arg5[%parallel_loop3A_227] : memref<32768xf32, #tpu.memory_space<vmem>>[vector<16xi32>], vector<16xf32>,
      %parallel_loop3A_315 = vector.bitcast %parallel_loop3A_314 : vector<16xf32> to vector<16xi32>
      %parallel_loop3A_316 = tpu.vector_load_idx %arg5[%parallel_loop3A_230] : memref<32768xf32, #tpu.memory_space<vmem>>[vector<16xi32>], vector<16xf32>,
      %parallel_loop3A_317 = vector.bitcast %parallel_loop3A_316 : vector<16xf32> to vector<16xi32>
      %parallel_loop3A_318 = tpu.vector_load_idx %arg5[%parallel_loop3A_233] : memref<32768xf32, #tpu.memory_space<vmem>>[vector<16xi32>], vector<16xf32>,
      %parallel_loop3A_319 = vector.bitcast %parallel_loop3A_318 : vector<16xf32> to vector<16xi32>
      %parallel_loop3A_320 = tpu.vector_load_idx %arg5[%parallel_loop3A_236] : memref<32768xf32, #tpu.memory_space<vmem>>[vector<16xi32>], vector<16xf32>,
      %parallel_loop3A_321 = vector.bitcast %parallel_loop3A_320 : vector<16xf32> to vector<16xi32>
      %parallel_loop3A_322 = tpu.vector_load_idx %arg5[%parallel_loop3A_239] : memref<32768xf32, #tpu.memory_space<vmem>>[vector<16xi32>], vector<16xf32>,
      %parallel_loop3A_323 = vector.bitcast %parallel_loop3A_322 : vector<16xf32> to vector<16xi32>
      %parallel_loop3A_324 = tpu.vector_load_idx %arg5[%parallel_loop3A_242] : memref<32768xf32, #tpu.memory_space<vmem>>[vector<16xi32>], vector<16xf32>,
      %parallel_loop3A_325 = vector.bitcast %parallel_loop3A_324 : vector<16xf32> to vector<16xi32>
      %parallel_loop3A_326 = tpu.vector_load_idx %arg5[%parallel_loop3A_245] : memref<32768xf32, #tpu.memory_space<vmem>>[vector<16xi32>], vector<16xf32>,
      %parallel_loop3A_327 = vector.bitcast %parallel_loop3A_326 : vector<16xf32> to vector<16xi32>
      %parallel_loop3A_328 = tpu.vector_load_idx %arg5[%parallel_loop3A_248] : memref<32768xf32, #tpu.memory_space<vmem>>[vector<16xi32>], vector<16xf32>,
      %parallel_loop3A_329 = vector.bitcast %parallel_loop3A_328 : vector<16xf32> to vector<16xi32>
      %parallel_loop3A_330 = tpu.vector_load_idx %arg5[%parallel_loop3A_251] : memref<32768xf32, #tpu.memory_space<vmem>>[vector<16xi32>], vector<16xf32>,
      %parallel_loop3A_331 = vector.bitcast %parallel_loop3A_330 : vector<16xf32> to vector<16xi32>
      %parallel_loop3A_332 = arith.constant 22 : i32
      %parallel_loop3A_333 = vector.broadcast %parallel_loop3A_332 : i32 to vector<16xi32>
      %parallel_loop3A_334 = arith.shrui %parallel_loop3A_301, %parallel_loop3A_333 : vector<16xi32>
      %parallel_loop3A_335 = arith.constant 1023 : i32
      %parallel_loop3A_336 = vector.broadcast %parallel_loop3A_335 : i32 to vector<16xi32>
      %parallel_loop3A_337 = arith.andi %parallel_loop3A_334, %parallel_loop3A_336 : vector<16xi32>
      %parallel_loop3A_338 = tpu.vector_load_idx %arg8[%parallel_loop3A_337] : memref<2048xi32, #tpu.memory_space<vmem>>[vector<16xi32>], vector<16xi32>,
      %parallel_loop3A_339 = arith.constant 22 : i32
      %parallel_loop3A_340 = vector.broadcast %parallel_loop3A_339 : i32 to vector<16xi32>
      %parallel_loop3A_341 = arith.shrui %parallel_loop3A_303, %parallel_loop3A_340 : vector<16xi32>
      %parallel_loop3A_342 = arith.constant 1023 : i32
      %parallel_loop3A_343 = vector.broadcast %parallel_loop3A_342 : i32 to vector<16xi32>
      %parallel_loop3A_344 = arith.andi %parallel_loop3A_341, %parallel_loop3A_343 : vector<16xi32>
      %parallel_loop3A_345 = tpu.vector_load_idx %arg9[%parallel_loop3A_344] : memref<2048xi32, #tpu.memory_space<vmem>>[vector<16xi32>], vector<16xi32>,
      %parallel_loop3A_346 = arith.constant 22 : i32
      %parallel_loop3A_347 = vector.broadcast %parallel_loop3A_346 : i32 to vector<16xi32>
      %parallel_loop3A_348 = arith.shrui %parallel_loop3A_305, %parallel_loop3A_347 : vector<16xi32>
      %parallel_loop3A_349 = arith.constant 1023 : i32
      %parallel_loop3A_350 = vector.broadcast %parallel_loop3A_349 : i32 to vector<16xi32>
      %parallel_loop3A_351 = arith.andi %parallel_loop3A_348, %parallel_loop3A_350 : vector<16xi32>
      %parallel_loop3A_352 = tpu.vector_load_idx %arg10[%parallel_loop3A_351] : memref<2048xi32, #tpu.memory_space<vmem>>[vector<16xi32>], vector<16xi32>,
      %parallel_loop3A_353 = arith.constant 22 : i32
      %parallel_loop3A_354 = vector.broadcast %parallel_loop3A_353 : i32 to vector<16xi32>
      %parallel_loop3A_355 = arith.shrui %parallel_loop3A_307, %parallel_loop3A_354 : vector<16xi32>
      %parallel_loop3A_356 = arith.constant 1023 : i32
      %parallel_loop3A_357 = vector.broadcast %parallel_loop3A_356 : i32 to vector<16xi32>
      %parallel_loop3A_358 = arith.andi %parallel_loop3A_355, %parallel_loop3A_357 : vector<16xi32>
      %parallel_loop3A_359 = tpu.vector_load_idx %arg11[%parallel_loop3A_358] : memref<2048xi32, #tpu.memory_space<vmem>>[vector<16xi32>], vector<16xi32>,
      %parallel_loop3A_360 = arith.constant 22 : i32
      %parallel_loop3A_361 = vector.broadcast %parallel_loop3A_360 : i32 to vector<16xi32>
      %parallel_loop3A_362 = arith.shrui %parallel_loop3A_309, %parallel_loop3A_361 : vector<16xi32>
      %parallel_loop3A_363 = arith.constant 1023 : i32
      %parallel_loop3A_364 = vector.broadcast %parallel_loop3A_363 : i32 to vector<16xi32>
      %parallel_loop3A_365 = arith.andi %parallel_loop3A_362, %parallel_loop3A_364 : vector<16xi32>
      %parallel_loop3A_366 = tpu.vector_load_idx %arg12[%parallel_loop3A_365] : memref<2048xi32, #tpu.memory_space<vmem>>[vector<16xi32>], vector<16xi32>,
      %parallel_loop3A_367 = arith.constant 22 : i32
      %parallel_loop3A_368 = vector.broadcast %parallel_loop3A_367 : i32 to vector<16xi32>
      %parallel_loop3A_369 = arith.shrui %parallel_loop3A_311, %parallel_loop3A_368 : vector<16xi32>
      %parallel_loop3A_370 = arith.constant 1023 : i32
      %parallel_loop3A_371 = vector.broadcast %parallel_loop3A_370 : i32 to vector<16xi32>
      %parallel_loop3A_372 = arith.andi %parallel_loop3A_369, %parallel_loop3A_371 : vector<16xi32>
      %parallel_loop3A_373 = tpu.vector_load_idx %arg13[%parallel_loop3A_372] : memref<2048xi32, #tpu.memory_space<vmem>>[vector<16xi32>], vector<16xi32>,
      %parallel_loop3A_374 = arith.constant 22 : i32
      %parallel_loop3A_375 = vector.broadcast %parallel_loop3A_374 : i32 to vector<16xi32>
      %parallel_loop3A_376 = arith.shrui %parallel_loop3A_313, %parallel_loop3A_375 : vector<16xi32>
      %parallel_loop3A_377 = arith.constant 1023 : i32
      %parallel_loop3A_378 = vector.broadcast %parallel_loop3A_377 : i32 to vector<16xi32>
      %parallel_loop3A_379 = arith.andi %parallel_loop3A_376, %parallel_loop3A_378 : vector<16xi32>
      %parallel_loop3A_380 = tpu.vector_load_idx %arg14[%parallel_loop3A_379] : memref<2048xi32, #tpu.memory_space<vmem>>[vector<16xi32>], vector<16xi32>,
      %parallel_loop3A_381 = arith.constant 22 : i32
      %parallel_loop3A_382 = vector.broadcast %parallel_loop3A_381 : i32 to vector<16xi32>
      %parallel_loop3A_383 = arith.shrui %parallel_loop3A_315, %parallel_loop3A_382 : vector<16xi32>
      %parallel_loop3A_384 = arith.constant 1023 : i32
      %parallel_loop3A_385 = vector.broadcast %parallel_loop3A_384 : i32 to vector<16xi32>
      %parallel_loop3A_386 = arith.andi %parallel_loop3A_383, %parallel_loop3A_385 : vector<16xi32>
      %parallel_loop3A_387 = tpu.vector_load_idx %arg15[%parallel_loop3A_386] : memref<2048xi32, #tpu.memory_space<vmem>>[vector<16xi32>], vector<16xi32>,
      %parallel_loop3A_388 = arith.constant 22 : i32
      %parallel_loop3A_389 = vector.broadcast %parallel_loop3A_388 : i32 to vector<16xi32>
      %parallel_loop3A_390 = arith.shrui %parallel_loop3A_317, %parallel_loop3A_389 : vector<16xi32>
      %parallel_loop3A_391 = arith.constant 1023 : i32
      %parallel_loop3A_392 = vector.broadcast %parallel_loop3A_391 : i32 to vector<16xi32>
      %parallel_loop3A_393 = arith.andi %parallel_loop3A_390, %parallel_loop3A_392 : vector<16xi32>
      %parallel_loop3A_394 = tpu.vector_load_idx %arg8[%parallel_loop3A_393] : memref<2048xi32, #tpu.memory_space<vmem>>[vector<16xi32>], vector<16xi32>,
      %parallel_loop3A_395 = arith.constant 22 : i32
      %parallel_loop3A_396 = vector.broadcast %parallel_loop3A_395 : i32 to vector<16xi32>
      %parallel_loop3A_397 = arith.shrui %parallel_loop3A_319, %parallel_loop3A_396 : vector<16xi32>
      %parallel_loop3A_398 = arith.constant 1023 : i32
      %parallel_loop3A_399 = vector.broadcast %parallel_loop3A_398 : i32 to vector<16xi32>
      %parallel_loop3A_400 = arith.andi %parallel_loop3A_397, %parallel_loop3A_399 : vector<16xi32>
      %parallel_loop3A_401 = tpu.vector_load_idx %arg9[%parallel_loop3A_400] : memref<2048xi32, #tpu.memory_space<vmem>>[vector<16xi32>], vector<16xi32>,
      %parallel_loop3A_402 = arith.constant 22 : i32
      %parallel_loop3A_403 = vector.broadcast %parallel_loop3A_402 : i32 to vector<16xi32>
      %parallel_loop3A_404 = arith.shrui %parallel_loop3A_321, %parallel_loop3A_403 : vector<16xi32>
      %parallel_loop3A_405 = arith.constant 1023 : i32
      %parallel_loop3A_406 = vector.broadcast %parallel_loop3A_405 : i32 to vector<16xi32>
      %parallel_loop3A_407 = arith.andi %parallel_loop3A_404, %parallel_loop3A_406 : vector<16xi32>
      %parallel_loop3A_408 = tpu.vector_load_idx %arg10[%parallel_loop3A_407] : memref<2048xi32, #tpu.memory_space<vmem>>[vector<16xi32>], vector<16xi32>,
      %parallel_loop3A_409 = arith.constant 22 : i32
      %parallel_loop3A_410 = vector.broadcast %parallel_loop3A_409 : i32 to vector<16xi32>
      %parallel_loop3A_411 = arith.shrui %parallel_loop3A_323, %parallel_loop3A_410 : vector<16xi32>
      %parallel_loop3A_412 = arith.constant 1023 : i32
      %parallel_loop3A_413 = vector.broadcast %parallel_loop3A_412 : i32 to vector<16xi32>
      %parallel_loop3A_414 = arith.andi %parallel_loop3A_411, %parallel_loop3A_413 : vector<16xi32>
      %parallel_loop3A_415 = tpu.vector_load_idx %arg11[%parallel_loop3A_414] : memref<2048xi32, #tpu.memory_space<vmem>>[vector<16xi32>], vector<16xi32>,
      %parallel_loop3A_416 = arith.constant 22 : i32
      %parallel_loop3A_417 = vector.broadcast %parallel_loop3A_416 : i32 to vector<16xi32>
      %parallel_loop3A_418 = arith.shrui %parallel_loop3A_325, %parallel_loop3A_417 : vector<16xi32>
      %parallel_loop3A_419 = arith.constant 1023 : i32
      %parallel_loop3A_420 = vector.broadcast %parallel_loop3A_419 : i32 to vector<16xi32>
      %parallel_loop3A_421 = arith.andi %parallel_loop3A_418, %parallel_loop3A_420 : vector<16xi32>
      %parallel_loop3A_422 = tpu.vector_load_idx %arg12[%parallel_loop3A_421] : memref<2048xi32, #tpu.memory_space<vmem>>[vector<16xi32>], vector<16xi32>,
      %parallel_loop3A_423 = arith.constant 22 : i32
      %parallel_loop3A_424 = vector.broadcast %parallel_loop3A_423 : i32 to vector<16xi32>
      %parallel_loop3A_425 = arith.shrui %parallel_loop3A_327, %parallel_loop3A_424 : vector<16xi32>
      %parallel_loop3A_426 = arith.constant 1023 : i32
      %parallel_loop3A_427 = vector.broadcast %parallel_loop3A_426 : i32 to vector<16xi32>
      %parallel_loop3A_428 = arith.andi %parallel_loop3A_425, %parallel_loop3A_427 : vector<16xi32>
      %parallel_loop3A_429 = tpu.vector_load_idx %arg13[%parallel_loop3A_428] : memref<2048xi32, #tpu.memory_space<vmem>>[vector<16xi32>], vector<16xi32>,
      %parallel_loop3A_430 = arith.constant 22 : i32
      %parallel_loop3A_431 = vector.broadcast %parallel_loop3A_430 : i32 to vector<16xi32>
      %parallel_loop3A_432 = arith.shrui %parallel_loop3A_329, %parallel_loop3A_431 : vector<16xi32>
      %parallel_loop3A_433 = arith.constant 1023 : i32
      %parallel_loop3A_434 = vector.broadcast %parallel_loop3A_433 : i32 to vector<16xi32>
      %parallel_loop3A_435 = arith.andi %parallel_loop3A_432, %parallel_loop3A_434 : vector<16xi32>
      %parallel_loop3A_436 = tpu.vector_load_idx %arg14[%parallel_loop3A_435] : memref<2048xi32, #tpu.memory_space<vmem>>[vector<16xi32>], vector<16xi32>,
      %parallel_loop3A_437 = arith.constant 22 : i32
      %parallel_loop3A_438 = vector.broadcast %parallel_loop3A_437 : i32 to vector<16xi32>
      %parallel_loop3A_439 = arith.shrui %parallel_loop3A_331, %parallel_loop3A_438 : vector<16xi32>
      %parallel_loop3A_440 = arith.constant 1023 : i32
      %parallel_loop3A_441 = vector.broadcast %parallel_loop3A_440 : i32 to vector<16xi32>
      %parallel_loop3A_442 = arith.andi %parallel_loop3A_439, %parallel_loop3A_441 : vector<16xi32>
      %parallel_loop3A_443 = tpu.vector_load_idx %arg15[%parallel_loop3A_442] : memref<2048xi32, #tpu.memory_space<vmem>>[vector<16xi32>], vector<16xi32>,
      %parallel_loop3A_444 = arith.addi %parallel_loop3A_338, %parallel_loop3A_254 : vector<16xi32>
      tpu.vector_store_idx %arg6[%parallel_loop3A_444], %parallel_loop3A_206 : memref<32768xi32, #tpu.memory_space<vmem>>[vector<16xi32>], vector<16xi32>,
      %parallel_loop3A_445 = arith.addi %parallel_loop3A_345, %parallel_loop3A_257 : vector<16xi32>
      tpu.vector_store_idx %arg6[%parallel_loop3A_445], %parallel_loop3A_209 : memref<32768xi32, #tpu.memory_space<vmem>>[vector<16xi32>], vector<16xi32>,
      %parallel_loop3A_446 = arith.addi %parallel_loop3A_352, %parallel_loop3A_260 : vector<16xi32>
      tpu.vector_store_idx %arg6[%parallel_loop3A_446], %parallel_loop3A_212 : memref<32768xi32, #tpu.memory_space<vmem>>[vector<16xi32>], vector<16xi32>,
      %parallel_loop3A_447 = arith.addi %parallel_loop3A_359, %parallel_loop3A_263 : vector<16xi32>
      tpu.vector_store_idx %arg6[%parallel_loop3A_447], %parallel_loop3A_215 : memref<32768xi32, #tpu.memory_space<vmem>>[vector<16xi32>], vector<16xi32>,
      %parallel_loop3A_448 = arith.addi %parallel_loop3A_366, %parallel_loop3A_266 : vector<16xi32>
      tpu.vector_store_idx %arg6[%parallel_loop3A_448], %parallel_loop3A_218 : memref<32768xi32, #tpu.memory_space<vmem>>[vector<16xi32>], vector<16xi32>,
      %parallel_loop3A_449 = arith.addi %parallel_loop3A_373, %parallel_loop3A_269 : vector<16xi32>
      tpu.vector_store_idx %arg6[%parallel_loop3A_449], %parallel_loop3A_221 : memref<32768xi32, #tpu.memory_space<vmem>>[vector<16xi32>], vector<16xi32>,
      %parallel_loop3A_450 = arith.addi %parallel_loop3A_380, %parallel_loop3A_272 : vector<16xi32>
      tpu.vector_store_idx %arg6[%parallel_loop3A_450], %parallel_loop3A_224 : memref<32768xi32, #tpu.memory_space<vmem>>[vector<16xi32>], vector<16xi32>,
      %parallel_loop3A_451 = arith.addi %parallel_loop3A_387, %parallel_loop3A_275 : vector<16xi32>
      tpu.vector_store_idx %arg6[%parallel_loop3A_451], %parallel_loop3A_227 : memref<32768xi32, #tpu.memory_space<vmem>>[vector<16xi32>], vector<16xi32>,
      %parallel_loop3A_452 = arith.addi %parallel_loop3A_394, %parallel_loop3A_278 : vector<16xi32>
      tpu.vector_store_idx %arg6[%parallel_loop3A_452], %parallel_loop3A_230 : memref<32768xi32, #tpu.memory_space<vmem>>[vector<16xi32>], vector<16xi32>,
      %parallel_loop3A_453 = arith.addi %parallel_loop3A_401, %parallel_loop3A_281 : vector<16xi32>
      tpu.vector_store_idx %arg6[%parallel_loop3A_453], %parallel_loop3A_233 : memref<32768xi32, #tpu.memory_space<vmem>>[vector<16xi32>], vector<16xi32>,
      %parallel_loop3A_454 = arith.addi %parallel_loop3A_408, %parallel_loop3A_284 : vector<16xi32>
      tpu.vector_store_idx %arg6[%parallel_loop3A_454], %parallel_loop3A_236 : memref<32768xi32, #tpu.memory_space<vmem>>[vector<16xi32>], vector<16xi32>,
      %parallel_loop3A_455 = arith.addi %parallel_loop3A_415, %parallel_loop3A_287 : vector<16xi32>
      tpu.vector_store_idx %arg6[%parallel_loop3A_455], %parallel_loop3A_239 : memref<32768xi32, #tpu.memory_space<vmem>>[vector<16xi32>], vector<16xi32>,
      %parallel_loop3A_456 = arith.addi %parallel_loop3A_422, %parallel_loop3A_290 : vector<16xi32>
      tpu.vector_store_idx %arg6[%parallel_loop3A_456], %parallel_loop3A_242 : memref<32768xi32, #tpu.memory_space<vmem>>[vector<16xi32>], vector<16xi32>,
      %parallel_loop3A_457 = arith.addi %parallel_loop3A_429, %parallel_loop3A_293 : vector<16xi32>
      tpu.vector_store_idx %arg6[%parallel_loop3A_457], %parallel_loop3A_245 : memref<32768xi32, #tpu.memory_space<vmem>>[vector<16xi32>], vector<16xi32>,
      %parallel_loop3A_458 = arith.addi %parallel_loop3A_436, %parallel_loop3A_296 : vector<16xi32>
      tpu.vector_store_idx %arg6[%parallel_loop3A_458], %parallel_loop3A_248 : memref<32768xi32, #tpu.memory_space<vmem>>[vector<16xi32>], vector<16xi32>,
      %parallel_loop3A_459 = arith.addi %parallel_loop3A_443, %parallel_loop3A_299 : vector<16xi32>
      tpu.vector_store_idx %arg6[%parallel_loop3A_459], %parallel_loop3A_251 : memref<32768xi32, #tpu.memory_space<vmem>>[vector<16xi32>], vector<16xi32>,
    } {sc.loop_unroll_factor = 1 : i64, sc.parallel_access}
    "tpu.region"() ({
      %run_scoped3A = tpu.sem_alloc : memref<!tpu.dma_semaphore, #tpu.memory_space<semaphore_mem>>
      %dma_start3A = arith.constant 0 : i32
      %dma_start3A_59 = tpu.memref_slice %arg2[%add3A, %dma_start3A] : memref<32x32768xf32, #tpu.memory_space<hbm>> -> memref<1x32768xf32, #tpu.memory_space<hbm>>
      %dma_start3A_60 = tpu.memref_squeeze %dma_start3A_59 : memref<1x32768xf32, #tpu.memory_space<hbm>> -> memref<32768xf32, #tpu.memory_space<hbm>>
      %dma_start3A_61 = arith.constant 0 : i32
      %dma_start3A_62 = tpu.memref_slice %arg2[%add3A, %dma_start3A_61] : memref<32x32768xf32, #tpu.memory_space<hbm>> -> memref<1x32768xf32, #tpu.memory_space<hbm>>
      %dma_start3A_63 = tpu.memref_squeeze %dma_start3A_62 : memref<1x32768xf32, #tpu.memory_space<hbm>> -> memref<32768xf32, #tpu.memory_space<hbm>>
      tpu.enqueue_dma source(%dma_start3A_63 : memref<32768xf32, #tpu.memory_space<hbm>>) target(%arg7 : memref<32768xf32, #tpu.memory_space<vmem>>) target_semaphore(%run_scoped3A : memref<!tpu.dma_semaphore, #tpu.memory_space<semaphore_mem>>)
      %dma_wait3A = arith.constant 0 : i32
      %dma_wait3A_64 = tpu.memref_slice %arg2[%add3A, %dma_wait3A] : memref<32x32768xf32, #tpu.memory_space<hbm>> -> memref<1x32768xf32, #tpu.memory_space<hbm>>
      %dma_wait3A_65 = tpu.memref_squeeze %dma_wait3A_64 : memref<1x32768xf32, #tpu.memory_space<hbm>> -> memref<32768xf32, #tpu.memory_space<hbm>>
      %dma_wait3A_66 = arith.constant 0 : i32
      %dma_wait3A_67 = tpu.memref_slice %arg2[%add3A, %dma_wait3A_66] : memref<32x32768xf32, #tpu.memory_space<hbm>> -> memref<1x32768xf32, #tpu.memory_space<hbm>>
      %dma_wait3A_68 = tpu.memref_squeeze %dma_wait3A_67 : memref<1x32768xf32, #tpu.memory_space<hbm>> -> memref<32768xf32, #tpu.memory_space<hbm>>
      tpu.wait_dma2 semaphore(%run_scoped3A : memref<!tpu.dma_semaphore, #tpu.memory_space<semaphore_mem>>) src(%dma_wait3A_68 : memref<32768xf32, #tpu.memory_space<hbm>>) dst(%arg7 : memref<32768xf32, #tpu.memory_space<vmem>>)
      tpu.yield
    }) : () -> ()
    %parallel_loop3A_56 = arith.constant 0 : i32
    %parallel_loop3A_57 = arith.constant 2048 : i32
    %parallel_loop3A_58 = arith.constant 1 : i32
    scf.for %parallel_loop3A_59 = %parallel_loop3A_56 to %parallel_loop3A_57 step %parallel_loop3A_58  : i32 {
      %parallel_loop3A_60 = arith.constant 16 : i32
      %parallel_loop3A_61 = arith.muli %parallel_loop3A_59, %parallel_loop3A_60 : i32
      %parallel_loop3A_62 = arith.index_cast %parallel_loop3A_61 : i32 to index
      %parallel_loop3A_63 = tpu.vector_load %arg6[%parallel_loop3A_62] {strides = array<i32>} : memref<32768xi32, #tpu.memory_space<vmem>>, vector<16xi32>,
      %parallel_loop3A_64 = arith.constant 16 : i32
      %parallel_loop3A_65 = arith.muli %parallel_loop3A_59, %parallel_loop3A_64 : i32
      %parallel_loop3A_66 = arith.index_cast %parallel_loop3A_65 : i32 to index
      %parallel_loop3A_67 = tpu.vector_load %arg7[%parallel_loop3A_66] {strides = array<i32>} : memref<32768xf32, #tpu.memory_space<vmem>>, vector<16xf32>,
      tpu.vector_store_idx %arg5[%parallel_loop3A_63], %parallel_loop3A_67 : memref<32768xf32, #tpu.memory_space<vmem>>[vector<16xi32>], vector<16xf32>,
    } {sc.loop_unroll_factor = 8 : i64, sc.parallel_access}
    "tpu.region"() ({
      %run_scoped3A = tpu.sem_alloc : memref<!tpu.dma_semaphore, #tpu.memory_space<semaphore_mem>>
      %dma_start3A = arith.constant 0 : i32
      %dma_start3A_59 = tpu.memref_slice %arg4[%add3A, %dma_start3A] : memref<32x32768xf32, #tpu.memory_space<hbm>> -> memref<1x32768xf32, #tpu.memory_space<hbm>>
      %dma_start3A_60 = tpu.memref_squeeze %dma_start3A_59 : memref<1x32768xf32, #tpu.memory_space<hbm>> -> memref<32768xf32, #tpu.memory_space<hbm>>
      %dma_start3A_61 = arith.constant 0 : i32
      %dma_start3A_62 = tpu.memref_slice %arg4[%add3A, %dma_start3A_61] : memref<32x32768xf32, #tpu.memory_space<hbm>> -> memref<1x32768xf32, #tpu.memory_space<hbm>>
      %dma_start3A_63 = tpu.memref_squeeze %dma_start3A_62 : memref<1x32768xf32, #tpu.memory_space<hbm>> -> memref<32768xf32, #tpu.memory_space<hbm>>
      tpu.enqueue_dma source(%arg5 : memref<32768xf32, #tpu.memory_space<vmem>>) target(%dma_start3A_63 : memref<32768xf32, #tpu.memory_space<hbm>>) target_semaphore(%run_scoped3A : memref<!tpu.dma_semaphore, #tpu.memory_space<semaphore_mem>>)
      %dma_wait3A = arith.constant 0 : i32
      %dma_wait3A_64 = tpu.memref_slice %arg4[%add3A, %dma_wait3A] : memref<32x32768xf32, #tpu.memory_space<hbm>> -> memref<1x32768xf32, #tpu.memory_space<hbm>>
      %dma_wait3A_65 = tpu.memref_squeeze %dma_wait3A_64 : memref<1x32768xf32, #tpu.memory_space<hbm>> -> memref<32768xf32, #tpu.memory_space<hbm>>
      %dma_wait3A_66 = arith.constant 0 : i32
      %dma_wait3A_67 = tpu.memref_slice %arg4[%add3A, %dma_wait3A_66] : memref<32x32768xf32, #tpu.memory_space<hbm>> -> memref<1x32768xf32, #tpu.memory_space<hbm>>
      %dma_wait3A_68 = tpu.memref_squeeze %dma_wait3A_67 : memref<1x32768xf32, #tpu.memory_space<hbm>> -> memref<32768xf32, #tpu.memory_space<hbm>>
      tpu.wait_dma2 semaphore(%run_scoped3A : memref<!tpu.dma_semaphore, #tpu.memory_space<semaphore_mem>>) src(%arg5 : memref<32768xf32, #tpu.memory_space<vmem>>) dst(%dma_wait3A_68 : memref<32768xf32, #tpu.memory_space<hbm>>)
      tpu.yield
    }) : () -> ()
    return
  }
}

</mosaic_0001>

<sc_bundles>
// kernel: _sc_sort_scatter.3.cloned.1.call-start
scs
__scs_entry_jumppad:
0x0: {  	(pc) =	sbr.rel $0x88, $3  }
0x1: {  	(tag) =	ssettag $0x0;
	lr =	simm.s32 $0x1  }
0x2: {  	[smem:$0x3F9F] =	sst lr;
	_ =	strace $0xD0000000  }
0x3: {  	_ = 	snop  }
0x4: {  	_ = 	snop  }
0x5: {  	_ = 	snop  }
0x6: {  	_ = 	snop  }
0x7: {  	_ = 	snop  }
__scs_overlays_trampoline_lowered:
0x8: {  	[smem:$0x3FAE] =	sst s0  }
0x9: {  	[smem:$0x3FAF] =	sst s1  }
0xa: {  	[smem:$0x3FB0] =	sst s2  }
0xb: {  	[smem:$0x3FB1] =	sst s3  }
0xc: {  	[smem:$0x3FB2] =	sst s4  }
0xd: {  	[smem:$0x3FB3] =	sst s5  }
0xe: {  	[smem:$0x3FB4] =	sst s6  }
0xf: {  	[smem:$0x3FB5] =	sst s7  }
0x10: {  	[smem:$0x3FB6] =	sst s8  }
0x11: {  	[smem:$0x3FB7] =	sst s9;
	s0 =	simm.s32 @!p0 $0x0  }
0x12: {  	s1 =	sld [smem:$0x3F9D];
	s0 =	simm.s32 @p0 $0x1  }
0x13: {  	[smem:$0x3FB8] =	sst s0;
	s0 =	simm.s32 @!p1 $0x0  }
0x14: {  	s2 =	sld [smem:$0x3F9C];
	s0 =	simm.s32 @p1 $0x1  }
0x15: {  	[smem:$0x3FB9] =	sst s0;
	s0 =	simm.s32 @!p2 $0x0  }
0x16: {  	s3 =	sld [smem:$0x3FDB];
	s0 =	simm.s32 @p2 $0x1  }
0x17: {  	s4 =	simm.s32 $0x1BF5;
	[smem:$0x3FBB] =	sst s0  }
0x18: {  	s0 =	sld [smem:$0x3F9E];
	_ =	swait.ge [sflag:s4], $0x0  }
0x19: {  	s7 =	sld [smem:$0x3F9F]  }
0x1a: {  	s8 =	sadd.s32 $0xFFFFE003, lr  }
0x1b: {  	s9 =	sadd.s32 $0xFFFFFEF7, lr;
	s5 =	simm.s32 $0xFFFFFFFF;
	p2 =	slt.u32 s8, $0xFFFFF086  }
0x1c: {  	p1 =	slt.u32 s9, $0xF7A;
	s5 =	simm.s32 @!p2 $0x0  }
0x1d: {  	s5 =	simm.s32 @p1 $0x1;
	p0 =	seq.s32 s7, s2  }
0x1e: {  	s7 =	smul.u32 @!p0 $0xF7A, s2;
	p2 =	seq.s32 @!p0 s5, $0x0  }
0x1f: {  	s9 =	smul.u32 $0xF7A, s1;
	s8 =	simm.s32 @!p0 $0x1BF5;
	p2 =	por !p2, p0  }
0x20: {  	[sflag:s8] =	ssyncset.s32 @!p0 $0xFFFFF086;
	s6 =	sadd.s32 @!p0 s3, s7;
	s7 =	simm.s32 @!p0 $0x108  }
0x21: {  	s3 =	sadd.s32 s3, s9;
	s6 =	sadd.s32 @!p0 $0x88, s6;
	s7 =	simm.s32 @p2 $0x1082  }
0x22: {  	[simem:s7], [sflag:s8] =	dma.local @!p0 [hbm:s6], $0xF7A  }
0x23: {  	s9 =	sor.u32 $0xD0000000, s2;
	s6 =	simm.s32 $0x108;
	_ =	swait.ge @!p0 [sflag:s8], $0x0  }
0x24: {  	s3 =	sadd.s32 $0x88, s3;
	s6 =	simm.s32 @!p1 $0x1082;
	[sflag:s4] =	ssyncset.s32 $0xFFFFF086  }
0x25: {  	[simem:s6], [sflag:s4] =	dma.local [hbm:s3], $0xF7A  }
0x26: {  	[smem:$0x3F9F] =	sst s1;
	(tag) =	ssettag s2;
	_ =	strace s9  }
0x27: {  	s1 =	sld [smem:$0x3FAF]  }
0x28: {  	s2 =	sld [smem:$0x3FB0]  }
0x29: {  	s4 =	sld [smem:$0x3FB2]  }
0x2a: {  	p0 =	seq.s32 s5, $0x0;
	s5 =	sld [smem:$0x3FB3]  }
0x2b: {  	s6 =	sld [smem:$0x3FB4]  }
0x2c: {  	s7 =	sld [smem:$0x3FB5]  }
0x2d: {  	s3 =	simm.s32 $0x108;
	s8 =	sld [smem:$0x3FB6]  }
0x2e: {  	s3 =	simm.s32 @!p0 $0x1082;
	s9 =	sld [smem:$0x3FB7]  }
0x2f: {  	lr =	sadd.s32 s0, s3;
	s0 =	sld [smem:$0x3FAE]  }
0x30: {  	s3 =	sld [smem:$0x3FB1]  }
0x31: {  	[smem:$0x3FBA] =	sst s10  }
0x32: {  	s10 =	sld [smem:$0x3FB8];
	_ =	sdelay $0x3  }
0x33: {  	p0 =	seq.s32 s10, $0x1;
	s10 =	sld [smem:$0x3FBA];
	_ =	sdelay $0x3  }
0x34: {  	[smem:$0x3FBA] =	sst s10  }
0x35: {  	s10 =	sld [smem:$0x3FB9];
	_ =	sdelay $0x3  }
0x36: {  	p1 =	seq.s32 s10, $0x1;
	s10 =	sld [smem:$0x3FBA];
	_ =	sdelay $0x3  }
0x37: {  	[smem:$0x3FBA] =	sst s10  }
0x38: {  	s10 =	sld [smem:$0x3FBB]  }
0x39: {  	_ = 	snop;
	(pc) =	sbr.ind lr, $3  }
0x3a: {  	_ = 	snop  }
0x3b: {  	_ = 	snop  }
0x3c: {  	p2 =	seq.s32 s10, $0x1;
	s10 =	sld [smem:$0x3FBA]  }
0x3d: {  	_ =	shalt  }
0x3e: {  	_ =	shalt  }
0x3f: {  	_ =	shalt  }
0x40: {  	_ =	shalt  }
0x41: {  	_ =	shalt  }
0x42: {  	_ =	shalt  }
0x43: {  	_ =	shalt  }
0x44: {  	_ =	shalt  }
0x45: {  	_ =	shalt  }
0x46: {  	_ =	shalt  }
0x47: {  	_ =	shalt  }
0x48: {  	_ =	shalt  }
0x49: {  	_ =	shalt  }
0x4a: {  	_ =	shalt  }
0x4b: {  	_ =	shalt  }
0x4c: {  	_ =	shalt  }
0x4d: {  	_ =	shalt  }
0x4e: {  	_ =	shalt  }
0x4f: {  	_ =	shalt  }
0x50: {  	_ =	shalt  }
0x51: {  	_ =	shalt  }
0x52: {  	_ =	shalt  }
0x53: {  	_ =	shalt  }
0x54: {  	_ =	shalt  }
0x55: {  	_ =	shalt  }
0x56: {  	_ =	shalt  }
0x57: {  	_ =	shalt  }
0x58: {  	_ =	shalt  }
0x59: {  	_ =	shalt  }
0x5a: {  	_ =	shalt  }
0x5b: {  	_ =	shalt  }
0x5c: {  	_ =	shalt  }
0x5d: {  	_ =	shalt  }
0x5e: {  	_ =	shalt  }
0x5f: {  	_ =	shalt  }
0x60: {  	_ =	shalt  }
0x61: {  	_ =	shalt  }
0x62: {  	_ =	shalt  }
0x63: {  	_ =	shalt  }
0x64: {  	_ =	shalt  }
0x65: {  	_ =	shalt  }
0x66: {  	_ =	shalt  }
0x67: {  	_ =	shalt  }
0x68: {  	_ =	shalt  }
0x69: {  	_ =	shalt  }
0x6a: {  	_ =	shalt  }
0x6b: {  	_ =	shalt  }
0x6c: {  	_ =	shalt  }
0x6d: {  	_ =	shalt  }
0x6e: {  	_ =	shalt  }
0x6f: {  	_ =	shalt  }
0x70: {  	_ =	shalt  }
0x71: {  	_ =	shalt  }
0x72: {  	_ =	shalt  }
0x73: {  	_ =	shalt  }
0x74: {  	_ =	shalt  }
0x75: {  	_ =	shalt  }
0x76: {  	_ =	shalt  }
0x77: {  	_ =	shalt  }
0x78: {  	_ =	shalt  }
0x79: {  	_ =	shalt  }
0x7a: {  	_ =	shalt  }
0x7b: {  	_ =	shalt  }
0x7c: {  	_ =	shalt  }
0x7d: {  	_ =	shalt  }
0x7e: {  	_ =	shalt  }
0x7f: {  	_ =	shalt  }
0x80: {  	_ =	shalt  }
0x81: {  	_ =	shalt  }
0x82: {  	_ =	shalt  }
0x83: {  	_ =	shalt  }
0x84: {  	_ =	shalt  }
0x85: {  	_ =	shalt  }
0x86: {  	_ =	shalt  }
0x87: {  	_ =	shalt  }
.Lfunc_end0:
.L_simem_size_0:
called_computation_lowered:
.L_overlay_start_0:
0x88: {  	s2 =	sld [smem:$0x3FD9]  }
0x89: {  	s3 =	sld [smem:$0x3FFE];
	_ =	sdelay $0x1  }
0x8a: {  	s1 =	srdreg.scid  }
0x8b: {  	s0 =	sand.u32 $0x1, s1  }
0x8c: {  	s18 =	sshll.u32 s0, $0xA;
	s2 =	sadd.s32 s3, s2  }
0x8d: {  	s2 =	sadd.s32 s2, s18  }
0x8e: {  	[smem:$0x3FC6] =	sst s2  }
0x8f: {  	_ = 	snop  }
0x90: {  	s2 =	sld [smem:$0x3FC9]  }
0x91: {  	s19 =	sld [smem:$0x3FC8]  }
0x92: {  	s4 =	sld [smem:$0x3FD0];
	(tm) =	ssettm $0x1  }
0x93: {  	s5 =	sld [smem:$0x3FFB];
	_ =	sdelay $0x3  }
0x94: {  	_ =	strace s5  }
0x95: {  	s5 =	sld [smem:$0x3FFC];
	_ =	sdelay $0x3  }
0x96: {  	_ =	strace s5  }
0x97: {  	s5 =	sld [smem:$0x3FFD];
	_ =	sdelay $0x3  }
0x98: {  	_ =	strace s5  }
0x99: {  	_ =	strace $0x8FFFFFFF  }
0x9a: {  	s20 =	sld [smem:$0x3FDB];
	_ =	sdelay $0x1  }
0x9b: {  	s6 =	simm.s32 $_scs_section_size  }
0x9c: {  	s7 =	simm.s32 $_size__tile_overlayer_lowered;
	s8 =	simm.s32 $_tile_overlayer_lowered  }
0x9d: {  	s23 =	simm.s32 $0x1BFF;
	s22 =	sshll.u32 s8, $0x1;
	s5 =	sadd.s32 s6, s20  }
0x9e: {  	s9 =	simm.s32 $0x0;
	s21 =	sshll.u32 s7, $0x1;
	s7 =	sadd.s32 s22, s5  }
0x9f: {  	[timem:s9], [sflag:s23] =	dma.local [hbm:s7], s21  }
0xa0: {  	_ =	swait.ge [sflag:s23], s21  }
0xa1: {  	s6 =	ssub.s32 $0x0, s21;
	[sflag:s23] =	ssyncset.done $0x0  }
0xa2: {  	[sflag:s23] =	ssyncadd.s32 s6;
	_ =	sdelay $0x1  }
0xa3: {  	s24 =	simm.s32 $0x1B8B  }
0xa4: {  	_ =	swait.ge [sflag:s24], $0x1  }
0xa5: {  	[sflag:s24] =	ssyncset.done $0x0  }
0xa6: {  	s25 =	simm.s32 $0x1B8E;
	[sflag:s24] =	ssyncadd.s32 $0xFFFFFFFF  }
0xa7: {  	s26 =	simm.s32 $execute0_lowered;
	[smem:$0x3FD2] =	sst s25  }
0xa8: {  	s6 =	sshll.u32 s26, $0x1;
	_ =	strace $0x80000046;
	[dreg:$0x1] =	wrdreg $0xFFFFFFFF  }
0xa9: {  	s28 =	simm.s32 $_size_execute0_lowered;
	s5 =	sadd.s32 s5, s6;
	[dreg:$0x0] =	wrdreg $0x0  }
0xaa: {  	s6 =	sshll.u32 s28, $0x1;
	[dreg:$0x2] =	wrdreg s5  }
0xab: {  	[dreg:$0x3] =	wrdreg s6  }
0xac: {  	[dreg:$0x4] =	wrdreg $0xC0  }
0xad: {  	_ =	task [dreg:s9], $0x5FFFF  }
0xae: {  	[dreg:$0x1] =	wrdreg $0xFFFFFFFF  }
0xaf: {  	[dreg:$0x0] =	wrdreg $0x60  }
0xb0: {  	[dreg:$0x2] =	wrdreg s2  }
0xb1: {  	[dreg:$0x3] =	wrdreg s19  }
0xb2: {  	[dreg:$0x4] =	wrdreg s4  }
0xb3: {  	[dreg:$0x5] =	wrdreg $0x9  }
0xb4: {  	_ =	task.clear_ibuf [dreg:s9], $0x6FFFF;
	_ =	strace $0x90000046  }
0xb5: {  	s29 =	simm.s32 $0x9;
	_ =	strace $0x80000048  }
0xb6: {  	_ =	swait.ge [sflag:s29], $0x1  }
0xb7: {  	[sflag:s29] =	ssyncadd.s32 $0xFFFFFFFF  }
0xb8: {  	_ =	strace $0x90000048  }
0xb9: {  	_ =	sfence  }
0xba: {  	s30 =	sld [smem:$0x0];
	_ =	sdelay $0x2  }
0xbb: {  	s31 =	sshll.u32 s1, $0xD;
	s1 =	sshrl.u32 s1, $0x2  }
0xbc: {  	s3 =	sand.u32 $0x4000, s31;
	s1 =	sadd.s32 s1, s30  }
0xbd: {  	s0 =	sor.u32 s3, s0;
	s1 =	sshll.u32 s1, $0x11  }
0xbe: {  	s0 =	sor.u32 s1, s0  }
0xbf: {  	s0 =	sadd.s32 $0x8F2B, s0  }
0xc0: {  	[sflag:s0] =	ssyncadd.remote.s32 $0x1  }
0xc1: {  	_ =	sfence.sel $0xFFFF  }
0xc2: {  	[dreg:$0x0] =	wrdreg $0xFFFFFFFF;
	(pc) =	sbr.abs _section_cstart, $3  }
0xc3: {  	[dreg:$0x1] =	wrdreg $0xFFFFFFFF  }
0xc4: {  	_ =	task.clear_ibuf [dreg:s9], $0x2FFFF;
	_ =	strace $0x9FFFFFFF  }
0xc5: {  	(tm) =	ssettm $0x7FFFFFFF  }
tec
execute0_lowered:
.L_overlay_start_1:
0x0: {  	(tag) =	ssettag $0x1  }
0x1: {  	s0 =	rddreg [dreg:$0x0]  }
0x2: {  	s1 =	rddreg [dreg:$0x1]  }
0x3: {  	s3 =	rddreg [dreg:$0x2];
	s4 =	srdreg.scid  }
0x4: {  	s2 =	simm.s32 $0x0;
	s7 =	stileid.u32;
	s9 =	simm.s32 $0x1  }
0x5: {  	s10 =	simm.s32 $0x18000;
	s11 =	simm.s32 $0x18800;
	s12 =	simm.s32 $0x19000  }
0x6: {  	s13 =	simm.s32 $0x19800;
	s14 =	simm.s32 $0x1A000;
	s15 =	simm.s32 $0x1A800  }
0x7: {  	s4 =	sand.u32 $0x1, s4;
	s6 =	sshll.u32 s7, $0xC;
	s7 =	sshll.u32 s7, $0x4  }
0x8: {  	s5 =	ssub.s32 $0x2, s4;
	s4 =	sshll.u32 s4, $0x10;
	s6 =	sand.u32 $0x8000, s6  }
0x9: {  	s16 =	simm.s32 $0x1B000;
	s29 =	sand.u32 $0x70, s7;
	s4 =	sor.u32 s4, s6  }
0xa: {  	s17 =	simm.s32 $0x1B800;
	[smem:$0x7FF] =	sst s2;
	s4 =	sor.u32 s29, s4  }
0xb: {  	s18 =	simm.s32 $0x8000;
	_ =	strace $0x80000047;
	s1 =	sadd.s32 s1, s4  }
0xc: {  	v8 =	vlaneseq.u32;
	s8 =	sshrl.u32 s5, $0x1;
	s0 =	sadd.s32 s0, s4;
	[dreg:$0x4] =	wrdreg s1  }
0xd: {  	v0 =	vimm.s32 $0x0;
	v1 =	vor.u32 $0xFFFF8000, v8;
	v2 =	vor.u32 $0xFFFF9000, v8;
	s5 =	ssub.s32 s5, s8;
	s30 =	sadd.s32 s3, s4;
	[dreg:$0x5] =	wrdreg s0  }
0xe: {  	s20 =	simm.s32 $0x0;
	v3 =	vor.u32 $0xFFFFA000, v8;
	v4 =	vor.u32 $0xFFFFB000, v8;
	v5 =	vor.u32 $0xFFFFC000, v8;
	s31 =	smax.u32 s5, $0x1;
	[dreg:$0x6] =	wrdreg s30  }
0xf: {  	v6 =	vor.u32 $0xFFFFD000, v8;
	v7 =	vor.u32 $0xFFFFE000, v8;
	v8 =	vor.u32 $0xFFFFF000, v8;
	s7 =	simm.s32 $0x80;
	s8 =	simm.s32 $0x400;
	[dreg:$0x7] =	wrdreg s31  }
.LBB2_1:
0x10: {  	s0 =	rddreg [dreg:$0x4]  }
0x11: {  	[tilespmem:s2], [sflag:$0x1] =	stream.strided.gather [hbm4b:s0+s7], $0x8000, s8, s7, $0x38;
	[tilespmem:$0x1C000] =	vst v63  }
0x12: {  	_ =	swait.ge [sflag:s9], $0x8000  }
0x13: {  	[sflag:s9] =	ssyncset.done $0x0  }
0x14: {  	s26 =	simm.s32 $0x18040;
	[sflag:s9] =	ssyncadd.s32 $0xFFFF8000  }
0x15: {  	[tilespmem:s26+$0xFFFFFFE0] =	vst v0  }
0x16: {  	[tilespmem:s26+$0xFFFFFFF0] =	vst v0  }
0x17: {  	[tilespmem:s26+$0x10] =	vst v0  }
0x18: {  	[tilespmem:s26+$0xFFFFFFD0] =	vst v0  }
0x19: {  	[tilespmem:s26+$0x0] =	vst v0  }
0x1a: {  	[tilespmem:s26+$0x30] =	vst v0  }
0x1b: {  	[tilespmem:s26+$0xFFFFFFC0] =	vst v0  }
0x1c: {  	s28 =	simm.s32 $0x18840;
	[tilespmem:s26+$0x20] =	vst v0  }
0x1d: {  	[tilespmem:s28+$0x20] =	vst v0  }
0x1e: {  	[tilespmem:s28+$0xFFFFFFC0] =	vst v0  }
0x1f: {  	[tilespmem:s28+$0x30] =	vst v0  }
0x20: {  	[tilespmem:s28+$0x0] =	vst v0  }
0x21: {  	[tilespmem:s28+$0xFFFFFFD0] =	vst v0  }
0x22: {  	s29 =	simm.s32 $0x19040;
	[tilespmem:s28+$0x10] =	vst v0  }
0x23: {  	[tilespmem:s29+$0x20] =	vst v0  }
0x24: {  	[tilespmem:s29+$0xFFFFFFC0] =	vst v0  }
0x25: {  	[tilespmem:s29+$0x30] =	vst v0  }
0x26: {  	[tilespmem:s29+$0x10] =	vst v0  }
0x27: {  	[tilespmem:s29+$0xFFFFFFD0] =	vst v0  }
0x28: {  	s26 =	simm.s32 $0x19840;
	[tilespmem:s29+$0x0] =	vst v0  }
0x29: {  	[tilespmem:s26+$0x20] =	vst v0  }
0x2a: {  	[tilespmem:s26+$0x30] =	vst v0  }
0x2b: {  	[tilespmem:s26+$0xFFFFFFC0] =	vst v0  }
0x2c: {  	s25 =	simm.s32 $0x1A040;
	[tilespmem:s26+$0x10] =	vst v0  }
0x2d: {  	[tilespmem:s25+$0x20] =	vst v0  }
0x2e: {  	[tilespmem:s25+$0xFFFFFFC0] =	vst v0  }
0x2f: {  	s23 =	simm.s32 $0x1A840;
	[tilespmem:s25+$0x30] =	vst v0  }
0x30: {  	[tilespmem:s23+$0x20] =	vst v0  }
0x31: {  	s22 =	simm.s32 $0x1B040;
	[tilespmem:s23+$0xFFFFFFC0] =	vst v0  }
0x32: {  	s24 =	simm.s32 $0x1B840;
	[tilespmem:s22+$0x20] =	vst v0  }
0x33: {  	s31 =	simm.s32 $0x0;
	s1 =	simm.s32 $0x1B0C0;
	s3 =	simm.s32 $0x1B8C0;
	[tilespmem:s22+$0xFFFFFFC0] =	vst v0  }
0x34: {  	s4 =	simm.s32 $0x180C0;
	s5 =	simm.s32 $0x198C0;
	s6 =	simm.s32 $0x1A0C0;
	[tilespmem:s24+$0x20] =	vst v0  }
0x35: {  	s19 =	simm.s32 $0x18840;
	s30 =	simm.s32 $0x19040;
	s0 =	simm.s32 $0x1A8C0;
	[tilespmem:s24+$0xFFFFFFC0] =	vst v0  }
.LBB2_2:
0x36: {  	s31 =	sadd.s32 $0x8, s31;
	[tilespmem:s26+$0x0] =	vst v0;
	s28 =	sadd.s32 $0x80, s28;
	s29 =	sadd.s32 $0x80, s29  }
0x37: {  	p0 =	slt.u32 s31, $0x78;
	[tilespmem:s19+$0xFFFFFFE0] =	vst v0  }
0x38: {  	[tilespmem:s25+$0x10] =	vst v0  }
0x39: {  	[tilespmem:s23+$0x10] =	vst v0  }
0x3a: {  	[tilespmem:s26+$0xFFFFFFD0] =	vst v0  }
0x3b: {  	[tilespmem:s19+$0xFFFFFFF0] =	vst v0;
	s19 =	smov.u32 s28  }
0x3c: {  	[tilespmem:s25+$0x0] =	vst v0  }
0x3d: {  	[tilespmem:s23+$0x0] =	vst v0  }
0x3e: {  	[tilespmem:s22+$0x0] =	vst v0  }
0x3f: {  	[tilespmem:s24+$0x0] =	vst v0  }
0x40: {  	[tilespmem:s30+$0xFFFFFFE0] =	vst v0  }
0x41: {  	[tilespmem:s22+$0x10] =	vst v0  }
0x42: {  	[tilespmem:s23+$0x30] =	vst v0  }
0x43: {  	[tilespmem:s25+$0xFFFFFFD0] =	vst v0  }
0x44: {  	[tilespmem:s30+$0xFFFFFFF0] =	vst v0;
	s30 =	smov.u32 s29  }
0x45: {  	[tilespmem:s23+$0xFFFFFFD0] =	vst v0  }
0x46: {  	[tilespmem:s26+$0xFFFFFFF0] =	vst v0  }
0x47: {  	[tilespmem:s25+$0xFFFFFFF0] =	vst v0  }
0x48: {  	[tilespmem:s24+$0x10] =	vst v0  }
0x49: {  	[tilespmem:s26+$0xFFFFFFE0] =	vst v0;
	s26 =	smov.u32 s5  }
0x4a: {  	[tilespmem:s22+$0x30] =	vst v0  }
0x4b: {  	[tilespmem:s24+$0x30] =	vst v0  }
0x4c: {  	[tilespmem:s22+$0xFFFFFFD0] =	vst v0  }
0x4d: {  	[tilespmem:s25+$0xFFFFFFE0] =	vst v0;
	s25 =	smov.u32 s6  }
0x4e: {  	[tilespmem:s23+$0xFFFFFFE0] =	vst v0  }
0x4f: {  	[tilespmem:s24+$0xFFFFFFD0] =	vst v0  }
0x50: {  	[tilespmem:s23+$0xFFFFFFF0] =	vst v0;
	s23 =	smov.u32 s0  }
0x51: {  	[tilespmem:s22+$0xFFFFFFE0] =	vst v0  }
0x52: {  	[tilespmem:s24+$0xFFFFFFE0] =	vst v0  }
0x53: {  	[tilespmem:s22+$0xFFFFFFF0] =	vst v0;
	s22 =	smov.u32 s1  }
0x54: {  	[tilespmem:s24+$0xFFFFFFF0] =	vst v0;
	s24 =	smov.u32 s3  }
0x55: {  	[tilespmem:s4+$0xFFFFFFE0] =	vst v0  }
0x56: {  	[tilespmem:s4+$0xFFFFFFF0] =	vst v0  }
0x57: {  	[tilespmem:s4+$0x10] =	vst v0  }
0x58: {  	[tilespmem:s4+$0xFFFFFFD0] =	vst v0  }
0x59: {  	[tilespmem:s4+$0x0] =	vst v0  }
0x5a: {  	[tilespmem:s4+$0x30] =	vst v0  }
0x5b: {  	[tilespmem:s4+$0xFFFFFFC0] =	vst v0  }
0x5c: {  	[tilespmem:s4+$0x20] =	vst v0  }
0x5d: {  	[tilespmem:s28+$0x20] =	vst v0  }
0x5e: {  	[tilespmem:s29+$0x20] =	vst v0  }
0x5f: {  	[tilespmem:s5+$0x20] =	vst v0  }
0x60: {  	[tilespmem:s6+$0x20] =	vst v0  }
0x61: {  	[tilespmem:s0+$0x20] =	vst v0  }
0x62: {  	[tilespmem:s1+$0x20] =	vst v0  }
0x63: {  	[tilespmem:s3+$0x20] =	vst v0  }
0x64: {  	[tilespmem:s28+$0xFFFFFFC0] =	vst v0  }
0x65: {  	[tilespmem:s29+$0xFFFFFFC0] =	vst v0  }
0x66: {  	[tilespmem:s28+$0x30] =	vst v0  }
0x67: {  	[tilespmem:s29+$0x30] =	vst v0  }
0x68: {  	[tilespmem:s5+$0x30] =	vst v0  }
0x69: {  	[tilespmem:s5+$0xFFFFFFC0] =	vst v0  }
0x6a: {  	[tilespmem:s28+$0x0] =	vst v0  }
0x6b: {  	[tilespmem:s28+$0xFFFFFFD0] =	vst v0  }
0x6c: {  	[tilespmem:s6+$0xFFFFFFC0] =	vst v0  }
0x6d: {  	[tilespmem:s28+$0x10] =	vst v0  }
0x6e: {  	[tilespmem:s29+$0x10] =	vst v0  }
0x6f: {  	[tilespmem:s5+$0x10] =	vst v0  }
0x70: {  	[tilespmem:s29+$0xFFFFFFD0] =	vst v0  }
.Ltmp0:
0x71: {  	[tilespmem:s6+$0x30] =	vst v0;
	(pc) =	sbr.rel @p0 .LBB2_2-.Ltmp0, $4  }
0x72: {  	[tilespmem:s29+$0x0] =	vst v0  }
0x73: {  	s21 =	simm.s32 $0x0;
	[tilespmem:s0+$0xFFFFFFC0] =	vst v0  }
0x74: {  	s1 =	sadd.s32 $0x80, s1;
	s3 =	sadd.s32 $0x80, s3;
	s0 =	sadd.s32 $0x80, s0;
	[tilespmem:s22+$0xFFFFFFC0] =	vst v0  }
0x75: {  	s4 =	sadd.s32 $0x80, s4;
	s5 =	sadd.s32 $0x80, s5;
	s6 =	sadd.s32 $0x80, s6;
	[tilespmem:s24+$0xFFFFFFC0] =	vst v0  }
0x76: {  	[tilespmem:s26+$0x0] =	vst v0  }
0x77: {  	[tilespmem:s19+$0xFFFFFFE0] =	vst v0  }
0x78: {  	[tilespmem:s25+$0x10] =	vst v0  }
0x79: {  	[tilespmem:s26+$0xFFFFFFD0] =	vst v0  }
0x7a: {  	[tilespmem:s19+$0xFFFFFFF0] =	vst v0  }
0x7b: {  	[tilespmem:s23+$0x30] =	vst v0  }
0x7c: {  	[tilespmem:s23+$0x10] =	vst v0  }
0x7d: {  	[tilespmem:s25+$0x0] =	vst v0  }
0x7e: {  	[tilespmem:s30+$0xFFFFFFE0] =	vst v0  }
0x7f: {  	[tilespmem:s25+$0xFFFFFFD0] =	vst v0  }
0x80: {  	[tilespmem:s30+$0xFFFFFFF0] =	vst v0  }
0x81: {  	[tilespmem:s22+$0x30] =	vst v0  }
0x82: {  	[tilespmem:s23+$0x0] =	vst v0  }
0x83: {  	[tilespmem:s22+$0x10] =	vst v0  }
0x84: {  	[tilespmem:s23+$0xFFFFFFD0] =	vst v0  }
0x85: {  	[tilespmem:s26+$0xFFFFFFF0] =	vst v0  }
0x86: {  	[tilespmem:s26+$0xFFFFFFE0] =	vst v0  }
0x87: {  	[tilespmem:s24+$0x30] =	vst v0  }
0x88: {  	[tilespmem:s22+$0x0] =	vst v0  }
0x89: {  	[tilespmem:s25+$0xFFFFFFF0] =	vst v0  }
0x8a: {  	[tilespmem:s24+$0x10] =	vst v0  }
0x8b: {  	[tilespmem:s22+$0xFFFFFFD0] =	vst v0  }
0x8c: {  	[tilespmem:s25+$0xFFFFFFE0] =	vst v0  }
0x8d: {  	[tilespmem:s24+$0x0] =	vst v0  }
0x8e: {  	[tilespmem:s23+$0xFFFFFFE0] =	vst v0  }
0x8f: {  	[tilespmem:s24+$0xFFFFFFD0] =	vst v0  }
0x90: {  	[tilespmem:s23+$0xFFFFFFF0] =	vst v0  }
0x91: {  	[tilespmem:s22+$0xFFFFFFE0] =	vst v0  }
0x92: {  	[tilespmem:s22+$0xFFFFFFF0] =	vst v0  }
0x93: {  	[tilespmem:s24+$0xFFFFFFE0] =	vst v0  }
0x94: {  	s22 =	simm.s32 $0x0;
	[tilespmem:s24+$0xFFFFFFF0] =	vst v0  }
0x95: {  	v9 =	vld [tilespmem:s22+$0x0]  }
0x96: {  	v10 =	vld [tilespmem:s22+$0x1000]  }
0x97: {  	v11 =	vld [tilespmem:s22+$0x2000]  }
0x98: {  	v15 =	vld [tilespmem:s22+$0x6000]  }
0x99: {  	v18 =	vld [tilespmem:s22+$0x7000]  }
0x9a: {  	v21 =	vld [tilespmem:s22+$0x2010];
	_ =	sdelay $0x1  }
0x9b: {  	v12 =	vld [tilespmem:s22+$0x3000];
	v17 =	vxor.u32 $0x7FFFFFFF, v9  }
0x9c: {  	v13 =	vld [tilespmem:s22+$0x4000];
	vm0 =	vlt.s32 v9, $0x0;
	v19 =	vxor.u32 $0x7FFFFFFF, v11;
	v20 =	vxor.u32 $0x7FFFFFFF, v10  }
0x9d: {  	vm1 =	vlt.s32 v10, $0x0;
	v23 =	vxor.u32 $0x7FFFFFFF, v15;
	v25 =	vxor.u32 $0x7FFFFFFF, v18  }
0x9e: {  	v14 =	vld [tilespmem:s22+$0x5000];
	v28 =	vxor.u32 $0x7FFFFFFF, v21;
	vm2 =	vlt.s32 v21, $0x0;
	v9 =	vsel vm0, v9, v17  }
0x9f: {  	vm0 =	vlt.s32 v11, $0x0;
	v10 =	vsel vm1, v10, v20;
	vm1 =	vlt.s32 v15, $0x0  }
0xa0: {  	[tilespmem:s22+$0x0] =	vst v9;
	v11 =	vsel vm0, v11, v19;
	v20 =	vand.u32 $0x7FF, v9;
	v22 =	vand.u32 $0x7FF, v10  }
0xa1: {  	v9 =	vxor.u32 $0x7FFFFFFF, v12;
	vm0 =	vlt.s32 v12, $0x0;
	[tilespmem:s22+$0x1000] =	vst v10;
	v10 =	vxor.u32 $0x7FFFFFFF, v13  }
0xa2: {  	v19 =	vld [tilespmem:s22+$0x3010];
	[tilespmem:s22+$0x2000] =	vst v11;
	v9 =	vsel vm0, v12, v9;
	v12 =	vsel vm1, v15, v23;
	v23 =	vand.u32 $0x7FF, v11  }
0xa3: {  	v16 =	vld [tilespmem:s22+$0x6010];
	(xrf1) =	vunique.msk.u32 $0xffff, v20;
	v11 =	vxor.u32 $0x7FFFFFFF, v14;
	vm0 =	vlt.s32 v14, $0x0;
	vm1 =	vlt.s32 v13, $0x0  }
0xa4: {  	v15 =	vld [tilespmem:s22+$0x1010];
	[tilespmem:s22+$0x6000] =	vst v12;
	(xrf1) =	vunique.msk.u32 $0xffff, v22;
	v24 =	vand.u32 $0x7FF, v9;
	v11 =	vsel vm0, v14, v11  }
0xa5: {  	vm0 =	vlt.s32 v18, $0x0;
	v10 =	vsel vm1, v13, v10;
	v27 =	vand.u32 $0x7FF, v12;
	[tilespmem:s22+$0x3000] =	vst v9  }
0xa6: {  	v17 =	vld [tilespmem:s22+$0x5010];
	(xrf1) =	vunique.msk.u32 $0xffff, v23;
	[tilespmem:s22+$0x5000] =	vst v11;
	v13 =	vsel vm0, v18, v25;
	v25 =	vand.u32 $0x7FF, v10  }
0xa7: {  	[tilespmem:s22+$0x4000] =	vst v10;
	(xrf1) =	vunique.msk.u32 $0xffff, v24;
	v26 =	vxor.u32 $0x7FFFFFFF, v19;
	vm0 =	vlt.s32 v19, $0x0  }
0xa8: {  	v18 =	vld [tilespmem:s22+$0x4010];
	v10 =	vxor.u32 $0x7FFFFFFF, v16;
	[tilespmem:s22+$0x7000] =	vst v13;
	(xrf1) =	vunique.msk.u32 $0xffff, v25;
	v19 =	vsel vm0, v19, v26  }
0xa9: {  	v12 =	vld [tilespmem:s22+$0x7010];
	v26 =	vand.u32 $0x7FF, v11;
	(xrf1) =	vunique.msk.u32 $0xffff, v27;
	v11 =	vxor.u32 $0x7FFFFFFF, v15;
	vm1 =	vlt.s32 v15, $0x0  }
0xaa: {  	v14 =	vld [tilespmem:s22+$0x10];
	vm0 =	vlt.s32 v16, $0x0;
	[tilespmem:s22+$0x3010] =	vst v19;
	(xrf1) =	vunique.msk.u32 $0xffff, v26;
	v9 =	vsel vm1, v15, v11  }
0xab: {  	v11 =	vxor.u32 $0x7FFFFFFF, v17;
	v15 =	vand.u32 $0x7FF, v13;
	v13 =	vsel vm2, v21, v28;
	[tilespmem:s22+$0x1010] =	vst v9  }
0xac: {  	vm1 =	vlt.s32 v17, $0x0;
	v16 =	vsel vm0, v16, v10;
	(xrf1) =	vunique.msk.u32 $0xffff, v15;
	[tilespmem:s22+$0x2010] =	vst v13  }
0xad: {  	vm0 =	vlt.s32 v18, $0x0;
	v10 =	vxor.u32 $0x7FFFFFFF, v18;
	v55 =	vsel vm1, v17, v11;
	[tilespmem:s22+$0x6010] =	vst v16  }
0xae: {  	v17 =	vsel vm0, v18, v10;
	[tilespmem:s22+$0x5010] =	vst v55;
	v10 =	vxor.u32 $0x7FFFFFFF, v12;
	vm0 =	vlt.s32 v12, $0x0  }
0xaf: {  	v11 =	vxor.u32 $0x7FFFFFFF, v14;
	vm1 =	vlt.s32 v14, $0x0;
	[tilespmem:s22+$0x4010] =	vst v17;
	v12 =	vsel vm0, v12, v10  }
0xb0: {  	v10 =	vsel vm1, v14, v11;
	[tilespmem:s22+$0x7010] =	vst v12  }
0xb1: {  	[tilespmem:s22+$0x10] =	vst v10  }
0xb2: {  	v14 =	vld.idx.msk [tilespmem:v24+s13+$0x0], $0xffff;
	_, v21, vm2 =	vpop (xrf1)  }
0xb3: {  	v33 =	vld.idx.msk [tilespmem:v20+s10+$0x0], $0xffff;
	_, v30, vm3 =	vpop (xrf1)  }
0xb4: {  	v11 =	vand.u32 $0x7FF, v10;
	v29 =	vld.idx.msk [tilespmem:v22+s11+$0x0], $0xffff;
	_, v32, vm4 =	vpop (xrf1)  }
0xb5: {  	v10 =	vand.u32 $0x7FF, v9;
	v31 =	vld.idx.msk [tilespmem:v23+s12+$0x0], $0xffff;
	(xrf1) =	vunique.msk.u32 $0xffff, v11;
	_, v34, vm5 =	vpop (xrf1)  }
0xb6: {  	v18 =	vld.idx.msk [tilespmem:v25+s14+$0x0], $0xffff;
	(xrf1) =	vunique.msk.u32 $0xffff, v10;
	_, v36, vm1 =	vpop (xrf1)  }
0xb7: {  	v35 =	vld.idx.msk [tilespmem:v26+s15+$0x0], $0xffff;
	_, v56, vm0 =	vpop (xrf1)  }
0xb8: {  	v9 =	vand.u32 $0x7FF, v12;
	v12 =	vld.idx.msk [tilespmem:v15+s17+$0x0], $0xffff;
	v33 =	vadd.s32 v21, v33;
	_, v58, vm6 =	vpop (xrf1)  }
0xb9: {  	v37 =	vld.idx.msk [tilespmem:v27+s16+$0x0], $0xffff;
	v29 =	vadd.s32 v30, v29;
	[tilespmem:v20+s10+$0x0] =	vst.idx.msk vm2, v33  }
0xba: {  	v13 =	vand.u32 $0x7FF, v13;
	v31 =	vadd.s32 v32, v31;
	v21 =	vshll.u32 v29, $0xF;
	_, v20, vm2 =	vpop (xrf1);
	[tilespmem:v22+s11+$0x0] =	vst.idx.msk vm3, v29  }
0xbb: {  	v16 =	vand.u32 $0x7FF, v16;
	v14 =	vadd.s32 v34, v14;
	v21 =	vadd.s32 s21, v21;
	[tilespmem:v23+s12+$0x0] =	vst.idx.msk vm4, v31  }
0xbc: {  	v60 =	vshll.u32 v31, $0xF;
	v18 =	vadd.s32 v36, v18;
	v59 =	vshll.u32 v14, $0xF;
	[tilespmem:v24+s13+$0x0] =	vst.idx.msk vm5, v14  }
0xbd: {  	v34 =	vadd.s32 v58, v35;
	v20 =	vadd.s32 v20, v12;
	v12 =	vshll.u32 v33, $0xF;
	[tilespmem:v25+s14+$0x0] =	vst.idx.msk vm1, v18  }
0xbe: {  	v22 =	vadd.s32 s21, v12;
	v12 =	vand.u32 $0x7FF, v17;
	v17 =	vadd.s32 v56, v37;
	[tilespmem:v26+s15+$0x0] =	vst.idx.msk vm6, v34  }
0xbf: {  	v61 =	vadd.s32 s21, v60;
	v57 =	vshll.u32 v18, $0xF;
	v63 =	vshll.u32 v20, $0xF;
	[tilespmem:v27+s16+$0x0] =	vst.idx.msk vm0, v17  }
0xc0: {  	v32 =	vadd.s32 s21, v59;
	v14 =	vadd.s32 s21, v63;
	[tilespmem:v15+s17+$0x0] =	vst.idx.msk vm2, v20;
	v20 =	vadd.s32 v3, v61  }
0xc1: {  	(xrf1) =	vunique.msk.u32 $0xffff, v13;
	v38 =	vshll.u32 v34, $0xF;
	v24 =	vadd.s32 v8, v14;
	v14 =	vand.u32 $0x7FF, v19  }
0xc2: {  	v23 =	vadd.s32 s21, v57;
	v62 =	vadd.s32 s21, v38;
	v18 =	vadd.s32 v4, v32;
	(xrf1) =	vunique.msk.u32 $0xffff, v14  }
0xc3: {  	v17 =	vshll.u32 v17, $0xF;
	v15 =	vand.u32 $0x7FF, v55;
	[tilespmem:s22+$0x12000] =	vst v20;
	_, v19, vm0 =	vpop (xrf1);
	(xrf1) =	vunique.msk.u32 $0xffff, v12  }
0xc4: {  	s25 =	simm.s32 $0x0;
	s23 =	simm.s32 $0x0;
	s24 =	simm.s32 $0x80;
	v17 =	vadd.s32 s21, v17;
	[tilespmem:s22+$0x13000] =	vst v18;
	v18 =	vadd.s32 v6, v62;
	_, v20, vm1 =	vpop (xrf1);
	(xrf1) =	vunique.msk.u32 $0xffff, v15  }
.LBB2_4:
0xc5: {  	p0 =	sne.s32 s24, $0x3F80  }
0xc6: {  	[tilespmem:s22+$0x15000] =	vst v18;
	s25 =	sadd.s32 $0x20, s25;
	(xrf1) =	vunique.msk.u32 $0xffff, v16;
	s0 =	smov.u32 s24;
	s24 =	sadd.s32 $0x80, s24  }
0xc7: {  	v18 =	vadd.s32 v2, v21;
	[tilespmem:s22+$0x17000] =	vst v24;
	(xrf1) =	vunique.msk.u32 $0xffff, v9  }
0xc8: {  	[tilespmem:s22+$0x11000] =	vst v18;
	v18 =	vadd.s32 v5, v23  }
0xc9: {  	v17 =	vadd.s32 v7, v17;
	[tilespmem:s22+$0x14000] =	vst v18  }
0xca: {  	v18 =	vadd.s32 v1, v22;
	[tilespmem:s22+$0x16000] =	vst v17  }
0xcb: {  	[tilespmem:s22+$0x10000] =	vst v18  }
0xcc: {  	v17 =	vld.idx.msk [tilespmem:v10+s11+$0x0], $0xffff  }
0xcd: {  	v18 =	vld.idx.msk [tilespmem:v11+s10+$0x0], $0xffff  }
0xce: {  	v21 =	vld.idx.msk [tilespmem:v13+s12+$0x0], $0xffff  }
0xcf: {  	v22 =	vld.idx.msk [tilespmem:v14+s13+$0x0], $0xffff  }
0xd0: {  	v23 =	vld.idx.msk [tilespmem:v12+s14+$0x0], $0xffff;
	_, v24, vm2 =	vpop (xrf1)  }
0xd1: {  	v25 =	vld.idx.msk [tilespmem:v15+s15+$0x0], $0xffff;
	_, v26, vm3 =	vpop (xrf1)  }
0xd2: {  	v27 =	vld.idx.msk [tilespmem:v16+s16+$0x0], $0xffff;
	_, v28, vm4 =	vpop (xrf1)  }
0xd3: {  	v30 =	vadd.s32 v20, v17;
	v18 =	vadd.s32 v19, v18;
	v29 =	vld.idx.msk [tilespmem:v9+s17+$0x0], $0xffff;
	_, v19, vm5 =	vpop (xrf1)  }
0xd4: {  	s1 =	sadd.s32 $0x10, s23;
	s23 =	smov.u32 s25;
	v20 =	vadd.s32 v24, v21;
	[tilespmem:v11+s10+$0x0] =	vst.idx.msk vm0, v18;
	v11 =	vshll.u32 v18, $0xF;
	v18 =	vshll.u32 v30, $0xF;
	_, v21, vm0 =	vpop (xrf1)  }
0xd5: {  	v22 =	vadd.s32 v26, v22;
	[tilespmem:v10+s11+$0x0] =	vst.idx.msk vm1, v30;
	v10 =	vadd.s32 s1, v11;
	v11 =	vshll.u32 v20, $0xF;
	_, v17, vm1 =	vpop (xrf1)  }
0xd6: {  	v23 =	vadd.s32 v28, v23;
	[tilespmem:v13+s12+$0x0] =	vst.idx.msk vm2, v20;
	v13 =	vadd.s32 s1, v18;
	v11 =	vadd.s32 s1, v11  }
0xd7: {  	v18 =	vadd.s32 v19, v25;
	v19 =	vshll.u32 v23, $0xF;
	[tilespmem:v14+s13+$0x0] =	vst.idx.msk vm3, v22;
	v14 =	vshll.u32 v22, $0xF  }
0xd8: {  	[tilespmem:v12+s14+$0x0] =	vst.idx.msk vm4, v23;
	v12 =	vadd.s32 s1, v14;
	v14 =	vadd.s32 s1, v19;
	v19 =	vshll.u32 v18, $0xF  }
0xd9: {  	v20 =	vadd.s32 v21, v27;
	[tilespmem:v15+s15+$0x0] =	vst.idx.msk vm5, v18;
	v15 =	vadd.s32 s1, v19  }
0xda: {  	v17 =	vadd.s32 v17, v29;
	[tilespmem:v16+s16+$0x0] =	vst.idx.msk vm0, v20;
	v16 =	vshll.u32 v20, $0xF  }
0xdb: {  	s0 =	sshra.s32 s0, $0x2;
	[tilespmem:v9+s17+$0x0] =	vst.idx.msk vm1, v17;
	v9 =	vadd.s32 v1, v10;
	v10 =	vadd.s32 s1, v16;
	v16 =	vshll.u32 v17, $0xF  }
0xdc: {  	v17 =	vld [tilespmem:s0+$0x0];
	[tilespmem:s22+$0x10010] =	vst v9;
	v9 =	vadd.s32 v3, v11;
	v10 =	vadd.s32 v7, v10  }
0xdd: {  	v11 =	vld [tilespmem:s0+$0x1000];
	[tilespmem:s22+$0x12010] =	vst v9;
	v9 =	vadd.s32 v5, v14  }
0xde: {  	v13 =	vadd.s32 v2, v13;
	v14 =	vld [tilespmem:s0+$0x2000];
	[tilespmem:s22+$0x14010] =	vst v9  }
0xdf: {  	[tilespmem:s22+$0x11010] =	vst v13  }
0xe0: {  	v12 =	vadd.s32 v4, v12;
	v13 =	vadd.s32 v6, v15;
	v9 =	vld [tilespmem:s0+$0x3000];
	[tilespmem:s22+$0x16010] =	vst v10;
	v10 =	vadd.s32 s1, v16  }
0xe1: {  	v15 =	vxor.u32 $0x7FFFFFFF, v17;
	vm0 =	vlt.s32 v17, $0x0;
	v16 =	vld [tilespmem:s0+$0x4000];
	[tilespmem:s22+$0x13010] =	vst v12;
	v10 =	vadd.s32 v8, v10  }
0xe2: {  	v17 =	vsel vm0, v17, v15;
	v12 =	vxor.u32 $0x7FFFFFFF, v11;
	vm0 =	vlt.s32 v11, $0x0;
	[tilespmem:s22+$0x17010] =	vst v10  }
0xe3: {  	v10 =	vsel vm0, v11, v12;
	v11 =	vxor.u32 $0x7FFFFFFF, v14;
	v18 =	vld [tilespmem:s0+$0x5000];
	v12 =	vand.u32 $0x7FF, v17;
	[tilespmem:s22+$0x15010] =	vst v13;
	s22 =	smov.u32 s0  }
0xe4: {  	vm0 =	vlt.s32 v14, $0x0;
	v19 =	vld [tilespmem:s22+$0x6000];
	v13 =	vand.u32 $0x7FF, v10;
	(xrf1) =	vunique.msk.u32 $0xffff, v12  }
0xe5: {  	v11 =	vsel vm0, v14, v11;
	v14 =	vxor.u32 $0x7FFFFFFF, v9;
	vm0 =	vlt.s32 v9, $0x0;
	(xrf1) =	vunique.msk.u32 $0xffff, v13  }
0xe6: {  	v15 =	vand.u32 $0x7FF, v11;
	v9 =	vsel vm0, v9, v14;
	v20 =	vxor.u32 $0x7FFFFFFF, v16  }
0xe7: {  	vm0 =	vlt.s32 v16, $0x0;
	v14 =	vand.u32 $0x7FF, v9;
	v21 =	vld [tilespmem:s22+$0x6010];
	(xrf1) =	vunique.msk.u32 $0xffff, v15  }
0xe8: {  	v20 =	vsel vm0, v16, v20;
	v22 =	vxor.u32 $0x7FFFFFFF, v18;
	vm0 =	vlt.s32 v18, $0x0;
	v23 =	vld [tilespmem:s22+$0x7000];
	(xrf1) =	vunique.msk.u32 $0xffff, v14  }
0xe9: {  	v16 =	vand.u32 $0x7FF, v20;
	v24 =	vxor.u32 $0x7FFFFFFF, v19;
	vm1 =	vlt.s32 v19, $0x0;
	v25 =	vld [tilespmem:s22+$0x5010]  }
0xea: {  	v22 =	vsel vm0, v18, v22;
	[tilespmem:s22+$0x0] =	vst v17;
	v19 =	vsel vm1, v19, v24;
	v24 =	vld [tilespmem:s22+$0x3010];
	(xrf1) =	vunique.msk.u32 $0xffff, v16  }
0xeb: {  	v18 =	vand.u32 $0x7FF, v22;
	[tilespmem:s22+$0x2000] =	vst v11;
	v17 =	vand.u32 $0x7FF, v19;
	v11 =	vld [tilespmem:s22+$0x2010]  }
0xec: {  	[tilespmem:s22+$0x1000] =	vst v10;
	v10 =	vld [tilespmem:s22+$0x1010];
	v26 =	vxor.u32 $0x7FFFFFFF, v21;
	vm2 =	vlt.s32 v21, $0x0;
	(xrf1) =	vunique.msk.u32 $0xffff, v17  }
0xed: {  	[tilespmem:s22+$0x6000] =	vst v19;
	v19 =	vxor.u32 $0x7FFFFFFF, v23;
	vm0 =	vlt.s32 v23, $0x0;
	v27 =	vld [tilespmem:s22+$0x10];
	(xrf1) =	vunique.msk.u32 $0xffff, v18  }
0xee: {  	[tilespmem:s22+$0x5000] =	vst v22;
	v19 =	vsel vm0, v23, v19;
	v22 =	vld [tilespmem:s22+$0x4010];
	v23 =	vxor.u32 $0x7FFFFFFF, v25;
	vm3 =	vlt.s32 v25, $0x0  }
0xef: {  	[tilespmem:s22+$0x7000] =	vst v19;
	v28 =	vand.u32 $0x7FF, v19;
	v32 =	vxor.u32 $0x7FFFFFFF, v24;
	vm0 =	vlt.s32 v24, $0x0  }
0xf0: {  	[tilespmem:s22+$0x4000] =	vst v20;
	v31 =	vxor.u32 $0x7FFFFFFF, v11;
	v29 =	vsel vm0, v24, v32;
	(xrf1) =	vunique.msk.u32 $0xffff, v28  }
0xf1: {  	vm1 =	vlt.s32 v11, $0x0;
	v30 =	vxor.u32 $0x7FFFFFFF, v10;
	vm0 =	vlt.s32 v10, $0x0;
	[tilespmem:s22+$0x3010] =	vst v29;
	v24 =	vld [tilespmem:s22+$0x7010]  }
0xf2: {  	[tilespmem:s22+$0x3000] =	vst v9;
	v9 =	vxor.u32 $0x7FFFFFFF, v27;
	vm4 =	vlt.s32 v27, $0x0;
	v10 =	vsel vm0, v10, v30;
	_, v19, vm0 =	vpop (xrf1)  }
0xf3: {  	v30 =	vsel vm1, v11, v31;
	v27 =	vsel vm4, v27, v9;
	[tilespmem:s22+$0x1010] =	vst v10;
	vm4 =	vlt.s32 v22, $0x0;
	_, v20, vm1 =	vpop (xrf1)  }
0xf4: {  	v26 =	vsel vm2, v21, v26;
	v25 =	vsel vm3, v25, v23;
	v9 =	vxor.u32 $0x7FFFFFFF, v22;
	[tilespmem:s22+$0x2010] =	vst v30  }
0xf5: {  	v31 =	vsel vm4, v22, v9;
	[tilespmem:s22+$0x6010] =	vst v26;
	_, v21, vm3 =	vpop (xrf1)  }
0xf6: {  	[tilespmem:s22+$0x5010] =	vst v25;
	v9 =	vxor.u32 $0x7FFFFFFF, v24;
	vm2 =	vlt.s32 v24, $0x0;
	_, v22, vm4 =	vpop (xrf1)  }
0xf7: {  	[tilespmem:s22+$0x4010] =	vst v31;
	v9 =	vsel vm2, v24, v9  }
0xf8: {  	[tilespmem:s22+$0x7010] =	vst v9;
	v9 =	vand.u32 $0x7FF, v9;
	_, v23, vm5 =	vpop (xrf1)  }
0xf9: {  	[tilespmem:s22+$0x10] =	vst v27  }
0xfa: {  	v11 =	vand.u32 $0x7FF, v27;
	v24 =	vld.idx.msk [tilespmem:v18+s15+$0x0], $0xffff;
	_, v27, vm2 =	vpop (xrf1)  }
0xfb: {  	v10 =	vand.u32 $0x7FF, v10;
	v32 =	vld.idx.msk [tilespmem:v14+s13+$0x0], $0xffff;
	_, v33, vm6 =	vpop (xrf1);
	(xrf1) =	vunique.msk.u32 $0xffff, v11  }
0xfc: {  	v34 =	vld.idx.msk [tilespmem:v16+s14+$0x0], $0xffff;
	(xrf1) =	vunique.msk.u32 $0xffff, v10  }
0xfd: {  	v35 =	vld.idx.msk [tilespmem:v13+s11+$0x0], $0xffff  }
0xfe: {  	v36 =	vld.idx.msk [tilespmem:v15+s12+$0x0], $0xffff;
	_, v37, vm7 =	vpop (xrf1)  }
0xff: {  	v38 =	vld.idx.msk [tilespmem:v12+s10+$0x0], $0xffff  }
0x100: {  	v39 =	vld.idx.msk [tilespmem:v28+s17+$0x0], $0xffff;
	_ =	sdelay $0x1  }
0x101: {  	v34 =	vadd.s32 v23, v34  }
0x102: {  	v22 =	vadd.s32 v22, v32;
	v20 =	vadd.s32 v20, v35;
	v23 =	vshll.u32 v34, $0xF  }
0x103: {  	v35 =	vshll.u32 v22, $0xF;
	v32 =	vadd.s32 v21, v36;
	v21 =	vshll.u32 v20, $0xF  }
0x104: {  	v33 =	vadd.s32 v33, v24;
	v35 =	vadd.s32 s25, v35;
	v19 =	vadd.s32 v19, v38;
	v36 =	vld.idx.msk [tilespmem:v17+s16+$0x0], $0xffff  }
0x105: {  	v24 =	vshll.u32 v33, $0xF;
	v21 =	vadd.s32 s25, v21;
	[tilespmem:v12+s10+$0x0] =	vst.idx.msk vm0, v19;
	v12 =	vshll.u32 v32, $0xF  }
0x106: {  	v37 =	vadd.s32 v37, v39;
	v39 =	vadd.s32 s25, v24;
	[tilespmem:v13+s11+$0x0] =	vst.idx.msk vm1, v20;
	v38 =	vadd.s32 s25, v12  }
0x107: {  	v23 =	vadd.s32 s25, v23;
	v12 =	vshll.u32 v19, $0xF;
	v13 =	vshll.u32 v37, $0xF;
	[tilespmem:v15+s12+$0x0] =	vst.idx.msk vm3, v32  }
0x108: {  	v13 =	vadd.s32 s25, v13;
	[tilespmem:v14+s13+$0x0] =	vst.idx.msk vm4, v22;
	v22 =	vadd.s32 s25, v12;
	_, v19, vm0 =	vpop (xrf1)  }
0x109: {  	v12 =	vand.u32 $0x7FF, v31;
	v24 =	vadd.s32 v8, v13;
	[tilespmem:v16+s14+$0x0] =	vst.idx.msk vm5, v34;
	_, v20, vm1 =	vpop (xrf1)  }
.Ltmp1:
0x10a: {  	v13 =	vand.u32 $0x7FF, v30;
	v15 =	vadd.s32 v27, v36;
	[tilespmem:v18+s15+$0x0] =	vst.idx.msk vm6, v33;
	v18 =	vadd.s32 v4, v35;
	(pc) =	sbr.rel @p0 .LBB2_4-.Ltmp1, $4  }
0x10b: {  	v14 =	vand.u32 $0x7FF, v29;
	[tilespmem:v17+s16+$0x0] =	vst.idx.msk vm2, v15;
	v15 =	vshll.u32 v15, $0xF;
	(xrf1) =	vunique.msk.u32 $0xffff, v13  }
0x10c: {  	v16 =	vadd.s32 v3, v38;
	[tilespmem:v28+s17+$0x0] =	vst.idx.msk vm7, v37;
	v17 =	vadd.s32 s25, v15;
	(xrf1) =	vunique.msk.u32 $0xffff, v14  }
0x10d: {  	v15 =	vand.u32 $0x7FF, v25;
	[tilespmem:s22+$0x12000] =	vst v16;
	(xrf1) =	vunique.msk.u32 $0xffff, v12  }
0x10e: {  	v16 =	vand.u32 $0x7FF, v26;
	[tilespmem:s22+$0x13000] =	vst v18;
	v18 =	vadd.s32 v6, v39;
	(xrf1) =	vunique.msk.u32 $0xffff, v15  }
0x10f: {  	(xrf1) =	vunique.msk.u32 $0xffff, v16  }
0x110: {  	[tilespmem:s22+$0x15000] =	vst v18;
	(xrf1) =	vunique.msk.u32 $0xffff, v9  }
0x111: {  	v18 =	vadd.s32 v2, v21;
	[tilespmem:s22+$0x17000] =	vst v24  }
0x112: {  	v17 =	vadd.s32 v7, v17;
	[tilespmem:s22+$0x11000] =	vst v18  }
0x113: {  	v18 =	vadd.s32 v5, v23;
	[tilespmem:s22+$0x16000] =	vst v17  }
0x114: {  	[tilespmem:s22+$0x14000] =	vst v18;
	v18 =	vadd.s32 v1, v22  }
0x115: {  	[tilespmem:s22+$0x10000] =	vst v18  }
0x116: {  	v17 =	vld.idx.msk [tilespmem:v10+s11+$0x0], $0xffff  }
0x117: {  	v18 =	vld.idx.msk [tilespmem:v11+s10+$0x0], $0xffff  }
0x118: {  	v58 =	vld.idx.msk [tilespmem:v13+s12+$0x0], $0xffff  }
0x119: {  	v59 =	vld.idx.msk [tilespmem:v14+s13+$0x0], $0xffff;
	_, v61, vm2 =	vpop (xrf1)  }
0x11a: {  	v60 =	vld.idx.msk [tilespmem:v12+s14+$0x0], $0xffff;
	_, v26, vm3 =	vpop (xrf1)  }
0x11b: {  	v25 =	vld.idx.msk [tilespmem:v15+s15+$0x0], $0xffff;
	_, v28, vm4 =	vpop (xrf1)  }
0x11c: {  	v27 =	vld.idx.msk [tilespmem:v16+s16+$0x0], $0xffff;
	v18 =	vadd.s32 v19, v18;
	_, v19, vm5 =	vpop (xrf1)  }
0x11d: {  	v29 =	vld.idx.msk [tilespmem:v9+s17+$0x0], $0xffff;
	v17 =	vadd.s32 v20, v17;
	[tilespmem:v11+s10+$0x0] =	vst.idx.msk vm0, v18;
	_, v11, vm0 =	vpop (xrf1)  }
0x11e: {  	v62 =	vadd.s32 v61, v58;
	[tilespmem:v10+s11+$0x0] =	vst.idx.msk vm1, v17;
	_, v10, vm1 =	vpop (xrf1)  }
0x11f: {  	v63 =	vadd.s32 v26, v59;
	[tilespmem:v13+s12+$0x0] =	vst.idx.msk vm2, v62  }
0x120: {  	v13 =	vadd.s32 v28, v60;
	[tilespmem:v14+s13+$0x0] =	vst.idx.msk vm3, v63  }
0x121: {  	v14 =	vadd.s32 v19, v25;
	[tilespmem:v12+s14+$0x0] =	vst.idx.msk vm4, v13  }
0x122: {  	s0 =	sadd.s32 $0x10, s23;
	v11 =	vadd.s32 v11, v27;
	v12 =	vshll.u32 v18, $0xF;
	[tilespmem:v15+s15+$0x0] =	vst.idx.msk vm5, v14  }
0x123: {  	v10 =	vadd.s32 v10, v29;
	v12 =	vadd.s32 s0, v12;
	v15 =	vshll.u32 v62, $0xF;
	[tilespmem:v16+s16+$0x0] =	vst.idx.msk vm0, v11  }
0x124: {  	v15 =	vadd.s32 s0, v15;
	v11 =	vshll.u32 v11, $0xF;
	[tilespmem:v9+s17+$0x0] =	vst.idx.msk vm1, v10;
	v9 =	vadd.s32 v1, v12  }
0x125: {  	v13 =	vshll.u32 v13, $0xF;
	v11 =	vadd.s32 s0, v11;
	[tilespmem:s22+$0x10010] =	vst v9;
	v9 =	vadd.s32 v3, v15  }
0x126: {  	v13 =	vadd.s32 s0, v13;
	v12 =	vshll.u32 v17, $0xF;
	v11 =	vadd.s32 v7, v11;
	[tilespmem:s22+$0x12010] =	vst v9  }
0x127: {  	v12 =	vadd.s32 s0, v12;
	v9 =	vadd.s32 v5, v13;
	v13 =	vshll.u32 v63, $0xF;
	[tilespmem:s22+$0x16010] =	vst v11  }
0x128: {  	v10 =	vshll.u32 v10, $0xF;
	v12 =	vadd.s32 v2, v12;
	[tilespmem:s22+$0x14010] =	vst v9;
	v9 =	vadd.s32 s0, v13  }
0x129: {  	v10 =	vadd.s32 s0, v10;
	[tilespmem:s22+$0x11010] =	vst v12;
	v12 =	vshll.u32 v14, $0xF;
	v9 =	vadd.s32 v4, v9  }
0x12a: {  	v11 =	vadd.s32 s0, v12;
	[tilespmem:s22+$0x13010] =	vst v9;
	v9 =	vadd.s32 v8, v10  }
0x12b: {  	v10 =	vadd.s32 v6, v11;
	[tilespmem:s22+$0x17010] =	vst v9  }
0x12c: {  	s1 =	simm.s32 $0x0;
	[tilespmem:s22+$0x15010] =	vst v10  }
0x12d: {  	v9 =	vld [tilespmem:s1+$0x18000]  }
0x12e: {  	v10 =	vld [tilespmem:s1+$0x18800]  }
0x12f: {  	v11 =	vld [tilespmem:s1+$0x19000]  }
0x130: {  	v12 =	vld [tilespmem:s1+$0x19800]  }
0x131: {  	v13 =	vld [tilespmem:s1+$0x1A000]  }
0x132: {  	v14 =	vld [tilespmem:s1+$0x1A800]  }
0x133: {  	v16 =	vld [tilespmem:s1+$0x1B000];
	v15 =	vadd.s32 v9, v10  }
0x134: {  	v17 =	vld [tilespmem:s1+$0x1B800];
	v15 =	vadd.s32 v11, v15  }
0x135: {  	v15 =	vadd.s32 v12, v15  }
0x136: {  	v15 =	vadd.s32 v13, v15  }
0x137: {  	v15 =	vadd.s32 v14, v15  }
0x138: {  	v15 =	vadd.s32 v16, v15  }
0x139: {  	v15 =	vadd.s32 v17, v15  }
0x13a: {  	(xrf0) =	vadd.scan.msk.s32 $0xffff, v15;
	_ =	sdelay $0x5  }
0x13b: {  	v17, _, _ =	vpop (xrf0)  }
0x13c: {  	v15 =	vsub.s32 v17, v15  }
0x13d: {  	(v2sf) =	vpush v17, $0xF;
	v15 =	vadd.s32 s21, v15  }
0x13e: {  	s0 =	simm.s32 $0x10;
	[tilespmem:s1+$0x18000] =	vst v15;
	v15 =	vadd.s32 v9, v15  }
0x13f: {  	v9 =	vld [tilespmem:s0+$0x18000];
	[tilespmem:s1+$0x18800] =	vst v15;
	v15 =	vadd.s32 v10, v15  }
0x140: {  	v10 =	vld [tilespmem:s0+$0x18800];
	[tilespmem:s1+$0x19000] =	vst v15;
	v15 =	vadd.s32 v11, v15  }
0x141: {  	v11 =	vld [tilespmem:s0+$0x19000];
	[tilespmem:s1+$0x19800] =	vst v15;
	v15 =	vadd.s32 v12, v15  }
0x142: {  	v12 =	vld [tilespmem:s0+$0x19800];
	[tilespmem:s1+$0x1A000] =	vst v15;
	v15 =	vadd.s32 v13, v15  }
0x143: {  	v13 =	vld [tilespmem:s0+$0x1A000];
	[tilespmem:s1+$0x1A800] =	vst v15;
	v18 =	vadd.s32 v14, v15  }
0x144: {  	v14 =	vld [tilespmem:s0+$0x1A800];
	[tilespmem:s1+$0x1B000] =	vst v18  }
0x145: {  	v16 =	vadd.s32 v16, v18;
	v15 =	vld [tilespmem:s0+$0x1B000];
	v19 =	vadd.s32 v9, v10  }
0x146: {  	[tilespmem:s1+$0x1B800] =	vst v16;
	v19 =	vadd.s32 v11, v19  }
0x147: {  	v16 =	vld [tilespmem:s0+$0x1B800];
	v19 =	vadd.s32 v12, v19  }
0x148: {  	v18 =	vadd.s32 v13, v19  }
0x149: {  	v18 =	vadd.s32 v14, v18  }
0x14a: {  	s1 =	simm.s32 $0x80;
	v17 =	vadd.s32 v15, v18  }
.LBB2_6:
0x14b: {  	p0 =	sne.s32 s1, $0x1FC0  }
0x14c: {  	v16 =	vadd.s32 v16, v17;
	s3 =	spop (v2sf);
	s4 =	smov.u32 s1;
	s1 =	sadd.s32 $0x40, s1  }
0x14d: {  	(xrf0) =	vadd.scan.msk.s32 $0xffff, v16;
	s21 =	sadd.s32 s21, s3;
	_ =	sdelay $0x5  }
0x14e: {  	v17, _, _ =	vpop (xrf0)  }
0x14f: {  	v16 =	vsub.s32 v17, v16;
	(v2sf) =	vpush v17, $0xF  }
0x150: {  	v16 =	vadd.s32 s21, v16  }
0x151: {  	s3 =	sshra.s32 s4, $0x2;
	[tilespmem:s0+$0x18000] =	vst v16;
	v16 =	vadd.s32 v9, v16  }
0x152: {  	v9 =	vld [tilespmem:s3+$0x18000];
	[tilespmem:s0+$0x18800] =	vst v16;
	v16 =	vadd.s32 v10, v16  }
0x153: {  	v10 =	vld [tilespmem:s3+$0x18800];
	[tilespmem:s0+$0x19000] =	vst v16;
	v16 =	vadd.s32 v11, v16  }
0x154: {  	v11 =	vld [tilespmem:s3+$0x19000];
	[tilespmem:s0+$0x19800] =	vst v16;
	v16 =	vadd.s32 v12, v16  }
0x155: {  	v12 =	vld [tilespmem:s3+$0x19800];
	[tilespmem:s0+$0x1A000] =	vst v16;
	v16 =	vadd.s32 v13, v16  }
0x156: {  	v13 =	vld [tilespmem:s3+$0x1A000];
	[tilespmem:s0+$0x1A800] =	vst v16;
	v16 =	vadd.s32 v14, v16  }
0x157: {  	v14 =	vld [tilespmem:s3+$0x1A800];
	[tilespmem:s0+$0x1B000] =	vst v16;
	v16 =	vadd.s32 v15, v16  }
0x158: {  	v15 =	vld [tilespmem:s3+$0x1B000];
	v17 =	vadd.s32 v9, v10;
	[tilespmem:s0+$0x1B800] =	vst v16;
	s0 =	smov.u32 s3  }
.Ltmp2:
0x159: {  	v16 =	vld [tilespmem:s0+$0x1B800];
	v17 =	vadd.s32 v11, v17;
	(pc) =	sbr.rel @p0 .LBB2_6-.Ltmp2, $4  }
0x15a: {  	v17 =	vadd.s32 v12, v17  }
0x15b: {  	v17 =	vadd.s32 v13, v17  }
0x15c: {  	v17 =	vadd.s32 v14, v17  }
0x15d: {  	v17 =	vadd.s32 v15, v17  }
0x15e: {  	v16 =	vadd.s32 v16, v17  }
0x15f: {  	(xrf0) =	vadd.scan.msk.s32 $0xffff, v16;
	_ =	sdelay $0x5  }
0x160: {  	s1 =	spop (v2sf);
	v33, _, _ =	vpop (xrf0)  }
0x161: {  	s1 =	sadd.s32 s21, s1;
	v16 =	vsub.s32 v33, v16  }
0x162: {  	v16 =	vadd.s32 s1, v16  }
0x163: {  	[tilespmem:s0+$0x18000] =	vst v16;
	v9 =	vadd.s32 v9, v16  }
0x164: {  	[tilespmem:s0+$0x18800] =	vst v9;
	v9 =	vadd.s32 v10, v9  }
0x165: {  	[tilespmem:s0+$0x19000] =	vst v9;
	v9 =	vadd.s32 v11, v9  }
0x166: {  	[tilespmem:s0+$0x19800] =	vst v9;
	v9 =	vadd.s32 v12, v9  }
0x167: {  	[tilespmem:s0+$0x1A000] =	vst v9;
	v9 =	vadd.s32 v13, v9  }
0x168: {  	[tilespmem:s0+$0x1A800] =	vst v9;
	v9 =	vadd.s32 v14, v9  }
0x169: {  	[tilespmem:s0+$0x1B000] =	vst v9;
	v9 =	vadd.s32 v15, v9  }
0x16a: {  	s29 =	simm.s32 $0x17010;
	[tilespmem:s0+$0x1B800] =	vst v9  }
0x16b: {  	v38 =	vld [tilespmem:s29+$0xFFFF8FF0]  }
0x16c: {  	v16 =	vld [tilespmem:s29+$0xFFFF9000]  }
0x16d: {  	v15 =	vld [tilespmem:s29+$0xFFFFA000]  }
0x16e: {  	v14 =	vld [tilespmem:s29+$0xFFFFB000]  }
0x16f: {  	v13 =	vld [tilespmem:s29+$0xFFFFC000]  }
0x170: {  	v12 =	vld [tilespmem:s29+$0xFFFFD000]  }
0x171: {  	v11 =	vld [tilespmem:s29+$0xFFFFE000]  }
0x172: {  	s21 =	simm.s32 $0x0;
	v10 =	vld [tilespmem:s29+$0xFFFFF000]  }
0x173: {  	s30 =	sand.u32 $0xFE0, s21;
	v9 =	vld [tilespmem:s29+$0x0]  }
0x174: {  	v39 =	vld [tilespmem:s30+$0x11000]  }
0x175: {  	v40 =	vld [tilespmem:s30+$0x12000]  }
0x176: {  	v44 =	vld [tilespmem:s30+$0x13000];
	v47 =	vand.u32 $0x7FFF, v38  }
0x177: {  	v46 =	vld [tilespmem:s30+$0x14000];
	v24 =	vand.u32 $0x7FFF, v16  }
0x178: {  	v49 =	vld [tilespmem:s30+$0x15000];
	v21 =	vand.u32 $0x7FFF, v15  }
0x179: {  	v50 =	vld [tilespmem:s30+$0x16000];
	v22 =	vand.u32 $0x7FFF, v14  }
0x17a: {  	v25 =	vld [tilespmem:s30+$0x17000];
	v23 =	vand.u32 $0x7FFF, v13  }
0x17b: {  	v17 =	vand.u32 $0x7FFF, v12;
	v34 =	vld.idx.msk [tilespmem:v47+s2+$0x0], $0xffff  }
0x17c: {  	v18 =	vand.u32 $0x7FFF, v11;
	v35 =	vld.idx.msk [tilespmem:v24+s2+$0x0], $0xffff  }
0x17d: {  	v19 =	vand.u32 $0x7FFF, v10;
	v36 =	vld.idx.msk [tilespmem:v21+s2+$0x0], $0xffff  }
0x17e: {  	v20 =	vand.u32 $0x7FFF, v9;
	v37 =	vld.idx.msk [tilespmem:v22+s2+$0x0], $0xffff  }
0x17f: {  	v32 =	vand.u32 $0x7FFF, v39;
	v41 =	vld.idx.msk [tilespmem:v23+s2+$0x0], $0xffff  }
0x180: {  	v31 =	vand.u32 $0x7FFF, v40;
	v42 =	vld.idx.msk [tilespmem:v17+s2+$0x0], $0xffff  }
0x181: {  	v30 =	vand.u32 $0x7FFF, v44;
	v43 =	vld.idx.msk [tilespmem:v18+s2+$0x0], $0xffff  }
0x182: {  	v29 =	vand.u32 $0x7FFF, v46;
	v45 =	vld.idx.msk [tilespmem:v19+s2+$0x0], $0xffff  }
0x183: {  	v28 =	vand.u32 $0x7FFF, v49;
	v48 =	vld.idx.msk [tilespmem:v20+s2+$0x0], $0xffff  }
0x184: {  	v27 =	vand.u32 $0x7FFF, v50;
	v51 =	vld.idx.msk [tilespmem:v32+s2+$0x0], $0xffff  }
0x185: {  	v26 =	vand.u32 $0x7FFF, v25;
	v52 =	vld.idx.msk [tilespmem:v31+s2+$0x0], $0xffff  }
0x186: {  	v53 =	vld.idx.msk [tilespmem:v30+s2+$0x0], $0xffff;
	v34 =	vand.u32 $0x7FF, v34  }
0x187: {  	v54 =	vld.idx.msk [tilespmem:v29+s2+$0x0], $0xffff;
	v35 =	vand.u32 $0x7FF, v35  }
0x188: {  	v55 =	vld.idx.msk [tilespmem:v28+s2+$0x0], $0xffff;
	v36 =	vand.u32 $0x7FF, v36  }
0x189: {  	v56 =	vld.idx.msk [tilespmem:v27+s2+$0x0], $0xffff;
	v57 =	vand.u32 $0x7FF, v37  }
0x18a: {  	v58 =	vld.idx.msk [tilespmem:v26+s2+$0x0], $0xffff;
	v41 =	vand.u32 $0x7FF, v41  }
0x18b: {  	(v2sf) =	vpush v33, $0xF;
	v51 =	vand.u32 $0x7FF, v51;
	v59 =	vld.idx.msk [tilespmem:v34+s10+$0x0], $0xffff  }
0x18c: {  	v33 =	vand.u32 $0x7FF, v52;
	v37 =	vld.idx.msk [tilespmem:v35+s10+$0x0], $0xffff  }
0x18d: {  	v61 =	vand.u32 $0x7FF, v53;
	v36 =	vld.idx.msk [tilespmem:v36+s11+$0x0], $0xffff  }
0x18e: {  	v62 =	vand.u32 $0x7FF, v54;
	v35 =	vld.idx.msk [tilespmem:v57+s12+$0x0], $0xffff  }
0x18f: {  	v63 =	vand.u32 $0x7FF, v55;
	v34 =	vld.idx.msk [tilespmem:v41+s13+$0x0], $0xffff  }
0x190: {  	v60 =	vand.u32 $0x7FF, v56;
	v51 =	vld.idx.msk [tilespmem:v51+s11+$0x0], $0xffff  }
0x191: {  	v55 =	vand.u32 $0x7FF, v58;
	v33 =	vld.idx.msk [tilespmem:v33+s12+$0x0], $0xffff  }
0x192: {  	v56 =	vand.u32 $0x7FF, v42;
	v52 =	vld.idx.msk [tilespmem:v61+s13+$0x0], $0xffff  }
0x193: {  	v53 =	vld.idx.msk [tilespmem:v62+s14+$0x0], $0xffff;
	v57 =	vand.u32 $0x7FF, v43  }
0x194: {  	v38 =	vshrl.u32 v38, $0xF;
	v58 =	vand.u32 $0x7FF, v45;
	v54 =	vld.idx.msk [tilespmem:v63+s15+$0x0], $0xffff  }
0x195: {  	v42 =	vld.idx.msk [tilespmem:v60+s16+$0x0], $0xffff;
	v60 =	vand.u32 $0x7FF, v48;
	v61 =	vshrl.u32 v39, $0xF;
	v59 =	vadd.s32 v38, v59  }
0x196: {  	v40 =	vshrl.u32 v40, $0xF;
	v43 =	vld.idx.msk [tilespmem:v55+s17+$0x0], $0xffff;
	v48 =	vadd.s32 v61, v51  }
0x197: {  	v44 =	vshrl.u32 v44, $0xF;
	v41 =	vld.idx.msk [tilespmem:v56+s14+$0x0], $0xffff;
	v45 =	vadd.s32 v40, v33  }
0x198: {  	v62 =	vshrl.u32 v46, $0xF;
	v39 =	vld.idx.msk [tilespmem:v57+s15+$0x0], $0xffff;
	v44 =	vadd.s32 v44, v52  }
0x199: {  	v63 =	vshrl.u32 v49, $0xF;
	v38 =	vld.idx.msk [tilespmem:v58+s16+$0x0], $0xffff;
	v46 =	vadd.s32 v62, v53  }
0x19a: {  	s22 =	simm.s32 $0x0;
	s23 =	simm.s32 $0x17030;
	s31 =	spop (v2sf);
	v49 =	vshrl.u32 v50, $0xF;
	v40 =	vld.idx.msk [tilespmem:v60+s17+$0x0], $0xffff;
	[tilespmem:v59+s18+$0x0] =	vst.idx.msk $0xffff, v47;
	v47 =	vadd.s32 v63, v54  }
.LBB2_8:
0x19b: {  	v33 =	vld [tilespmem:s23+$0xFFFF8FF0];
	v25 =	vshrl.u32 v25, $0xF;
	[tilespmem:v48+s18+$0x0] =	vst.idx.msk $0xffff, v32;
	v32 =	vadd.s32 v49, v42  }
0x19c: {  	v42 =	vshrl.u32 v16, $0xF;
	v16 =	vld [tilespmem:s23+$0xFFFF9000];
	[tilespmem:v45+s18+$0x0] =	vst.idx.msk $0xffff, v31;
	v25 =	vadd.s32 v25, v43  }
0x19d: {  	v31 =	vshrl.u32 v15, $0xF;
	v15 =	vld [tilespmem:s23+$0xFFFFA000];
	[tilespmem:v44+s18+$0x0] =	vst.idx.msk $0xffff, v30;
	v30 =	vadd.s32 v42, v37  }
0x19e: {  	v37 =	vshrl.u32 v14, $0xF;
	v14 =	vld [tilespmem:s23+$0xFFFFB000];
	[tilespmem:v46+s18+$0x0] =	vst.idx.msk $0xffff, v29;
	v29 =	vadd.s32 v31, v36  }
0x19f: {  	v31 =	vshrl.u32 v13, $0xF;
	v13 =	vld [tilespmem:s23+$0xFFFFC000];
	[tilespmem:v47+s18+$0x0] =	vst.idx.msk $0xffff, v28;
	v28 =	vadd.s32 v37, v35  }
0x1a0: {  	v35 =	vshrl.u32 v12, $0xF;
	v12 =	vld [tilespmem:s23+$0xFFFFD000];
	[tilespmem:v32+s18+$0x0] =	vst.idx.msk $0xffff, v27;
	v27 =	vadd.s32 v31, v34  }
0x1a1: {  	v31 =	vshrl.u32 v11, $0xF;
	v11 =	vld [tilespmem:s23+$0xFFFFE000];
	[tilespmem:v25+s18+$0x0] =	vst.idx.msk $0xffff, v26;
	v25 =	vadd.s32 v35, v41  }
0x1a2: {  	s21 =	sadd.s32 $0x20, s21;
	v26 =	vshrl.u32 v10, $0xF;
	v10 =	vld [tilespmem:s23+$0xFFFFF000];
	[tilespmem:v30+s18+$0x0] =	vst.idx.msk $0xffff, v24;
	v30 =	vadd.s32 v31, v39  }
0x1a3: {  	s0 =	sand.u32 $0xFE0, s21;
	v24 =	vshrl.u32 v9, $0xF;
	v26 =	vadd.s32 v26, v38;
	v9 =	vld [tilespmem:s23+$0x0];
	[tilespmem:v29+s18+$0x0] =	vst.idx.msk $0xffff, v21  }
0x1a4: {  	v38 =	vld [tilespmem:s0+$0x11000];
	[tilespmem:v28+s18+$0x0] =	vst.idx.msk $0xffff, v22;
	v28 =	vadd.s32 v24, v40  }
0x1a5: {  	v39 =	vld [tilespmem:s0+$0x12000];
	[tilespmem:v27+s18+$0x0] =	vst.idx.msk $0xffff, v23  }
0x1a6: {  	v47 =	vand.u32 $0x7FFF, v33;
	v40 =	vld [tilespmem:s0+$0x13000];
	[tilespmem:v25+s18+$0x0] =	vst.idx.msk $0xffff, v17  }
0x1a7: {  	v24 =	vand.u32 $0x7FFF, v16;
	v44 =	vld [tilespmem:s0+$0x14000];
	[tilespmem:v30+s18+$0x0] =	vst.idx.msk $0xffff, v18  }
0x1a8: {  	v21 =	vand.u32 $0x7FFF, v15;
	v46 =	vld [tilespmem:s0+$0x15000];
	[tilespmem:v26+s18+$0x0] =	vst.idx.msk $0xffff, v19  }
0x1a9: {  	v22 =	vand.u32 $0x7FFF, v14;
	v49 =	vld [tilespmem:s0+$0x16000];
	[tilespmem:v28+s18+$0x0] =	vst.idx.msk $0xffff, v20  }
0x1aa: {  	v23 =	vand.u32 $0x7FFF, v13;
	v25 =	vld [tilespmem:s0+$0x17000]  }
0x1ab: {  	v17 =	vand.u32 $0x7FFF, v12;
	v34 =	vld.idx.msk [tilespmem:v47+s2+$0x0], $0xffff  }
0x1ac: {  	v18 =	vand.u32 $0x7FFF, v11;
	v35 =	vld.idx.msk [tilespmem:v24+s2+$0x0], $0xffff  }
0x1ad: {  	v19 =	vand.u32 $0x7FFF, v10;
	v36 =	vld.idx.msk [tilespmem:v21+s2+$0x0], $0xffff  }
0x1ae: {  	v20 =	vand.u32 $0x7FFF, v9;
	v37 =	vld.idx.msk [tilespmem:v22+s2+$0x0], $0xffff  }
0x1af: {  	v32 =	vand.u32 $0x7FFF, v38;
	v41 =	vld.idx.msk [tilespmem:v23+s2+$0x0], $0xffff  }
0x1b0: {  	v31 =	vand.u32 $0x7FFF, v39;
	v42 =	vld.idx.msk [tilespmem:v17+s2+$0x0], $0xffff  }
0x1b1: {  	v30 =	vand.u32 $0x7FFF, v40;
	v43 =	vld.idx.msk [tilespmem:v18+s2+$0x0], $0xffff  }
0x1b2: {  	v29 =	vand.u32 $0x7FFF, v44;
	v45 =	vld.idx.msk [tilespmem:v19+s2+$0x0], $0xffff  }
0x1b3: {  	v28 =	vand.u32 $0x7FFF, v46;
	v48 =	vld.idx.msk [tilespmem:v20+s2+$0x0], $0xffff  }
0x1b4: {  	v27 =	vand.u32 $0x7FFF, v49;
	v50 =	vld.idx.msk [tilespmem:v32+s2+$0x0], $0xffff  }
0x1b5: {  	v26 =	vand.u32 $0x7FFF, v25;
	v51 =	vld.idx.msk [tilespmem:v31+s2+$0x0], $0xffff  }
0x1b6: {  	v34 =	vand.u32 $0x7FF, v34;
	v52 =	vld.idx.msk [tilespmem:v30+s2+$0x0], $0xffff  }
0x1b7: {  	v35 =	vand.u32 $0x7FF, v35;
	v53 =	vld.idx.msk [tilespmem:v29+s2+$0x0], $0xffff  }
0x1b8: {  	s22 =	sadd.s32 $0x2, s22;
	v36 =	vand.u32 $0x7FF, v36;
	v54 =	vld.idx.msk [tilespmem:v28+s2+$0x0], $0xffff  }
0x1b9: {  	p0 =	slt.u32 s22, $0xFE;
	v56 =	vand.u32 $0x7FF, v37;
	v55 =	vld.idx.msk [tilespmem:v27+s2+$0x0], $0xffff  }
0x1ba: {  	v41 =	vand.u32 $0x7FF, v41;
	v57 =	vld.idx.msk [tilespmem:v26+s2+$0x0], $0xffff  }
0x1bb: {  	v50 =	vand.u32 $0x7FF, v50;
	v58 =	vld.idx.msk [tilespmem:v34+s10+$0x0], $0xffff  }
0x1bc: {  	v51 =	vand.u32 $0x7FF, v51;
	v37 =	vld.idx.msk [tilespmem:v35+s10+$0x0], $0xffff  }
0x1bd: {  	v52 =	vand.u32 $0x7FF, v52;
	v36 =	vld.idx.msk [tilespmem:v36+s11+$0x0], $0xffff  }
0x1be: {  	v53 =	vand.u32 $0x7FF, v53;
	v35 =	vld.idx.msk [tilespmem:v56+s12+$0x0], $0xffff  }
0x1bf: {  	v54 =	vand.u32 $0x7FF, v54;
	v34 =	vld.idx.msk [tilespmem:v41+s13+$0x0], $0xffff  }
0x1c0: {  	v41 =	vld.idx.msk [tilespmem:v50+s11+$0x0], $0xffff;
	v50 =	vand.u32 $0x7FF, v55  }
0x1c1: {  	v55 =	vand.u32 $0x7FF, v57;
	v51 =	vld.idx.msk [tilespmem:v51+s12+$0x0], $0xffff  }
0x1c2: {  	v56 =	vand.u32 $0x7FF, v42;
	v52 =	vld.idx.msk [tilespmem:v52+s13+$0x0], $0xffff  }
0x1c3: {  	v57 =	vand.u32 $0x7FF, v43;
	v53 =	vld.idx.msk [tilespmem:v53+s14+$0x0], $0xffff  }
0x1c4: {  	v33 =	vshrl.u32 v33, $0xF;
	v59 =	vand.u32 $0x7FF, v45;
	v54 =	vld.idx.msk [tilespmem:v54+s15+$0x0], $0xffff  }
0x1c5: {  	v38 =	vshrl.u32 v38, $0xF;
	v33 =	vadd.s32 v33, v58;
	v42 =	vld.idx.msk [tilespmem:v50+s16+$0x0], $0xffff;
	v50 =	vand.u32 $0x7FF, v48  }
.Ltmp3:
0x1c6: {  	v39 =	vshrl.u32 v39, $0xF;
	v48 =	vadd.s32 v38, v41;
	v43 =	vld.idx.msk [tilespmem:v55+s17+$0x0], $0xffff;
	(pc) =	sbr.rel @p0 .LBB2_8-.Ltmp3, $4  }
0x1c7: {  	v38 =	vshrl.u32 v40, $0xF;
	v45 =	vadd.s32 v39, v51;
	v41 =	vld.idx.msk [tilespmem:v56+s14+$0x0], $0xffff  }
0x1c8: {  	v40 =	vshrl.u32 v44, $0xF;
	v44 =	vadd.s32 v38, v52;
	v39 =	vld.idx.msk [tilespmem:v57+s15+$0x0], $0xffff  }
0x1c9: {  	v51 =	vshrl.u32 v46, $0xF;
	v46 =	vadd.s32 v40, v53;
	v38 =	vld.idx.msk [tilespmem:v59+s16+$0x0], $0xffff  }
0x1ca: {  	s23 =	sadd.s32 $0x20, s23;
	v49 =	vshrl.u32 v49, $0xF;
	v40 =	vld.idx.msk [tilespmem:v50+s17+$0x0], $0xffff;
	[tilespmem:v33+s18+$0x0] =	vst.idx.msk $0xffff, v47;
	v47 =	vadd.s32 v51, v54  }
0x1cb: {  	_ =	sdelay $0x3  }
0x1cc: {  	v25 =	vshrl.u32 v25, $0xF;
	[tilespmem:v48+s18+$0x0] =	vst.idx.msk $0xffff, v32;
	v63 =	vadd.s32 v49, v42  }
0x1cd: {  	v16 =	vshrl.u32 v16, $0xF;
	[tilespmem:v45+s18+$0x0] =	vst.idx.msk $0xffff, v31;
	v25 =	vadd.s32 v25, v43  }
0x1ce: {  	v15 =	vshrl.u32 v15, $0xF;
	v16 =	vadd.s32 v16, v37;
	[tilespmem:v44+s18+$0x0] =	vst.idx.msk $0xffff, v30  }
0x1cf: {  	v14 =	vshrl.u32 v14, $0xF;
	v15 =	vadd.s32 v15, v36;
	[tilespmem:v46+s18+$0x0] =	vst.idx.msk $0xffff, v29  }
0x1d0: {  	v13 =	vshrl.u32 v13, $0xF;
	v14 =	vadd.s32 v14, v35;
	[tilespmem:v47+s18+$0x0] =	vst.idx.msk $0xffff, v28  }
0x1d1: {  	v12 =	vshrl.u32 v12, $0xF;
	v13 =	vadd.s32 v13, v34;
	[tilespmem:v63+s18+$0x0] =	vst.idx.msk $0xffff, v27  }
0x1d2: {  	v11 =	vshrl.u32 v11, $0xF;
	v12 =	vadd.s32 v12, v41;
	[tilespmem:v25+s18+$0x0] =	vst.idx.msk $0xffff, v26  }
0x1d3: {  	v10 =	vshrl.u32 v10, $0xF;
	v11 =	vadd.s32 v11, v39;
	[tilespmem:v16+s18+$0x0] =	vst.idx.msk $0xffff, v24  }
0x1d4: {  	v9 =	vshrl.u32 v9, $0xF;
	v10 =	vadd.s32 v10, v38;
	[tilespmem:v15+s18+$0x0] =	vst.idx.msk $0xffff, v21  }
0x1d5: {  	v9 =	vadd.s32 v9, v40;
	[tilespmem:v14+s18+$0x0] =	vst.idx.msk $0xffff, v22  }
0x1d6: {  	[tilespmem:v13+s18+$0x0] =	vst.idx.msk $0xffff, v23  }
0x1d7: {  	[tilespmem:v12+s18+$0x0] =	vst.idx.msk $0xffff, v17  }
0x1d8: {  	[tilespmem:v11+s18+$0x0] =	vst.idx.msk $0xffff, v18  }
0x1d9: {  	[tilespmem:v10+s18+$0x0] =	vst.idx.msk $0xffff, v19  }
0x1da: {  	s0 =	simm.s32 $0x18040;
	[tilespmem:v9+s18+$0x0] =	vst.idx.msk $0xffff, v20  }
0x1db: {  	[tilespmem:s0+$0xFFFFFFE0] =	vst v0  }
0x1dc: {  	[tilespmem:s0+$0xFFFFFFF0] =	vst v0  }
0x1dd: {  	[tilespmem:s0+$0x10] =	vst v0  }
0x1de: {  	[tilespmem:s0+$0xFFFFFFD0] =	vst v0  }
0x1df: {  	[tilespmem:s0+$0x0] =	vst v0  }
0x1e0: {  	[tilespmem:s0+$0x30] =	vst v0  }
0x1e1: {  	[tilespmem:s0+$0xFFFFFFC0] =	vst v0  }
0x1e2: {  	s28 =	simm.s32 $0x18840;
	[tilespmem:s0+$0x20] =	vst v0  }
0x1e3: {  	[tilespmem:s28+$0x20] =	vst v0  }
0x1e4: {  	[tilespmem:s28+$0xFFFFFFC0] =	vst v0  }
0x1e5: {  	[tilespmem:s28+$0x30] =	vst v0  }
0x1e6: {  	[tilespmem:s28+$0x0] =	vst v0  }
0x1e7: {  	[tilespmem:s28+$0xFFFFFFD0] =	vst v0  }
0x1e8: {  	s29 =	simm.s32 $0x19040;
	[tilespmem:s28+$0x10] =	vst v0  }
0x1e9: {  	[tilespmem:s29+$0x20] =	vst v0  }
0x1ea: {  	[tilespmem:s29+$0xFFFFFFC0] =	vst v0  }
0x1eb: {  	[tilespmem:s29+$0x30] =	vst v0  }
0x1ec: {  	[tilespmem:s29+$0x10] =	vst v0  }
0x1ed: {  	[tilespmem:s29+$0xFFFFFFD0] =	vst v0  }
0x1ee: {  	s26 =	simm.s32 $0x19840;
	[tilespmem:s29+$0x0] =	vst v0  }
0x1ef: {  	[tilespmem:s26+$0x20] =	vst v0  }
0x1f0: {  	[tilespmem:s26+$0x30] =	vst v0  }
0x1f1: {  	[tilespmem:s26+$0xFFFFFFC0] =	vst v0  }
0x1f2: {  	s25 =	simm.s32 $0x1A040;
	[tilespmem:s26+$0x10] =	vst v0  }
0x1f3: {  	[tilespmem:s25+$0x20] =	vst v0  }
0x1f4: {  	[tilespmem:s25+$0xFFFFFFC0] =	vst v0  }
0x1f5: {  	s23 =	simm.s32 $0x1A840;
	[tilespmem:s25+$0x30] =	vst v0  }
0x1f6: {  	[tilespmem:s23+$0x20] =	vst v0  }
0x1f7: {  	s22 =	simm.s32 $0x1B040;
	[tilespmem:s23+$0xFFFFFFC0] =	vst v0  }
0x1f8: {  	s24 =	simm.s32 $0x1B840;
	[tilespmem:s22+$0x20] =	vst v0  }
0x1f9: {  	s31 =	simm.s32 $0x0;
	s1 =	simm.s32 $0x1B0C0;
	s3 =	simm.s32 $0x1B8C0;
	[tilespmem:s22+$0xFFFFFFC0] =	vst v0  }
0x1fa: {  	s4 =	simm.s32 $0x180C0;
	s5 =	simm.s32 $0x198C0;
	s6 =	simm.s32 $0x1A0C0;
	[tilespmem:s24+$0x20] =	vst v0  }
0x1fb: {  	s19 =	simm.s32 $0x18840;
	s30 =	simm.s32 $0x19040;
	s0 =	simm.s32 $0x1A8C0;
	[tilespmem:s24+$0xFFFFFFC0] =	vst v0  }
.LBB2_10:
0x1fc: {  	s31 =	sadd.s32 $0x8, s31;
	[tilespmem:s26+$0x0] =	vst v0;
	s28 =	sadd.s32 $0x80, s28;
	s29 =	sadd.s32 $0x80, s29  }
0x1fd: {  	p0 =	slt.u32 s31, $0x78;
	[tilespmem:s19+$0xFFFFFFE0] =	vst v0  }
0x1fe: {  	[tilespmem:s25+$0x10] =	vst v0  }
0x1ff: {  	[tilespmem:s23+$0x10] =	vst v0  }
0x200: {  	[tilespmem:s26+$0xFFFFFFD0] =	vst v0  }
0x201: {  	[tilespmem:s19+$0xFFFFFFF0] =	vst v0;
	s19 =	smov.u32 s28  }
0x202: {  	[tilespmem:s25+$0x0] =	vst v0  }
0x203: {  	[tilespmem:s23+$0x0] =	vst v0  }
0x204: {  	[tilespmem:s22+$0x0] =	vst v0  }
0x205: {  	[tilespmem:s24+$0x0] =	vst v0  }
0x206: {  	[tilespmem:s30+$0xFFFFFFE0] =	vst v0  }
0x207: {  	[tilespmem:s22+$0x10] =	vst v0  }
0x208: {  	[tilespmem:s23+$0x30] =	vst v0  }
0x209: {  	[tilespmem:s25+$0xFFFFFFD0] =	vst v0  }
0x20a: {  	[tilespmem:s30+$0xFFFFFFF0] =	vst v0;
	s30 =	smov.u32 s29  }
0x20b: {  	[tilespmem:s23+$0xFFFFFFD0] =	vst v0  }
0x20c: {  	[tilespmem:s26+$0xFFFFFFF0] =	vst v0  }
0x20d: {  	[tilespmem:s25+$0xFFFFFFF0] =	vst v0  }
0x20e: {  	[tilespmem:s24+$0x10] =	vst v0  }
0x20f: {  	[tilespmem:s26+$0xFFFFFFE0] =	vst v0;
	s26 =	smov.u32 s5  }
0x210: {  	[tilespmem:s22+$0x30] =	vst v0  }
0x211: {  	[tilespmem:s24+$0x30] =	vst v0  }
0x212: {  	[tilespmem:s22+$0xFFFFFFD0] =	vst v0  }
0x213: {  	[tilespmem:s25+$0xFFFFFFE0] =	vst v0;
	s25 =	smov.u32 s6  }
0x214: {  	[tilespmem:s23+$0xFFFFFFE0] =	vst v0  }
0x215: {  	[tilespmem:s24+$0xFFFFFFD0] =	vst v0  }
0x216: {  	[tilespmem:s23+$0xFFFFFFF0] =	vst v0;
	s23 =	smov.u32 s0  }
0x217: {  	[tilespmem:s22+$0xFFFFFFE0] =	vst v0  }
0x218: {  	[tilespmem:s24+$0xFFFFFFE0] =	vst v0  }
0x219: {  	[tilespmem:s22+$0xFFFFFFF0] =	vst v0;
	s22 =	smov.u32 s1  }
0x21a: {  	[tilespmem:s24+$0xFFFFFFF0] =	vst v0;
	s24 =	smov.u32 s3  }
0x21b: {  	[tilespmem:s4+$0xFFFFFFE0] =	vst v0  }
0x21c: {  	[tilespmem:s4+$0xFFFFFFF0] =	vst v0  }
0x21d: {  	[tilespmem:s4+$0x10] =	vst v0  }
0x21e: {  	[tilespmem:s4+$0xFFFFFFD0] =	vst v0  }
0x21f: {  	[tilespmem:s4+$0x0] =	vst v0  }
0x220: {  	[tilespmem:s4+$0x30] =	vst v0  }
0x221: {  	[tilespmem:s4+$0xFFFFFFC0] =	vst v0  }
0x222: {  	[tilespmem:s4+$0x20] =	vst v0  }
0x223: {  	[tilespmem:s28+$0x20] =	vst v0  }
0x224: {  	[tilespmem:s29+$0x20] =	vst v0  }
0x225: {  	[tilespmem:s5+$0x20] =	vst v0  }
0x226: {  	[tilespmem:s6+$0x20] =	vst v0  }
0x227: {  	[tilespmem:s0+$0x20] =	vst v0  }
0x228: {  	[tilespmem:s1+$0x20] =	vst v0  }
0x229: {  	[tilespmem:s3+$0x20] =	vst v0  }
0x22a: {  	[tilespmem:s28+$0xFFFFFFC0] =	vst v0  }
0x22b: {  	[tilespmem:s29+$0xFFFFFFC0] =	vst v0  }
0x22c: {  	[tilespmem:s28+$0x30] =	vst v0  }
0x22d: {  	[tilespmem:s29+$0x30] =	vst v0  }
0x22e: {  	[tilespmem:s5+$0x30] =	vst v0  }
0x22f: {  	[tilespmem:s5+$0xFFFFFFC0] =	vst v0  }
0x230: {  	[tilespmem:s28+$0x0] =	vst v0  }
0x231: {  	[tilespmem:s28+$0xFFFFFFD0] =	vst v0  }
0x232: {  	[tilespmem:s6+$0xFFFFFFC0] =	vst v0  }
0x233: {  	[tilespmem:s28+$0x10] =	vst v0  }
0x234: {  	[tilespmem:s29+$0x10] =	vst v0  }
0x235: {  	[tilespmem:s5+$0x10] =	vst v0  }
0x236: {  	[tilespmem:s29+$0xFFFFFFD0] =	vst v0  }
.Ltmp4:
0x237: {  	[tilespmem:s6+$0x30] =	vst v0;
	(pc) =	sbr.rel @p0 .LBB2_10-.Ltmp4, $4  }
0x238: {  	[tilespmem:s29+$0x0] =	vst v0  }
0x239: {  	s21 =	simm.s32 $0x0;
	[tilespmem:s0+$0xFFFFFFC0] =	vst v0  }
0x23a: {  	s1 =	sadd.s32 $0x80, s1;
	s3 =	sadd.s32 $0x80, s3;
	s0 =	sadd.s32 $0x80, s0;
	[tilespmem:s22+$0xFFFFFFC0] =	vst v0  }
0x23b: {  	s4 =	sadd.s32 $0x80, s4;
	s5 =	sadd.s32 $0x80, s5;
	s6 =	sadd.s32 $0x80, s6;
	[tilespmem:s24+$0xFFFFFFC0] =	vst v0  }
0x23c: {  	[tilespmem:s26+$0x0] =	vst v0  }
0x23d: {  	[tilespmem:s19+$0xFFFFFFE0] =	vst v0  }
0x23e: {  	[tilespmem:s25+$0x10] =	vst v0  }
0x23f: {  	[tilespmem:s26+$0xFFFFFFD0] =	vst v0  }
0x240: {  	[tilespmem:s19+$0xFFFFFFF0] =	vst v0  }
0x241: {  	[tilespmem:s23+$0x30] =	vst v0  }
0x242: {  	[tilespmem:s23+$0x10] =	vst v0  }
0x243: {  	[tilespmem:s25+$0x0] =	vst v0  }
0x244: {  	[tilespmem:s30+$0xFFFFFFE0] =	vst v0  }
0x245: {  	[tilespmem:s25+$0xFFFFFFD0] =	vst v0  }
0x246: {  	[tilespmem:s30+$0xFFFFFFF0] =	vst v0  }
0x247: {  	[tilespmem:s22+$0x30] =	vst v0  }
0x248: {  	[tilespmem:s23+$0x0] =	vst v0  }
0x249: {  	[tilespmem:s22+$0x10] =	vst v0  }
0x24a: {  	[tilespmem:s23+$0xFFFFFFD0] =	vst v0  }
0x24b: {  	[tilespmem:s26+$0xFFFFFFF0] =	vst v0  }
0x24c: {  	[tilespmem:s26+$0xFFFFFFE0] =	vst v0  }
0x24d: {  	[tilespmem:s24+$0x30] =	vst v0  }
0x24e: {  	[tilespmem:s22+$0x0] =	vst v0  }
0x24f: {  	[tilespmem:s25+$0xFFFFFFF0] =	vst v0  }
0x250: {  	[tilespmem:s24+$0x10] =	vst v0  }
0x251: {  	[tilespmem:s22+$0xFFFFFFD0] =	vst v0  }
0x252: {  	[tilespmem:s25+$0xFFFFFFE0] =	vst v0  }
0x253: {  	[tilespmem:s24+$0x0] =	vst v0  }
0x254: {  	[tilespmem:s23+$0xFFFFFFE0] =	vst v0  }
0x255: {  	[tilespmem:s24+$0xFFFFFFD0] =	vst v0  }
0x256: {  	[tilespmem:s23+$0xFFFFFFF0] =	vst v0  }
0x257: {  	[tilespmem:s22+$0xFFFFFFE0] =	vst v0  }
0x258: {  	[tilespmem:s22+$0xFFFFFFF0] =	vst v0  }
0x259: {  	[tilespmem:s24+$0xFFFFFFE0] =	vst v0  }
0x25a: {  	s22 =	simm.s32 $0x0;
	[tilespmem:s24+$0xFFFFFFF0] =	vst v0  }
0x25b: {  	v21 =	vld [tilespmem:s22+$0xE000]  }
0x25c: {  	v14 =	vld [tilespmem:s22+$0xC000]  }
0x25d: {  	v16 =	vld [tilespmem:s22+$0xA000]  }
0x25e: {  	v20 =	vld [tilespmem:s22+$0x9000]  }
0x25f: {  	v24 =	vld [tilespmem:s22+$0x8000]  }
0x260: {  	v22 =	vld [tilespmem:s22+$0xF000]  }
0x261: {  	v10 =	vld [tilespmem:s22+$0xB010]  }
0x262: {  	v19 =	vld [tilespmem:s22+$0xB000]  }
0x263: {  	v23 =	vld [tilespmem:s22+$0xD000]  }
0x264: {  	v9 =	vld [tilespmem:s22+$0xF010]  }
0x265: {  	v18 =	vld [tilespmem:s22+$0x8010]  }
0x266: {  	v11 =	vld.idx.msk [tilespmem:v16+s21+$0x0], $0xffff  }
0x267: {  	v12 =	vld.idx.msk [tilespmem:v14+s21+$0x0], $0xffff  }
0x268: {  	v13 =	vld.idx.msk [tilespmem:v24+s21+$0x0], $0xffff  }
0x269: {  	v15 =	vld.idx.msk [tilespmem:v20+s21+$0x0], $0xffff  }
0x26a: {  	v26 =	vld.idx.msk [tilespmem:v10+s21+$0x0], $0xffff  }
0x26b: {  	v17 =	vld.idx.msk [tilespmem:v19+s21+$0x0], $0xffff  }
0x26c: {  	v25 =	vld.idx.msk [tilespmem:v23+s21+$0x0], $0xffff  }
0x26d: {  	v35 =	vld.idx.msk [tilespmem:v9+s21+$0x0], $0xffff;
	v13 =	vshrl.u32 v13, $0xB  }
0x26e: {  	v28 =	vld.idx.msk [tilespmem:v21+s21+$0x0], $0xffff;
	v15 =	vshrl.u32 v15, $0xB;
	v34 =	vand.u32 $0x7FF, v13  }
0x26f: {  	v32 =	vld.idx.msk [tilespmem:v22+s21+$0x0], $0xffff;
	v31 =	vand.u32 $0x7FF, v15;
	v15 =	vshrl.u32 v11, $0xB;
	(xrf1) =	vunique.msk.u32 $0xffff, v34  }
0x270: {  	v17 =	vshrl.u32 v17, $0xB;
	v13 =	vld [tilespmem:s22+$0x9010];
	v33 =	vand.u32 $0x7FF, v15;
	(xrf1) =	vunique.msk.u32 $0xffff, v31  }
0x271: {  	v11 =	vld [tilespmem:s22+$0xE010];
	v29 =	vand.u32 $0x7FF, v17;
	v15 =	vshrl.u32 v12, $0xB;
	(xrf1) =	vunique.msk.u32 $0xffff, v33  }
0x272: {  	v17 =	vld [tilespmem:s22+$0xA010];
	v27 =	vand.u32 $0x7FF, v15;
	v15 =	vshrl.u32 v25, $0xB;
	(xrf1) =	vunique.msk.u32 $0xffff, v29  }
0x273: {  	v12 =	vld [tilespmem:s22+$0xC010];
	v30 =	vand.u32 $0x7FF, v15;
	v15 =	vshrl.u32 v28, $0xB;
	(xrf1) =	vunique.msk.u32 $0xffff, v27  }
0x274: {  	v25 =	vshrl.u32 v32, $0xB;
	v28 =	vand.u32 $0x7FF, v15;
	v15 =	vld [tilespmem:s22+$0xD010];
	(xrf1) =	vunique.msk.u32 $0xffff, v30  }
0x275: {  	v25 =	vand.u32 $0x7FF, v25;
	v37 =	vld.idx.msk [tilespmem:v31+s11+$0x0], $0xffff;
	(xrf1) =	vunique.msk.u32 $0xffff, v28  }
0x276: {  	v36 =	vld.idx.msk [tilespmem:v29+s13+$0x0], $0xffff;
	(xrf1) =	vunique.msk.u32 $0xffff, v25  }
0x277: {  	s23 =	simm.s32 $0x0;
	s24 =	simm.s32 $0x80;
	v32 =	vshrl.u32 v26, $0xB;
	v26 =	vshrl.u32 v35, $0xB;
	v38 =	vld.idx.msk [tilespmem:v33+s12+$0x0], $0xffff  }
.LBB2_12:
0x278: {  	p0 =	sne.s32 s24, $0x3F80;
	v39 =	vld.idx.msk [tilespmem:v27+s14+$0x0], $0xffff;
	s0 =	smov.u32 s24;
	s24 =	sadd.s32 $0x80, s24  }
0x279: {  	v35 =	vld.idx.msk [tilespmem:v11+s21+$0x0], $0xffff  }
0x27a: {  	v40 =	vld.idx.msk [tilespmem:v34+s10+$0x0], $0xffff  }
0x27b: {  	v41 =	vld.idx.msk [tilespmem:v17+s21+$0x0], $0xffff  }
0x27c: {  	v42 =	vld.idx.msk [tilespmem:v28+s16+$0x0], $0xffff  }
0x27d: {  	v43 =	vld.idx.msk [tilespmem:v15+s21+$0x0], $0xffff;
	_, v44, vm0 =	vpop (xrf1)  }
0x27e: {  	v45 =	vld.idx.msk [tilespmem:v12+s21+$0x0], $0xffff;
	_, v46, vm3 =	vpop (xrf1)  }
0x27f: {  	v48 =	vshrl.u32 v35, $0xB;
	v47 =	vld.idx.msk [tilespmem:v13+s21+$0x0], $0xffff;
	_, v49, vm4 =	vpop (xrf1)  }
0x280: {  	v50 =	vld.idx.msk [tilespmem:v30+s15+$0x0], $0xffff;
	_, v51, vm1 =	vpop (xrf1)  }
0x281: {  	v26 =	vand.u32 $0x7FF, v26;
	v41 =	vshrl.u32 v41, $0xB;
	v52 =	vld.idx.msk [tilespmem:v18+s21+$0x0], $0xffff;
	_, v53, vm2 =	vpop (xrf1)  }
0x282: {  	v35 =	vand.u32 $0x7FF, v32;
	v32 =	vand.u32 $0x7FF, v48;
	v54 =	vadd.s32 v44, v40;
	v48 =	vld.idx.msk [tilespmem:v25+s17+$0x0], $0xffff;
	_, v44, vm5 =	vpop (xrf1)  }
0x283: {  	v46 =	vadd.s32 v46, v37;
	[tilespmem:v34+s10+$0x0] =	vst.idx.msk vm0, v54;
	v34 =	vshll.u32 v54, $0xF;
	_, v40, vm6 =	vpop (xrf1);
	(xrf1) =	vunique.msk.u32 $0xffff, v35  }
0x284: {  	v38 =	vadd.s32 v49, v38;
	[tilespmem:v31+s11+$0x0] =	vst.idx.msk vm3, v46;
	v31 =	vadd.s32 $0xFFFF8000, v34;
	v34 =	vshll.u32 v46, $0xF;
	_, v37, vm0 =	vpop (xrf1)  }
0x285: {  	v36 =	vadd.s32 v51, v36;
	[tilespmem:v33+s12+$0x0] =	vst.idx.msk vm4, v38;
	v33 =	vadd.s32 $0xFFFF8000, v34;
	(xrf1) =	vunique.msk.u32 $0xffff, v32  }
0x286: {  	s25 =	sshra.s32 s0, $0x2;
	v39 =	vadd.s32 v53, v39;
	v34 =	vshrl.u32 v47, $0xB;
	[tilespmem:v29+s13+$0x0] =	vst.idx.msk vm1, v36;
	v29 =	vshll.u32 v38, $0xF  }
0x287: {  	v44 =	vadd.s32 v44, v50;
	v24 =	vor.u32 v24, v31;
	v38 =	vshrl.u32 v45, $0xB;
	[tilespmem:v27+s14+$0x0] =	vst.idx.msk vm2, v39  }
0x288: {  	v31 =	vadd.s32 v40, v42;
	v27 =	vshrl.u32 v52, $0xB;
	[tilespmem:v30+s15+$0x0] =	vst.idx.msk vm5, v44;
	v30 =	vshll.u32 v44, $0xF  }
0x289: {  	v37 =	vadd.s32 v37, v48;
	v27 =	vand.u32 $0x7FF, v27;
	[tilespmem:v28+s16+$0x0] =	vst.idx.msk vm6, v31;
	v28 =	vshll.u32 v31, $0xF  }
0x28a: {  	v31 =	vand.u32 $0x7FF, v34;
	v34 =	vshll.u32 v37, $0xF;
	v28 =	vadd.s32 $0xFFFF8000, v28;
	(xrf1) =	vunique.msk.u32 $0xffff, v27  }
0x28b: {  	v40 =	vand.u32 $0x7FF, v41;
	v36 =	vshll.u32 v36, $0xF;
	v21 =	vor.u32 v21, v28;
	(xrf1) =	vunique.msk.u32 $0xffff, v31  }
0x28c: {  	v28 =	vadd.s32 $0xFFFF8000, v34;
	[tilespmem:v25+s17+$0x0] =	vst.idx.msk vm0, v37;
	v25 =	vadd.s32 $0xFFFF8000, v30;
	(xrf1) =	vunique.msk.u32 $0xffff, v40  }
0x28d: {  	v34 =	vshrl.u32 v43, $0xB;
	v30 =	vand.u32 $0x7FF, v38;
	v22 =	vor.u32 v22, v28;
	[tilespmem:s23+$0x10000] =	vst v24  }
0x28e: {  	v24 =	vand.u32 $0x7FF, v34;
	v23 =	vor.u32 v23, v25;
	[tilespmem:s23+$0x17000] =	vst v22;
	(xrf1) =	vunique.msk.u32 $0xffff, v30  }
0x28f: {  	v20 =	vor.u32 v20, v33;
	v22 =	vadd.s32 $0xFFFF8000, v29;
	[tilespmem:s23+$0x15000] =	vst v23;
	(xrf1) =	vunique.msk.u32 $0xffff, v24  }
0x290: {  	v16 =	vor.u32 v16, v22;
	v22 =	vshll.u32 v39, $0xF;
	[tilespmem:s23+$0x11000] =	vst v20;
	v20 =	vadd.s32 $0xFFFF8000, v36  }
0x291: {  	v19 =	vor.u32 v19, v20;
	v20 =	vadd.s32 $0xFFFF8000, v22;
	[tilespmem:s23+$0x16000] =	vst v21;
	_, v21, vm1 =	vpop (xrf1);
	(xrf1) =	vunique.msk.u32 $0xffff, v26  }
0x292: {  	[tilespmem:s23+$0x13000] =	vst v19;
	v19 =	vor.u32 v14, v20  }
0x293: {  	[tilespmem:s23+$0x14000] =	vst v19;
	_, v14, vm0 =	vpop (xrf1)  }
0x294: {  	[tilespmem:s23+$0x12000] =	vst v16  }
0x295: {  	v16 =	vld.idx.msk [tilespmem:v27+s10+$0x0], $0xffff  }
0x296: {  	v19 =	vld.idx.msk [tilespmem:v31+s11+$0x0], $0xffff  }
0x297: {  	v20 =	vld.idx.msk [tilespmem:v40+s12+$0x0], $0xffff  }
0x298: {  	v22 =	vld.idx.msk [tilespmem:v35+s13+$0x0], $0xffff;
	_, v23, vm2 =	vpop (xrf1)  }
0x299: {  	v25 =	vld.idx.msk [tilespmem:v30+s14+$0x0], $0xffff;
	_, v28, vm3 =	vpop (xrf1)  }
0x29a: {  	v29 =	vld.idx.msk [tilespmem:v24+s15+$0x0], $0xffff;
	_, v33, vm4 =	vpop (xrf1)  }
0x29b: {  	v16 =	vadd.s32 v23, v16;
	v34 =	vld.idx.msk [tilespmem:v32+s16+$0x0], $0xffff  }
0x29c: {  	v38 =	vadd.s32 v28, v19;
	v28 =	vshll.u32 v16, $0xF;
	v23 =	vld.idx.msk [tilespmem:v26+s17+$0x0], $0xffff;
	_, v36, vm5 =	vpop (xrf1)  }
0x29d: {  	v20 =	vadd.s32 v33, v20;
	v28 =	vadd.s32 $0xFFFF8000, v28;
	v33 =	vshll.u32 v38, $0xF;
	_, v37, vm6 =	vpop (xrf1)  }
0x29e: {  	[tilespmem:v27+s10+$0x0] =	vst.idx.msk vm2, v16;
	v16 =	vor.u32 v18, v28;
	v18 =	vadd.s32 $0xFFFF8000, v33;
	v27 =	vshll.u32 v20, $0xF  }
0x29f: {  	[tilespmem:v31+s11+$0x0] =	vst.idx.msk vm3, v38;
	v13 =	vor.u32 v13, v18;
	v18 =	vadd.s32 $0xFFFF8000, v27;
	_, v19, vm2 =	vpop (xrf1)  }
0x2a0: {  	v21 =	vadd.s32 v21, v22;
	[tilespmem:v40+s12+$0x0] =	vst.idx.msk vm4, v20;
	v17 =	vor.u32 v17, v18  }
0x2a1: {  	v18 =	vadd.s32 v36, v25;
	v14 =	vadd.s32 v14, v34;
	v20 =	vshll.u32 v21, $0xF;
	[tilespmem:v35+s13+$0x0] =	vst.idx.msk vm1, v21  }
0x2a2: {  	v21 =	vadd.s32 v37, v29;
	v20 =	vadd.s32 $0xFFFF8000, v20;
	[tilespmem:v30+s14+$0x0] =	vst.idx.msk vm5, v18;
	v18 =	vshll.u32 v18, $0xF  }
0x2a3: {  	v10 =	vor.u32 v10, v20;
	v20 =	vshll.u32 v21, $0xF;
	[tilespmem:v24+s15+$0x0] =	vst.idx.msk vm6, v21;
	v18 =	vadd.s32 $0xFFFF8000, v18  }
0x2a4: {  	v19 =	vadd.s32 v19, v23;
	[tilespmem:v32+s16+$0x0] =	vst.idx.msk vm0, v14;
	v12 =	vor.u32 v12, v18;
	v18 =	vadd.s32 $0xFFFF8000, v20  }
0x2a5: {  	v14 =	vshll.u32 v14, $0xF;
	[tilespmem:v26+s17+$0x0] =	vst.idx.msk vm2, v19;
	v15 =	vor.u32 v15, v18;
	v18 =	vshll.u32 v19, $0xF  }
0x2a6: {  	v21 =	vld [tilespmem:s25+$0xE000];
	[tilespmem:s23+$0x10010] =	vst v16;
	v16 =	vadd.s32 $0xFFFF8000, v14;
	v18 =	vadd.s32 $0xFFFF8000, v18  }
0x2a7: {  	v14 =	vld [tilespmem:s25+$0xC000];
	[tilespmem:s23+$0x11010] =	vst v13;
	v11 =	vor.u32 v11, v16;
	v9 =	vor.u32 v9, v18  }
0x2a8: {  	v16 =	vld [tilespmem:s25+$0xA000];
	[tilespmem:s23+$0x12010] =	vst v17  }
0x2a9: {  	v20 =	vld [tilespmem:s25+$0x9000];
	[tilespmem:s23+$0x13010] =	vst v10  }
0x2aa: {  	v24 =	vld [tilespmem:s25+$0x8000];
	[tilespmem:s23+$0x14010] =	vst v12  }
0x2ab: {  	v22 =	vld [tilespmem:s25+$0xF000];
	[tilespmem:s23+$0x15010] =	vst v15  }
0x2ac: {  	v10 =	vld [tilespmem:s25+$0xB010];
	[tilespmem:s23+$0x16010] =	vst v11  }
0x2ad: {  	v19 =	vld [tilespmem:s25+$0xB000];
	[tilespmem:s23+$0x17010] =	vst v9;
	s23 =	smov.u32 s25  }
0x2ae: {  	v23 =	vld [tilespmem:s23+$0xD000]  }
0x2af: {  	v9 =	vld [tilespmem:s23+$0xF010]  }
0x2b0: {  	v11 =	vld.idx.msk [tilespmem:v16+s21+$0x0], $0xffff  }
0x2b1: {  	v12 =	vld.idx.msk [tilespmem:v14+s21+$0x0], $0xffff  }
0x2b2: {  	v13 =	vld.idx.msk [tilespmem:v24+s21+$0x0], $0xffff  }
0x2b3: {  	v15 =	vld.idx.msk [tilespmem:v20+s21+$0x0], $0xffff  }
0x2b4: {  	v17 =	vld.idx.msk [tilespmem:v10+s21+$0x0], $0xffff  }
0x2b5: {  	v18 =	vld.idx.msk [tilespmem:v19+s21+$0x0], $0xffff  }
0x2b6: {  	v25 =	vld.idx.msk [tilespmem:v23+s21+$0x0], $0xffff  }
0x2b7: {  	v26 =	vld.idx.msk [tilespmem:v9+s21+$0x0], $0xffff  }
0x2b8: {  	v12 =	vshrl.u32 v12, $0xB;
	v13 =	vshrl.u32 v13, $0xB;
	v28 =	vld.idx.msk [tilespmem:v21+s21+$0x0], $0xffff  }
0x2b9: {  	v34 =	vand.u32 $0x7FF, v13;
	v13 =	vshrl.u32 v15, $0xB;
	v35 =	vld.idx.msk [tilespmem:v22+s21+$0x0], $0xffff  }
0x2ba: {  	v11 =	vshrl.u32 v11, $0xB;
	v31 =	vand.u32 $0x7FF, v13;
	v32 =	vshrl.u32 v17, $0xB;
	v13 =	vld [tilespmem:s23+$0x9010];
	(xrf1) =	vunique.msk.u32 $0xffff, v34  }
0x2bb: {  	v33 =	vand.u32 $0x7FF, v11;
	v15 =	vshrl.u32 v18, $0xB;
	v11 =	vld [tilespmem:s23+$0xE010];
	(xrf1) =	vunique.msk.u32 $0xffff, v31  }
0x2bc: {  	v29 =	vand.u32 $0x7FF, v15;
	v18 =	vld [tilespmem:s23+$0x8010];
	(xrf1) =	vunique.msk.u32 $0xffff, v33  }
0x2bd: {  	v27 =	vand.u32 $0x7FF, v12;
	v15 =	vshrl.u32 v25, $0xB;
	v26 =	vshrl.u32 v26, $0xB;
	v12 =	vld [tilespmem:s23+$0xC010];
	(xrf1) =	vunique.msk.u32 $0xffff, v29  }
.Ltmp5:
0x2be: {  	v30 =	vand.u32 $0x7FF, v15;
	v15 =	vshrl.u32 v28, $0xB;
	v17 =	vld [tilespmem:s23+$0xA010];
	(xrf1) =	vunique.msk.u32 $0xffff, v27;
	(pc) =	sbr.rel @p0 .LBB2_12-.Ltmp5, $4  }
0x2bf: {  	v28 =	vand.u32 $0x7FF, v15;
	v15 =	vshrl.u32 v35, $0xB;
	v37 =	vld.idx.msk [tilespmem:v31+s11+$0x0], $0xffff;
	(xrf1) =	vunique.msk.u32 $0xffff, v30  }
0x2c0: {  	v25 =	vand.u32 $0x7FF, v15;
	v15 =	vld [tilespmem:s23+$0xD010];
	(xrf1) =	vunique.msk.u32 $0xffff, v28  }
0x2c1: {  	v36 =	vld.idx.msk [tilespmem:v29+s13+$0x0], $0xffff;
	(xrf1) =	vunique.msk.u32 $0xffff, v25  }
0x2c2: {  	v38 =	vld.idx.msk [tilespmem:v33+s12+$0x0], $0xffff  }
0x2c3: {  	_ =	sdelay $0x3  }
0x2c4: {  	v39 =	vld.idx.msk [tilespmem:v11+s21+$0x0], $0xffff  }
0x2c5: {  	v40 =	vld.idx.msk [tilespmem:v34+s10+$0x0], $0xffff  }
0x2c6: {  	v41 =	vld.idx.msk [tilespmem:v17+s21+$0x0], $0xffff  }
0x2c7: {  	v45 =	vld.idx.msk [tilespmem:v12+s21+$0x0], $0xffff  }
0x2c8: {  	v47 =	vld.idx.msk [tilespmem:v13+s21+$0x0], $0xffff  }
0x2c9: {  	v51 =	vld.idx.msk [tilespmem:v18+s21+$0x0], $0xffff  }
0x2ca: {  	_, v44, vm0 =	vpop (xrf1)  }
0x2cb: {  	v35 =	vld.idx.msk [tilespmem:v27+s14+$0x0], $0xffff;
	v26 =	vand.u32 $0x7FF, v26;
	_, v46, vm1 =	vpop (xrf1)  }
0x2cc: {  	v49 =	vld.idx.msk [tilespmem:v30+s15+$0x0], $0xffff;
	v32 =	vand.u32 $0x7FF, v32;
	v39 =	vshrl.u32 v39, $0xB;
	v41 =	vshrl.u32 v41, $0xB;
	_, v48, vm2 =	vpop (xrf1)  }
0x2cd: {  	v42 =	vld.idx.msk [tilespmem:v28+s16+$0x0], $0xffff;
	v56 =	vshrl.u32 v47, $0xB;
	v57 =	vshrl.u32 v45, $0xB;
	v40 =	vadd.s32 v44, v40;
	_, v50, vm3 =	vpop (xrf1)  }
0x2ce: {  	v43 =	vld.idx.msk [tilespmem:v15+s21+$0x0], $0xffff;
	v58 =	vshrl.u32 v51, $0xB;
	v39 =	vand.u32 $0x7FF, v39;
	v62 =	vshll.u32 v40, $0xF;
	_, v52, vm4 =	vpop (xrf1)  }
0x2cf: {  	v53 =	vld.idx.msk [tilespmem:v25+s17+$0x0], $0xffff;
	(xrf1) =	vunique.msk.u32 $0xffff, v32;
	v37 =	vadd.s32 v46, v37;
	v38 =	vadd.s32 v48, v38;
	v48 =	vadd.s32 $0xFFFF8000, v62;
	_, v61, vm5 =	vpop (xrf1)  }
0x2d0: {  	v54 =	vshll.u32 v37, $0xF;
	v36 =	vadd.s32 v50, v36;
	v24 =	vor.u32 v24, v48;
	[tilespmem:v34+s10+$0x0] =	vst.idx.msk vm0, v40;
	_, v63, vm0 =	vpop (xrf1)  }
0x2d1: {  	v35 =	vadd.s32 v52, v35;
	v34 =	vadd.s32 $0xFFFF8000, v54;
	v44 =	vadd.s32 v61, v49;
	[tilespmem:v31+s11+$0x0] =	vst.idx.msk vm1, v37;
	_, v55, vm8 =	vpop (xrf1)  }
0x2d2: {  	v61 =	vand.u32 $0x7FF, v41;
	(xrf1) =	vunique.msk.u32 $0xffff, v39;
	v31 =	vand.u32 $0x7FF, v58;
	[tilespmem:v33+s12+$0x0] =	vst.idx.msk vm2, v38  }
0x2d3: {  	v40 =	vshrl.u32 v43, $0xB;
	v37 =	vand.u32 $0x7FF, v56;
	(xrf1) =	vunique.msk.u32 $0xffff, v31;
	[tilespmem:v29+s13+$0x0] =	vst.idx.msk vm3, v36  }
0x2d4: {  	v43 =	vshll.u32 v36, $0xF;
	v45 =	vshll.u32 v35, $0xF;
	(xrf1) =	vunique.msk.u32 $0xffff, v37;
	[tilespmem:v27+s14+$0x0] =	vst.idx.msk vm4, v35  }
0x2d5: {  	v59 =	vadd.s32 v63, v42;
	v33 =	vadd.s32 v55, v53;
	(xrf1) =	vunique.msk.u32 $0xffff, v61;
	[tilespmem:v30+s15+$0x0] =	vst.idx.msk vm5, v44  }
0x2d6: {  	v60 =	vshll.u32 v44, $0xF;
	v62 =	vshll.u32 v33, $0xF;
	v29 =	vand.u32 $0x7FF, v57;
	[tilespmem:v28+s16+$0x0] =	vst.idx.msk vm0, v59  }
0x2d7: {  	v41 =	vand.u32 $0x7FF, v40;
	v63 =	vadd.s32 $0xFFFF8000, v62;
	(xrf1) =	vunique.msk.u32 $0xffff, v29;
	[tilespmem:v25+s17+$0x0] =	vst.idx.msk vm8, v33  }
0x2d8: {  	v30 =	vadd.s32 $0xFFFF8000, v60;
	v22 =	vor.u32 v22, v63;
	(xrf1) =	vunique.msk.u32 $0xffff, v41;
	[tilespmem:s23+$0x10000] =	vst v24  }
0x2d9: {  	v20 =	vor.u32 v20, v34;
	v27 =	vshll.u32 v59, $0xF;
	v23 =	vor.u32 v23, v30;
	[tilespmem:s23+$0x17000] =	vst v22  }
0x2da: {  	v47 =	vadd.s32 $0xFFFF8000, v45;
	v42 =	vadd.s32 $0xFFFF8000, v27;
	(xrf1) =	vunique.msk.u32 $0xffff, v26;
	[tilespmem:s23+$0x15000] =	vst v23  }
0x2db: {  	v14 =	vor.u32 v14, v47;
	v44 =	vadd.s32 $0xFFFF8000, v43;
	v21 =	vor.u32 v21, v42;
	[tilespmem:s23+$0x11000] =	vst v20  }
0x2dc: {  	v46 =	vshll.u32 v38, $0xF;
	v19 =	vor.u32 v19, v44;
	[tilespmem:s23+$0x16000] =	vst v21  }
0x2dd: {  	v48 =	vadd.s32 $0xFFFF8000, v46;
	[tilespmem:s23+$0x13000] =	vst v19  }
0x2de: {  	v16 =	vor.u32 v16, v48;
	[tilespmem:s23+$0x14000] =	vst v14  }
0x2df: {  	[tilespmem:s23+$0x12000] =	vst v16;
	_, v14, vm9 =	vpop (xrf1)  }
0x2e0: {  	v16 =	vld.idx.msk [tilespmem:v31+s10+$0x0], $0xffff;
	_, v19, vm10 =	vpop (xrf1)  }
0x2e1: {  	v49 =	vld.idx.msk [tilespmem:v37+s11+$0x0], $0xffff;
	_, v51, vm11 =	vpop (xrf1)  }
0x2e2: {  	v50 =	vld.idx.msk [tilespmem:v61+s12+$0x0], $0xffff;
	_, v53, vm12 =	vpop (xrf1)  }
0x2e3: {  	v52 =	vld.idx.msk [tilespmem:v32+s13+$0x0], $0xffff;
	_, v55, vm13 =	vpop (xrf1)  }
0x2e4: {  	v54 =	vld.idx.msk [tilespmem:v29+s14+$0x0], $0xffff  }
0x2e5: {  	v33 =	vld.idx.msk [tilespmem:v41+s15+$0x0], $0xffff;
	_, v57, vm14 =	vpop (xrf1)  }
0x2e6: {  	v56 =	vld.idx.msk [tilespmem:v39+s16+$0x0], $0xffff;
	v16 =	vadd.s32 v51, v16;
	_, v59, vm6 =	vpop (xrf1)  }
0x2e7: {  	v58 =	vld.idx.msk [tilespmem:v26+s17+$0x0], $0xffff;
	v20 =	vadd.s32 v53, v49;
	[tilespmem:v31+s10+$0x0] =	vst.idx.msk vm11, v16  }
0x2e8: {  	v21 =	vadd.s32 v55, v50;
	_, v60, vm15 =	vpop (xrf1);
	[tilespmem:v37+s11+$0x0] =	vst.idx.msk vm12, v20  }
0x2e9: {  	v14 =	vadd.s32 v14, v52;
	[tilespmem:v61+s12+$0x0] =	vst.idx.msk vm13, v21  }
0x2ea: {  	v61 =	vadd.s32 v57, v54;
	[tilespmem:v32+s13+$0x0] =	vst.idx.msk vm9, v14  }
0x2eb: {  	v62 =	vadd.s32 v59, v33;
	[tilespmem:v29+s14+$0x0] =	vst.idx.msk vm14, v61  }
0x2ec: {  	v19 =	vadd.s32 v19, v56;
	v63 =	vshll.u32 v21, $0xF;
	v16 =	vshll.u32 v16, $0xF;
	[tilespmem:v41+s15+$0x0] =	vst.idx.msk vm6, v62  }
0x2ed: {  	v22 =	vadd.s32 v60, v58;
	v16 =	vadd.s32 $0xFFFF8000, v16;
	v20 =	vshll.u32 v20, $0xF;
	[tilespmem:v39+s16+$0x0] =	vst.idx.msk vm10, v19  }
0x2ee: {  	v16 =	vor.u32 v18, v16;
	v18 =	vadd.s32 $0xFFFF8000, v20;
	v14 =	vshll.u32 v14, $0xF;
	[tilespmem:v26+s17+$0x0] =	vst.idx.msk vm15, v22  }
0x2ef: {  	v13 =	vor.u32 v13, v18;
	v18 =	vadd.s32 $0xFFFF8000, v63;
	v14 =	vadd.s32 $0xFFFF8000, v14;
	[tilespmem:s23+$0x10010] =	vst v16  }
0x2f0: {  	v10 =	vor.u32 v10, v14;
	v16 =	vor.u32 v17, v18;
	v17 =	vshll.u32 v61, $0xF;
	[tilespmem:s23+$0x11010] =	vst v13  }
0x2f1: {  	v14 =	vshll.u32 v62, $0xF;
	[tilespmem:s23+$0x13010] =	vst v10;
	v13 =	vadd.s32 $0xFFFF8000, v17  }
0x2f2: {  	[tilespmem:s23+$0x12010] =	vst v16;
	v12 =	vor.u32 v12, v13;
	v13 =	vadd.s32 $0xFFFF8000, v14;
	v14 =	vshll.u32 v19, $0xF  }
0x2f3: {  	v10 =	vor.u32 v15, v13;
	v13 =	vshll.u32 v22, $0xF;
	v14 =	vadd.s32 $0xFFFF8000, v14;
	[tilespmem:s23+$0x14010] =	vst v12  }
0x2f4: {  	v12 =	vadd.s32 $0xFFFF8000, v13;
	v11 =	vor.u32 v11, v14;
	[tilespmem:s23+$0x15010] =	vst v10  }
0x2f5: {  	v9 =	vor.u32 v9, v12;
	[tilespmem:s23+$0x16010] =	vst v11  }
0x2f6: {  	[tilespmem:s23+$0x17010] =	vst v9  }
0x2f7: {  	v9 =	vld [tilespmem:s22+$0x18000]  }
0x2f8: {  	v10 =	vld [tilespmem:s22+$0x18800]  }
0x2f9: {  	v11 =	vld [tilespmem:s22+$0x19000]  }
0x2fa: {  	v12 =	vld [tilespmem:s22+$0x19800]  }
0x2fb: {  	v13 =	vld [tilespmem:s22+$0x1A000]  }
0x2fc: {  	v14 =	vld [tilespmem:s22+$0x1A800]  }
0x2fd: {  	v16 =	vld [tilespmem:s22+$0x1B000];
	v15 =	vadd.s32 v9, v10  }
0x2fe: {  	v17 =	vld [tilespmem:s22+$0x1B800];
	v15 =	vadd.s32 v11, v15  }
0x2ff: {  	v15 =	vadd.s32 v12, v15  }
0x300: {  	v15 =	vadd.s32 v13, v15  }
0x301: {  	v15 =	vadd.s32 v14, v15  }
0x302: {  	v15 =	vadd.s32 v16, v15  }
0x303: {  	v15 =	vadd.s32 v17, v15  }
0x304: {  	(xrf0) =	vadd.scan.msk.s32 $0xffff, v15;
	_ =	sdelay $0x5  }
0x305: {  	v17, _, _ =	vpop (xrf0)  }
0x306: {  	v15 =	vsub.s32 v17, v15  }
0x307: {  	(v2sf) =	vpush v17, $0xF;
	v15 =	vadd.s32 s21, v15  }
0x308: {  	s0 =	simm.s32 $0x10;
	[tilespmem:s22+$0x18000] =	vst v15;
	v15 =	vadd.s32 v9, v15  }
0x309: {  	v9 =	vld [tilespmem:s0+$0x18000];
	[tilespmem:s22+$0x18800] =	vst v15;
	v15 =	vadd.s32 v10, v15  }
0x30a: {  	v10 =	vld [tilespmem:s0+$0x18800];
	[tilespmem:s22+$0x19000] =	vst v15;
	v15 =	vadd.s32 v11, v15  }
0x30b: {  	v11 =	vld [tilespmem:s0+$0x19000];
	[tilespmem:s22+$0x19800] =	vst v15;
	v15 =	vadd.s32 v12, v15  }
0x30c: {  	v12 =	vld [tilespmem:s0+$0x19800];
	[tilespmem:s22+$0x1A000] =	vst v15;
	v15 =	vadd.s32 v13, v15  }
0x30d: {  	v13 =	vld [tilespmem:s0+$0x1A000];
	[tilespmem:s22+$0x1A800] =	vst v15;
	v18 =	vadd.s32 v14, v15  }
0x30e: {  	v14 =	vld [tilespmem:s0+$0x1A800];
	[tilespmem:s22+$0x1B000] =	vst v18  }
0x30f: {  	v16 =	vadd.s32 v16, v18;
	v15 =	vld [tilespmem:s0+$0x1B000];
	v19 =	vadd.s32 v9, v10  }
0x310: {  	[tilespmem:s22+$0x1B800] =	vst v16;
	v19 =	vadd.s32 v11, v19  }
0x311: {  	v16 =	vld [tilespmem:s0+$0x1B800];
	v19 =	vadd.s32 v12, v19  }
0x312: {  	v18 =	vadd.s32 v13, v19  }
0x313: {  	v18 =	vadd.s32 v14, v18  }
0x314: {  	s1 =	simm.s32 $0x80;
	v17 =	vadd.s32 v15, v18  }
.LBB2_14:
0x315: {  	p0 =	sne.s32 s1, $0x1FC0  }
0x316: {  	v16 =	vadd.s32 v16, v17;
	s3 =	spop (v2sf);
	s4 =	smov.u32 s1;
	s1 =	sadd.s32 $0x40, s1  }
0x317: {  	(xrf0) =	vadd.scan.msk.s32 $0xffff, v16;
	s21 =	sadd.s32 s21, s3;
	_ =	sdelay $0x5  }
0x318: {  	v17, _, _ =	vpop (xrf0)  }
0x319: {  	v16 =	vsub.s32 v17, v16;
	(v2sf) =	vpush v17, $0xF  }
0x31a: {  	v16 =	vadd.s32 s21, v16  }
0x31b: {  	s3 =	sshra.s32 s4, $0x2;
	[tilespmem:s0+$0x18000] =	vst v16;
	v16 =	vadd.s32 v9, v16  }
0x31c: {  	v9 =	vld [tilespmem:s3+$0x18000];
	[tilespmem:s0+$0x18800] =	vst v16;
	v16 =	vadd.s32 v10, v16  }
0x31d: {  	v10 =	vld [tilespmem:s3+$0x18800];
	[tilespmem:s0+$0x19000] =	vst v16;
	v16 =	vadd.s32 v11, v16  }
0x31e: {  	v11 =	vld [tilespmem:s3+$0x19000];
	[tilespmem:s0+$0x19800] =	vst v16;
	v16 =	vadd.s32 v12, v16  }
0x31f: {  	v12 =	vld [tilespmem:s3+$0x19800];
	[tilespmem:s0+$0x1A000] =	vst v16;
	v16 =	vadd.s32 v13, v16  }
0x320: {  	v13 =	vld [tilespmem:s3+$0x1A000];
	[tilespmem:s0+$0x1A800] =	vst v16;
	v16 =	vadd.s32 v14, v16  }
0x321: {  	v14 =	vld [tilespmem:s3+$0x1A800];
	[tilespmem:s0+$0x1B000] =	vst v16;
	v16 =	vadd.s32 v15, v16  }
0x322: {  	v15 =	vld [tilespmem:s3+$0x1B000];
	v17 =	vadd.s32 v9, v10;
	[tilespmem:s0+$0x1B800] =	vst v16;
	s0 =	smov.u32 s3  }
.Ltmp6:
0x323: {  	v16 =	vld [tilespmem:s0+$0x1B800];
	v17 =	vadd.s32 v11, v17;
	(pc) =	sbr.rel @p0 .LBB2_14-.Ltmp6, $4  }
0x324: {  	v17 =	vadd.s32 v12, v17  }
0x325: {  	v17 =	vadd.s32 v13, v17  }
0x326: {  	v17 =	vadd.s32 v14, v17  }
0x327: {  	v17 =	vadd.s32 v15, v17  }
0x328: {  	v16 =	vadd.s32 v16, v17  }
0x329: {  	(xrf0) =	vadd.scan.msk.s32 $0xffff, v16;
	_ =	sdelay $0x5  }
0x32a: {  	s1 =	spop (v2sf);
	v33, _, _ =	vpop (xrf0)  }
0x32b: {  	s1 =	sadd.s32 s21, s1;
	v16 =	vsub.s32 v33, v16  }
0x32c: {  	v16 =	vadd.s32 s1, v16  }
0x32d: {  	[tilespmem:s0+$0x18000] =	vst v16;
	v9 =	vadd.s32 v9, v16  }
0x32e: {  	[tilespmem:s0+$0x18800] =	vst v9;
	v9 =	vadd.s32 v10, v9  }
0x32f: {  	[tilespmem:s0+$0x19000] =	vst v9;
	v9 =	vadd.s32 v11, v9  }
0x330: {  	[tilespmem:s0+$0x19800] =	vst v9;
	v9 =	vadd.s32 v12, v9  }
0x331: {  	[tilespmem:s0+$0x1A000] =	vst v9;
	v9 =	vadd.s32 v13, v9  }
0x332: {  	[tilespmem:s0+$0x1A800] =	vst v9;
	v9 =	vadd.s32 v14, v9  }
0x333: {  	[tilespmem:s0+$0x1B000] =	vst v9;
	v9 =	vadd.s32 v15, v9  }
0x334: {  	s29 =	simm.s32 $0x17010;
	[tilespmem:s0+$0x1B800] =	vst v9  }
0x335: {  	v35 =	vld [tilespmem:s29+$0xFFFF8FF0]  }
0x336: {  	v16 =	vld [tilespmem:s29+$0xFFFF9000]  }
0x337: {  	v15 =	vld [tilespmem:s29+$0xFFFFA000]  }
0x338: {  	v14 =	vld [tilespmem:s29+$0xFFFFB000]  }
0x339: {  	v13 =	vld [tilespmem:s29+$0xFFFFC000]  }
0x33a: {  	v12 =	vld [tilespmem:s29+$0xFFFFD000]  }
0x33b: {  	v11 =	vld [tilespmem:s29+$0xFFFFE000]  }
0x33c: {  	s21 =	simm.s32 $0x0;
	v10 =	vld [tilespmem:s29+$0xFFFFF000]  }
0x33d: {  	s30 =	sand.u32 $0xFE0, s21;
	v9 =	vld [tilespmem:s29+$0x0]  }
0x33e: {  	v39 =	vld [tilespmem:s30+$0x11000]  }
0x33f: {  	v40 =	vld [tilespmem:s30+$0x12000]  }
0x340: {  	v41 =	vld [tilespmem:s30+$0x13000];
	v50 =	vand.u32 $0x7FFF, v35  }
0x341: {  	v45 =	vld [tilespmem:s30+$0x14000];
	v24 =	vand.u32 $0x7FFF, v16  }
0x342: {  	v47 =	vld [tilespmem:s30+$0x15000];
	v21 =	vand.u32 $0x7FFF, v15  }
0x343: {  	v49 =	vld [tilespmem:s30+$0x16000];
	v22 =	vand.u32 $0x7FFF, v14  }
0x344: {  	v25 =	vld [tilespmem:s30+$0x17000];
	v23 =	vand.u32 $0x7FFF, v13  }
0x345: {  	v17 =	vand.u32 $0x7FFF, v12;
	v34 =	vld.idx.msk [tilespmem:v50+s2+$0x0], $0xffff  }
0x346: {  	v18 =	vand.u32 $0x7FFF, v11;
	v36 =	vld.idx.msk [tilespmem:v24+s2+$0x0], $0xffff  }
0x347: {  	v19 =	vand.u32 $0x7FFF, v10;
	v37 =	vld.idx.msk [tilespmem:v21+s2+$0x0], $0xffff  }
0x348: {  	v20 =	vand.u32 $0x7FFF, v9;
	v38 =	vld.idx.msk [tilespmem:v22+s2+$0x0], $0xffff  }
0x349: {  	v32 =	vand.u32 $0x7FFF, v39;
	v42 =	vld.idx.msk [tilespmem:v23+s2+$0x0], $0xffff  }
0x34a: {  	v31 =	vand.u32 $0x7FFF, v40;
	v43 =	vld.idx.msk [tilespmem:v17+s2+$0x0], $0xffff  }
0x34b: {  	v30 =	vand.u32 $0x7FFF, v41;
	v44 =	vld.idx.msk [tilespmem:v18+s2+$0x0], $0xffff  }
0x34c: {  	v29 =	vand.u32 $0x7FFF, v45;
	v46 =	vld.idx.msk [tilespmem:v19+s2+$0x0], $0xffff  }
0x34d: {  	v28 =	vand.u32 $0x7FFF, v47;
	v48 =	vld.idx.msk [tilespmem:v20+s2+$0x0], $0xffff  }
0x34e: {  	v27 =	vand.u32 $0x7FFF, v49;
	v51 =	vld.idx.msk [tilespmem:v32+s2+$0x0], $0xffff  }
0x34f: {  	v26 =	vand.u32 $0x7FFF, v25;
	v52 =	vld.idx.msk [tilespmem:v31+s2+$0x0], $0xffff;
	v34 =	vshrl.u32 v34, $0xB  }
0x350: {  	v53 =	vld.idx.msk [tilespmem:v30+s2+$0x0], $0xffff;
	v36 =	vshrl.u32 v36, $0xB;
	v34 =	vand.u32 $0x7FF, v34  }
0x351: {  	v54 =	vld.idx.msk [tilespmem:v29+s2+$0x0], $0xffff;
	v37 =	vshrl.u32 v37, $0xB;
	v36 =	vand.u32 $0x7FF, v36  }
0x352: {  	v55 =	vld.idx.msk [tilespmem:v28+s2+$0x0], $0xffff;
	v38 =	vshrl.u32 v38, $0xB;
	v37 =	vand.u32 $0x7FF, v37  }
0x353: {  	v56 =	vld.idx.msk [tilespmem:v27+s2+$0x0], $0xffff;
	v63 =	vshrl.u32 v42, $0xB;
	v57 =	vand.u32 $0x7FF, v38  }
0x354: {  	v42 =	vld.idx.msk [tilespmem:v26+s2+$0x0], $0xffff;
	v51 =	vshrl.u32 v51, $0xB;
	v58 =	vand.u32 $0x7FF, v63  }
0x355: {  	(v2sf) =	vpush v33, $0xF;
	v52 =	vshrl.u32 v52, $0xB;
	v51 =	vand.u32 $0x7FF, v51;
	v59 =	vld.idx.msk [tilespmem:v34+s10+$0x0], $0xffff  }
0x356: {  	v60 =	vshrl.u32 v53, $0xB;
	v33 =	vand.u32 $0x7FF, v52;
	v38 =	vld.idx.msk [tilespmem:v36+s10+$0x0], $0xffff  }
0x357: {  	v61 =	vshrl.u32 v54, $0xB;
	v52 =	vand.u32 $0x7FF, v60;
	v37 =	vld.idx.msk [tilespmem:v37+s11+$0x0], $0xffff  }
0x358: {  	v62 =	vshrl.u32 v55, $0xB;
	v53 =	vand.u32 $0x7FF, v61;
	v36 =	vld.idx.msk [tilespmem:v57+s12+$0x0], $0xffff  }
0x359: {  	v63 =	vand.u32 $0x7FF, v62;
	v60 =	vshrl.u32 v56, $0xB;
	v34 =	vld.idx.msk [tilespmem:v58+s13+$0x0], $0xffff  }
0x35a: {  	v55 =	vand.u32 $0x7FF, v60;
	v42 =	vshrl.u32 v42, $0xB;
	v51 =	vld.idx.msk [tilespmem:v51+s11+$0x0], $0xffff  }
0x35b: {  	v43 =	vshrl.u32 v43, $0xB;
	v33 =	vld.idx.msk [tilespmem:v33+s12+$0x0], $0xffff;
	v42 =	vand.u32 $0x7FF, v42  }
0x35c: {  	v56 =	vand.u32 $0x7FF, v43;
	v61 =	vshrl.u32 v44, $0xB;
	v52 =	vld.idx.msk [tilespmem:v52+s13+$0x0], $0xffff  }
0x35d: {  	v62 =	vshrl.u32 v46, $0xB;
	v53 =	vld.idx.msk [tilespmem:v53+s14+$0x0], $0xffff;
	v57 =	vand.u32 $0x7FF, v61  }
0x35e: {  	v35 =	vshrl.u32 v35, $0xF;
	v48 =	vshrl.u32 v48, $0xB;
	v54 =	vld.idx.msk [tilespmem:v63+s15+$0x0], $0xffff;
	v63 =	vand.u32 $0x7FF, v62  }
0x35f: {  	v39 =	vshrl.u32 v39, $0xF;
	v60 =	vand.u32 $0x7FF, v48;
	v43 =	vld.idx.msk [tilespmem:v55+s16+$0x0], $0xffff;
	v35 =	vadd.s32 v35, v59  }
0x360: {  	v61 =	vshrl.u32 v40, $0xF;
	v44 =	vld.idx.msk [tilespmem:v42+s17+$0x0], $0xffff;
	v48 =	vadd.s32 v39, v51  }
0x361: {  	v41 =	vshrl.u32 v41, $0xF;
	v42 =	vld.idx.msk [tilespmem:v56+s14+$0x0], $0xffff;
	v46 =	vadd.s32 v61, v33  }
0x362: {  	v62 =	vshrl.u32 v45, $0xF;
	v40 =	vld.idx.msk [tilespmem:v57+s15+$0x0], $0xffff;
	v45 =	vadd.s32 v41, v52  }
0x363: {  	v39 =	vld.idx.msk [tilespmem:v63+s16+$0x0], $0xffff;
	v63 =	vshrl.u32 v47, $0xF;
	v47 =	vadd.s32 v62, v53  }
0x364: {  	s22 =	simm.s32 $0x0;
	s23 =	simm.s32 $0x17030;
	s31 =	spop (v2sf);
	v49 =	vshrl.u32 v49, $0xF;
	v41 =	vld.idx.msk [tilespmem:v60+s17+$0x0], $0xffff;
	[tilespmem:v35+s18+$0x0] =	vst.idx.msk $0xffff, v50;
	v35 =	vadd.s32 v63, v54  }
.LBB2_16:
0x365: {  	v33 =	vld [tilespmem:s23+$0xFFFF8FF0];
	v25 =	vshrl.u32 v25, $0xF;
	[tilespmem:v48+s18+$0x0] =	vst.idx.msk $0xffff, v32;
	v32 =	vadd.s32 v49, v43  }
0x366: {  	v43 =	vshrl.u32 v16, $0xF;
	v16 =	vld [tilespmem:s23+$0xFFFF9000];
	[tilespmem:v46+s18+$0x0] =	vst.idx.msk $0xffff, v31;
	v25 =	vadd.s32 v25, v44  }
0x367: {  	v31 =	vshrl.u32 v15, $0xF;
	v15 =	vld [tilespmem:s23+$0xFFFFA000];
	[tilespmem:v45+s18+$0x0] =	vst.idx.msk $0xffff, v30;
	v30 =	vadd.s32 v43, v38  }
0x368: {  	v38 =	vshrl.u32 v14, $0xF;
	v14 =	vld [tilespmem:s23+$0xFFFFB000];
	[tilespmem:v47+s18+$0x0] =	vst.idx.msk $0xffff, v29;
	v29 =	vadd.s32 v31, v37  }
0x369: {  	v31 =	vshrl.u32 v13, $0xF;
	v13 =	vld [tilespmem:s23+$0xFFFFC000];
	[tilespmem:v35+s18+$0x0] =	vst.idx.msk $0xffff, v28;
	v28 =	vadd.s32 v38, v36  }
0x36a: {  	v35 =	vshrl.u32 v12, $0xF;
	v12 =	vld [tilespmem:s23+$0xFFFFD000];
	[tilespmem:v32+s18+$0x0] =	vst.idx.msk $0xffff, v27;
	v27 =	vadd.s32 v31, v34  }
0x36b: {  	v31 =	vshrl.u32 v11, $0xF;
	v11 =	vld [tilespmem:s23+$0xFFFFE000];
	[tilespmem:v25+s18+$0x0] =	vst.idx.msk $0xffff, v26;
	v25 =	vadd.s32 v35, v42  }
0x36c: {  	s21 =	sadd.s32 $0x20, s21;
	v26 =	vshrl.u32 v10, $0xF;
	v10 =	vld [tilespmem:s23+$0xFFFFF000];
	[tilespmem:v30+s18+$0x0] =	vst.idx.msk $0xffff, v24;
	v30 =	vadd.s32 v31, v40  }
0x36d: {  	s0 =	sand.u32 $0xFE0, s21;
	v24 =	vshrl.u32 v9, $0xF;
	v26 =	vadd.s32 v26, v39;
	v9 =	vld [tilespmem:s23+$0x0];
	[tilespmem:v29+s18+$0x0] =	vst.idx.msk $0xffff, v21  }
0x36e: {  	v39 =	vld [tilespmem:s0+$0x11000];
	[tilespmem:v28+s18+$0x0] =	vst.idx.msk $0xffff, v22;
	v28 =	vadd.s32 v24, v41  }
0x36f: {  	v40 =	vld [tilespmem:s0+$0x12000];
	[tilespmem:v27+s18+$0x0] =	vst.idx.msk $0xffff, v23  }
0x370: {  	v35 =	vand.u32 $0x7FFF, v33;
	v41 =	vld [tilespmem:s0+$0x13000];
	[tilespmem:v25+s18+$0x0] =	vst.idx.msk $0xffff, v17  }
0x371: {  	v24 =	vand.u32 $0x7FFF, v16;
	v45 =	vld [tilespmem:s0+$0x14000];
	[tilespmem:v30+s18+$0x0] =	vst.idx.msk $0xffff, v18  }
0x372: {  	v21 =	vand.u32 $0x7FFF, v15;
	v47 =	vld [tilespmem:s0+$0x15000];
	[tilespmem:v26+s18+$0x0] =	vst.idx.msk $0xffff, v19  }
0x373: {  	v22 =	vand.u32 $0x7FFF, v14;
	v49 =	vld [tilespmem:s0+$0x16000];
	[tilespmem:v28+s18+$0x0] =	vst.idx.msk $0xffff, v20  }
0x374: {  	v23 =	vand.u32 $0x7FFF, v13;
	v25 =	vld [tilespmem:s0+$0x17000]  }
0x375: {  	v17 =	vand.u32 $0x7FFF, v12;
	v34 =	vld.idx.msk [tilespmem:v35+s2+$0x0], $0xffff  }
0x376: {  	v18 =	vand.u32 $0x7FFF, v11;
	v36 =	vld.idx.msk [tilespmem:v24+s2+$0x0], $0xffff  }
0x377: {  	v19 =	vand.u32 $0x7FFF, v10;
	v37 =	vld.idx.msk [tilespmem:v21+s2+$0x0], $0xffff  }
0x378: {  	v20 =	vand.u32 $0x7FFF, v9;
	v38 =	vld.idx.msk [tilespmem:v22+s2+$0x0], $0xffff  }
0x379: {  	v32 =	vand.u32 $0x7FFF, v39;
	v42 =	vld.idx.msk [tilespmem:v23+s2+$0x0], $0xffff  }
0x37a: {  	v31 =	vand.u32 $0x7FFF, v40;
	v43 =	vld.idx.msk [tilespmem:v17+s2+$0x0], $0xffff  }
0x37b: {  	v30 =	vand.u32 $0x7FFF, v41;
	v44 =	vld.idx.msk [tilespmem:v18+s2+$0x0], $0xffff  }
0x37c: {  	v29 =	vand.u32 $0x7FFF, v45;
	v46 =	vld.idx.msk [tilespmem:v19+s2+$0x0], $0xffff  }
0x37d: {  	v28 =	vand.u32 $0x7FFF, v47;
	v48 =	vld.idx.msk [tilespmem:v20+s2+$0x0], $0xffff  }
0x37e: {  	v27 =	vand.u32 $0x7FFF, v49;
	v50 =	vld.idx.msk [tilespmem:v32+s2+$0x0], $0xffff  }
0x37f: {  	v26 =	vand.u32 $0x7FFF, v25;
	v34 =	vshrl.u32 v34, $0xB;
	v51 =	vld.idx.msk [tilespmem:v31+s2+$0x0], $0xffff  }
0x380: {  	v34 =	vand.u32 $0x7FF, v34;
	v36 =	vshrl.u32 v36, $0xB;
	v52 =	vld.idx.msk [tilespmem:v30+s2+$0x0], $0xffff  }
0x381: {  	s22 =	sadd.s32 $0x2, s22;
	v36 =	vand.u32 $0x7FF, v36;
	v37 =	vshrl.u32 v37, $0xB;
	v53 =	vld.idx.msk [tilespmem:v29+s2+$0x0], $0xffff  }
0x382: {  	p0 =	slt.u32 s22, $0xFE;
	v37 =	vand.u32 $0x7FF, v37;
	v38 =	vshrl.u32 v38, $0xB;
	v54 =	vld.idx.msk [tilespmem:v28+s2+$0x0], $0xffff  }
0x383: {  	v56 =	vand.u32 $0x7FF, v38;
	v38 =	vshrl.u32 v42, $0xB;
	v55 =	vld.idx.msk [tilespmem:v27+s2+$0x0], $0xffff  }
0x384: {  	v57 =	vand.u32 $0x7FF, v38;
	v50 =	vshrl.u32 v50, $0xB;
	v42 =	vld.idx.msk [tilespmem:v26+s2+$0x0], $0xffff  }
0x385: {  	v50 =	vand.u32 $0x7FF, v50;
	v58 =	vld.idx.msk [tilespmem:v34+s10+$0x0], $0xffff;
	v34 =	vshrl.u32 v51, $0xB  }
0x386: {  	v51 =	vand.u32 $0x7FF, v34;
	v34 =	vshrl.u32 v52, $0xB;
	v38 =	vld.idx.msk [tilespmem:v36+s10+$0x0], $0xffff  }
0x387: {  	v52 =	vand.u32 $0x7FF, v34;
	v34 =	vshrl.u32 v53, $0xB;
	v37 =	vld.idx.msk [tilespmem:v37+s11+$0x0], $0xffff  }
0x388: {  	v53 =	vand.u32 $0x7FF, v34;
	v34 =	vshrl.u32 v54, $0xB;
	v36 =	vld.idx.msk [tilespmem:v56+s12+$0x0], $0xffff  }
0x389: {  	v55 =	vshrl.u32 v55, $0xB;
	v54 =	vand.u32 $0x7FF, v34;
	v34 =	vld.idx.msk [tilespmem:v57+s13+$0x0], $0xffff  }
0x38a: {  	v55 =	vand.u32 $0x7FF, v55;
	v42 =	vshrl.u32 v42, $0xB;
	v50 =	vld.idx.msk [tilespmem:v50+s11+$0x0], $0xffff  }
0x38b: {  	v43 =	vshrl.u32 v43, $0xB;
	v42 =	vand.u32 $0x7FF, v42;
	v51 =	vld.idx.msk [tilespmem:v51+s12+$0x0], $0xffff  }
0x38c: {  	v56 =	vand.u32 $0x7FF, v43;
	v43 =	vshrl.u32 v44, $0xB;
	v52 =	vld.idx.msk [tilespmem:v52+s13+$0x0], $0xffff  }
0x38d: {  	v57 =	vand.u32 $0x7FF, v43;
	v43 =	vshrl.u32 v46, $0xB;
	v53 =	vld.idx.msk [tilespmem:v53+s14+$0x0], $0xffff  }
0x38e: {  	v33 =	vshrl.u32 v33, $0xF;
	v44 =	vshrl.u32 v48, $0xB;
	v59 =	vand.u32 $0x7FF, v43;
	v54 =	vld.idx.msk [tilespmem:v54+s15+$0x0], $0xffff  }
0x38f: {  	v39 =	vshrl.u32 v39, $0xF;
	v33 =	vadd.s32 v33, v58;
	v43 =	vld.idx.msk [tilespmem:v55+s16+$0x0], $0xffff;
	v55 =	vand.u32 $0x7FF, v44  }
.Ltmp7:
0x390: {  	v40 =	vshrl.u32 v40, $0xF;
	v48 =	vadd.s32 v39, v50;
	v44 =	vld.idx.msk [tilespmem:v42+s17+$0x0], $0xffff;
	(pc) =	sbr.rel @p0 .LBB2_16-.Ltmp7, $4  }
0x391: {  	v39 =	vshrl.u32 v41, $0xF;
	v46 =	vadd.s32 v40, v51;
	v42 =	vld.idx.msk [tilespmem:v56+s14+$0x0], $0xffff  }
0x392: {  	v41 =	vshrl.u32 v45, $0xF;
	v45 =	vadd.s32 v39, v52;
	v40 =	vld.idx.msk [tilespmem:v57+s15+$0x0], $0xffff  }
0x393: {  	v50 =	vshrl.u32 v47, $0xF;
	v47 =	vadd.s32 v41, v53;
	v39 =	vld.idx.msk [tilespmem:v59+s16+$0x0], $0xffff  }
0x394: {  	s23 =	sadd.s32 $0x20, s23;
	v49 =	vshrl.u32 v49, $0xF;
	v41 =	vld.idx.msk [tilespmem:v55+s17+$0x0], $0xffff;
	[tilespmem:v33+s18+$0x0] =	vst.idx.msk $0xffff, v35;
	v35 =	vadd.s32 v50, v54  }
0x395: {  	_ =	sdelay $0x3  }
0x396: {  	v25 =	vshrl.u32 v25, $0xF;
	[tilespmem:v48+s18+$0x0] =	vst.idx.msk $0xffff, v32;
	v63 =	vadd.s32 v49, v43  }
0x397: {  	v16 =	vshrl.u32 v16, $0xF;
	[tilespmem:v46+s18+$0x0] =	vst.idx.msk $0xffff, v31;
	v25 =	vadd.s32 v25, v44  }
0x398: {  	v15 =	vshrl.u32 v15, $0xF;
	v16 =	vadd.s32 v16, v38;
	[tilespmem:v45+s18+$0x0] =	vst.idx.msk $0xffff, v30  }
0x399: {  	v14 =	vshrl.u32 v14, $0xF;
	v15 =	vadd.s32 v15, v37;
	[tilespmem:v47+s18+$0x0] =	vst.idx.msk $0xffff, v29  }
0x39a: {  	v13 =	vshrl.u32 v13, $0xF;
	v14 =	vadd.s32 v14, v36;
	[tilespmem:v35+s18+$0x0] =	vst.idx.msk $0xffff, v28  }
0x39b: {  	v12 =	vshrl.u32 v12, $0xF;
	v13 =	vadd.s32 v13, v34;
	[tilespmem:v63+s18+$0x0] =	vst.idx.msk $0xffff, v27  }
0x39c: {  	v11 =	vshrl.u32 v11, $0xF;
	v12 =	vadd.s32 v12, v42;
	[tilespmem:v25+s18+$0x0] =	vst.idx.msk $0xffff, v26  }
0x39d: {  	v10 =	vshrl.u32 v10, $0xF;
	v11 =	vadd.s32 v11, v40;
	[tilespmem:v16+s18+$0x0] =	vst.idx.msk $0xffff, v24  }
0x39e: {  	v9 =	vshrl.u32 v9, $0xF;
	v10 =	vadd.s32 v10, v39;
	[tilespmem:v15+s18+$0x0] =	vst.idx.msk $0xffff, v21  }
0x39f: {  	v9 =	vadd.s32 v9, v41;
	[tilespmem:v14+s18+$0x0] =	vst.idx.msk $0xffff, v22  }
0x3a0: {  	[tilespmem:v13+s18+$0x0] =	vst.idx.msk $0xffff, v23  }
0x3a1: {  	[tilespmem:v12+s18+$0x0] =	vst.idx.msk $0xffff, v17  }
0x3a2: {  	[tilespmem:v11+s18+$0x0] =	vst.idx.msk $0xffff, v18  }
0x3a3: {  	[tilespmem:v10+s18+$0x0] =	vst.idx.msk $0xffff, v19  }
0x3a4: {  	s0 =	simm.s32 $0x18040;
	[tilespmem:v9+s18+$0x0] =	vst.idx.msk $0xffff, v20  }
0x3a5: {  	[tilespmem:s0+$0xFFFFFFE0] =	vst v0  }
0x3a6: {  	[tilespmem:s0+$0xFFFFFFF0] =	vst v0  }
0x3a7: {  	[tilespmem:s0+$0x10] =	vst v0  }
0x3a8: {  	[tilespmem:s0+$0xFFFFFFD0] =	vst v0  }
0x3a9: {  	[tilespmem:s0+$0x0] =	vst v0  }
0x3aa: {  	[tilespmem:s0+$0x30] =	vst v0  }
0x3ab: {  	[tilespmem:s0+$0xFFFFFFC0] =	vst v0  }
0x3ac: {  	s28 =	simm.s32 $0x18840;
	[tilespmem:s0+$0x20] =	vst v0  }
0x3ad: {  	[tilespmem:s28+$0x20] =	vst v0  }
0x3ae: {  	[tilespmem:s28+$0xFFFFFFC0] =	vst v0  }
0x3af: {  	[tilespmem:s28+$0x30] =	vst v0  }
0x3b0: {  	[tilespmem:s28+$0x0] =	vst v0  }
0x3b1: {  	[tilespmem:s28+$0xFFFFFFD0] =	vst v0  }
0x3b2: {  	s29 =	simm.s32 $0x19040;
	[tilespmem:s28+$0x10] =	vst v0  }
0x3b3: {  	[tilespmem:s29+$0x20] =	vst v0  }
0x3b4: {  	[tilespmem:s29+$0xFFFFFFC0] =	vst v0  }
0x3b5: {  	[tilespmem:s29+$0x30] =	vst v0  }
0x3b6: {  	[tilespmem:s29+$0x10] =	vst v0  }
0x3b7: {  	[tilespmem:s29+$0xFFFFFFD0] =	vst v0  }
0x3b8: {  	s26 =	simm.s32 $0x19840;
	[tilespmem:s29+$0x0] =	vst v0  }
0x3b9: {  	[tilespmem:s26+$0x20] =	vst v0  }
0x3ba: {  	[tilespmem:s26+$0x30] =	vst v0  }
0x3bb: {  	[tilespmem:s26+$0xFFFFFFC0] =	vst v0  }
0x3bc: {  	s25 =	simm.s32 $0x1A040;
	[tilespmem:s26+$0x10] =	vst v0  }
0x3bd: {  	[tilespmem:s25+$0x20] =	vst v0  }
0x3be: {  	[tilespmem:s25+$0xFFFFFFC0] =	vst v0  }
0x3bf: {  	s23 =	simm.s32 $0x1A840;
	[tilespmem:s25+$0x30] =	vst v0  }
0x3c0: {  	[tilespmem:s23+$0x20] =	vst v0  }
0x3c1: {  	s22 =	simm.s32 $0x1B040;
	[tilespmem:s23+$0xFFFFFFC0] =	vst v0  }
0x3c2: {  	s24 =	simm.s32 $0x1B840;
	[tilespmem:s22+$0x20] =	vst v0  }
0x3c3: {  	s31 =	simm.s32 $0x0;
	s1 =	simm.s32 $0x1B0C0;
	s3 =	simm.s32 $0x1B8C0;
	[tilespmem:s22+$0xFFFFFFC0] =	vst v0  }
0x3c4: {  	s4 =	simm.s32 $0x180C0;
	s5 =	simm.s32 $0x198C0;
	s6 =	simm.s32 $0x1A0C0;
	[tilespmem:s24+$0x20] =	vst v0  }
0x3c5: {  	s19 =	simm.s32 $0x18840;
	s30 =	simm.s32 $0x19040;
	s0 =	simm.s32 $0x1A8C0;
	[tilespmem:s24+$0xFFFFFFC0] =	vst v0  }
.LBB2_18:
0x3c6: {  	s31 =	sadd.s32 $0x8, s31;
	[tilespmem:s26+$0x0] =	vst v0;
	s28 =	sadd.s32 $0x80, s28;
	s29 =	sadd.s32 $0x80, s29  }
0x3c7: {  	p0 =	slt.u32 s31, $0x38;
	[tilespmem:s19+$0xFFFFFFE0] =	vst v0  }
0x3c8: {  	[tilespmem:s25+$0x10] =	vst v0  }
0x3c9: {  	[tilespmem:s23+$0x10] =	vst v0  }
0x3ca: {  	[tilespmem:s26+$0xFFFFFFD0] =	vst v0  }
0x3cb: {  	[tilespmem:s19+$0xFFFFFFF0] =	vst v0;
	s19 =	smov.u32 s28  }
0x3cc: {  	[tilespmem:s25+$0x0] =	vst v0  }
0x3cd: {  	[tilespmem:s23+$0x0] =	vst v0  }
0x3ce: {  	[tilespmem:s22+$0x0] =	vst v0  }
0x3cf: {  	[tilespmem:s24+$0x0] =	vst v0  }
0x3d0: {  	[tilespmem:s30+$0xFFFFFFE0] =	vst v0  }
0x3d1: {  	[tilespmem:s22+$0x10] =	vst v0  }
0x3d2: {  	[tilespmem:s23+$0x30] =	vst v0  }
0x3d3: {  	[tilespmem:s25+$0xFFFFFFD0] =	vst v0  }
0x3d4: {  	[tilespmem:s30+$0xFFFFFFF0] =	vst v0;
	s30 =	smov.u32 s29  }
0x3d5: {  	[tilespmem:s23+$0xFFFFFFD0] =	vst v0  }
0x3d6: {  	[tilespmem:s26+$0xFFFFFFF0] =	vst v0  }
0x3d7: {  	[tilespmem:s25+$0xFFFFFFF0] =	vst v0  }
0x3d8: {  	[tilespmem:s24+$0x10] =	vst v0  }
0x3d9: {  	[tilespmem:s26+$0xFFFFFFE0] =	vst v0;
	s26 =	smov.u32 s5  }
0x3da: {  	[tilespmem:s22+$0x30] =	vst v0  }
0x3db: {  	[tilespmem:s24+$0x30] =	vst v0  }
0x3dc: {  	[tilespmem:s22+$0xFFFFFFD0] =	vst v0  }
0x3dd: {  	[tilespmem:s25+$0xFFFFFFE0] =	vst v0;
	s25 =	smov.u32 s6  }
0x3de: {  	[tilespmem:s23+$0xFFFFFFE0] =	vst v0  }
0x3df: {  	[tilespmem:s24+$0xFFFFFFD0] =	vst v0  }
0x3e0: {  	[tilespmem:s23+$0xFFFFFFF0] =	vst v0;
	s23 =	smov.u32 s0  }
0x3e1: {  	[tilespmem:s22+$0xFFFFFFE0] =	vst v0  }
0x3e2: {  	[tilespmem:s24+$0xFFFFFFE0] =	vst v0  }
0x3e3: {  	[tilespmem:s22+$0xFFFFFFF0] =	vst v0;
	s22 =	smov.u32 s1  }
0x3e4: {  	[tilespmem:s24+$0xFFFFFFF0] =	vst v0;
	s24 =	smov.u32 s3  }
0x3e5: {  	[tilespmem:s4+$0xFFFFFFE0] =	vst v0  }
0x3e6: {  	[tilespmem:s4+$0xFFFFFFF0] =	vst v0  }
0x3e7: {  	[tilespmem:s4+$0x10] =	vst v0  }
0x3e8: {  	[tilespmem:s4+$0xFFFFFFD0] =	vst v0  }
0x3e9: {  	[tilespmem:s4+$0x0] =	vst v0  }
0x3ea: {  	[tilespmem:s4+$0x30] =	vst v0  }
0x3eb: {  	[tilespmem:s4+$0xFFFFFFC0] =	vst v0  }
0x3ec: {  	[tilespmem:s4+$0x20] =	vst v0  }
0x3ed: {  	[tilespmem:s28+$0x20] =	vst v0  }
0x3ee: {  	[tilespmem:s29+$0x20] =	vst v0  }
0x3ef: {  	[tilespmem:s5+$0x20] =	vst v0  }
0x3f0: {  	[tilespmem:s6+$0x20] =	vst v0  }
0x3f1: {  	[tilespmem:s0+$0x20] =	vst v0  }
0x3f2: {  	[tilespmem:s1+$0x20] =	vst v0  }
0x3f3: {  	[tilespmem:s3+$0x20] =	vst v0  }
0x3f4: {  	[tilespmem:s28+$0xFFFFFFC0] =	vst v0  }
0x3f5: {  	[tilespmem:s29+$0xFFFFFFC0] =	vst v0  }
0x3f6: {  	[tilespmem:s28+$0x30] =	vst v0  }
0x3f7: {  	[tilespmem:s29+$0x30] =	vst v0  }
0x3f8: {  	[tilespmem:s5+$0x30] =	vst v0  }
0x3f9: {  	[tilespmem:s5+$0xFFFFFFC0] =	vst v0  }
0x3fa: {  	[tilespmem:s28+$0x0] =	vst v0  }
0x3fb: {  	[tilespmem:s28+$0xFFFFFFD0] =	vst v0  }
0x3fc: {  	[tilespmem:s6+$0xFFFFFFC0] =	vst v0  }
0x3fd: {  	[tilespmem:s28+$0x10] =	vst v0  }
0x3fe: {  	[tilespmem:s29+$0x10] =	vst v0  }
0x3ff: {  	[tilespmem:s5+$0x10] =	vst v0  }
0x400: {  	[tilespmem:s29+$0xFFFFFFD0] =	vst v0  }
.Ltmp8:
0x401: {  	[tilespmem:s6+$0x30] =	vst v0;
	(pc) =	sbr.rel @p0 .LBB2_18-.Ltmp8, $4  }
0x402: {  	[tilespmem:s29+$0x0] =	vst v0  }
0x403: {  	s21 =	simm.s32 $0x0;
	[tilespmem:s0+$0xFFFFFFC0] =	vst v0  }
0x404: {  	s1 =	sadd.s32 $0x80, s1;
	s3 =	sadd.s32 $0x80, s3;
	s0 =	sadd.s32 $0x80, s0;
	[tilespmem:s22+$0xFFFFFFC0] =	vst v0  }
0x405: {  	s4 =	sadd.s32 $0x80, s4;
	s5 =	sadd.s32 $0x80, s5;
	s6 =	sadd.s32 $0x80, s6;
	[tilespmem:s24+$0xFFFFFFC0] =	vst v0  }
0x406: {  	[tilespmem:s26+$0x0] =	vst v0  }
0x407: {  	[tilespmem:s19+$0xFFFFFFE0] =	vst v0  }
0x408: {  	[tilespmem:s25+$0x10] =	vst v0  }
0x409: {  	[tilespmem:s26+$0xFFFFFFD0] =	vst v0  }
0x40a: {  	[tilespmem:s19+$0xFFFFFFF0] =	vst v0  }
0x40b: {  	[tilespmem:s23+$0x30] =	vst v0  }
0x40c: {  	[tilespmem:s23+$0x10] =	vst v0  }
0x40d: {  	[tilespmem:s25+$0x0] =	vst v0  }
0x40e: {  	[tilespmem:s30+$0xFFFFFFE0] =	vst v0  }
0x40f: {  	[tilespmem:s25+$0xFFFFFFD0] =	vst v0  }
0x410: {  	[tilespmem:s30+$0xFFFFFFF0] =	vst v0  }
0x411: {  	[tilespmem:s22+$0x30] =	vst v0  }
0x412: {  	[tilespmem:s23+$0x0] =	vst v0  }
0x413: {  	[tilespmem:s22+$0x10] =	vst v0  }
0x414: {  	[tilespmem:s23+$0xFFFFFFD0] =	vst v0  }
0x415: {  	[tilespmem:s26+$0xFFFFFFF0] =	vst v0  }
0x416: {  	[tilespmem:s26+$0xFFFFFFE0] =	vst v0  }
0x417: {  	[tilespmem:s24+$0x30] =	vst v0  }
0x418: {  	[tilespmem:s22+$0x0] =	vst v0  }
0x419: {  	[tilespmem:s25+$0xFFFFFFF0] =	vst v0  }
0x41a: {  	[tilespmem:s24+$0x10] =	vst v0  }
0x41b: {  	[tilespmem:s22+$0xFFFFFFD0] =	vst v0  }
0x41c: {  	[tilespmem:s25+$0xFFFFFFE0] =	vst v0  }
0x41d: {  	[tilespmem:s24+$0x0] =	vst v0  }
0x41e: {  	[tilespmem:s23+$0xFFFFFFE0] =	vst v0  }
0x41f: {  	[tilespmem:s24+$0xFFFFFFD0] =	vst v0  }
0x420: {  	[tilespmem:s23+$0xFFFFFFF0] =	vst v0  }
0x421: {  	[tilespmem:s22+$0xFFFFFFE0] =	vst v0  }
0x422: {  	[tilespmem:s22+$0xFFFFFFF0] =	vst v0  }
0x423: {  	[tilespmem:s24+$0xFFFFFFE0] =	vst v0  }
0x424: {  	s22 =	simm.s32 $0x0;
	[tilespmem:s24+$0xFFFFFFF0] =	vst v0  }
0x425: {  	v23 =	vld [tilespmem:s22+$0x9000]  }
0x426: {  	v26 =	vld [tilespmem:s22+$0xA000]  }
0x427: {  	v27 =	vld [tilespmem:s22+$0xB000]  }
0x428: {  	v28 =	vld [tilespmem:s22+$0xC000]  }
0x429: {  	v29 =	vld [tilespmem:s22+$0xD000]  }
0x42a: {  	v25 =	vld [tilespmem:s22+$0xE000]  }
0x42b: {  	v30 =	vld [tilespmem:s22+$0xF000]  }
0x42c: {  	v24 =	vld [tilespmem:s22+$0x8000]  }
0x42d: {  	v9 =	vld.idx.msk [tilespmem:v23+s21+$0x0], $0xffff  }
0x42e: {  	v10 =	vld.idx.msk [tilespmem:v26+s21+$0x0], $0xffff  }
0x42f: {  	v12 =	vld.idx.msk [tilespmem:v27+s21+$0x0], $0xffff  }
0x430: {  	v13 =	vld.idx.msk [tilespmem:v28+s21+$0x0], $0xffff  }
0x431: {  	v14 =	vld.idx.msk [tilespmem:v29+s21+$0x0], $0xffff  }
0x432: {  	v15 =	vld.idx.msk [tilespmem:v25+s21+$0x0], $0xffff;
	v17 =	vshrl.u32 v9, $0x16  }
0x433: {  	v16 =	vld.idx.msk [tilespmem:v30+s21+$0x0], $0xffff;
	v18 =	vshrl.u32 v10, $0x16;
	(xrf1) =	vunique.msk.u32 $0xffff, v17  }
0x434: {  	v11 =	vld.idx.msk [tilespmem:v24+s21+$0x0], $0xffff;
	v20 =	vshrl.u32 v12, $0x16;
	(xrf1) =	vunique.msk.u32 $0xffff, v18  }
0x435: {  	v31 =	vshrl.u32 v13, $0x16;
	(xrf1) =	vunique.msk.u32 $0xffff, v20  }
0x436: {  	v32 =	vshrl.u32 v14, $0x16;
	(xrf1) =	vunique.msk.u32 $0xffff, v31  }
0x437: {  	v10 =	vld [tilespmem:s22+$0xE010];
	v33 =	vshrl.u32 v15, $0x16;
	(xrf1) =	vunique.msk.u32 $0xffff, v32  }
0x438: {  	v9 =	vld [tilespmem:s22+$0xD010];
	v34 =	vshrl.u32 v16, $0x16;
	(xrf1) =	vunique.msk.u32 $0xffff, v33  }
0x439: {  	v14 =	vld [tilespmem:s22+$0xC010];
	v35 =	vshrl.u32 v11, $0x16;
	(xrf1) =	vunique.msk.u32 $0xffff, v34  }
0x43a: {  	v11 =	vld [tilespmem:s22+$0xA010];
	(xrf1) =	vunique.msk.u32 $0xffff, v35  }
0x43b: {  	v12 =	vld [tilespmem:s22+$0xB010]  }
0x43c: {  	v16 =	vld [tilespmem:s22+$0x8010]  }
0x43d: {  	v15 =	vld [tilespmem:s22+$0x9010]  }
0x43e: {  	v13 =	vld [tilespmem:s22+$0xF010]  }
0x43f: {  	v39 =	vld.idx.msk [tilespmem:v17+s11+$0x0], $0xffff  }
0x440: {  	v46 =	vld.idx.msk [tilespmem:v35+s10+$0x0], $0xffff  }
0x441: {  	v48 =	vld.idx.msk [tilespmem:v34+s17+$0x0], $0xffff;
	_, v40, vm5 =	vpop (xrf1)  }
0x442: {  	v50 =	vld.idx.msk [tilespmem:v33+s16+$0x0], $0xffff;
	_, v42, vm6 =	vpop (xrf1)  }
0x443: {  	v52 =	vld.idx.msk [tilespmem:v32+s15+$0x0], $0xffff;
	_, v43, vm4 =	vpop (xrf1)  }
0x444: {  	v21 =	vld.idx.msk [tilespmem:v16+s21+$0x0], $0xffff;
	_, v44, vm3 =	vpop (xrf1)  }
0x445: {  	v53 =	vld.idx.msk [tilespmem:v18+s12+$0x0], $0xffff;
	_, v45, vm2 =	vpop (xrf1)  }
0x446: {  	v54 =	vld.idx.msk [tilespmem:v20+s13+$0x0], $0xffff;
	_, v47, vm1 =	vpop (xrf1)  }
0x447: {  	v55 =	vld.idx.msk [tilespmem:v31+s14+$0x0], $0xffff;
	_, v49, vm0 =	vpop (xrf1)  }
0x448: {  	v36 =	vld.idx.msk [tilespmem:v10+s21+$0x0], $0xffff;
	_, v51, vm7 =	vpop (xrf1)  }
0x449: {  	v22 =	vld.idx.msk [tilespmem:v15+s21+$0x0], $0xffff;
	v21 =	vshrl.u32 v21, $0x16  }
0x44a: {  	v19 =	vld.idx.msk [tilespmem:v11+s21+$0x0], $0xffff;
	(xrf1) =	vunique.msk.u32 $0xffff, v21  }
0x44b: {  	v37 =	vld.idx.msk [tilespmem:v9+s21+$0x0], $0xffff  }
0x44c: {  	v38 =	vld.idx.msk [tilespmem:v14+s21+$0x0], $0xffff  }
0x44d: {  	v41 =	vld.idx.msk [tilespmem:v12+s21+$0x0], $0xffff;
	v46 =	vadd.s32 v51, v46  }
0x44e: {  	v56 =	vld.idx.msk [tilespmem:v13+s21+$0x0], $0xffff;
	v22 =	vshrl.u32 v22, $0x16;
	v39 =	vadd.s32 v40, v39;
	[tilespmem:v35+s10+$0x0] =	vst.idx.msk vm7, v46  }
0x44f: {  	v19 =	vshrl.u32 v19, $0x16;
	v62 =	vadd.s32 v42, v53;
	(xrf1) =	vunique.msk.u32 $0xffff, v22;
	[tilespmem:v17+s11+$0x0] =	vst.idx.msk vm5, v39  }
0x450: {  	v63 =	vadd.s32 v43, v54;
	(xrf1) =	vunique.msk.u32 $0xffff, v19;
	v53 =	vadd.s32 v45, v52;
	[tilespmem:v18+s12+$0x0] =	vst.idx.msk vm6, v62  }
0x451: {  	v47 =	vadd.s32 v47, v50;
	v50 =	vadd.s32 v44, v55;
	v55 =	vshll.u32 v53, $0xF;
	[tilespmem:v20+s13+$0x0] =	vst.idx.msk vm4, v63  }
0x452: {  	v54 =	vshll.u32 v47, $0xF;
	v58 =	vadd.s32 $0xFFFF8000, v55;
	v51 =	vadd.s32 v49, v48;
	[tilespmem:v31+s14+$0x0] =	vst.idx.msk vm3, v50  }
0x453: {  	v29 =	vor.u32 v29, v58;
	v35 =	vshll.u32 v62, $0xF;
	v17 =	vshrl.u32 v37, $0x16;
	[tilespmem:v32+s15+$0x0] =	vst.idx.msk vm2, v53  }
0x454: {  	v18 =	vshrl.u32 v38, $0x16;
	v62 =	vshll.u32 v63, $0xF;
	v20 =	vshrl.u32 v41, $0x16;
	[tilespmem:v33+s16+$0x0] =	vst.idx.msk vm1, v47  }
0x455: {  	v63 =	vshll.u32 v39, $0xF;
	(xrf1) =	vunique.msk.u32 $0xffff, v20;
	v31 =	vadd.s32 $0xFFFF8000, v54;
	[tilespmem:v34+s17+$0x0] =	vst.idx.msk vm0, v51  }
0x456: {  	(xrf1) =	vunique.msk.u32 $0xffff, v18;
	v31 =	vor.u32 v25, v31;
	[tilespmem:s22+$0x15000] =	vst v29;
	v29 =	vadd.s32 $0xFFFF8000, v62  }
0x457: {  	v25 =	vshrl.u32 v36, $0x16;
	(xrf1) =	vunique.msk.u32 $0xffff, v17;
	v27 =	vor.u32 v27, v29;
	v29 =	vadd.s32 $0xFFFF8000, v63  }
0x458: {  	v29 =	vor.u32 v23, v29;
	_, v23, vm0 =	vpop (xrf1);
	(xrf1) =	vunique.msk.u32 $0xffff, v25  }
0x459: {  	v59 =	vshll.u32 v50, $0xF  }
0x45a: {  	v60 =	vadd.s32 $0xFFFF8000, v59  }
0x45b: {  	v28 =	vor.u32 v28, v60;
	v61 =	vadd.s32 $0xFFFF8000, v35  }
0x45c: {  	v57 =	vshll.u32 v51, $0xF;
	v26 =	vor.u32 v26, v61;
	[tilespmem:s22+$0x14000] =	vst v28;
	v28 =	vshll.u32 v46, $0xF  }
0x45d: {  	v32 =	vadd.s32 $0xFFFF8000, v57;
	[tilespmem:s22+$0x12000] =	vst v26;
	v26 =	vshrl.u32 v56, $0x16;
	v28 =	vadd.s32 $0xFFFF8000, v28  }
0x45e: {  	v30 =	vor.u32 v30, v32;
	[tilespmem:s22+$0x13000] =	vst v27;
	v27 =	vor.u32 v24, v28;
	_, v24, vm1 =	vpop (xrf1);
	(xrf1) =	vunique.msk.u32 $0xffff, v26  }
0x45f: {  	[tilespmem:s22+$0x17000] =	vst v30  }
0x460: {  	[tilespmem:s22+$0x16000] =	vst v31  }
0x461: {  	[tilespmem:s22+$0x11000] =	vst v29  }
0x462: {  	s23 =	simm.s32 $0x0;
	s24 =	simm.s32 $0x80;
	[tilespmem:s22+$0x10000] =	vst v27;
	_, v27, vm2 =	vpop (xrf1)  }
.LBB2_20:
0x463: {  	p0 =	sne.s32 s24, $0x3F80;
	v28 =	vld.idx.msk [tilespmem:v26+s17+$0x0], $0xffff;
	_, v29, vm5 =	vpop (xrf1);
	s0 =	smov.u32 s24;
	s24 =	sadd.s32 $0x80, s24  }
0x464: {  	v30 =	vld.idx.msk [tilespmem:v21+s10+$0x0], $0xffff;
	_, v31, vm6 =	vpop (xrf1)  }
0x465: {  	v32 =	vld.idx.msk [tilespmem:v22+s11+$0x0], $0xffff;
	_, v33, vm4 =	vpop (xrf1)  }
0x466: {  	v34 =	vld.idx.msk [tilespmem:v19+s12+$0x0], $0xffff;
	_, v35, vm3 =	vpop (xrf1)  }
0x467: {  	v36 =	vld.idx.msk [tilespmem:v20+s13+$0x0], $0xffff  }
0x468: {  	v37 =	vld.idx.msk [tilespmem:v18+s14+$0x0], $0xffff  }
0x469: {  	v38 =	vld.idx.msk [tilespmem:v17+s15+$0x0], $0xffff  }
0x46a: {  	v23 =	vadd.s32 v23, v30;
	v39 =	vld.idx.msk [tilespmem:v25+s16+$0x0], $0xffff  }
0x46b: {  	v30 =	vadd.s32 v24, v32;
	[tilespmem:v21+s10+$0x0] =	vst.idx.msk vm0, v23;
	v21 =	vshll.u32 v23, $0xF  }
0x46c: {  	v23 =	vadd.s32 v27, v34;
	[tilespmem:v22+s11+$0x0] =	vst.idx.msk vm1, v30;
	v21 =	vadd.s32 $0xFFFF8000, v21;
	v22 =	vshll.u32 v30, $0xF;
	_, v24, vm0 =	vpop (xrf1)  }
0x46d: {  	v27 =	vadd.s32 v29, v36;
	[tilespmem:v19+s12+$0x0] =	vst.idx.msk vm2, v23;
	v19 =	vadd.s32 $0xFFFF8000, v22;
	v22 =	vshll.u32 v23, $0xF  }
0x46e: {  	v23 =	vadd.s32 v31, v37;
	v24 =	vadd.s32 v24, v28;
	[tilespmem:v20+s13+$0x0] =	vst.idx.msk vm5, v27;
	v20 =	vshll.u32 v27, $0xF  }
0x46f: {  	v27 =	vadd.s32 v33, v38;
	[tilespmem:v18+s14+$0x0] =	vst.idx.msk vm6, v23;
	v18 =	vadd.s32 $0xFFFF8000, v20;
	v20 =	vshll.u32 v23, $0xF  }
0x470: {  	v23 =	vadd.s32 v35, v39;
	[tilespmem:v17+s15+$0x0] =	vst.idx.msk vm4, v27;
	v17 =	vadd.s32 $0xFFFF8000, v20;
	v20 =	vshll.u32 v27, $0xF  }
0x471: {  	[tilespmem:v25+s16+$0x0] =	vst.idx.msk vm3, v23;
	v14 =	vor.u32 v14, v17;
	v17 =	vadd.s32 $0xFFFF8000, v20;
	v20 =	vshll.u32 v23, $0xF  }
0x472: {  	s0 =	sshra.s32 s0, $0x2;
	v16 =	vor.u32 v16, v21;
	[tilespmem:v26+s17+$0x0] =	vst.idx.msk vm0, v24;
	v9 =	vor.u32 v9, v17;
	v17 =	vadd.s32 $0xFFFF8000, v20  }
0x473: {  	v23 =	vld [tilespmem:s0+$0x9000];
	[tilespmem:s23+$0x10010] =	vst v16;
	v10 =	vor.u32 v10, v17;
	v16 =	vshll.u32 v24, $0xF  }
0x474: {  	v15 =	vor.u32 v15, v19;
	v17 =	vadd.s32 $0xFFFF8000, v22;
	v24 =	vld [tilespmem:s0+$0x8000];
	[tilespmem:s23+$0x16010] =	vst v10  }
0x475: {  	v10 =	vor.u32 v11, v17;
	v27 =	vld [tilespmem:s0+$0xA000];
	[tilespmem:s23+$0x11010] =	vst v15  }
0x476: {  	v26 =	vld [tilespmem:s0+$0xB000];
	[tilespmem:s23+$0x12010] =	vst v10;
	v10 =	vor.u32 v12, v18  }
0x477: {  	v29 =	vld [tilespmem:s0+$0xC000];
	[tilespmem:s23+$0x13010] =	vst v10  }
0x478: {  	v10 =	vadd.s32 $0xFFFF8000, v16;
	v28 =	vld [tilespmem:s0+$0xD000];
	[tilespmem:s23+$0x14010] =	vst v14  }
0x479: {  	v30 =	vld [tilespmem:s0+$0xE000];
	[tilespmem:s23+$0x15010] =	vst v9;
	v9 =	vor.u32 v13, v10  }
0x47a: {  	v31 =	vld [tilespmem:s0+$0xF000];
	[tilespmem:s23+$0x17010] =	vst v9;
	s23 =	smov.u32 s0  }
0x47b: {  	v9 =	vld.idx.msk [tilespmem:v23+s21+$0x0], $0xffff  }
0x47c: {  	v10 =	vld.idx.msk [tilespmem:v24+s21+$0x0], $0xffff  }
0x47d: {  	v11 =	vld.idx.msk [tilespmem:v27+s21+$0x0], $0xffff  }
0x47e: {  	v12 =	vld.idx.msk [tilespmem:v26+s21+$0x0], $0xffff  }
0x47f: {  	v13 =	vld.idx.msk [tilespmem:v29+s21+$0x0], $0xffff  }
0x480: {  	v15 =	vld.idx.msk [tilespmem:v28+s21+$0x0], $0xffff  }
0x481: {  	v16 =	vld.idx.msk [tilespmem:v30+s21+$0x0], $0xffff  }
0x482: {  	v32 =	vshrl.u32 v9, $0x16;
	v25 =	vshrl.u32 v10, $0x16;
	v17 =	vld.idx.msk [tilespmem:v31+s21+$0x0], $0xffff  }
0x483: {  	v33 =	vshrl.u32 v11, $0x16;
	v10 =	vld [tilespmem:s23+$0xE010];
	(xrf1) =	vunique.msk.u32 $0xffff, v32  }
0x484: {  	v34 =	vshrl.u32 v12, $0x16;
	v9 =	vld [tilespmem:s23+$0xD010];
	(xrf1) =	vunique.msk.u32 $0xffff, v33  }
0x485: {  	v35 =	vshrl.u32 v13, $0x16;
	v14 =	vld [tilespmem:s23+$0xC010];
	(xrf1) =	vunique.msk.u32 $0xffff, v34  }
0x486: {  	v36 =	vshrl.u32 v15, $0x16;
	(xrf1) =	vunique.msk.u32 $0xffff, v35  }
0x487: {  	v37 =	vshrl.u32 v16, $0x16;
	v11 =	vld [tilespmem:s23+$0xA010];
	(xrf1) =	vunique.msk.u32 $0xffff, v36  }
0x488: {  	v38 =	vshrl.u32 v17, $0x16;
	(xrf1) =	vunique.msk.u32 $0xffff, v37  }
0x489: {  	v12 =	vld [tilespmem:s23+$0xB010];
	(xrf1) =	vunique.msk.u32 $0xffff, v38  }
0x48a: {  	v15 =	vld [tilespmem:s23+$0x9010];
	(xrf1) =	vunique.msk.u32 $0xffff, v25  }
0x48b: {  	v39 =	vld.idx.msk [tilespmem:v10+s21+$0x0], $0xffff  }
0x48c: {  	v16 =	vld [tilespmem:s23+$0x8010]  }
0x48d: {  	v17 =	vld.idx.msk [tilespmem:v9+s21+$0x0], $0xffff  }
0x48e: {  	v18 =	vld.idx.msk [tilespmem:v14+s21+$0x0], $0xffff  }
0x48f: {  	v13 =	vld [tilespmem:s23+$0xF010]  }
0x490: {  	v40 =	vld.idx.msk [tilespmem:v32+s11+$0x0], $0xffff  }
0x491: {  	v19 =	vld.idx.msk [tilespmem:v12+s21+$0x0], $0xffff;
	_, v41, vm6 =	vpop (xrf1)  }
0x492: {  	v21 =	vld.idx.msk [tilespmem:v11+s21+$0x0], $0xffff;
	_, v42, vm5 =	vpop (xrf1)  }
0x493: {  	v22 =	vld.idx.msk [tilespmem:v15+s21+$0x0], $0xffff;
	_, v43, vm4 =	vpop (xrf1)  }
0x494: {  	v44 =	vld.idx.msk [tilespmem:v16+s21+$0x0], $0xffff;
	_, v45, vm2 =	vpop (xrf1)  }
0x495: {  	v17 =	vshrl.u32 v17, $0x16;
	v46 =	vld.idx.msk [tilespmem:v25+s10+$0x0], $0xffff;
	_, v47, vm3 =	vpop (xrf1)  }
0x496: {  	v18 =	vshrl.u32 v18, $0x16;
	v48 =	vld.idx.msk [tilespmem:v38+s17+$0x0], $0xffff;
	_, v49, vm1 =	vpop (xrf1)  }
0x497: {  	v50 =	vld.idx.msk [tilespmem:v37+s16+$0x0], $0xffff;
	_, v51, vm0 =	vpop (xrf1)  }
0x498: {  	v20 =	vshrl.u32 v19, $0x16;
	v52 =	vld.idx.msk [tilespmem:v36+s15+$0x0], $0xffff;
	_, v53, vm7 =	vpop (xrf1)  }
0x499: {  	v19 =	vshrl.u32 v21, $0x16;
	v54 =	vld.idx.msk [tilespmem:v33+s12+$0x0], $0xffff  }
0x49a: {  	v55 =	vld.idx.msk [tilespmem:v34+s13+$0x0], $0xffff  }
0x49b: {  	v21 =	vshrl.u32 v44, $0x16;
	v44 =	vld.idx.msk [tilespmem:v35+s14+$0x0], $0xffff  }
0x49c: {  	v22 =	vshrl.u32 v22, $0x16;
	v56 =	vld.idx.msk [tilespmem:v13+s21+$0x0], $0xffff;
	(xrf1) =	vunique.msk.u32 $0xffff, v21  }
0x49d: {  	v46 =	vadd.s32 v53, v46;
	v48 =	vadd.s32 v51, v48;
	v49 =	vadd.s32 v49, v50;
	(xrf1) =	vunique.msk.u32 $0xffff, v22  }
0x49e: {  	v40 =	vadd.s32 v41, v40;
	v41 =	vadd.s32 v47, v52;
	v47 =	vshll.u32 v49, $0xF;
	[tilespmem:v25+s10+$0x0] =	vst.idx.msk vm7, v46  }
0x49f: {  	v25 =	vadd.s32 v42, v54;
	[tilespmem:v32+s11+$0x0] =	vst.idx.msk vm6, v40;
	v32 =	vshll.u32 v41, $0xF;
	(xrf1) =	vunique.msk.u32 $0xffff, v19  }
0x4a0: {  	v42 =	vadd.s32 v43, v55;
	[tilespmem:v33+s12+$0x0] =	vst.idx.msk vm5, v25;
	v33 =	vshll.u32 v25, $0xF;
	(xrf1) =	vunique.msk.u32 $0xffff, v20  }
0x4a1: {  	v43 =	vadd.s32 v45, v44;
	v32 =	vadd.s32 $0xFFFF8000, v32;
	[tilespmem:v34+s13+$0x0] =	vst.idx.msk vm4, v42;
	(xrf1) =	vunique.msk.u32 $0xffff, v18  }
0x4a2: {  	v25 =	vshrl.u32 v39, $0x16;
	v34 =	vadd.s32 $0xFFFF8000, v47;
	[tilespmem:v35+s14+$0x0] =	vst.idx.msk vm2, v43;
	(xrf1) =	vunique.msk.u32 $0xffff, v17  }
0x4a3: {  	v35 =	vshll.u32 v43, $0xF;
	[tilespmem:v36+s15+$0x0] =	vst.idx.msk vm3, v41;
	v36 =	vshll.u32 v48, $0xF;
	(xrf1) =	vunique.msk.u32 $0xffff, v25  }
0x4a4: {  	v33 =	vadd.s32 $0xFFFF8000, v33;
	v35 =	vadd.s32 $0xFFFF8000, v35;
	[tilespmem:v37+s16+$0x0] =	vst.idx.msk vm1, v49;
	v36 =	vadd.s32 $0xFFFF8000, v36  }
0x4a5: {  	v37 =	vshll.u32 v42, $0xF;
	v29 =	vor.u32 v29, v35;
	[tilespmem:v38+s17+$0x0] =	vst.idx.msk vm0, v48;
	v31 =	vor.u32 v31, v36  }
0x4a6: {  	v27 =	vor.u32 v27, v33;
	v30 =	vor.u32 v30, v34;
	v33 =	vadd.s32 $0xFFFF8000, v37;
	[tilespmem:s23+$0x17000] =	vst v31  }
0x4a7: {  	v28 =	vor.u32 v28, v32;
	v31 =	vshll.u32 v40, $0xF;
	v33 =	vor.u32 v26, v33;
	[tilespmem:s23+$0x16000] =	vst v30  }
0x4a8: {  	v26 =	vshrl.u32 v56, $0x16;
	v30 =	vshll.u32 v46, $0xF;
	v31 =	vadd.s32 $0xFFFF8000, v31;
	[tilespmem:s23+$0x15000] =	vst v28  }
.Ltmp9:
0x4a9: {  	v28 =	vadd.s32 $0xFFFF8000, v30;
	v30 =	vor.u32 v23, v31;
	[tilespmem:s23+$0x14000] =	vst v29;
	(xrf1) =	vunique.msk.u32 $0xffff, v26;
	(pc) =	sbr.rel @p0 .LBB2_20-.Ltmp9, $4  }
0x4aa: {  	v28 =	vor.u32 v24, v28;
	[tilespmem:s23+$0x12000] =	vst v27;
	_, v23, vm0 =	vpop (xrf1)  }
0x4ab: {  	[tilespmem:s23+$0x13000] =	vst v33;
	_, v24, vm1 =	vpop (xrf1)  }
0x4ac: {  	[tilespmem:s23+$0x11000] =	vst v30  }
0x4ad: {  	[tilespmem:s23+$0x10000] =	vst v28;
	_, v27, vm2 =	vpop (xrf1)  }
0x4ae: {  	_ =	sdelay $0x3  }
0x4af: {  	v28 =	vld.idx.msk [tilespmem:v26+s17+$0x0], $0xffff  }
0x4b0: {  	v29 =	vld.idx.msk [tilespmem:v21+s10+$0x0], $0xffff  }
0x4b1: {  	v30 =	vld.idx.msk [tilespmem:v22+s11+$0x0], $0xffff  }
0x4b2: {  	v31 =	vld.idx.msk [tilespmem:v19+s12+$0x0], $0xffff  }
0x4b3: {  	v32 =	vld.idx.msk [tilespmem:v20+s13+$0x0], $0xffff;
	_, v33, vm3 =	vpop (xrf1)  }
0x4b4: {  	v34 =	vld.idx.msk [tilespmem:v18+s14+$0x0], $0xffff;
	_, v35, vm4 =	vpop (xrf1)  }
0x4b5: {  	v36 =	vld.idx.msk [tilespmem:v17+s15+$0x0], $0xffff;
	_, v37, vm5 =	vpop (xrf1);
	v23 =	vadd.s32 v23, v29  }
0x4b6: {  	v38 =	vld.idx.msk [tilespmem:v25+s16+$0x0], $0xffff;
	_, v55, vm6 =	vpop (xrf1);
	v24 =	vadd.s32 v24, v30;
	[tilespmem:v21+s10+$0x0] =	vst.idx.msk vm0, v23  }
0x4b7: {  	v56 =	vadd.s32 v27, v31;
	[tilespmem:v22+s11+$0x0] =	vst.idx.msk vm1, v24;
	_, v57, vm15 =	vpop (xrf1)  }
0x4b8: {  	v58 =	vadd.s32 v33, v32;
	[tilespmem:v19+s12+$0x0] =	vst.idx.msk vm2, v56  }
0x4b9: {  	v19 =	vadd.s32 v35, v34;
	[tilespmem:v20+s13+$0x0] =	vst.idx.msk vm3, v58  }
0x4ba: {  	v59 =	vadd.s32 v37, v36;
	[tilespmem:v18+s14+$0x0] =	vst.idx.msk vm4, v19  }
0x4bb: {  	v60 =	vadd.s32 v55, v38;
	v18 =	vshll.u32 v23, $0xF;
	[tilespmem:v17+s15+$0x0] =	vst.idx.msk vm5, v59  }
0x4bc: {  	v61 =	vshll.u32 v60, $0xF;
	v17 =	vadd.s32 $0xFFFF8000, v18;
	v18 =	vadd.s32 v57, v28;
	[tilespmem:v25+s16+$0x0] =	vst.idx.msk vm6, v60  }
0x4bd: {  	v62 =	vshll.u32 v24, $0xF;
	v16 =	vor.u32 v16, v17;
	v17 =	vadd.s32 $0xFFFF8000, v61;
	[tilespmem:v26+s17+$0x0] =	vst.idx.msk vm15, v18  }
0x4be: {  	v21 =	vshll.u32 v56, $0xF;
	v63 =	vadd.s32 $0xFFFF8000, v62;
	v10 =	vor.u32 v10, v17;
	[tilespmem:s23+$0x10010] =	vst v16  }
0x4bf: {  	v15 =	vor.u32 v15, v63;
	v17 =	vadd.s32 $0xFFFF8000, v21;
	v16 =	vshll.u32 v58, $0xF;
	[tilespmem:s23+$0x16010] =	vst v10  }
0x4c0: {  	v11 =	vor.u32 v11, v17;
	[tilespmem:s23+$0x11010] =	vst v15;
	v10 =	vadd.s32 $0xFFFF8000, v16;
	v16 =	vshll.u32 v19, $0xF  }
0x4c1: {  	[tilespmem:s23+$0x12010] =	vst v11;
	v15 =	vadd.s32 $0xFFFF8000, v16;
	v16 =	vshll.u32 v59, $0xF;
	v10 =	vor.u32 v12, v10  }
0x4c2: {  	v11 =	vor.u32 v14, v15;
	v12 =	vadd.s32 $0xFFFF8000, v16;
	v14 =	vshll.u32 v18, $0xF;
	[tilespmem:s23+$0x13010] =	vst v10  }
0x4c3: {  	v9 =	vor.u32 v9, v12;
	[tilespmem:s23+$0x14010] =	vst v11;
	v10 =	vadd.s32 $0xFFFF8000, v14  }
0x4c4: {  	[tilespmem:s23+$0x15010] =	vst v9;
	v9 =	vor.u32 v13, v10  }
0x4c5: {  	[tilespmem:s23+$0x17010] =	vst v9  }
0x4c6: {  	v9 =	vld [tilespmem:s22+$0x18000]  }
0x4c7: {  	v10 =	vld [tilespmem:s22+$0x18800]  }
0x4c8: {  	v11 =	vld [tilespmem:s22+$0x19000]  }
0x4c9: {  	v12 =	vld [tilespmem:s22+$0x19800]  }
0x4ca: {  	v13 =	vld [tilespmem:s22+$0x1A000]  }
0x4cb: {  	v14 =	vld [tilespmem:s22+$0x1A800]  }
0x4cc: {  	v16 =	vld [tilespmem:s22+$0x1B000];
	v15 =	vadd.s32 v9, v10  }
0x4cd: {  	v17 =	vld [tilespmem:s22+$0x1B800];
	v15 =	vadd.s32 v11, v15  }
0x4ce: {  	v15 =	vadd.s32 v12, v15  }
0x4cf: {  	v15 =	vadd.s32 v13, v15  }
0x4d0: {  	v15 =	vadd.s32 v14, v15  }
0x4d1: {  	v15 =	vadd.s32 v16, v15  }
0x4d2: {  	v15 =	vadd.s32 v17, v15  }
0x4d3: {  	(xrf0) =	vadd.scan.msk.s32 $0xffff, v15;
	_ =	sdelay $0x5  }
0x4d4: {  	v17, _, _ =	vpop (xrf0)  }
0x4d5: {  	v15 =	vsub.s32 v17, v15  }
0x4d6: {  	(v2sf) =	vpush v17, $0xF;
	v15 =	vadd.s32 s21, v15  }
0x4d7: {  	s0 =	simm.s32 $0x10;
	[tilespmem:s22+$0x18000] =	vst v15;
	v15 =	vadd.s32 v9, v15  }
0x4d8: {  	v9 =	vld [tilespmem:s0+$0x18000];
	[tilespmem:s22+$0x18800] =	vst v15;
	v15 =	vadd.s32 v10, v15  }
0x4d9: {  	v10 =	vld [tilespmem:s0+$0x18800];
	[tilespmem:s22+$0x19000] =	vst v15;
	v15 =	vadd.s32 v11, v15  }
0x4da: {  	v11 =	vld [tilespmem:s0+$0x19000];
	[tilespmem:s22+$0x19800] =	vst v15;
	v15 =	vadd.s32 v12, v15  }
0x4db: {  	v12 =	vld [tilespmem:s0+$0x19800];
	[tilespmem:s22+$0x1A000] =	vst v15;
	v15 =	vadd.s32 v13, v15  }
0x4dc: {  	v13 =	vld [tilespmem:s0+$0x1A000];
	[tilespmem:s22+$0x1A800] =	vst v15;
	v18 =	vadd.s32 v14, v15  }
0x4dd: {  	v14 =	vld [tilespmem:s0+$0x1A800];
	[tilespmem:s22+$0x1B000] =	vst v18  }
0x4de: {  	v16 =	vadd.s32 v16, v18;
	v15 =	vld [tilespmem:s0+$0x1B000];
	v19 =	vadd.s32 v9, v10  }
0x4df: {  	[tilespmem:s22+$0x1B800] =	vst v16;
	v19 =	vadd.s32 v11, v19  }
0x4e0: {  	v16 =	vld [tilespmem:s0+$0x1B800];
	v19 =	vadd.s32 v12, v19  }
0x4e1: {  	v18 =	vadd.s32 v13, v19  }
0x4e2: {  	v18 =	vadd.s32 v14, v18  }
0x4e3: {  	s1 =	simm.s32 $0x80;
	v17 =	vadd.s32 v15, v18  }
.LBB2_22:
0x4e4: {  	p0 =	sne.s32 s1, $0xFC0  }
0x4e5: {  	v16 =	vadd.s32 v16, v17;
	s3 =	spop (v2sf);
	s4 =	smov.u32 s1;
	s1 =	sadd.s32 $0x40, s1  }
0x4e6: {  	(xrf0) =	vadd.scan.msk.s32 $0xffff, v16;
	s21 =	sadd.s32 s21, s3;
	_ =	sdelay $0x5  }
0x4e7: {  	v17, _, _ =	vpop (xrf0)  }
0x4e8: {  	v16 =	vsub.s32 v17, v16;
	(v2sf) =	vpush v17, $0xF  }
0x4e9: {  	v16 =	vadd.s32 s21, v16  }
0x4ea: {  	s3 =	sshra.s32 s4, $0x2;
	[tilespmem:s0+$0x18000] =	vst v16;
	v16 =	vadd.s32 v9, v16  }
0x4eb: {  	v9 =	vld [tilespmem:s3+$0x18000];
	[tilespmem:s0+$0x18800] =	vst v16;
	v16 =	vadd.s32 v10, v16  }
0x4ec: {  	v10 =	vld [tilespmem:s3+$0x18800];
	[tilespmem:s0+$0x19000] =	vst v16;
	v16 =	vadd.s32 v11, v16  }
0x4ed: {  	v11 =	vld [tilespmem:s3+$0x19000];
	[tilespmem:s0+$0x19800] =	vst v16;
	v16 =	vadd.s32 v12, v16  }
0x4ee: {  	v12 =	vld [tilespmem:s3+$0x19800];
	[tilespmem:s0+$0x1A000] =	vst v16;
	v16 =	vadd.s32 v13, v16  }
0x4ef: {  	v13 =	vld [tilespmem:s3+$0x1A000];
	[tilespmem:s0+$0x1A800] =	vst v16;
	v16 =	vadd.s32 v14, v16  }
0x4f0: {  	v14 =	vld [tilespmem:s3+$0x1A800];
	[tilespmem:s0+$0x1B000] =	vst v16;
	v16 =	vadd.s32 v15, v16  }
0x4f1: {  	v15 =	vld [tilespmem:s3+$0x1B000];
	v17 =	vadd.s32 v9, v10;
	[tilespmem:s0+$0x1B800] =	vst v16;
	s0 =	smov.u32 s3  }
.Ltmp10:
0x4f2: {  	v16 =	vld [tilespmem:s0+$0x1B800];
	v17 =	vadd.s32 v11, v17;
	(pc) =	sbr.rel @p0 .LBB2_22-.Ltmp10, $4  }
0x4f3: {  	v17 =	vadd.s32 v12, v17  }
0x4f4: {  	v17 =	vadd.s32 v13, v17  }
0x4f5: {  	v17 =	vadd.s32 v14, v17  }
0x4f6: {  	v17 =	vadd.s32 v15, v17  }
0x4f7: {  	v16 =	vadd.s32 v16, v17  }
0x4f8: {  	(xrf0) =	vadd.scan.msk.s32 $0xffff, v16;
	_ =	sdelay $0x5  }
0x4f9: {  	s1 =	spop (v2sf);
	v33, _, _ =	vpop (xrf0)  }
0x4fa: {  	s1 =	sadd.s32 s21, s1;
	v16 =	vsub.s32 v33, v16  }
0x4fb: {  	v16 =	vadd.s32 s1, v16  }
0x4fc: {  	[tilespmem:s0+$0x18000] =	vst v16;
	v9 =	vadd.s32 v9, v16  }
0x4fd: {  	[tilespmem:s0+$0x18800] =	vst v9;
	v9 =	vadd.s32 v10, v9  }
0x4fe: {  	[tilespmem:s0+$0x19000] =	vst v9;
	v9 =	vadd.s32 v11, v9  }
0x4ff: {  	[tilespmem:s0+$0x19800] =	vst v9;
	v9 =	vadd.s32 v12, v9  }
0x500: {  	[tilespmem:s0+$0x1A000] =	vst v9;
	v9 =	vadd.s32 v13, v9  }
0x501: {  	[tilespmem:s0+$0x1A800] =	vst v9;
	v9 =	vadd.s32 v14, v9  }
0x502: {  	[tilespmem:s0+$0x1B000] =	vst v9;
	v9 =	vadd.s32 v15, v9  }
0x503: {  	s29 =	simm.s32 $0x17010;
	[tilespmem:s0+$0x1B800] =	vst v9  }
0x504: {  	v38 =	vld [tilespmem:s29+$0xFFFF8FF0]  }
0x505: {  	v16 =	vld [tilespmem:s29+$0xFFFF9000]  }
0x506: {  	v15 =	vld [tilespmem:s29+$0xFFFFA000]  }
0x507: {  	v14 =	vld [tilespmem:s29+$0xFFFFB000]  }
0x508: {  	v13 =	vld [tilespmem:s29+$0xFFFFC000]  }
0x509: {  	v12 =	vld [tilespmem:s29+$0xFFFFD000]  }
0x50a: {  	v11 =	vld [tilespmem:s29+$0xFFFFE000]  }
0x50b: {  	s21 =	simm.s32 $0x0;
	v10 =	vld [tilespmem:s29+$0xFFFFF000]  }
0x50c: {  	s30 =	sand.u32 $0xFE0, s21;
	v9 =	vld [tilespmem:s29+$0x0]  }
0x50d: {  	v39 =	vld [tilespmem:s30+$0x11000]  }
0x50e: {  	v40 =	vld [tilespmem:s30+$0x12000]  }
0x50f: {  	v44 =	vld [tilespmem:s30+$0x13000];
	v47 =	vand.u32 $0x7FFF, v38  }
0x510: {  	v46 =	vld [tilespmem:s30+$0x14000];
	v24 =	vand.u32 $0x7FFF, v16  }
0x511: {  	v49 =	vld [tilespmem:s30+$0x15000];
	v21 =	vand.u32 $0x7FFF, v15  }
0x512: {  	v50 =	vld [tilespmem:s30+$0x16000];
	v22 =	vand.u32 $0x7FFF, v14  }
0x513: {  	v25 =	vld [tilespmem:s30+$0x17000];
	v23 =	vand.u32 $0x7FFF, v13  }
0x514: {  	v17 =	vand.u32 $0x7FFF, v12;
	v34 =	vld.idx.msk [tilespmem:v47+s2+$0x0], $0xffff  }
0x515: {  	v18 =	vand.u32 $0x7FFF, v11;
	v35 =	vld.idx.msk [tilespmem:v24+s2+$0x0], $0xffff  }
0x516: {  	v19 =	vand.u32 $0x7FFF, v10;
	v36 =	vld.idx.msk [tilespmem:v21+s2+$0x0], $0xffff  }
0x517: {  	v20 =	vand.u32 $0x7FFF, v9;
	v37 =	vld.idx.msk [tilespmem:v22+s2+$0x0], $0xffff  }
0x518: {  	v32 =	vand.u32 $0x7FFF, v39;
	v41 =	vld.idx.msk [tilespmem:v23+s2+$0x0], $0xffff  }
0x519: {  	v31 =	vand.u32 $0x7FFF, v40;
	v42 =	vld.idx.msk [tilespmem:v17+s2+$0x0], $0xffff  }
0x51a: {  	v30 =	vand.u32 $0x7FFF, v44;
	v43 =	vld.idx.msk [tilespmem:v18+s2+$0x0], $0xffff  }
0x51b: {  	v29 =	vand.u32 $0x7FFF, v46;
	v45 =	vld.idx.msk [tilespmem:v19+s2+$0x0], $0xffff  }
0x51c: {  	v28 =	vand.u32 $0x7FFF, v49;
	v48 =	vld.idx.msk [tilespmem:v20+s2+$0x0], $0xffff  }
0x51d: {  	v27 =	vand.u32 $0x7FFF, v50;
	v51 =	vld.idx.msk [tilespmem:v32+s2+$0x0], $0xffff  }
0x51e: {  	v26 =	vand.u32 $0x7FFF, v25;
	v52 =	vld.idx.msk [tilespmem:v31+s2+$0x0], $0xffff  }
0x51f: {  	v53 =	vld.idx.msk [tilespmem:v30+s2+$0x0], $0xffff;
	v34 =	vshrl.u32 v34, $0x16  }
0x520: {  	v54 =	vld.idx.msk [tilespmem:v29+s2+$0x0], $0xffff;
	v35 =	vshrl.u32 v35, $0x16  }
0x521: {  	v55 =	vld.idx.msk [tilespmem:v28+s2+$0x0], $0xffff;
	v36 =	vshrl.u32 v36, $0x16  }
0x522: {  	v56 =	vld.idx.msk [tilespmem:v27+s2+$0x0], $0xffff;
	v57 =	vshrl.u32 v37, $0x16  }
0x523: {  	v58 =	vld.idx.msk [tilespmem:v26+s2+$0x0], $0xffff;
	v41 =	vshrl.u32 v41, $0x16  }
0x524: {  	(v2sf) =	vpush v33, $0xF;
	v51 =	vshrl.u32 v51, $0x16;
	v59 =	vld.idx.msk [tilespmem:v34+s10+$0x0], $0xffff  }
0x525: {  	v33 =	vshrl.u32 v52, $0x16;
	v37 =	vld.idx.msk [tilespmem:v35+s10+$0x0], $0xffff  }
0x526: {  	v61 =	vshrl.u32 v53, $0x16;
	v36 =	vld.idx.msk [tilespmem:v36+s11+$0x0], $0xffff  }
0x527: {  	v62 =	vshrl.u32 v54, $0x16;
	v35 =	vld.idx.msk [tilespmem:v57+s12+$0x0], $0xffff  }
0x528: {  	v63 =	vshrl.u32 v55, $0x16;
	v34 =	vld.idx.msk [tilespmem:v41+s13+$0x0], $0xffff  }
0x529: {  	v60 =	vshrl.u32 v56, $0x16;
	v51 =	vld.idx.msk [tilespmem:v51+s11+$0x0], $0xffff  }
0x52a: {  	v55 =	vshrl.u32 v58, $0x16;
	v33 =	vld.idx.msk [tilespmem:v33+s12+$0x0], $0xffff  }
0x52b: {  	v56 =	vshrl.u32 v42, $0x16;
	v52 =	vld.idx.msk [tilespmem:v61+s13+$0x0], $0xffff  }
0x52c: {  	v53 =	vld.idx.msk [tilespmem:v62+s14+$0x0], $0xffff;
	v57 =	vshrl.u32 v43, $0x16  }
0x52d: {  	v38 =	vshrl.u32 v38, $0xF;
	v58 =	vshrl.u32 v45, $0x16;
	v54 =	vld.idx.msk [tilespmem:v63+s15+$0x0], $0xffff  }
0x52e: {  	v42 =	vld.idx.msk [tilespmem:v60+s16+$0x0], $0xffff;
	v60 =	vshrl.u32 v48, $0x16;
	v61 =	vshrl.u32 v39, $0xF;
	v59 =	vadd.s32 v38, v59  }
0x52f: {  	v40 =	vshrl.u32 v40, $0xF;
	v43 =	vld.idx.msk [tilespmem:v55+s17+$0x0], $0xffff;
	v48 =	vadd.s32 v61, v51  }
0x530: {  	v44 =	vshrl.u32 v44, $0xF;
	v41 =	vld.idx.msk [tilespmem:v56+s14+$0x0], $0xffff;
	v45 =	vadd.s32 v40, v33  }
0x531: {  	v62 =	vshrl.u32 v46, $0xF;
	v39 =	vld.idx.msk [tilespmem:v57+s15+$0x0], $0xffff;
	v44 =	vadd.s32 v44, v52  }
0x532: {  	v63 =	vshrl.u32 v49, $0xF;
	v38 =	vld.idx.msk [tilespmem:v58+s16+$0x0], $0xffff;
	v46 =	vadd.s32 v62, v53  }
0x533: {  	s22 =	simm.s32 $0x0;
	s23 =	simm.s32 $0x17030;
	s31 =	spop (v2sf);
	v49 =	vshrl.u32 v50, $0xF;
	v40 =	vld.idx.msk [tilespmem:v60+s17+$0x0], $0xffff;
	[tilespmem:v59+s18+$0x0] =	vst.idx.msk $0xffff, v47;
	v47 =	vadd.s32 v63, v54  }
.LBB2_24:
0x534: {  	v33 =	vld [tilespmem:s23+$0xFFFF8FF0];
	v25 =	vshrl.u32 v25, $0xF;
	[tilespmem:v48+s18+$0x0] =	vst.idx.msk $0xffff, v32;
	v32 =	vadd.s32 v49, v42  }
0x535: {  	v42 =	vshrl.u32 v16, $0xF;
	v16 =	vld [tilespmem:s23+$0xFFFF9000];
	[tilespmem:v45+s18+$0x0] =	vst.idx.msk $0xffff, v31;
	v25 =	vadd.s32 v25, v43  }
0x536: {  	v31 =	vshrl.u32 v15, $0xF;
	v15 =	vld [tilespmem:s23+$0xFFFFA000];
	[tilespmem:v44+s18+$0x0] =	vst.idx.msk $0xffff, v30;
	v30 =	vadd.s32 v42, v37  }
0x537: {  	v37 =	vshrl.u32 v14, $0xF;
	v14 =	vld [tilespmem:s23+$0xFFFFB000];
	[tilespmem:v46+s18+$0x0] =	vst.idx.msk $0xffff, v29;
	v29 =	vadd.s32 v31, v36  }
0x538: {  	v31 =	vshrl.u32 v13, $0xF;
	v13 =	vld [tilespmem:s23+$0xFFFFC000];
	[tilespmem:v47+s18+$0x0] =	vst.idx.msk $0xffff, v28;
	v28 =	vadd.s32 v37, v35  }
0x539: {  	v35 =	vshrl.u32 v12, $0xF;
	v12 =	vld [tilespmem:s23+$0xFFFFD000];
	[tilespmem:v32+s18+$0x0] =	vst.idx.msk $0xffff, v27;
	v27 =	vadd.s32 v31, v34  }
0x53a: {  	v31 =	vshrl.u32 v11, $0xF;
	v11 =	vld [tilespmem:s23+$0xFFFFE000];
	[tilespmem:v25+s18+$0x0] =	vst.idx.msk $0xffff, v26;
	v25 =	vadd.s32 v35, v41  }
0x53b: {  	s21 =	sadd.s32 $0x20, s21;
	v26 =	vshrl.u32 v10, $0xF;
	v10 =	vld [tilespmem:s23+$0xFFFFF000];
	[tilespmem:v30+s18+$0x0] =	vst.idx.msk $0xffff, v24;
	v30 =	vadd.s32 v31, v39  }
0x53c: {  	s0 =	sand.u32 $0xFE0, s21;
	v24 =	vshrl.u32 v9, $0xF;
	v26 =	vadd.s32 v26, v38;
	v9 =	vld [tilespmem:s23+$0x0];
	[tilespmem:v29+s18+$0x0] =	vst.idx.msk $0xffff, v21  }
0x53d: {  	v38 =	vld [tilespmem:s0+$0x11000];
	[tilespmem:v28+s18+$0x0] =	vst.idx.msk $0xffff, v22;
	v28 =	vadd.s32 v24, v40  }
0x53e: {  	v39 =	vld [tilespmem:s0+$0x12000];
	[tilespmem:v27+s18+$0x0] =	vst.idx.msk $0xffff, v23  }
0x53f: {  	v47 =	vand.u32 $0x7FFF, v33;
	v40 =	vld [tilespmem:s0+$0x13000];
	[tilespmem:v25+s18+$0x0] =	vst.idx.msk $0xffff, v17  }
0x540: {  	v24 =	vand.u32 $0x7FFF, v16;
	v44 =	vld [tilespmem:s0+$0x14000];
	[tilespmem:v30+s18+$0x0] =	vst.idx.msk $0xffff, v18  }
0x541: {  	v21 =	vand.u32 $0x7FFF, v15;
	v46 =	vld [tilespmem:s0+$0x15000];
	[tilespmem:v26+s18+$0x0] =	vst.idx.msk $0xffff, v19  }
0x542: {  	v22 =	vand.u32 $0x7FFF, v14;
	v49 =	vld [tilespmem:s0+$0x16000];
	[tilespmem:v28+s18+$0x0] =	vst.idx.msk $0xffff, v20  }
0x543: {  	v23 =	vand.u32 $0x7FFF, v13;
	v25 =	vld [tilespmem:s0+$0x17000]  }
0x544: {  	v17 =	vand.u32 $0x7FFF, v12;
	v34 =	vld.idx.msk [tilespmem:v47+s2+$0x0], $0xffff  }
0x545: {  	v18 =	vand.u32 $0x7FFF, v11;
	v35 =	vld.idx.msk [tilespmem:v24+s2+$0x0], $0xffff  }
0x546: {  	v19 =	vand.u32 $0x7FFF, v10;
	v36 =	vld.idx.msk [tilespmem:v21+s2+$0x0], $0xffff  }
0x547: {  	v20 =	vand.u32 $0x7FFF, v9;
	v37 =	vld.idx.msk [tilespmem:v22+s2+$0x0], $0xffff  }
0x548: {  	v32 =	vand.u32 $0x7FFF, v38;
	v41 =	vld.idx.msk [tilespmem:v23+s2+$0x0], $0xffff  }
0x549: {  	v31 =	vand.u32 $0x7FFF, v39;
	v42 =	vld.idx.msk [tilespmem:v17+s2+$0x0], $0xffff  }
0x54a: {  	v30 =	vand.u32 $0x7FFF, v40;
	v43 =	vld.idx.msk [tilespmem:v18+s2+$0x0], $0xffff  }
0x54b: {  	v29 =	vand.u32 $0x7FFF, v44;
	v45 =	vld.idx.msk [tilespmem:v19+s2+$0x0], $0xffff  }
0x54c: {  	v28 =	vand.u32 $0x7FFF, v46;
	v48 =	vld.idx.msk [tilespmem:v20+s2+$0x0], $0xffff  }
0x54d: {  	v27 =	vand.u32 $0x7FFF, v49;
	v50 =	vld.idx.msk [tilespmem:v32+s2+$0x0], $0xffff  }
0x54e: {  	v26 =	vand.u32 $0x7FFF, v25;
	v51 =	vld.idx.msk [tilespmem:v31+s2+$0x0], $0xffff  }
0x54f: {  	v34 =	vshrl.u32 v34, $0x16;
	v52 =	vld.idx.msk [tilespmem:v30+s2+$0x0], $0xffff  }
0x550: {  	v35 =	vshrl.u32 v35, $0x16;
	v53 =	vld.idx.msk [tilespmem:v29+s2+$0x0], $0xffff  }
0x551: {  	s22 =	sadd.s32 $0x2, s22;
	v36 =	vshrl.u32 v36, $0x16;
	v54 =	vld.idx.msk [tilespmem:v28+s2+$0x0], $0xffff  }
0x552: {  	p0 =	slt.u32 s22, $0xFE;
	v56 =	vshrl.u32 v37, $0x16;
	v55 =	vld.idx.msk [tilespmem:v27+s2+$0x0], $0xffff  }
0x553: {  	v41 =	vshrl.u32 v41, $0x16;
	v57 =	vld.idx.msk [tilespmem:v26+s2+$0x0], $0xffff  }
0x554: {  	v50 =	vshrl.u32 v50, $0x16;
	v58 =	vld.idx.msk [tilespmem:v34+s10+$0x0], $0xffff  }
0x555: {  	v51 =	vshrl.u32 v51, $0x16;
	v37 =	vld.idx.msk [tilespmem:v35+s10+$0x0], $0xffff  }
0x556: {  	v52 =	vshrl.u32 v52, $0x16;
	v36 =	vld.idx.msk [tilespmem:v36+s11+$0x0], $0xffff  }
0x557: {  	v53 =	vshrl.u32 v53, $0x16;
	v35 =	vld.idx.msk [tilespmem:v56+s12+$0x0], $0xffff  }
0x558: {  	v54 =	vshrl.u32 v54, $0x16;
	v34 =	vld.idx.msk [tilespmem:v41+s13+$0x0], $0xffff  }
0x559: {  	v41 =	vld.idx.msk [tilespmem:v50+s11+$0x0], $0xffff;
	v50 =	vshrl.u32 v55, $0x16  }
0x55a: {  	v55 =	vshrl.u32 v57, $0x16;
	v51 =	vld.idx.msk [tilespmem:v51+s12+$0x0], $0xffff  }
0x55b: {  	v56 =	vshrl.u32 v42, $0x16;
	v52 =	vld.idx.msk [tilespmem:v52+s13+$0x0], $0xffff  }
0x55c: {  	v57 =	vshrl.u32 v43, $0x16;
	v53 =	vld.idx.msk [tilespmem:v53+s14+$0x0], $0xffff  }
0x55d: {  	v33 =	vshrl.u32 v33, $0xF;
	v59 =	vshrl.u32 v45, $0x16;
	v54 =	vld.idx.msk [tilespmem:v54+s15+$0x0], $0xffff  }
0x55e: {  	v38 =	vshrl.u32 v38, $0xF;
	v33 =	vadd.s32 v33, v58;
	v42 =	vld.idx.msk [tilespmem:v50+s16+$0x0], $0xffff;
	v50 =	vshrl.u32 v48, $0x16  }
.Ltmp11:
0x55f: {  	v39 =	vshrl.u32 v39, $0xF;
	v48 =	vadd.s32 v38, v41;
	v43 =	vld.idx.msk [tilespmem:v55+s17+$0x0], $0xffff;
	(pc) =	sbr.rel @p0 .LBB2_24-.Ltmp11, $4  }
0x560: {  	v38 =	vshrl.u32 v40, $0xF;
	v45 =	vadd.s32 v39, v51;
	v41 =	vld.idx.msk [tilespmem:v56+s14+$0x0], $0xffff  }
0x561: {  	v40 =	vshrl.u32 v44, $0xF;
	v44 =	vadd.s32 v38, v52;
	v39 =	vld.idx.msk [tilespmem:v57+s15+$0x0], $0xffff  }
0x562: {  	v51 =	vshrl.u32 v46, $0xF;
	v46 =	vadd.s32 v40, v53;
	v38 =	vld.idx.msk [tilespmem:v59+s16+$0x0], $0xffff  }
0x563: {  	s23 =	sadd.s32 $0x20, s23;
	v49 =	vshrl.u32 v49, $0xF;
	v40 =	vld.idx.msk [tilespmem:v50+s17+$0x0], $0xffff;
	[tilespmem:v33+s18+$0x0] =	vst.idx.msk $0xffff, v47;
	v47 =	vadd.s32 v51, v54  }
0x564: {  	_ =	sdelay $0x3  }
0x565: {  	v25 =	vshrl.u32 v25, $0xF;
	[tilespmem:v48+s18+$0x0] =	vst.idx.msk $0xffff, v32;
	v63 =	vadd.s32 v49, v42  }
0x566: {  	v16 =	vshrl.u32 v16, $0xF;
	[tilespmem:v45+s18+$0x0] =	vst.idx.msk $0xffff, v31;
	v25 =	vadd.s32 v25, v43  }
0x567: {  	v15 =	vshrl.u32 v15, $0xF;
	v16 =	vadd.s32 v16, v37;
	[tilespmem:v44+s18+$0x0] =	vst.idx.msk $0xffff, v30  }
0x568: {  	v14 =	vshrl.u32 v14, $0xF;
	v15 =	vadd.s32 v15, v36;
	[tilespmem:v46+s18+$0x0] =	vst.idx.msk $0xffff, v29  }
0x569: {  	v13 =	vshrl.u32 v13, $0xF;
	v14 =	vadd.s32 v14, v35;
	[tilespmem:v47+s18+$0x0] =	vst.idx.msk $0xffff, v28  }
0x56a: {  	v12 =	vshrl.u32 v12, $0xF;
	v13 =	vadd.s32 v13, v34;
	[tilespmem:v63+s18+$0x0] =	vst.idx.msk $0xffff, v27  }
0x56b: {  	v11 =	vshrl.u32 v11, $0xF;
	v12 =	vadd.s32 v12, v41;
	[tilespmem:v25+s18+$0x0] =	vst.idx.msk $0xffff, v26  }
0x56c: {  	v10 =	vshrl.u32 v10, $0xF;
	v11 =	vadd.s32 v11, v39;
	[tilespmem:v16+s18+$0x0] =	vst.idx.msk $0xffff, v24  }
0x56d: {  	v9 =	vshrl.u32 v9, $0xF;
	v10 =	vadd.s32 v10, v38;
	[tilespmem:v15+s18+$0x0] =	vst.idx.msk $0xffff, v21  }
0x56e: {  	v9 =	vadd.s32 v9, v40;
	[tilespmem:v14+s18+$0x0] =	vst.idx.msk $0xffff, v22  }
0x56f: {  	[tilespmem:v13+s18+$0x0] =	vst.idx.msk $0xffff, v23  }
0x570: {  	[tilespmem:v12+s18+$0x0] =	vst.idx.msk $0xffff, v17  }
0x571: {  	[tilespmem:v11+s18+$0x0] =	vst.idx.msk $0xffff, v18  }
0x572: {  	[tilespmem:v10+s18+$0x0] =	vst.idx.msk $0xffff, v19  }
0x573: {  	[tilespmem:v9+s18+$0x0] =	vst.idx.msk $0xffff, v20  }
0x574: {  	s1 =	simm.s32 $0x10000;
	s0 =	rddreg [dreg:$0x5]  }
0x575: {  	[tilespmem:s1], [sflag:$0x1] =	stream.strided.gather [hbm4b:s0+s7], $0x8000, s8, s7, $0x38;
	[tilespmem:$0x1C000] =	vst v63  }
0x576: {  	_ =	swait.ge [sflag:s9], $0x8000  }
0x577: {  	[sflag:s9] =	ssyncset.done $0x0  }
0x578: {  	s31 =	simm.s32 $0x8040;
	[sflag:s9] =	ssyncadd.s32 $0xFFFF8000  }
0x579: {  	v16 =	vld [tilespmem:s31+$0x30]  }
0x57a: {  	v19 =	vld [tilespmem:s31+$0xFFFFFFD0]  }
0x57b: {  	s0 =	simm.s32 $0x10040;
	v9 =	vld [tilespmem:s31+$0xFFFFFFE0]  }
0x57c: {  	v21 =	vld [tilespmem:s0+$0x30]  }
0x57d: {  	v13 =	vld [tilespmem:s31+$0xFFFFFFF0]  }
0x57e: {  	v11 =	vld [tilespmem:s31+$0x0]  }
0x57f: {  	v12 =	vld [tilespmem:s31+$0x10]  }
0x580: {  	v10 =	vld [tilespmem:s31+$0x20]  }
0x581: {  	v14 =	vld [tilespmem:s31+$0xFFFFFFC0]  }
0x582: {  	v17 =	vld [tilespmem:s0+$0xFFFFFFC0]  }
0x583: {  	v22 =	vld [tilespmem:s0+$0xFFFFFFD0]  }
0x584: {  	v20 =	vld [tilespmem:s0+$0xFFFFFFE0]  }
0x585: {  	v18 =	vld [tilespmem:s0+$0xFFFFFFF0]  }
0x586: {  	v15 =	vld [tilespmem:s0+$0x0]  }
0x587: {  	[tilespmem:v16+s2+$0x0] =	vst.idx.msk $0xffff, v21;
	v16 =	vld [tilespmem:s0+$0x10]  }
0x588: {  	s3 =	simm.s32 $0x80C0;
	s1 =	simm.s32 $0x0;
	[tilespmem:v19+s2+$0x0] =	vst.idx.msk $0xffff, v22;
	v19 =	vld [tilespmem:s0+$0x20]  }
.LBB2_26:
0x589: {  	v21 =	vld [tilespmem:s3+$0x30];
	s1 =	sadd.s32 $0x8, s1;
	[tilespmem:v14+s2+$0x0] =	vst.idx.msk $0xffff, v17  }
0x58a: {  	v22 =	vld [tilespmem:s3+$0xFFFFFFD0];
	p0 =	slt.u32 s1, $0x7F8;
	[tilespmem:v9+s2+$0x0] =	vst.idx.msk $0xffff, v20  }
0x58b: {  	s0 =	sadd.s32 $0x80, s0;
	v9 =	vld [tilespmem:s3+$0xFFFFFFE0];
	[tilespmem:v13+s2+$0x0] =	vst.idx.msk $0xffff, v18  }
0x58c: {  	v17 =	vld [tilespmem:s0+$0x30];
	[tilespmem:v11+s2+$0x0] =	vst.idx.msk $0xffff, v15  }
0x58d: {  	v13 =	vld [tilespmem:s3+$0xFFFFFFF0];
	[tilespmem:v12+s2+$0x0] =	vst.idx.msk $0xffff, v16  }
0x58e: {  	v11 =	vld [tilespmem:s3+$0x0];
	[tilespmem:v10+s2+$0x0] =	vst.idx.msk $0xffff, v19  }
0x58f: {  	v12 =	vld [tilespmem:s3+$0x10]  }
0x590: {  	v10 =	vld [tilespmem:s3+$0x20]  }
0x591: {  	v14 =	vld [tilespmem:s3+$0xFFFFFFC0];
	[tilespmem:v21+s2+$0x0] =	vst.idx.msk $0xffff, v17  }
0x592: {  	v17 =	vld [tilespmem:s0+$0xFFFFFFC0]  }
0x593: {  	v19 =	vld [tilespmem:s0+$0xFFFFFFD0]  }
.Ltmp12:
0x594: {  	v20 =	vld [tilespmem:s0+$0xFFFFFFE0];
	(pc) =	sbr.rel @p0 .LBB2_26-.Ltmp12, $4  }
0x595: {  	v18 =	vld [tilespmem:s0+$0xFFFFFFF0]  }
0x596: {  	v15 =	vld [tilespmem:s0+$0x0]  }
0x597: {  	v16 =	vld [tilespmem:s0+$0x10]  }
0x598: {  	s3 =	sadd.s32 $0x80, s3;
	[tilespmem:v22+s2+$0x0] =	vst.idx.msk $0xffff, v19;
	v19 =	vld [tilespmem:s0+$0x20]  }
0x599: {  	_ =	sdelay $0x3  }
0x59a: {  	[tilespmem:v14+s2+$0x0] =	vst.idx.msk $0xffff, v17  }
0x59b: {  	[tilespmem:v9+s2+$0x0] =	vst.idx.msk $0xffff, v20  }
0x59c: {  	[tilespmem:v13+s2+$0x0] =	vst.idx.msk $0xffff, v18  }
0x59d: {  	[tilespmem:v11+s2+$0x0] =	vst.idx.msk $0xffff, v15  }
0x59e: {  	[tilespmem:v12+s2+$0x0] =	vst.idx.msk $0xffff, v16  }
0x59f: {  	[tilespmem:v10+s2+$0x0] =	vst.idx.msk $0xffff, v19  }
0x5a0: {  	s0 =	rddreg [dreg:$0x6]  }
0x5a1: {  	[hbm4b:s0+s7] =	stream.strided.scatter [tilespmem:s2], [sflag:$0x1], $0x8000, s8, s7, $0x38;
	[tilespmem:$0x1C000] =	vst v63  }
0x5a2: {  	_ =	swait.ge [sflag:s9], $0x8000  }
0x5a3: {  	s20 =	sadd.s32 $0x1, s20;
	s31 =	rddreg [dreg:$0x7]  }
0x5a4: {  	p0 =	sne.s32 s20, s31  }
.Ltmp13:
0x5a5: {  	_ = 	snop;
	(pc) =	sbr.rel @p0 .LBB2_1-.Ltmp13, $3  }
0x5a6: {  	_ =	sdelay $0x1  }
0x5a7: {  	[sflag:s9] =	ssyncset.done $0x0  }
0x5a8: {  	[sflag:s9] =	ssyncadd.s32 $0xFFFF8000  }
0x5a9: {  	_ =	sfence.sel $0x180000  }
0x5aa: {  	[bflag:$0x0] =	sbarrier.arrive $0xFFFF  }
0x5ab: {  	_ =	strace $0x90000047  }
0x5ac: {  	s0 =	stileid.u32;
	[bflag:$0x2] =	sbarrier.arrive $0xFFFF  }
0x5ad: {  	p0 =	sne.s32 s0, $0x0;
	s0 =	rddreg [dreg:$0x3]  }
0x5ae: {  	s0 =	sadd.s32 @!p0 $0x100000, s0  }
0x5af: {  	[sflag:s0] =	ssyncadd.tile.s32 @!p0 $0x1;
	_ =	shalt  }
.Lfunc_end2:
_tile_overlayer_lowered:
.L_overlay_start_2:
0x5b0: {  	(tag) =	ssettag $0x2  }
0x5b1: {  	s0 =	rddreg [dreg:$0x0];
	s2 =	stileid.u32  }
0x5b2: {  	s1 =	rddreg [dreg:$0x1];
	p0 =	sne.s32 s2, $0x0  }
0x5b3: {  	s3 =	rddreg [dreg:$0x2];
	[bflag:$0x3] =	sbarrier.arrive $0xFFFF;
	s2 =	simm.s32 @!p0 $0x1C01  }
0x5b4: {  	[timem:s3], [sflag:s2] =	dma.local @!p0 [hbm:s0], s1  }
0x5b5: {  	s0 =	simm.s32 @!p0 $0x1  }
0x5b6: {  	_ =	swait.ge @!p0 [sflag:s0], s1  }
0x5b7: {  	s1 =	ssub.s32 @!p0 $0x0, s1;
	[sflag:s0] =	ssyncset.done @!p0 $0x0  }
0x5b8: {  	[sflag:s0] =	ssyncadd.s32 @!p0 s1  }
0x5b9: {  	[bflag:$0x3] =	sbarrier.arrive $0xFFFF  }
0x5ba: {  	_ =	shalt  }

</sc_bundles>
